<compile_context>
chip_gen: v7x
topology: tpu7x:2x2x1
jax: 0.10.2.dev20260603
libtpu: 0.0.44.dev20260713+nightly
codegen_flags: <defaults>
</compile_context>

<pallas_src>
import functools

import jax
import jax.numpy as jnp
from jax import lax
from jax.experimental import pallas as pl
from jax.experimental.pallas import tpu as pltpu
from jax.experimental.pallas import tpu_sc as plsc

N_NODES = 10000
NPAD = 10240
E_TOTAL = 320000
D = 128
NW = 32
EPW = E_TOTAL // NW
CH = 80
NCH = EPW // CH
RPW = NPAD // NW


def _tc1_body(ns_ref, w_ref, a_ref, h_ref, st_ref):
    hb = jnp.dot(ns_ref[...], w_ref[...], preferred_element_type=jnp.float32)
    h_ref[...] = hb
    st_ref[...] = jnp.dot(hb, a_ref[...], preferred_element_type=jnp.float32)


def _tc1(ns, w, a128):
    return pl.pallas_call(
        _tc1_body,
        grid=(10,),
        in_specs=[
            pl.BlockSpec((1000, D), lambda i: (i, 0)),
            pl.BlockSpec((D, D), lambda i: (0, 0)),
            pl.BlockSpec((D, D), lambda i: (0, 0)),
        ],
        out_specs=[
            pl.BlockSpec((1000, D), lambda i: (i, 0)),
            pl.BlockSpec((1000, D), lambda i: (i, 0)),
        ],
        out_shape=[
            jax.ShapeDtypeStruct((N_NODES, D), jnp.float32),
            jax.ShapeDtypeStruct((N_NODES, D), jnp.float32),
        ],
    )(ns, w, a128)


@functools.partial(
    pl.kernel,
    out_type=[
        jax.ShapeDtypeStruct((NPAD, D), jnp.float32),
        jax.ShapeDtypeStruct((NPAD, D), jnp.float32),
        jax.ShapeDtypeStruct((NPAD,), jnp.float32),
        jax.ShapeDtypeStruct((NPAD,), jnp.float32),
    ],
    mesh=plsc.VectorSubcoreMesh(core_axis_name="c", subcore_axis_name="s"),
    compiler_params=pltpu.CompilerParams(needs_layout_passes=False),
    scratch_types=[
        [pltpu.VMEM((1, CH), jnp.int32)] * 4,
        [pltpu.VMEM((1, CH), jnp.int32)] * 4,
        [pltpu.SemaphoreType.DMA] * 4,
        [pltpu.VMEM((CH,), jnp.float32)] * 2,
        [pltpu.VMEM((CH,), jnp.float32)] * 2,
        [pltpu.VMEM((CH,), jnp.float32)] * 2,
        [pltpu.VMEM((CH, D), jnp.float32)] * 2,
        [pltpu.SemaphoreType.DMA] * 2,
        [pltpu.SemaphoreType.DMA] * 2,
        pltpu.VMEM_SHARED((NPAD, D), jnp.float32),
        pltpu.VMEM_SHARED((NPAD,), jnp.float32),
    ],
)
def _sc_main(h_hbm, sd_hbm, ss_hbm, dst_hbm, src_hbm,
             out0_hbm, out1_hbm, den0_hbm, den1_hbm,
             di, si, isem, sd2, ss2, w2, rows2, gsem, ssem,
             out_acc, den_acc):
    c = lax.axis_index("c")
    s = lax.axis_index("s")
    wid = c * 16 + s

    zv = jnp.zeros((16,), jnp.float32)
    rows_a = rows2[0]
    w_a = w2[0]

    def zrow(r, carry):
        for f in range(8):
            rows_a[r, pl.ds(16 * f, 16)] = zv
        return carry

    lax.fori_loop(0, CH, zrow, 0)
    for g in range(CH // 16):
        w_a[pl.ds(16 * g, 16)] = zv

    def zacc(k, carry):
        pltpu.sync_copy(rows_a, out_acc.at[pl.ds(640 * s + 80 * k, 80), :])
        pltpu.sync_copy(w_a, den_acc.at[pl.ds(640 * s + 80 * k, 80)])
        return carry

    lax.fori_loop(0, 8, zacc, 0)

    plsc.subcore_barrier()

    neg2 = jnp.full((16,), -2.0, jnp.float32)
    pos2 = jnp.full((16,), 2.0, jnp.float32)
    zero = jnp.zeros((16,), jnp.float32)
    slope = jnp.full((16,), 0.2, jnp.float32)

    def idx_start(j, sl):
        pltpu.async_copy(dst_hbm.at[wid, j], di[sl], isem[sl])
        pltpu.async_copy(src_hbm.at[wid, j], si[sl], isem[sl])

    def idx_wait(j, sl):
        pltpu.make_async_copy(dst_hbm.at[wid, j], di[sl], isem[sl]).wait()
        pltpu.make_async_copy(src_hbm.at[wid, j], si[sl], isem[sl]).wait()

    def start_g(j, sl, p):
        idx_wait(j, sl)
        pltpu.async_copy(sd_hbm.at[di[sl].at[0]], sd2[p], gsem[p])
        pltpu.async_copy(ss_hbm.at[si[sl].at[0]], ss2[p], gsem[p])
        pltpu.async_copy(h_hbm.at[si[sl].at[0]], rows2[p], gsem[p])

    def wait_g(sl, p):
        pltpu.make_async_copy(sd_hbm.at[di[sl].at[0]], sd2[p], gsem[p]).wait()
        pltpu.make_async_copy(ss_hbm.at[si[sl].at[0]], ss2[p], gsem[p]).wait()
        pltpu.make_async_copy(h_hbm.at[si[sl].at[0]], rows2[p], gsem[p]).wait()

    def compute(p):
        sdb, ssb, wb, rb = sd2[p], ss2[p], w2[p], rows2[p]
        for g in range(CH // 16):
            x = sdb[pl.ds(16 * g, 16)] + ssb[pl.ds(16 * g, 16)]
            x = jnp.where(x >= zero, x, slope * x)
            x = jnp.minimum(jnp.maximum(x, neg2), pos2)
            wb[pl.ds(16 * g, 16)] = jnp.exp(x)

        def scale(e4, c2):
            for u in range(4):
                e = 4 * e4 + u
                ev = jnp.full((16,), e, jnp.int32)
                wsp = plsc.load_gather(wb, [ev])
                for f in range(8):
                    rb[e, pl.ds(16 * f, 16)] = rb[e, pl.ds(16 * f, 16)] * wsp
            return c2

        lax.fori_loop(0, CH // 4, scale, 0)

    def start_s(sl, p):
        pltpu.async_copy(rows2[p], out_acc.at[di[sl].at[0]], ssem[p], add=True)
        pltpu.async_copy(w2[p], den_acc.at[di[sl].at[0]], ssem[p], add=True)

    def wait_s(sl, p):
        pltpu.make_async_copy(rows2[p], out_acc.at[di[sl].at[0]], ssem[p]).wait()
        pltpu.make_async_copy(w2[p], den_acc.at[di[sl].at[0]], ssem[p]).wait()

    def proc(j, sl, first=False, last=False):
        p = sl % 2
        if not last:
            pl.when(j + 2 < NCH)(lambda: idx_start(j + 2, (sl + 2) % 4))
        wait_g(sl, p)
        compute(p)
        start_s(sl, p)
        if not last:
            if not first:
                pl.when(j - 1 >= 0)(lambda: wait_s((sl + 3) % 4, 1 - p))
            pl.when(j + 1 < NCH)(lambda: start_g(j + 1, (sl + 1) % 4, 1 - p))

    idx_start(0, 0)
    idx_start(1, 1)
    start_g(0, 0, 0)
    proc(0, 0, first=True)

    def quad(jj, carry):
        j = 4 * jj + 1
        proc(j, 1)
        proc(j + 1, 2)
        proc(j + 2, 3)
        proc(j + 3, 0)
        return carry

    lax.fori_loop(0, 31, quad, 0)

    wait_s(0, 0)

    plsc.subcore_barrier()

    @pl.when(c == 0)
    def _():
        pltpu.sync_copy(out_acc.at[pl.ds(640 * s, 640), :],
                        out0_hbm.at[pl.ds(640 * s, 640), :])
        pltpu.sync_copy(den_acc.at[pl.ds(640 * s, 640)],
                        den0_hbm.at[pl.ds(640 * s, 640)])

    @pl.when(c == 1)
    def _():
        pltpu.sync_copy(out_acc.at[pl.ds(640 * s, 640), :],
                        out1_hbm.at[pl.ds(640 * s, 640), :])
        pltpu.sync_copy(den_acc.at[pl.ds(640 * s, 640)],
                        den1_hbm.at[pl.ds(640 * s, 640)])


@functools.partial(
    pl.kernel,
    out_type=jax.ShapeDtypeStruct((N_NODES, D), jnp.float32),
    mesh=plsc.VectorSubcoreMesh(core_axis_name="c", subcore_axis_name="s"),
    compiler_params=pltpu.CompilerParams(needs_layout_passes=False),
    scratch_types=[
        pltpu.VMEM((RPW,), jnp.float32),
        pltpu.VMEM((RPW,), jnp.float32),
        pltpu.VMEM((RPW,), jnp.float32),
        pltpu.VMEM((CH, D), jnp.float32),
        pltpu.VMEM((CH, D), jnp.float32),
    ],
)
def _sc_div(p0_hbm, p1_hbm, den0_hbm, den1_hbm, out_hbm, d0v, d1v, iv, pa, pb):
    c = lax.axis_index("c")
    s = lax.axis_index("s")
    wid = c * 16 + s
    r0 = wid * RPW
    pltpu.sync_copy(den0_hbm.at[pl.ds(r0, RPW)], d0v)
    pltpu.sync_copy(den1_hbm.at[pl.ds(r0, RPW)], d1v)

    eps = jnp.full((16,), 1e-7, jnp.float32)
    one = jnp.full((16,), 1.0, jnp.float32)

    def inv_g(i, carry):
        dv = d0v[pl.ds(16 * i, 16)] + d1v[pl.ds(16 * i, 16)] + eps
        iv[pl.ds(16 * i, 16)] = one / dv
        return carry

    lax.fori_loop(0, RPW // 16, inv_g, 0)

    nblk = jnp.where(wid == NW - 1, 1, RPW // CH)

    def blk(k, carry):
        rb = r0 + CH * k
        pltpu.sync_copy(p0_hbm.at[pl.ds(rb, CH), :], pa)
        pltpu.sync_copy(p1_hbm.at[pl.ds(rb, CH), :], pb)

        def row(e, c2):
            ev = jnp.full((16,), CH * k + e, jnp.int32)
            isp = plsc.load_gather(iv, [ev])
            for f in range(8):
                pa[e, pl.ds(16 * f, 16)] = (
                    pa[e, pl.ds(16 * f, 16)] + pb[e, pl.ds(16 * f, 16)]
                ) * isp
            return c2

        lax.fori_loop(0, CH, row, 0)
        pltpu.sync_copy(pa, out_hbm.at[pl.ds(rb, CH), :])
        return carry

    lax.fori_loop(0, nblk, blk, 0)


def kernel(node_states, edges, kernel, kernel_attention):
    ka = kernel_attention.reshape(2 * D)
    a128 = jnp.zeros((D, D), jnp.float32).at[:, 0].set(ka[:D]).at[:, 1].set(ka[D:])
    h, st = _tc1(node_states, kernel, a128)
    sd = st[:, 0]
    ss = st[:, 1]
    e32 = edges.astype(jnp.int32)
    dst3 = e32[:, 0].reshape(NW, NCH, 1, CH)
    src3 = e32[:, 1].reshape(NW, NCH, 1, CH)
    p0, p1, den0, den1 = _sc_main(h, sd, ss, dst3, src3)
    return _sc_div(p0, p1, den0, den1)

# --- scband reference (transcript-rebuilt; emitter-appended) ---
"""Pipeline reference for scband-graph-attention-36541581754849 (READ-ONLY COPY).

The authoritative reference and input builder live on the scoring server;
editing this copy changes nothing except your own understanding.
"""

import jax, jax.numpy as jnp
import numpy as np

N_NODES = 10000
N_EDGES = 320000
D_FEAT = 128
UNITS = 128

def setup_inputs(seed: int = 0) -> dict:
    key = jax.random.key(seed)
    k1, k2, k3, k4 = jax.random.split(key, 4)
    node_states = jax.random.normal(k1, (N_NODES, D_FEAT), dtype=jnp.float32)
    edges = jax.random.randint(k2, (N_EDGES, 2), 0, N_NODES, dtype=jnp.int64)
    # glorot_uniform initialized learned params
    lim1 = float(np.sqrt(6.0 / (D_FEAT + UNITS)))
    kernel = jax.random.uniform(k3, (D_FEAT, UNITS), dtype=jnp.float32, minval=-lim1, maxval=lim1)
    lim2 = float(np.sqrt(6.0 / (2 * UNITS + 1)))
    kernel_attention = jax.random.uniform(k4, (2 * UNITS, 1), dtype=jnp.float32, minval=-lim2, maxval=lim2)
    return {"node_states": node_states, "edges": edges, "kernel": kernel, "kernel_attention": kernel_attention}

def reference(node_states, edges, kernel, kernel_attention):
    n_nodes = node_states.shape[0]
    n_edges = edges.shape[0]
    units = kernel.shape[1]
    h = jnp.matmul(node_states, kernel)                      # [N, units]
    edge_states = jnp.take(h, edges, axis=0)                 # [E, 2, units]
    edge_states = edge_states.reshape(n_edges, 2 * units)    # [E, 2*units]
    scores = jax.nn.leaky_relu(jnp.matmul(edge_states, kernel_attention), negative_slope=0.2)
    scores = jnp.squeeze(scores, -1)                         # [E]
    scores_exp = jnp.exp(jnp.clip(scores, -2.0, 2.0))
    dst = edges[:, 0]
    src = edges[:, 1]
    denom = jax.ops.segment_sum(scores_exp, dst, num_segments=n_nodes)   # [N]
    denom_per_edge = jnp.take(denom, dst, axis=0)                         # [E]
    alpha = scores_exp / (denom_per_edge + 1e-07)
    neigh = jnp.take(h, src, axis=0)                                      # [E, units]
    out = jax.ops.segment_sum(neigh * alpha[:, None], dst, num_segments=n_nodes)
    return out

if __name__ == "__main__":
    import jax
    _d = setup_inputs()
    print(jax.jit(kernel)(*tuple(_d.values())))

</pallas_src>

<mosaic_0001>
#map = affine_map<(d0, d1) -> (0, 0)>
#map1 = affine_map<(d0, d1) -> (0)>
#map2 = affine_map<(d0, d1) -> (0, 0, 0, 0)>
module attributes {stable_mosaic.version = 14 : i64} {
  func.func @_sc_main(%arg0: i32, %arg1: i32, %arg2: memref<10000x128xf32, #tpu.memory_space<hbm>>, %arg3: memref<10000xf32, #tpu.memory_space<hbm>>, %arg4: memref<10000xf32, #tpu.memory_space<hbm>>, %arg5: memref<32x125x1x80xi32, #tpu.memory_space<hbm>>, %arg6: memref<32x125x1x80xi32, #tpu.memory_space<hbm>>, %arg7: memref<10240x128xf32, #tpu.memory_space<hbm>>, %arg8: memref<10240x128xf32, #tpu.memory_space<hbm>>, %arg9: memref<10240xf32, #tpu.memory_space<hbm>>, %arg10: memref<10240xf32, #tpu.memory_space<hbm>>, %arg11: memref<1x80xi32, #tpu.memory_space<vmem>>, %arg12: memref<1x80xi32, #tpu.memory_space<vmem>>, %arg13: memref<1x80xi32, #tpu.memory_space<vmem>>, %arg14: memref<1x80xi32, #tpu.memory_space<vmem>>, %arg15: memref<1x80xi32, #tpu.memory_space<vmem>>, %arg16: memref<1x80xi32, #tpu.memory_space<vmem>>, %arg17: memref<1x80xi32, #tpu.memory_space<vmem>>, %arg18: memref<1x80xi32, #tpu.memory_space<vmem>>, %arg19: memref<!tpu.dma_semaphore, #tpu.memory_space<semaphore_mem>>, %arg20: memref<!tpu.dma_semaphore, #tpu.memory_space<semaphore_mem>>, %arg21: memref<!tpu.dma_semaphore, #tpu.memory_space<semaphore_mem>>, %arg22: memref<!tpu.dma_semaphore, #tpu.memory_space<semaphore_mem>>, %arg23: memref<80xf32, #tpu.memory_space<vmem>>, %arg24: memref<80xf32, #tpu.memory_space<vmem>>, %arg25: memref<80xf32, #tpu.memory_space<vmem>>, %arg26: memref<80xf32, #tpu.memory_space<vmem>>, %arg27: memref<80xf32, #tpu.memory_space<vmem>>, %arg28: memref<80xf32, #tpu.memory_space<vmem>>, %arg29: memref<80x128xf32, #tpu.memory_space<vmem>>, %arg30: memref<80x128xf32, #tpu.memory_space<vmem>>, %arg31: memref<!tpu.dma_semaphore, #tpu.memory_space<semaphore_mem>>, %arg32: memref<!tpu.dma_semaphore, #tpu.memory_space<semaphore_mem>>, %arg33: memref<!tpu.dma_semaphore, #tpu.memory_space<semaphore_mem>>, %arg34: memref<!tpu.dma_semaphore, #tpu.memory_space<semaphore_mem>>, %arg35: memref<10240x128xf32, #tpu.memory_space<vmem_shared>>, %arg36: memref<10240xf32, #tpu.memory_space<vmem_shared>>) attributes {dimension_semantics = [#tpu.dimension_semantics<core_parallel>, #tpu.dimension_semantics<subcore_parallel>], iteration_bounds = array<i64: 2, 16>, scalar_prefetch = 0 : i64, scratch_operands = 26 : i64, tpu.core_type = #tpu.core_type<sc_vector_subcore>, window_params = [{transform_indices = #map}, {transform_indices = #map1}, {transform_indices = #map1}, {transform_indices = #map2}, {transform_indices = #map2}, {transform_indices = #map}, {transform_indices = #map}, {transform_indices = #map1}, {transform_indices = #map1}]} {
    %mul3A = arith.constant 16 : i32
    %mul3A_0 = arith.muli %arg0, %mul3A : i32
    %add3A = arith.addi %mul3A_0, %arg1 : i32
    %broadcast_in_dim3A = arith.constant 0.000000e+00 : f32
    %broadcast_in_dim3A_1 = vector.broadcast %broadcast_in_dim3A : f32 to vector<16xf32>
    %scan3A = arith.constant 0 : i32
    %scan3A_2 = arith.constant 0 : i32
    %scan3A_3 = arith.constant 80 : i32
    %scan3A_4 = arith.addi %scan3A_2, %scan3A_3 : i32
    %scan3A_5 = arith.constant 1 : i32
    scf.for %scan3A_280 = %scan3A_2 to %scan3A_4 step %scan3A_5  : i32 {
      %swap3A_281 = arith.index_cast %scan3A_280 : i32 to index
      %swap3A_282 = arith.constant 0 : index
      %swap3A_283 = tpu.vector_load %arg29[%swap3A_281, %swap3A_282] {strides = array<i32>} : memref<80x128xf32, #tpu.memory_space<vmem>>, vector<16xf32>,
      tpu.vector_store %arg29[%swap3A_281, %swap3A_282], %broadcast_in_dim3A_1 {strides = array<i32>} : memref<80x128xf32, #tpu.memory_space<vmem>>, vector<16xf32>,
      %swap3A_284 = arith.index_cast %scan3A_280 : i32 to index
      %swap3A_285 = arith.constant 16 : index
      %swap3A_286 = tpu.vector_load %arg29[%swap3A_284, %swap3A_285] {strides = array<i32>} : memref<80x128xf32, #tpu.memory_space<vmem>>, vector<16xf32>,
      tpu.vector_store %arg29[%swap3A_284, %swap3A_285], %broadcast_in_dim3A_1 {strides = array<i32>} : memref<80x128xf32, #tpu.memory_space<vmem>>, vector<16xf32>,
      %swap3A_287 = arith.index_cast %scan3A_280 : i32 to index
      %swap3A_288 = arith.constant 32 : index
      %swap3A_289 = tpu.vector_load %arg29[%swap3A_287, %swap3A_288] {strides = array<i32>} : memref<80x128xf32, #tpu.memory_space<vmem>>, vector<16xf32>,
      tpu.vector_store %arg29[%swap3A_287, %swap3A_288], %broadcast_in_dim3A_1 {strides = array<i32>} : memref<80x128xf32, #tpu.memory_space<vmem>>, vector<16xf32>,
      %swap3A_290 = arith.index_cast %scan3A_280 : i32 to index
      %swap3A_291 = arith.constant 48 : index
      %swap3A_292 = tpu.vector_load %arg29[%swap3A_290, %swap3A_291] {strides = array<i32>} : memref<80x128xf32, #tpu.memory_space<vmem>>, vector<16xf32>,
      tpu.vector_store %arg29[%swap3A_290, %swap3A_291], %broadcast_in_dim3A_1 {strides = array<i32>} : memref<80x128xf32, #tpu.memory_space<vmem>>, vector<16xf32>,
      %swap3A_293 = arith.index_cast %scan3A_280 : i32 to index
      %swap3A_294 = arith.constant 64 : index
      %swap3A_295 = tpu.vector_load %arg29[%swap3A_293, %swap3A_294] {strides = array<i32>} : memref<80x128xf32, #tpu.memory_space<vmem>>, vector<16xf32>,
      tpu.vector_store %arg29[%swap3A_293, %swap3A_294], %broadcast_in_dim3A_1 {strides = array<i32>} : memref<80x128xf32, #tpu.memory_space<vmem>>, vector<16xf32>,
      %swap3A_296 = arith.index_cast %scan3A_280 : i32 to index
      %swap3A_297 = arith.constant 80 : index
      %swap3A_298 = tpu.vector_load %arg29[%swap3A_296, %swap3A_297] {strides = array<i32>} : memref<80x128xf32, #tpu.memory_space<vmem>>, vector<16xf32>,
      tpu.vector_store %arg29[%swap3A_296, %swap3A_297], %broadcast_in_dim3A_1 {strides = array<i32>} : memref<80x128xf32, #tpu.memory_space<vmem>>, vector<16xf32>,
      %swap3A_299 = arith.index_cast %scan3A_280 : i32 to index
      %swap3A_300 = arith.constant 96 : index
      %swap3A_301 = tpu.vector_load %arg29[%swap3A_299, %swap3A_300] {strides = array<i32>} : memref<80x128xf32, #tpu.memory_space<vmem>>, vector<16xf32>,
      tpu.vector_store %arg29[%swap3A_299, %swap3A_300], %broadcast_in_dim3A_1 {strides = array<i32>} : memref<80x128xf32, #tpu.memory_space<vmem>>, vector<16xf32>,
      %swap3A_302 = arith.index_cast %scan3A_280 : i32 to index
      %swap3A_303 = arith.constant 112 : index
      %swap3A_304 = tpu.vector_load %arg29[%swap3A_302, %swap3A_303] {strides = array<i32>} : memref<80x128xf32, #tpu.memory_space<vmem>>, vector<16xf32>,
      tpu.vector_store %arg29[%swap3A_302, %swap3A_303], %broadcast_in_dim3A_1 {strides = array<i32>} : memref<80x128xf32, #tpu.memory_space<vmem>>, vector<16xf32>,
    }
    %scan3A_6 = arith.constant 80 : i32
    %swap3A = arith.constant 0 : index
    %swap3A_7 = tpu.vector_load %arg27[%swap3A] {strides = array<i32>} : memref<80xf32, #tpu.memory_space<vmem>>, vector<16xf32>,
    tpu.vector_store %arg27[%swap3A], %broadcast_in_dim3A_1 {strides = array<i32>} : memref<80xf32, #tpu.memory_space<vmem>>, vector<16xf32>,
    %swap3A_8 = arith.constant 16 : index
    %swap3A_9 = tpu.vector_load %arg27[%swap3A_8] {strides = array<i32>} : memref<80xf32, #tpu.memory_space<vmem>>, vector<16xf32>,
    tpu.vector_store %arg27[%swap3A_8], %broadcast_in_dim3A_1 {strides = array<i32>} : memref<80xf32, #tpu.memory_space<vmem>>, vector<16xf32>,
    %swap3A_10 = arith.constant 32 : index
    %swap3A_11 = tpu.vector_load %arg27[%swap3A_10] {strides = array<i32>} : memref<80xf32, #tpu.memory_space<vmem>>, vector<16xf32>,
    tpu.vector_store %arg27[%swap3A_10], %broadcast_in_dim3A_1 {strides = array<i32>} : memref<80xf32, #tpu.memory_space<vmem>>, vector<16xf32>,
    %swap3A_12 = arith.constant 48 : index
    %swap3A_13 = tpu.vector_load %arg27[%swap3A_12] {strides = array<i32>} : memref<80xf32, #tpu.memory_space<vmem>>, vector<16xf32>,
    tpu.vector_store %arg27[%swap3A_12], %broadcast_in_dim3A_1 {strides = array<i32>} : memref<80xf32, #tpu.memory_space<vmem>>, vector<16xf32>,
    %swap3A_14 = arith.constant 64 : index
    %swap3A_15 = tpu.vector_load %arg27[%swap3A_14] {strides = array<i32>} : memref<80xf32, #tpu.memory_space<vmem>>, vector<16xf32>,
    tpu.vector_store %arg27[%swap3A_14], %broadcast_in_dim3A_1 {strides = array<i32>} : memref<80xf32, #tpu.memory_space<vmem>>, vector<16xf32>,
    %scan3A_16 = arith.constant 0 : i32
    %scan3A_17 = arith.constant 0 : i32
    %scan3A_18 = arith.constant 8 : i32
    %scan3A_19 = arith.addi %scan3A_17, %scan3A_18 : i32
    %scan3A_20 = arith.constant 1 : i32
    scf.for %scan3A_280 = %scan3A_17 to %scan3A_19 step %scan3A_20  : i32 {
      %mul3A_281 = arith.constant 640 : i32
      %mul3A_282 = arith.muli %mul3A_281, %arg1 : i32
      %mul3A_283 = arith.constant 80 : i32
      %mul3A_284 = arith.muli %mul3A_283, %scan3A_280 : i32
      %add3A_285 = arith.addi %mul3A_282, %mul3A_284 : i32
      "tpu.region"() ({
        %run_scoped3A = tpu.sem_alloc : memref<!tpu.dma_semaphore, #tpu.memory_space<semaphore_mem>>
        %dma_start3A_291 = arith.constant 0 : i32
        %dma_start3A_292 = tpu.memref_slice %arg35[%add3A_285, %dma_start3A_291] : memref<10240x128xf32, #tpu.memory_space<vmem_shared>> -> memref<80x128xf32, #tpu.memory_space<vmem_shared>>
        %dma_start3A_293 = arith.constant 0 : i32
        %dma_start3A_294 = tpu.memref_slice %arg35[%add3A_285, %dma_start3A_293] : memref<10240x128xf32, #tpu.memory_space<vmem_shared>> -> memref<80x128xf32, #tpu.memory_space<vmem_shared>>
        tpu.enqueue_dma source(%arg29 : memref<80x128xf32, #tpu.memory_space<vmem>>) target(%dma_start3A_294 : memref<80x128xf32, #tpu.memory_space<vmem_shared>>) target_semaphore(%run_scoped3A : memref<!tpu.dma_semaphore, #tpu.memory_space<semaphore_mem>>)
        %dma_wait3A_295 = arith.constant 0 : i32
        %dma_wait3A_296 = tpu.memref_slice %arg35[%add3A_285, %dma_wait3A_295] : memref<10240x128xf32, #tpu.memory_space<vmem_shared>> -> memref<80x128xf32, #tpu.memory_space<vmem_shared>>
        %dma_wait3A_297 = arith.constant 0 : i32
        %dma_wait3A_298 = tpu.memref_slice %arg35[%add3A_285, %dma_wait3A_297] : memref<10240x128xf32, #tpu.memory_space<vmem_shared>> -> memref<80x128xf32, #tpu.memory_space<vmem_shared>>
        tpu.wait_dma2 semaphore(%run_scoped3A : memref<!tpu.dma_semaphore, #tpu.memory_space<semaphore_mem>>) src(%arg29 : memref<80x128xf32, #tpu.memory_space<vmem>>) dst(%dma_wait3A_298 : memref<80x128xf32, #tpu.memory_space<vmem_shared>>)
        tpu.yield
      }) : () -> ()
      %mul3A_286 = arith.constant 640 : i32
      %mul3A_287 = arith.muli %mul3A_286, %arg1 : i32
      %mul3A_288 = arith.constant 80 : i32
      %mul3A_289 = arith.muli %mul3A_288, %scan3A_280 : i32
      %add3A_290 = arith.addi %mul3A_287, %mul3A_289 : i32
      "tpu.region"() ({
        %run_scoped3A = tpu.sem_alloc : memref<!tpu.dma_semaphore, #tpu.memory_space<semaphore_mem>>
        %dma_start3A_291 = tpu.memref_slice %arg36[%add3A_290] : memref<10240xf32, #tpu.memory_space<vmem_shared>> -> memref<80xf32, #tpu.memory_space<vmem_shared>>
        %dma_start3A_292 = tpu.memref_slice %arg36[%add3A_290] : memref<10240xf32, #tpu.memory_space<vmem_shared>> -> memref<80xf32, #tpu.memory_space<vmem_shared>>
        tpu.enqueue_dma source(%arg27 : memref<80xf32, #tpu.memory_space<vmem>>) target(%dma_start3A_292 : memref<80xf32, #tpu.memory_space<vmem_shared>>) target_semaphore(%run_scoped3A : memref<!tpu.dma_semaphore, #tpu.memory_space<semaphore_mem>>)
        %dma_wait3A_293 = tpu.memref_slice %arg36[%add3A_290] : memref<10240xf32, #tpu.memory_space<vmem_shared>> -> memref<80xf32, #tpu.memory_space<vmem_shared>>
        %dma_wait3A_294 = tpu.memref_slice %arg36[%add3A_290] : memref<10240xf32, #tpu.memory_space<vmem_shared>> -> memref<80xf32, #tpu.memory_space<vmem_shared>>
        tpu.wait_dma2 semaphore(%run_scoped3A : memref<!tpu.dma_semaphore, #tpu.memory_space<semaphore_mem>>) src(%arg27 : memref<80xf32, #tpu.memory_space<vmem>>) dst(%dma_wait3A_294 : memref<80xf32, #tpu.memory_space<vmem_shared>>)
        tpu.yield
      }) : () -> ()
    }
    %scan3A_21 = arith.constant 8 : i32
    %barrier3A = arith.constant 0 : index
    tpu.barrier barrier_id(%barrier3A)
    %broadcast_in_dim3A_22 = arith.constant -2.000000e+00 : f32
    %broadcast_in_dim3A_23 = vector.broadcast %broadcast_in_dim3A_22 : f32 to vector<16xf32>
    %broadcast_in_dim3A_24 = arith.constant 2.000000e+00 : f32
    %broadcast_in_dim3A_25 = vector.broadcast %broadcast_in_dim3A_24 : f32 to vector<16xf32>
    %broadcast_in_dim3A_26 = arith.constant 0.000000e+00 : f32
    %broadcast_in_dim3A_27 = vector.broadcast %broadcast_in_dim3A_26 : f32 to vector<16xf32>
    %broadcast_in_dim3A_28 = arith.constant 2.000000e-01 : f32
    %broadcast_in_dim3A_29 = vector.broadcast %broadcast_in_dim3A_28 : f32 to vector<16xf32>
    %dma_start3A = arith.constant 0 : i32
    %dma_start3A_30 = arith.constant 0 : i32
    %dma_start3A_31 = arith.constant 0 : i32
    %dma_start3A_32 = tpu.memref_slice %arg5[%add3A, %dma_start3A, %dma_start3A_30, %dma_start3A_31] : memref<32x125x1x80xi32, #tpu.memory_space<hbm>> -> memref<1x1x1x80xi32, #tpu.memory_space<hbm>>
    %dma_start3A_33 = tpu.memref_squeeze %dma_start3A_32 : memref<1x1x1x80xi32, #tpu.memory_space<hbm>> -> memref<1x80xi32, #tpu.memory_space<hbm>>
    %dma_start3A_34 = arith.constant 0 : i32
    %dma_start3A_35 = arith.constant 0 : i32
    %dma_start3A_36 = tpu.memref_slice %arg5[%add3A, %dma_start3A, %dma_start3A_34, %dma_start3A_35] : memref<32x125x1x80xi32, #tpu.memory_space<hbm>> -> memref<1x1x1x80xi32, #tpu.memory_space<hbm>>
    %dma_start3A_37 = tpu.memref_squeeze %dma_start3A_36 : memref<1x1x1x80xi32, #tpu.memory_space<hbm>> -> memref<1x80xi32, #tpu.memory_space<hbm>>
    tpu.enqueue_dma source(%dma_start3A_37 : memref<1x80xi32, #tpu.memory_space<hbm>>) target(%arg11 : memref<1x80xi32, #tpu.memory_space<vmem>>) target_semaphore(%arg19 : memref<!tpu.dma_semaphore, #tpu.memory_space<semaphore_mem>>)
    %dma_start3A_38 = arith.constant 0 : i32
    %dma_start3A_39 = arith.constant 0 : i32
    %dma_start3A_40 = arith.constant 0 : i32
    %dma_start3A_41 = tpu.memref_slice %arg6[%add3A, %dma_start3A_38, %dma_start3A_39, %dma_start3A_40] : memref<32x125x1x80xi32, #tpu.memory_space<hbm>> -> memref<1x1x1x80xi32, #tpu.memory_space<hbm>>
    %dma_start3A_42 = tpu.memref_squeeze %dma_start3A_41 : memref<1x1x1x80xi32, #tpu.memory_space<hbm>> -> memref<1x80xi32, #tpu.memory_space<hbm>>
    %dma_start3A_43 = arith.constant 0 : i32
    %dma_start3A_44 = arith.constant 0 : i32
    %dma_start3A_45 = tpu.memref_slice %arg6[%add3A, %dma_start3A_38, %dma_start3A_43, %dma_start3A_44] : memref<32x125x1x80xi32, #tpu.memory_space<hbm>> -> memref<1x1x1x80xi32, #tpu.memory_space<hbm>>
    %dma_start3A_46 = tpu.memref_squeeze %dma_start3A_45 : memref<1x1x1x80xi32, #tpu.memory_space<hbm>> -> memref<1x80xi32, #tpu.memory_space<hbm>>
    tpu.enqueue_dma source(%dma_start3A_46 : memref<1x80xi32, #tpu.memory_space<hbm>>) target(%arg15 : memref<1x80xi32, #tpu.memory_space<vmem>>) target_semaphore(%arg19 : memref<!tpu.dma_semaphore, #tpu.memory_space<semaphore_mem>>)
    %dma_start3A_47 = arith.constant 1 : i32
    %dma_start3A_48 = arith.constant 0 : i32
    %dma_start3A_49 = arith.constant 0 : i32
    %dma_start3A_50 = tpu.memref_slice %arg5[%add3A, %dma_start3A_47, %dma_start3A_48, %dma_start3A_49] : memref<32x125x1x80xi32, #tpu.memory_space<hbm>> -> memref<1x1x1x80xi32, #tpu.memory_space<hbm>>
    %dma_start3A_51 = tpu.memref_squeeze %dma_start3A_50 : memref<1x1x1x80xi32, #tpu.memory_space<hbm>> -> memref<1x80xi32, #tpu.memory_space<hbm>>
    %dma_start3A_52 = arith.constant 0 : i32
    %dma_start3A_53 = arith.constant 0 : i32
    %dma_start3A_54 = tpu.memref_slice %arg5[%add3A, %dma_start3A_47, %dma_start3A_52, %dma_start3A_53] : memref<32x125x1x80xi32, #tpu.memory_space<hbm>> -> memref<1x1x1x80xi32, #tpu.memory_space<hbm>>
    %dma_start3A_55 = tpu.memref_squeeze %dma_start3A_54 : memref<1x1x1x80xi32, #tpu.memory_space<hbm>> -> memref<1x80xi32, #tpu.memory_space<hbm>>
    tpu.enqueue_dma source(%dma_start3A_55 : memref<1x80xi32, #tpu.memory_space<hbm>>) target(%arg12 : memref<1x80xi32, #tpu.memory_space<vmem>>) target_semaphore(%arg20 : memref<!tpu.dma_semaphore, #tpu.memory_space<semaphore_mem>>)
    %dma_start3A_56 = arith.constant 1 : i32
    %dma_start3A_57 = arith.constant 0 : i32
    %dma_start3A_58 = arith.constant 0 : i32
    %dma_start3A_59 = tpu.memref_slice %arg6[%add3A, %dma_start3A_56, %dma_start3A_57, %dma_start3A_58] : memref<32x125x1x80xi32, #tpu.memory_space<hbm>> -> memref<1x1x1x80xi32, #tpu.memory_space<hbm>>
    %dma_start3A_60 = tpu.memref_squeeze %dma_start3A_59 : memref<1x1x1x80xi32, #tpu.memory_space<hbm>> -> memref<1x80xi32, #tpu.memory_space<hbm>>
    %dma_start3A_61 = arith.constant 0 : i32
    %dma_start3A_62 = arith.constant 0 : i32
    %dma_start3A_63 = tpu.memref_slice %arg6[%add3A, %dma_start3A_56, %dma_start3A_61, %dma_start3A_62] : memref<32x125x1x80xi32, #tpu.memory_space<hbm>> -> memref<1x1x1x80xi32, #tpu.memory_space<hbm>>
    %dma_start3A_64 = tpu.memref_squeeze %dma_start3A_63 : memref<1x1x1x80xi32, #tpu.memory_space<hbm>> -> memref<1x80xi32, #tpu.memory_space<hbm>>
    tpu.enqueue_dma source(%dma_start3A_64 : memref<1x80xi32, #tpu.memory_space<hbm>>) target(%arg16 : memref<1x80xi32, #tpu.memory_space<vmem>>) target_semaphore(%arg20 : memref<!tpu.dma_semaphore, #tpu.memory_space<semaphore_mem>>)
    %dma_wait3A = arith.constant 0 : i32
    %dma_wait3A_65 = arith.constant 0 : i32
    %dma_wait3A_66 = arith.constant 0 : i32
    %dma_wait3A_67 = tpu.memref_slice %arg5[%add3A, %dma_wait3A, %dma_wait3A_65, %dma_wait3A_66] : memref<32x125x1x80xi32, #tpu.memory_space<hbm>> -> memref<1x1x1x80xi32, #tpu.memory_space<hbm>>
    %dma_wait3A_68 = tpu.memref_squeeze %dma_wait3A_67 : memref<1x1x1x80xi32, #tpu.memory_space<hbm>> -> memref<1x80xi32, #tpu.memory_space<hbm>>
    %dma_wait3A_69 = arith.constant 0 : i32
    %dma_wait3A_70 = arith.constant 0 : i32
    %dma_wait3A_71 = tpu.memref_slice %arg5[%add3A, %dma_wait3A, %dma_wait3A_69, %dma_wait3A_70] : memref<32x125x1x80xi32, #tpu.memory_space<hbm>> -> memref<1x1x1x80xi32, #tpu.memory_space<hbm>>
    %dma_wait3A_72 = tpu.memref_squeeze %dma_wait3A_71 : memref<1x1x1x80xi32, #tpu.memory_space<hbm>> -> memref<1x80xi32, #tpu.memory_space<hbm>>
    tpu.wait_dma2 semaphore(%arg19 : memref<!tpu.dma_semaphore, #tpu.memory_space<semaphore_mem>>) src(%dma_wait3A_72 : memref<1x80xi32, #tpu.memory_space<hbm>>) dst(%arg11 : memref<1x80xi32, #tpu.memory_space<vmem>>)
    %dma_wait3A_73 = arith.constant 0 : i32
    %dma_wait3A_74 = arith.constant 0 : i32
    %dma_wait3A_75 = arith.constant 0 : i32
    %dma_wait3A_76 = tpu.memref_slice %arg6[%add3A, %dma_wait3A_73, %dma_wait3A_74, %dma_wait3A_75] : memref<32x125x1x80xi32, #tpu.memory_space<hbm>> -> memref<1x1x1x80xi32, #tpu.memory_space<hbm>>
    %dma_wait3A_77 = tpu.memref_squeeze %dma_wait3A_76 : memref<1x1x1x80xi32, #tpu.memory_space<hbm>> -> memref<1x80xi32, #tpu.memory_space<hbm>>
    %dma_wait3A_78 = arith.constant 0 : i32
    %dma_wait3A_79 = arith.constant 0 : i32
    %dma_wait3A_80 = tpu.memref_slice %arg6[%add3A, %dma_wait3A_73, %dma_wait3A_78, %dma_wait3A_79] : memref<32x125x1x80xi32, #tpu.memory_space<hbm>> -> memref<1x1x1x80xi32, #tpu.memory_space<hbm>>
    %dma_wait3A_81 = tpu.memref_squeeze %dma_wait3A_80 : memref<1x1x1x80xi32, #tpu.memory_space<hbm>> -> memref<1x80xi32, #tpu.memory_space<hbm>>
    tpu.wait_dma2 semaphore(%arg19 : memref<!tpu.dma_semaphore, #tpu.memory_space<semaphore_mem>>) src(%dma_wait3A_81 : memref<1x80xi32, #tpu.memory_space<hbm>>) dst(%arg15 : memref<1x80xi32, #tpu.memory_space<vmem>>)
    %dma_start3A_82 = arith.constant 0 : i32
    %dma_start3A_83 = arith.constant 0 : i32
    %dma_start3A_84 = tpu.memref_slice %arg11[%dma_start3A_82, %dma_start3A_83] : memref<1x80xi32, #tpu.memory_space<vmem>> -> memref<1x80xi32, #tpu.memory_space<vmem>>
    %dma_start3A_85 = tpu.memref_squeeze %dma_start3A_84 : memref<1x80xi32, #tpu.memory_space<vmem>> -> memref<80xi32, #tpu.memory_space<vmem>>
    %dma_start3A_86 = arith.constant 0 : i32
    %dma_start3A_87 = tpu.memref_slice %arg3[%dma_start3A_86] : memref<10000xf32, #tpu.memory_space<hbm>> -> memref<10000xf32, #tpu.memory_space<hbm>>
    tpu.enqueue_indirect_dma source(%dma_start3A_87 : memref<10000xf32, #tpu.memory_space<hbm>>) target(%arg23 : memref<80xf32, #tpu.memory_space<vmem>>) offsets(%dma_start3A_85 : memref<80xi32, #tpu.memory_space<vmem>>) semaphore(%arg31 : memref<!tpu.dma_semaphore, #tpu.memory_space<semaphore_mem>>)
    %dma_start3A_88 = arith.constant 0 : i32
    %dma_start3A_89 = arith.constant 0 : i32
    %dma_start3A_90 = tpu.memref_slice %arg15[%dma_start3A_88, %dma_start3A_89] : memref<1x80xi32, #tpu.memory_space<vmem>> -> memref<1x80xi32, #tpu.memory_space<vmem>>
    %dma_start3A_91 = tpu.memref_squeeze %dma_start3A_90 : memref<1x80xi32, #tpu.memory_space<vmem>> -> memref<80xi32, #tpu.memory_space<vmem>>
    %dma_start3A_92 = arith.constant 0 : i32
    %dma_start3A_93 = tpu.memref_slice %arg4[%dma_start3A_92] : memref<10000xf32, #tpu.memory_space<hbm>> -> memref<10000xf32, #tpu.memory_space<hbm>>
    tpu.enqueue_indirect_dma source(%dma_start3A_93 : memref<10000xf32, #tpu.memory_space<hbm>>) target(%arg25 : memref<80xf32, #tpu.memory_space<vmem>>) offsets(%dma_start3A_91 : memref<80xi32, #tpu.memory_space<vmem>>) semaphore(%arg31 : memref<!tpu.dma_semaphore, #tpu.memory_space<semaphore_mem>>)
    %dma_start3A_94 = arith.constant 0 : i32
    %dma_start3A_95 = arith.constant 0 : i32
    %dma_start3A_96 = tpu.memref_slice %arg15[%dma_start3A_94, %dma_start3A_95] : memref<1x80xi32, #tpu.memory_space<vmem>> -> memref<1x80xi32, #tpu.memory_space<vmem>>
    %dma_start3A_97 = tpu.memref_squeeze %dma_start3A_96 : memref<1x80xi32, #tpu.memory_space<vmem>> -> memref<80xi32, #tpu.memory_space<vmem>>
    %dma_start3A_98 = arith.constant 0 : i32
    %dma_start3A_99 = arith.constant 0 : i32
    %dma_start3A_100 = tpu.memref_slice %arg2[%dma_start3A_98, %dma_start3A_99] : memref<10000x128xf32, #tpu.memory_space<hbm>> -> memref<10000x128xf32, #tpu.memory_space<hbm>>
    tpu.enqueue_indirect_dma source(%dma_start3A_100 : memref<10000x128xf32, #tpu.memory_space<hbm>>) target(%arg29 : memref<80x128xf32, #tpu.memory_space<vmem>>) offsets(%dma_start3A_97 : memref<80xi32, #tpu.memory_space<vmem>>) semaphore(%arg31 : memref<!tpu.dma_semaphore, #tpu.memory_space<semaphore_mem>>)
    %dma_start3A_101 = arith.constant 2 : i32
    %dma_start3A_102 = arith.constant 0 : i32
    %dma_start3A_103 = arith.constant 0 : i32
    %dma_start3A_104 = tpu.memref_slice %arg5[%add3A, %dma_start3A_101, %dma_start3A_102, %dma_start3A_103] : memref<32x125x1x80xi32, #tpu.memory_space<hbm>> -> memref<1x1x1x80xi32, #tpu.memory_space<hbm>>
    %dma_start3A_105 = tpu.memref_squeeze %dma_start3A_104 : memref<1x1x1x80xi32, #tpu.memory_space<hbm>> -> memref<1x80xi32, #tpu.memory_space<hbm>>
    %dma_start3A_106 = arith.constant 0 : i32
    %dma_start3A_107 = arith.constant 0 : i32
    %dma_start3A_108 = tpu.memref_slice %arg5[%add3A, %dma_start3A_101, %dma_start3A_106, %dma_start3A_107] : memref<32x125x1x80xi32, #tpu.memory_space<hbm>> -> memref<1x1x1x80xi32, #tpu.memory_space<hbm>>
    %dma_start3A_109 = tpu.memref_squeeze %dma_start3A_108 : memref<1x1x1x80xi32, #tpu.memory_space<hbm>> -> memref<1x80xi32, #tpu.memory_space<hbm>>
    tpu.enqueue_dma source(%dma_start3A_109 : memref<1x80xi32, #tpu.memory_space<hbm>>) target(%arg13 : memref<1x80xi32, #tpu.memory_space<vmem>>) target_semaphore(%arg21 : memref<!tpu.dma_semaphore, #tpu.memory_space<semaphore_mem>>)
    %dma_start3A_110 = arith.constant 2 : i32
    %dma_start3A_111 = arith.constant 0 : i32
    %dma_start3A_112 = arith.constant 0 : i32
    %dma_start3A_113 = tpu.memref_slice %arg6[%add3A, %dma_start3A_110, %dma_start3A_111, %dma_start3A_112] : memref<32x125x1x80xi32, #tpu.memory_space<hbm>> -> memref<1x1x1x80xi32, #tpu.memory_space<hbm>>
    %dma_start3A_114 = tpu.memref_squeeze %dma_start3A_113 : memref<1x1x1x80xi32, #tpu.memory_space<hbm>> -> memref<1x80xi32, #tpu.memory_space<hbm>>
    %dma_start3A_115 = arith.constant 0 : i32
    %dma_start3A_116 = arith.constant 0 : i32
    %dma_start3A_117 = tpu.memref_slice %arg6[%add3A, %dma_start3A_110, %dma_start3A_115, %dma_start3A_116] : memref<32x125x1x80xi32, #tpu.memory_space<hbm>> -> memref<1x1x1x80xi32, #tpu.memory_space<hbm>>
    %dma_start3A_118 = tpu.memref_squeeze %dma_start3A_117 : memref<1x1x1x80xi32, #tpu.memory_space<hbm>> -> memref<1x80xi32, #tpu.memory_space<hbm>>
    tpu.enqueue_dma source(%dma_start3A_118 : memref<1x80xi32, #tpu.memory_space<hbm>>) target(%arg17 : memref<1x80xi32, #tpu.memory_space<vmem>>) target_semaphore(%arg21 : memref<!tpu.dma_semaphore, #tpu.memory_space<semaphore_mem>>)
    %dma_wait3A_119 = arith.constant 0 : i32
    %dma_wait3A_120 = arith.constant 0 : i32
    %dma_wait3A_121 = tpu.memref_slice %arg11[%dma_wait3A_119, %dma_wait3A_120] : memref<1x80xi32, #tpu.memory_space<vmem>> -> memref<1x80xi32, #tpu.memory_space<vmem>>
    %dma_wait3A_122 = tpu.memref_squeeze %dma_wait3A_121 : memref<1x80xi32, #tpu.memory_space<vmem>> -> memref<80xi32, #tpu.memory_space<vmem>>
    %dma_wait3A_123 = arith.constant 0 : i32
    %dma_wait3A_124 = tpu.memref_slice %arg3[%dma_wait3A_123] : memref<10000xf32, #tpu.memory_space<hbm>> -> memref<10000xf32, #tpu.memory_space<hbm>>
    tpu.wait_indirect_dma semaphore(%arg31 : memref<!tpu.dma_semaphore, #tpu.memory_space<semaphore_mem>>) src(%dma_wait3A_124 : memref<10000xf32, #tpu.memory_space<hbm>>) dst(%arg23 : memref<80xf32, #tpu.memory_space<vmem>>)
    %dma_wait3A_125 = arith.constant 0 : i32
    %dma_wait3A_126 = arith.constant 0 : i32
    %dma_wait3A_127 = tpu.memref_slice %arg15[%dma_wait3A_125, %dma_wait3A_126] : memref<1x80xi32, #tpu.memory_space<vmem>> -> memref<1x80xi32, #tpu.memory_space<vmem>>
    %dma_wait3A_128 = tpu.memref_squeeze %dma_wait3A_127 : memref<1x80xi32, #tpu.memory_space<vmem>> -> memref<80xi32, #tpu.memory_space<vmem>>
    %dma_wait3A_129 = arith.constant 0 : i32
    %dma_wait3A_130 = tpu.memref_slice %arg4[%dma_wait3A_129] : memref<10000xf32, #tpu.memory_space<hbm>> -> memref<10000xf32, #tpu.memory_space<hbm>>
    tpu.wait_indirect_dma semaphore(%arg31 : memref<!tpu.dma_semaphore, #tpu.memory_space<semaphore_mem>>) src(%dma_wait3A_130 : memref<10000xf32, #tpu.memory_space<hbm>>) dst(%arg25 : memref<80xf32, #tpu.memory_space<vmem>>)
    %dma_wait3A_131 = arith.constant 0 : i32
    %dma_wait3A_132 = arith.constant 0 : i32
    %dma_wait3A_133 = tpu.memref_slice %arg15[%dma_wait3A_131, %dma_wait3A_132] : memref<1x80xi32, #tpu.memory_space<vmem>> -> memref<1x80xi32, #tpu.memory_space<vmem>>
    %dma_wait3A_134 = tpu.memref_squeeze %dma_wait3A_133 : memref<1x80xi32, #tpu.memory_space<vmem>> -> memref<80xi32, #tpu.memory_space<vmem>>
    %dma_wait3A_135 = arith.constant 0 : i32
    %dma_wait3A_136 = arith.constant 0 : i32
    %dma_wait3A_137 = tpu.memref_slice %arg2[%dma_wait3A_135, %dma_wait3A_136] : memref<10000x128xf32, #tpu.memory_space<hbm>> -> memref<10000x128xf32, #tpu.memory_space<hbm>>
    tpu.wait_indirect_dma semaphore(%arg31 : memref<!tpu.dma_semaphore, #tpu.memory_space<semaphore_mem>>) src(%dma_wait3A_137 : memref<10000x128xf32, #tpu.memory_space<hbm>>) dst(%arg29 : memref<80x128xf32, #tpu.memory_space<vmem>>)
    %get3A = arith.constant 0 : index
    %get3A_138 = tpu.vector_load %arg23[%get3A] {strides = array<i32>} : memref<80xf32, #tpu.memory_space<vmem>>, vector<16xf32>,
    %get3A_139 = arith.constant 0 : index
    %get3A_140 = tpu.vector_load %arg25[%get3A_139] {strides = array<i32>} : memref<80xf32, #tpu.memory_space<vmem>>, vector<16xf32>,
    %add3A_141 = arith.addf %get3A_138, %get3A_140 : vector<16xf32>
    %ge3A = arith.cmpf oge, %add3A_141, %broadcast_in_dim3A_27 : vector<16xf32>
    %mul3A_142 = arith.mulf %broadcast_in_dim3A_29, %add3A_141 : vector<16xf32>
    %select_n3A = arith.select %ge3A, %add3A_141, %mul3A_142 : vector<16xi1>, vector<16xf32>
    %max3A = arith.maximumf %select_n3A, %broadcast_in_dim3A_23 : vector<16xf32>
    %min3A = arith.minimumf %max3A, %broadcast_in_dim3A_25 : vector<16xf32>
    %exp3A = math.exp %min3A : vector<16xf32>
    %swap3A_143 = arith.constant 0 : index
    %swap3A_144 = tpu.vector_load %arg27[%swap3A_143] {strides = array<i32>} : memref<80xf32, #tpu.memory_space<vmem>>, vector<16xf32>,
    tpu.vector_store %arg27[%swap3A_143], %exp3A {strides = array<i32>} : memref<80xf32, #tpu.memory_space<vmem>>, vector<16xf32>,
    %get3A_145 = arith.constant 16 : index
    %get3A_146 = tpu.vector_load %arg23[%get3A_145] {strides = array<i32>} : memref<80xf32, #tpu.memory_space<vmem>>, vector<16xf32>,
    %get3A_147 = arith.constant 16 : index
    %get3A_148 = tpu.vector_load %arg25[%get3A_147] {strides = array<i32>} : memref<80xf32, #tpu.memory_space<vmem>>, vector<16xf32>,
    %add3A_149 = arith.addf %get3A_146, %get3A_148 : vector<16xf32>
    %ge3A_150 = arith.cmpf oge, %add3A_149, %broadcast_in_dim3A_27 : vector<16xf32>
    %mul3A_151 = arith.mulf %broadcast_in_dim3A_29, %add3A_149 : vector<16xf32>
    %select_n3A_152 = arith.select %ge3A_150, %add3A_149, %mul3A_151 : vector<16xi1>, vector<16xf32>
    %max3A_153 = arith.maximumf %select_n3A_152, %broadcast_in_dim3A_23 : vector<16xf32>
    %min3A_154 = arith.minimumf %max3A_153, %broadcast_in_dim3A_25 : vector<16xf32>
    %exp3A_155 = math.exp %min3A_154 : vector<16xf32>
    %swap3A_156 = arith.constant 16 : index
    %swap3A_157 = tpu.vector_load %arg27[%swap3A_156] {strides = array<i32>} : memref<80xf32, #tpu.memory_space<vmem>>, vector<16xf32>,
    tpu.vector_store %arg27[%swap3A_156], %exp3A_155 {strides = array<i32>} : memref<80xf32, #tpu.memory_space<vmem>>, vector<16xf32>,
    %get3A_158 = arith.constant 32 : index
    %get3A_159 = tpu.vector_load %arg23[%get3A_158] {strides = array<i32>} : memref<80xf32, #tpu.memory_space<vmem>>, vector<16xf32>,
    %get3A_160 = arith.constant 32 : index
    %get3A_161 = tpu.vector_load %arg25[%get3A_160] {strides = array<i32>} : memref<80xf32, #tpu.memory_space<vmem>>, vector<16xf32>,
    %add3A_162 = arith.addf %get3A_159, %get3A_161 : vector<16xf32>
    %ge3A_163 = arith.cmpf oge, %add3A_162, %broadcast_in_dim3A_27 : vector<16xf32>
    %mul3A_164 = arith.mulf %broadcast_in_dim3A_29, %add3A_162 : vector<16xf32>
    %select_n3A_165 = arith.select %ge3A_163, %add3A_162, %mul3A_164 : vector<16xi1>, vector<16xf32>
    %max3A_166 = arith.maximumf %select_n3A_165, %broadcast_in_dim3A_23 : vector<16xf32>
    %min3A_167 = arith.minimumf %max3A_166, %broadcast_in_dim3A_25 : vector<16xf32>
    %exp3A_168 = math.exp %min3A_167 : vector<16xf32>
    %swap3A_169 = arith.constant 32 : index
    %swap3A_170 = tpu.vector_load %arg27[%swap3A_169] {strides = array<i32>} : memref<80xf32, #tpu.memory_space<vmem>>, vector<16xf32>,
    tpu.vector_store %arg27[%swap3A_169], %exp3A_168 {strides = array<i32>} : memref<80xf32, #tpu.memory_space<vmem>>, vector<16xf32>,
    %get3A_171 = arith.constant 48 : index
    %get3A_172 = tpu.vector_load %arg23[%get3A_171] {strides = array<i32>} : memref<80xf32, #tpu.memory_space<vmem>>, vector<16xf32>,
    %get3A_173 = arith.constant 48 : index
    %get3A_174 = tpu.vector_load %arg25[%get3A_173] {strides = array<i32>} : memref<80xf32, #tpu.memory_space<vmem>>, vector<16xf32>,
    %add3A_175 = arith.addf %get3A_172, %get3A_174 : vector<16xf32>
    %ge3A_176 = arith.cmpf oge, %add3A_175, %broadcast_in_dim3A_27 : vector<16xf32>
    %mul3A_177 = arith.mulf %broadcast_in_dim3A_29, %add3A_175 : vector<16xf32>
    %select_n3A_178 = arith.select %ge3A_176, %add3A_175, %mul3A_177 : vector<16xi1>, vector<16xf32>
    %max3A_179 = arith.maximumf %select_n3A_178, %broadcast_in_dim3A_23 : vector<16xf32>
    %min3A_180 = arith.minimumf %max3A_179, %broadcast_in_dim3A_25 : vector<16xf32>
    %exp3A_181 = math.exp %min3A_180 : vector<16xf32>
    %swap3A_182 = arith.constant 48 : index
    %swap3A_183 = tpu.vector_load %arg27[%swap3A_182] {strides = array<i32>} : memref<80xf32, #tpu.memory_space<vmem>>, vector<16xf32>,
    tpu.vector_store %arg27[%swap3A_182], %exp3A_181 {strides = array<i32>} : memref<80xf32, #tpu.memory_space<vmem>>, vector<16xf32>,
    %get3A_184 = arith.constant 64 : index
    %get3A_185 = tpu.vector_load %arg23[%get3A_184] {strides = array<i32>} : memref<80xf32, #tpu.memory_space<vmem>>, vector<16xf32>,
    %get3A_186 = arith.constant 64 : index
    %get3A_187 = tpu.vector_load %arg25[%get3A_186] {strides = array<i32>} : memref<80xf32, #tpu.memory_space<vmem>>, vector<16xf32>,
    %add3A_188 = arith.addf %get3A_185, %get3A_187 : vector<16xf32>
    %ge3A_189 = arith.cmpf oge, %add3A_188, %broadcast_in_dim3A_27 : vector<16xf32>
    %mul3A_190 = arith.mulf %broadcast_in_dim3A_29, %add3A_188 : vector<16xf32>
    %select_n3A_191 = arith.select %ge3A_189, %add3A_188, %mul3A_190 : vector<16xi1>, vector<16xf32>
    %max3A_192 = arith.maximumf %select_n3A_191, %broadcast_in_dim3A_23 : vector<16xf32>
    %min3A_193 = arith.minimumf %max3A_192, %broadcast_in_dim3A_25 : vector<16xf32>
    %exp3A_194 = math.exp %min3A_193 : vector<16xf32>
    %swap3A_195 = arith.constant 64 : index
    %swap3A_196 = tpu.vector_load %arg27[%swap3A_195] {strides = array<i32>} : memref<80xf32, #tpu.memory_space<vmem>>, vector<16xf32>,
    tpu.vector_store %arg27[%swap3A_195], %exp3A_194 {strides = array<i32>} : memref<80xf32, #tpu.memory_space<vmem>>, vector<16xf32>,
    %scan3A_197 = arith.constant 0 : i32
    %scan3A_198 = arith.constant 0 : i32
    %scan3A_199 = arith.constant 20 : i32
    %scan3A_200 = arith.addi %scan3A_198, %scan3A_199 : i32
    %scan3A_201 = arith.constant 1 : i32
    scf.for %scan3A_280 = %scan3A_198 to %scan3A_200 step %scan3A_201  : i32 {
      %mul3A_281 = arith.constant 4 : i32
      %mul3A_282 = arith.muli %mul3A_281, %scan3A_280 : i32
      %add3A_283 = arith.constant 0 : i32
      %add3A_284 = arith.addi %mul3A_282, %add3A_283 : i32
      %broadcast_in_dim3A_285 = vector.broadcast %add3A_284 : i32 to vector<16xi32>
      %gather3A = tpu.vector_load_idx %arg27[%broadcast_in_dim3A_285] : memref<80xf32, #tpu.memory_space<vmem>>[vector<16xi32>], vector<16xf32>,
      %get3A_286 = arith.index_cast %add3A_284 : i32 to index
      %get3A_287 = arith.constant 0 : index
      %get3A_288 = tpu.vector_load %arg29[%get3A_286, %get3A_287] {strides = array<i32>} : memref<80x128xf32, #tpu.memory_space<vmem>>, vector<16xf32>,
      %mul3A_289 = arith.mulf %get3A_288, %gather3A : vector<16xf32>
      %swap3A_290 = arith.index_cast %add3A_284 : i32 to index
      %swap3A_291 = arith.constant 0 : index
      %swap3A_292 = tpu.vector_load %arg29[%swap3A_290, %swap3A_291] {strides = array<i32>} : memref<80x128xf32, #tpu.memory_space<vmem>>, vector<16xf32>,
      tpu.vector_store %arg29[%swap3A_290, %swap3A_291], %mul3A_289 {strides = array<i32>} : memref<80x128xf32, #tpu.memory_space<vmem>>, vector<16xf32>,
      %get3A_293 = arith.index_cast %add3A_284 : i32 to index
      %get3A_294 = arith.constant 16 : index
      %get3A_295 = tpu.vector_load %arg29[%get3A_293, %get3A_294] {strides = array<i32>} : memref<80x128xf32, #tpu.memory_space<vmem>>, vector<16xf32>,
      %mul3A_296 = arith.mulf %get3A_295, %gather3A : vector<16xf32>
      %swap3A_297 = arith.index_cast %add3A_284 : i32 to index
      %swap3A_298 = arith.constant 16 : index
      %swap3A_299 = tpu.vector_load %arg29[%swap3A_297, %swap3A_298] {strides = array<i32>} : memref<80x128xf32, #tpu.memory_space<vmem>>, vector<16xf32>,
      tpu.vector_store %arg29[%swap3A_297, %swap3A_298], %mul3A_296 {strides = array<i32>} : memref<80x128xf32, #tpu.memory_space<vmem>>, vector<16xf32>,
      %get3A_300 = arith.index_cast %add3A_284 : i32 to index
      %get3A_301 = arith.constant 32 : index
      %get3A_302 = tpu.vector_load %arg29[%get3A_300, %get3A_301] {strides = array<i32>} : memref<80x128xf32, #tpu.memory_space<vmem>>, vector<16xf32>,
      %mul3A_303 = arith.mulf %get3A_302, %gather3A : vector<16xf32>
      %swap3A_304 = arith.index_cast %add3A_284 : i32 to index
      %swap3A_305 = arith.constant 32 : index
      %swap3A_306 = tpu.vector_load %arg29[%swap3A_304, %swap3A_305] {strides = array<i32>} : memref<80x128xf32, #tpu.memory_space<vmem>>, vector<16xf32>,
      tpu.vector_store %arg29[%swap3A_304, %swap3A_305], %mul3A_303 {strides = array<i32>} : memref<80x128xf32, #tpu.memory_space<vmem>>, vector<16xf32>,
      %get3A_307 = arith.index_cast %add3A_284 : i32 to index
      %get3A_308 = arith.constant 48 : index
      %get3A_309 = tpu.vector_load %arg29[%get3A_307, %get3A_308] {strides = array<i32>} : memref<80x128xf32, #tpu.memory_space<vmem>>, vector<16xf32>,
      %mul3A_310 = arith.mulf %get3A_309, %gather3A : vector<16xf32>
      %swap3A_311 = arith.index_cast %add3A_284 : i32 to index
      %swap3A_312 = arith.constant 48 : index
      %swap3A_313 = tpu.vector_load %arg29[%swap3A_311, %swap3A_312] {strides = array<i32>} : memref<80x128xf32, #tpu.memory_space<vmem>>, vector<16xf32>,
      tpu.vector_store %arg29[%swap3A_311, %swap3A_312], %mul3A_310 {strides = array<i32>} : memref<80x128xf32, #tpu.memory_space<vmem>>, vector<16xf32>,
      %get3A_314 = arith.index_cast %add3A_284 : i32 to index
      %get3A_315 = arith.constant 64 : index
      %get3A_316 = tpu.vector_load %arg29[%get3A_314, %get3A_315] {strides = array<i32>} : memref<80x128xf32, #tpu.memory_space<vmem>>, vector<16xf32>,
      %mul3A_317 = arith.mulf %get3A_316, %gather3A : vector<16xf32>
      %swap3A_318 = arith.index_cast %add3A_284 : i32 to index
      %swap3A_319 = arith.constant 64 : index
      %swap3A_320 = tpu.vector_load %arg29[%swap3A_318, %swap3A_319] {strides = array<i32>} : memref<80x128xf32, #tpu.memory_space<vmem>>, vector<16xf32>,
      tpu.vector_store %arg29[%swap3A_318, %swap3A_319], %mul3A_317 {strides = array<i32>} : memref<80x128xf32, #tpu.memory_space<vmem>>, vector<16xf32>,
      %get3A_321 = arith.index_cast %add3A_284 : i32 to index
      %get3A_322 = arith.constant 80 : index
      %get3A_323 = tpu.vector_load %arg29[%get3A_321, %get3A_322] {strides = array<i32>} : memref<80x128xf32, #tpu.memory_space<vmem>>, vector<16xf32>,
      %mul3A_324 = arith.mulf %get3A_323, %gather3A : vector<16xf32>
      %swap3A_325 = arith.index_cast %add3A_284 : i32 to index
      %swap3A_326 = arith.constant 80 : index
      %swap3A_327 = tpu.vector_load %arg29[%swap3A_325, %swap3A_326] {strides = array<i32>} : memref<80x128xf32, #tpu.memory_space<vmem>>, vector<16xf32>,
      tpu.vector_store %arg29[%swap3A_325, %swap3A_326], %mul3A_324 {strides = array<i32>} : memref<80x128xf32, #tpu.memory_space<vmem>>, vector<16xf32>,
      %get3A_328 = arith.index_cast %add3A_284 : i32 to index
      %get3A_329 = arith.constant 96 : index
      %get3A_330 = tpu.vector_load %arg29[%get3A_328, %get3A_329] {strides = array<i32>} : memref<80x128xf32, #tpu.memory_space<vmem>>, vector<16xf32>,
      %mul3A_331 = arith.mulf %get3A_330, %gather3A : vector<16xf32>
      %swap3A_332 = arith.index_cast %add3A_284 : i32 to index
      %swap3A_333 = arith.constant 96 : index
      %swap3A_334 = tpu.vector_load %arg29[%swap3A_332, %swap3A_333] {strides = array<i32>} : memref<80x128xf32, #tpu.memory_space<vmem>>, vector<16xf32>,
      tpu.vector_store %arg29[%swap3A_332, %swap3A_333], %mul3A_331 {strides = array<i32>} : memref<80x128xf32, #tpu.memory_space<vmem>>, vector<16xf32>,
      %get3A_335 = arith.index_cast %add3A_284 : i32 to index
      %get3A_336 = arith.constant 112 : index
      %get3A_337 = tpu.vector_load %arg29[%get3A_335, %get3A_336] {strides = array<i32>} : memref<80x128xf32, #tpu.memory_space<vmem>>, vector<16xf32>,
      %mul3A_338 = arith.mulf %get3A_337, %gather3A : vector<16xf32>
      %swap3A_339 = arith.index_cast %add3A_284 : i32 to index
      %swap3A_340 = arith.constant 112 : index
      %swap3A_341 = tpu.vector_load %arg29[%swap3A_339, %swap3A_340] {strides = array<i32>} : memref<80x128xf32, #tpu.memory_space<vmem>>, vector<16xf32>,
      tpu.vector_store %arg29[%swap3A_339, %swap3A_340], %mul3A_338 {strides = array<i32>} : memref<80x128xf32, #tpu.memory_space<vmem>>, vector<16xf32>,
      %mul3A_342 = arith.constant 4 : i32
      %mul3A_343 = arith.muli %mul3A_342, %scan3A_280 : i32
      %add3A_344 = arith.constant 1 : i32
      %add3A_345 = arith.addi %mul3A_343, %add3A_344 : i32
      %broadcast_in_dim3A_346 = vector.broadcast %add3A_345 : i32 to vector<16xi32>
      %gather3A_347 = tpu.vector_load_idx %arg27[%broadcast_in_dim3A_346] : memref<80xf32, #tpu.memory_space<vmem>>[vector<16xi32>], vector<16xf32>,
      %get3A_348 = arith.index_cast %add3A_345 : i32 to index
      %get3A_349 = arith.constant 0 : index
      %get3A_350 = tpu.vector_load %arg29[%get3A_348, %get3A_349] {strides = array<i32>} : memref<80x128xf32, #tpu.memory_space<vmem>>, vector<16xf32>,
      %mul3A_351 = arith.mulf %get3A_350, %gather3A_347 : vector<16xf32>
      %swap3A_352 = arith.index_cast %add3A_345 : i32 to index
      %swap3A_353 = arith.constant 0 : index
      %swap3A_354 = tpu.vector_load %arg29[%swap3A_352, %swap3A_353] {strides = array<i32>} : memref<80x128xf32, #tpu.memory_space<vmem>>, vector<16xf32>,
      tpu.vector_store %arg29[%swap3A_352, %swap3A_353], %mul3A_351 {strides = array<i32>} : memref<80x128xf32, #tpu.memory_space<vmem>>, vector<16xf32>,
      %get3A_355 = arith.index_cast %add3A_345 : i32 to index
      %get3A_356 = arith.constant 16 : index
      %get3A_357 = tpu.vector_load %arg29[%get3A_355, %get3A_356] {strides = array<i32>} : memref<80x128xf32, #tpu.memory_space<vmem>>, vector<16xf32>,
      %mul3A_358 = arith.mulf %get3A_357, %gather3A_347 : vector<16xf32>
      %swap3A_359 = arith.index_cast %add3A_345 : i32 to index
      %swap3A_360 = arith.constant 16 : index
      %swap3A_361 = tpu.vector_load %arg29[%swap3A_359, %swap3A_360] {strides = array<i32>} : memref<80x128xf32, #tpu.memory_space<vmem>>, vector<16xf32>,
      tpu.vector_store %arg29[%swap3A_359, %swap3A_360], %mul3A_358 {strides = array<i32>} : memref<80x128xf32, #tpu.memory_space<vmem>>, vector<16xf32>,
      %get3A_362 = arith.index_cast %add3A_345 : i32 to index
      %get3A_363 = arith.constant 32 : index
      %get3A_364 = tpu.vector_load %arg29[%get3A_362, %get3A_363] {strides = array<i32>} : memref<80x128xf32, #tpu.memory_space<vmem>>, vector<16xf32>,
      %mul3A_365 = arith.mulf %get3A_364, %gather3A_347 : vector<16xf32>
      %swap3A_366 = arith.index_cast %add3A_345 : i32 to index
      %swap3A_367 = arith.constant 32 : index
      %swap3A_368 = tpu.vector_load %arg29[%swap3A_366, %swap3A_367] {strides = array<i32>} : memref<80x128xf32, #tpu.memory_space<vmem>>, vector<16xf32>,
      tpu.vector_store %arg29[%swap3A_366, %swap3A_367], %mul3A_365 {strides = array<i32>} : memref<80x128xf32, #tpu.memory_space<vmem>>, vector<16xf32>,
      %get3A_369 = arith.index_cast %add3A_345 : i32 to index
      %get3A_370 = arith.constant 48 : index
      %get3A_371 = tpu.vector_load %arg29[%get3A_369, %get3A_370] {strides = array<i32>} : memref<80x128xf32, #tpu.memory_space<vmem>>, vector<16xf32>,
      %mul3A_372 = arith.mulf %get3A_371, %gather3A_347 : vector<16xf32>
      %swap3A_373 = arith.index_cast %add3A_345 : i32 to index
      %swap3A_374 = arith.constant 48 : index
      %swap3A_375 = tpu.vector_load %arg29[%swap3A_373, %swap3A_374] {strides = array<i32>} : memref<80x128xf32, #tpu.memory_space<vmem>>, vector<16xf32>,
      tpu.vector_store %arg29[%swap3A_373, %swap3A_374], %mul3A_372 {strides = array<i32>} : memref<80x128xf32, #tpu.memory_space<vmem>>, vector<16xf32>,
      %get3A_376 = arith.index_cast %add3A_345 : i32 to index
      %get3A_377 = arith.constant 64 : index
      %get3A_378 = tpu.vector_load %arg29[%get3A_376, %get3A_377] {strides = array<i32>} : memref<80x128xf32, #tpu.memory_space<vmem>>, vector<16xf32>,
      %mul3A_379 = arith.mulf %get3A_378, %gather3A_347 : vector<16xf32>
      %swap3A_380 = arith.index_cast %add3A_345 : i32 to index
      %swap3A_381 = arith.constant 64 : index
      %swap3A_382 = tpu.vector_load %arg29[%swap3A_380, %swap3A_381] {strides = array<i32>} : memref<80x128xf32, #tpu.memory_space<vmem>>, vector<16xf32>,
      tpu.vector_store %arg29[%swap3A_380, %swap3A_381], %mul3A_379 {strides = array<i32>} : memref<80x128xf32, #tpu.memory_space<vmem>>, vector<16xf32>,
      %get3A_383 = arith.index_cast %add3A_345 : i32 to index
      %get3A_384 = arith.constant 80 : index
      %get3A_385 = tpu.vector_load %arg29[%get3A_383, %get3A_384] {strides = array<i32>} : memref<80x128xf32, #tpu.memory_space<vmem>>, vector<16xf32>,
      %mul3A_386 = arith.mulf %get3A_385, %gather3A_347 : vector<16xf32>
      %swap3A_387 = arith.index_cast %add3A_345 : i32 to index
      %swap3A_388 = arith.constant 80 : index
      %swap3A_389 = tpu.vector_load %arg29[%swap3A_387, %swap3A_388] {strides = array<i32>} : memref<80x128xf32, #tpu.memory_space<vmem>>, vector<16xf32>,
      tpu.vector_store %arg29[%swap3A_387, %swap3A_388], %mul3A_386 {strides = array<i32>} : memref<80x128xf32, #tpu.memory_space<vmem>>, vector<16xf32>,
      %get3A_390 = arith.index_cast %add3A_345 : i32 to index
      %get3A_391 = arith.constant 96 : index
      %get3A_392 = tpu.vector_load %arg29[%get3A_390, %get3A_391] {strides = array<i32>} : memref<80x128xf32, #tpu.memory_space<vmem>>, vector<16xf32>,
      %mul3A_393 = arith.mulf %get3A_392, %gather3A_347 : vector<16xf32>
      %swap3A_394 = arith.index_cast %add3A_345 : i32 to index
      %swap3A_395 = arith.constant 96 : index
      %swap3A_396 = tpu.vector_load %arg29[%swap3A_394, %swap3A_395] {strides = array<i32>} : memref<80x128xf32, #tpu.memory_space<vmem>>, vector<16xf32>,
      tpu.vector_store %arg29[%swap3A_394, %swap3A_395], %mul3A_393 {strides = array<i32>} : memref<80x128xf32, #tpu.memory_space<vmem>>, vector<16xf32>,
      %get3A_397 = arith.index_cast %add3A_345 : i32 to index
      %get3A_398 = arith.constant 112 : index
      %get3A_399 = tpu.vector_load %arg29[%get3A_397, %get3A_398] {strides = array<i32>} : memref<80x128xf32, #tpu.memory_space<vmem>>, vector<16xf32>,
      %mul3A_400 = arith.mulf %get3A_399, %gather3A_347 : vector<16xf32>
      %swap3A_401 = arith.index_cast %add3A_345 : i32 to index
      %swap3A_402 = arith.constant 112 : index
      %swap3A_403 = tpu.vector_load %arg29[%swap3A_401, %swap3A_402] {strides = array<i32>} : memref<80x128xf32, #tpu.memory_space<vmem>>, vector<16xf32>,
      tpu.vector_store %arg29[%swap3A_401, %swap3A_402], %mul3A_400 {strides = array<i32>} : memref<80x128xf32, #tpu.memory_space<vmem>>, vector<16xf32>,
      %mul3A_404 = arith.constant 4 : i32
      %mul3A_405 = arith.muli %mul3A_404, %scan3A_280 : i32
      %add3A_406 = arith.constant 2 : i32
      %add3A_407 = arith.addi %mul3A_405, %add3A_406 : i32
      %broadcast_in_dim3A_408 = vector.broadcast %add3A_407 : i32 to vector<16xi32>
      %gather3A_409 = tpu.vector_load_idx %arg27[%broadcast_in_dim3A_408] : memref<80xf32, #tpu.memory_space<vmem>>[vector<16xi32>], vector<16xf32>,
      %get3A_410 = arith.index_cast %add3A_407 : i32 to index
      %get3A_411 = arith.constant 0 : index
      %get3A_412 = tpu.vector_load %arg29[%get3A_410, %get3A_411] {strides = array<i32>} : memref<80x128xf32, #tpu.memory_space<vmem>>, vector<16xf32>,
      %mul3A_413 = arith.mulf %get3A_412, %gather3A_409 : vector<16xf32>
      %swap3A_414 = arith.index_cast %add3A_407 : i32 to index
      %swap3A_415 = arith.constant 0 : index
      %swap3A_416 = tpu.vector_load %arg29[%swap3A_414, %swap3A_415] {strides = array<i32>} : memref<80x128xf32, #tpu.memory_space<vmem>>, vector<16xf32>,
      tpu.vector_store %arg29[%swap3A_414, %swap3A_415], %mul3A_413 {strides = array<i32>} : memref<80x128xf32, #tpu.memory_space<vmem>>, vector<16xf32>,
      %get3A_417 = arith.index_cast %add3A_407 : i32 to index
      %get3A_418 = arith.constant 16 : index
      %get3A_419 = tpu.vector_load %arg29[%get3A_417, %get3A_418] {strides = array<i32>} : memref<80x128xf32, #tpu.memory_space<vmem>>, vector<16xf32>,
      %mul3A_420 = arith.mulf %get3A_419, %gather3A_409 : vector<16xf32>
      %swap3A_421 = arith.index_cast %add3A_407 : i32 to index
      %swap3A_422 = arith.constant 16 : index
      %swap3A_423 = tpu.vector_load %arg29[%swap3A_421, %swap3A_422] {strides = array<i32>} : memref<80x128xf32, #tpu.memory_space<vmem>>, vector<16xf32>,
      tpu.vector_store %arg29[%swap3A_421, %swap3A_422], %mul3A_420 {strides = array<i32>} : memref<80x128xf32, #tpu.memory_space<vmem>>, vector<16xf32>,
      %get3A_424 = arith.index_cast %add3A_407 : i32 to index
      %get3A_425 = arith.constant 32 : index
      %get3A_426 = tpu.vector_load %arg29[%get3A_424, %get3A_425] {strides = array<i32>} : memref<80x128xf32, #tpu.memory_space<vmem>>, vector<16xf32>,
      %mul3A_427 = arith.mulf %get3A_426, %gather3A_409 : vector<16xf32>
      %swap3A_428 = arith.index_cast %add3A_407 : i32 to index
      %swap3A_429 = arith.constant 32 : index
      %swap3A_430 = tpu.vector_load %arg29[%swap3A_428, %swap3A_429] {strides = array<i32>} : memref<80x128xf32, #tpu.memory_space<vmem>>, vector<16xf32>,
      tpu.vector_store %arg29[%swap3A_428, %swap3A_429], %mul3A_427 {strides = array<i32>} : memref<80x128xf32, #tpu.memory_space<vmem>>, vector<16xf32>,
      %get3A_431 = arith.index_cast %add3A_407 : i32 to index
      %get3A_432 = arith.constant 48 : index
      %get3A_433 = tpu.vector_load %arg29[%get3A_431, %get3A_432] {strides = array<i32>} : memref<80x128xf32, #tpu.memory_space<vmem>>, vector<16xf32>,
      %mul3A_434 = arith.mulf %get3A_433, %gather3A_409 : vector<16xf32>
      %swap3A_435 = arith.index_cast %add3A_407 : i32 to index
      %swap3A_436 = arith.constant 48 : index
      %swap3A_437 = tpu.vector_load %arg29[%swap3A_435, %swap3A_436] {strides = array<i32>} : memref<80x128xf32, #tpu.memory_space<vmem>>, vector<16xf32>,
      tpu.vector_store %arg29[%swap3A_435, %swap3A_436], %mul3A_434 {strides = array<i32>} : memref<80x128xf32, #tpu.memory_space<vmem>>, vector<16xf32>,
      %get3A_438 = arith.index_cast %add3A_407 : i32 to index
      %get3A_439 = arith.constant 64 : index
      %get3A_440 = tpu.vector_load %arg29[%get3A_438, %get3A_439] {strides = array<i32>} : memref<80x128xf32, #tpu.memory_space<vmem>>, vector<16xf32>,
      %mul3A_441 = arith.mulf %get3A_440, %gather3A_409 : vector<16xf32>
      %swap3A_442 = arith.index_cast %add3A_407 : i32 to index
      %swap3A_443 = arith.constant 64 : index
      %swap3A_444 = tpu.vector_load %arg29[%swap3A_442, %swap3A_443] {strides = array<i32>} : memref<80x128xf32, #tpu.memory_space<vmem>>, vector<16xf32>,
      tpu.vector_store %arg29[%swap3A_442, %swap3A_443], %mul3A_441 {strides = array<i32>} : memref<80x128xf32, #tpu.memory_space<vmem>>, vector<16xf32>,
      %get3A_445 = arith.index_cast %add3A_407 : i32 to index
      %get3A_446 = arith.constant 80 : index
      %get3A_447 = tpu.vector_load %arg29[%get3A_445, %get3A_446] {strides = array<i32>} : memref<80x128xf32, #tpu.memory_space<vmem>>, vector<16xf32>,
      %mul3A_448 = arith.mulf %get3A_447, %gather3A_409 : vector<16xf32>
      %swap3A_449 = arith.index_cast %add3A_407 : i32 to index
      %swap3A_450 = arith.constant 80 : index
      %swap3A_451 = tpu.vector_load %arg29[%swap3A_449, %swap3A_450] {strides = array<i32>} : memref<80x128xf32, #tpu.memory_space<vmem>>, vector<16xf32>,
      tpu.vector_store %arg29[%swap3A_449, %swap3A_450], %mul3A_448 {strides = array<i32>} : memref<80x128xf32, #tpu.memory_space<vmem>>, vector<16xf32>,
      %get3A_452 = arith.index_cast %add3A_407 : i32 to index
      %get3A_453 = arith.constant 96 : index
      %get3A_454 = tpu.vector_load %arg29[%get3A_452, %get3A_453] {strides = array<i32>} : memref<80x128xf32, #tpu.memory_space<vmem>>, vector<16xf32>,
      %mul3A_455 = arith.mulf %get3A_454, %gather3A_409 : vector<16xf32>
      %swap3A_456 = arith.index_cast %add3A_407 : i32 to index
      %swap3A_457 = arith.constant 96 : index
      %swap3A_458 = tpu.vector_load %arg29[%swap3A_456, %swap3A_457] {strides = array<i32>} : memref<80x128xf32, #tpu.memory_space<vmem>>, vector<16xf32>,
      tpu.vector_store %arg29[%swap3A_456, %swap3A_457], %mul3A_455 {strides = array<i32>} : memref<80x128xf32, #tpu.memory_space<vmem>>, vector<16xf32>,
      %get3A_459 = arith.index_cast %add3A_407 : i32 to index
      %get3A_460 = arith.constant 112 : index
      %get3A_461 = tpu.vector_load %arg29[%get3A_459, %get3A_460] {strides = array<i32>} : memref<80x128xf32, #tpu.memory_space<vmem>>, vector<16xf32>,
      %mul3A_462 = arith.mulf %get3A_461, %gather3A_409 : vector<16xf32>
      %swap3A_463 = arith.index_cast %add3A_407 : i32 to index
      %swap3A_464 = arith.constant 112 : index
      %swap3A_465 = tpu.vector_load %arg29[%swap3A_463, %swap3A_464] {strides = array<i32>} : memref<80x128xf32, #tpu.memory_space<vmem>>, vector<16xf32>,
      tpu.vector_store %arg29[%swap3A_463, %swap3A_464], %mul3A_462 {strides = array<i32>} : memref<80x128xf32, #tpu.memory_space<vmem>>, vector<16xf32>,
      %mul3A_466 = arith.constant 4 : i32
      %mul3A_467 = arith.muli %mul3A_466, %scan3A_280 : i32
      %add3A_468 = arith.constant 3 : i32
      %add3A_469 = arith.addi %mul3A_467, %add3A_468 : i32
      %broadcast_in_dim3A_470 = vector.broadcast %add3A_469 : i32 to vector<16xi32>
      %gather3A_471 = tpu.vector_load_idx %arg27[%broadcast_in_dim3A_470] : memref<80xf32, #tpu.memory_space<vmem>>[vector<16xi32>], vector<16xf32>,
      %get3A_472 = arith.index_cast %add3A_469 : i32 to index
      %get3A_473 = arith.constant 0 : index
      %get3A_474 = tpu.vector_load %arg29[%get3A_472, %get3A_473] {strides = array<i32>} : memref<80x128xf32, #tpu.memory_space<vmem>>, vector<16xf32>,
      %mul3A_475 = arith.mulf %get3A_474, %gather3A_471 : vector<16xf32>
      %swap3A_476 = arith.index_cast %add3A_469 : i32 to index
      %swap3A_477 = arith.constant 0 : index
      %swap3A_478 = tpu.vector_load %arg29[%swap3A_476, %swap3A_477] {strides = array<i32>} : memref<80x128xf32, #tpu.memory_space<vmem>>, vector<16xf32>,
      tpu.vector_store %arg29[%swap3A_476, %swap3A_477], %mul3A_475 {strides = array<i32>} : memref<80x128xf32, #tpu.memory_space<vmem>>, vector<16xf32>,
      %get3A_479 = arith.index_cast %add3A_469 : i32 to index
      %get3A_480 = arith.constant 16 : index
      %get3A_481 = tpu.vector_load %arg29[%get3A_479, %get3A_480] {strides = array<i32>} : memref<80x128xf32, #tpu.memory_space<vmem>>, vector<16xf32>,
      %mul3A_482 = arith.mulf %get3A_481, %gather3A_471 : vector<16xf32>
      %swap3A_483 = arith.index_cast %add3A_469 : i32 to index
      %swap3A_484 = arith.constant 16 : index
      %swap3A_485 = tpu.vector_load %arg29[%swap3A_483, %swap3A_484] {strides = array<i32>} : memref<80x128xf32, #tpu.memory_space<vmem>>, vector<16xf32>,
      tpu.vector_store %arg29[%swap3A_483, %swap3A_484], %mul3A_482 {strides = array<i32>} : memref<80x128xf32, #tpu.memory_space<vmem>>, vector<16xf32>,
      %get3A_486 = arith.index_cast %add3A_469 : i32 to index
      %get3A_487 = arith.constant 32 : index
      %get3A_488 = tpu.vector_load %arg29[%get3A_486, %get3A_487] {strides = array<i32>} : memref<80x128xf32, #tpu.memory_space<vmem>>, vector<16xf32>,
      %mul3A_489 = arith.mulf %get3A_488, %gather3A_471 : vector<16xf32>
      %swap3A_490 = arith.index_cast %add3A_469 : i32 to index
      %swap3A_491 = arith.constant 32 : index
      %swap3A_492 = tpu.vector_load %arg29[%swap3A_490, %swap3A_491] {strides = array<i32>} : memref<80x128xf32, #tpu.memory_space<vmem>>, vector<16xf32>,
      tpu.vector_store %arg29[%swap3A_490, %swap3A_491], %mul3A_489 {strides = array<i32>} : memref<80x128xf32, #tpu.memory_space<vmem>>, vector<16xf32>,
      %get3A_493 = arith.index_cast %add3A_469 : i32 to index
      %get3A_494 = arith.constant 48 : index
      %get3A_495 = tpu.vector_load %arg29[%get3A_493, %get3A_494] {strides = array<i32>} : memref<80x128xf32, #tpu.memory_space<vmem>>, vector<16xf32>,
      %mul3A_496 = arith.mulf %get3A_495, %gather3A_471 : vector<16xf32>
      %swap3A_497 = arith.index_cast %add3A_469 : i32 to index
      %swap3A_498 = arith.constant 48 : index
      %swap3A_499 = tpu.vector_load %arg29[%swap3A_497, %swap3A_498] {strides = array<i32>} : memref<80x128xf32, #tpu.memory_space<vmem>>, vector<16xf32>,
      tpu.vector_store %arg29[%swap3A_497, %swap3A_498], %mul3A_496 {strides = array<i32>} : memref<80x128xf32, #tpu.memory_space<vmem>>, vector<16xf32>,
      %get3A_500 = arith.index_cast %add3A_469 : i32 to index
      %get3A_501 = arith.constant 64 : index
      %get3A_502 = tpu.vector_load %arg29[%get3A_500, %get3A_501] {strides = array<i32>} : memref<80x128xf32, #tpu.memory_space<vmem>>, vector<16xf32>,
      %mul3A_503 = arith.mulf %get3A_502, %gather3A_471 : vector<16xf32>
      %swap3A_504 = arith.index_cast %add3A_469 : i32 to index
      %swap3A_505 = arith.constant 64 : index
      %swap3A_506 = tpu.vector_load %arg29[%swap3A_504, %swap3A_505] {strides = array<i32>} : memref<80x128xf32, #tpu.memory_space<vmem>>, vector<16xf32>,
      tpu.vector_store %arg29[%swap3A_504, %swap3A_505], %mul3A_503 {strides = array<i32>} : memref<80x128xf32, #tpu.memory_space<vmem>>, vector<16xf32>,
      %get3A_507 = arith.index_cast %add3A_469 : i32 to index
      %get3A_508 = arith.constant 80 : index
      %get3A_509 = tpu.vector_load %arg29[%get3A_507, %get3A_508] {strides = array<i32>} : memref<80x128xf32, #tpu.memory_space<vmem>>, vector<16xf32>,
      %mul3A_510 = arith.mulf %get3A_509, %gather3A_471 : vector<16xf32>
      %swap3A_511 = arith.index_cast %add3A_469 : i32 to index
      %swap3A_512 = arith.constant 80 : index
      %swap3A_513 = tpu.vector_load %arg29[%swap3A_511, %swap3A_512] {strides = array<i32>} : memref<80x128xf32, #tpu.memory_space<vmem>>, vector<16xf32>,
      tpu.vector_store %arg29[%swap3A_511, %swap3A_512], %mul3A_510 {strides = array<i32>} : memref<80x128xf32, #tpu.memory_space<vmem>>, vector<16xf32>,
      %get3A_514 = arith.index_cast %add3A_469 : i32 to index
      %get3A_515 = arith.constant 96 : index
      %get3A_516 = tpu.vector_load %arg29[%get3A_514, %get3A_515] {strides = array<i32>} : memref<80x128xf32, #tpu.memory_space<vmem>>, vector<16xf32>,
      %mul3A_517 = arith.mulf %get3A_516, %gather3A_471 : vector<16xf32>
      %swap3A_518 = arith.index_cast %add3A_469 : i32 to index
      %swap3A_519 = arith.constant 96 : index
      %swap3A_520 = tpu.vector_load %arg29[%swap3A_518, %swap3A_519] {strides = array<i32>} : memref<80x128xf32, #tpu.memory_space<vmem>>, vector<16xf32>,
      tpu.vector_store %arg29[%swap3A_518, %swap3A_519], %mul3A_517 {strides = array<i32>} : memref<80x128xf32, #tpu.memory_space<vmem>>, vector<16xf32>,
      %get3A_521 = arith.index_cast %add3A_469 : i32 to index
      %get3A_522 = arith.constant 112 : index
      %get3A_523 = tpu.vector_load %arg29[%get3A_521, %get3A_522] {strides = array<i32>} : memref<80x128xf32, #tpu.memory_space<vmem>>, vector<16xf32>,
      %mul3A_524 = arith.mulf %get3A_523, %gather3A_471 : vector<16xf32>
      %swap3A_525 = arith.index_cast %add3A_469 : i32 to index
      %swap3A_526 = arith.constant 112 : index
      %swap3A_527 = tpu.vector_load %arg29[%swap3A_525, %swap3A_526] {strides = array<i32>} : memref<80x128xf32, #tpu.memory_space<vmem>>, vector<16xf32>,
      tpu.vector_store %arg29[%swap3A_525, %swap3A_526], %mul3A_524 {strides = array<i32>} : memref<80x128xf32, #tpu.memory_space<vmem>>, vector<16xf32>,
    }
    %scan3A_202 = arith.constant 20 : i32
    %dma_start3A_203 = arith.constant 0 : i32
    %dma_start3A_204 = arith.constant 0 : i32
    %dma_start3A_205 = tpu.memref_slice %arg11[%dma_start3A_203, %dma_start3A_204] : memref<1x80xi32, #tpu.memory_space<vmem>> -> memref<1x80xi32, #tpu.memory_space<vmem>>
    %dma_start3A_206 = tpu.memref_squeeze %dma_start3A_205 : memref<1x80xi32, #tpu.memory_space<vmem>> -> memref<80xi32, #tpu.memory_space<vmem>>
    %dma_start3A_207 = arith.constant 0 : i32
    %dma_start3A_208 = arith.constant 0 : i32
    %dma_start3A_209 = tpu.memref_slice %arg35[%dma_start3A_207, %dma_start3A_208] : memref<10240x128xf32, #tpu.memory_space<vmem_shared>> -> memref<10240x128xf32, #tpu.memory_space<vmem_shared>>
    tpu.enqueue_indirect_dma source(%arg29 : memref<80x128xf32, #tpu.memory_space<vmem>>) target(%dma_start3A_209 : memref<10240x128xf32, #tpu.memory_space<vmem_shared>>) offsets(%dma_start3A_206 : memref<80xi32, #tpu.memory_space<vmem>>) semaphore(%arg33 : memref<!tpu.dma_semaphore, #tpu.memory_space<semaphore_mem>>) {add = true}
    %dma_start3A_210 = arith.constant 0 : i32
    %dma_start3A_211 = arith.constant 0 : i32
    %dma_start3A_212 = tpu.memref_slice %arg11[%dma_start3A_210, %dma_start3A_211] : memref<1x80xi32, #tpu.memory_space<vmem>> -> memref<1x80xi32, #tpu.memory_space<vmem>>
    %dma_start3A_213 = tpu.memref_squeeze %dma_start3A_212 : memref<1x80xi32, #tpu.memory_space<vmem>> -> memref<80xi32, #tpu.memory_space<vmem>>
    %dma_start3A_214 = arith.constant 0 : i32
    %dma_start3A_215 = tpu.memref_slice %arg36[%dma_start3A_214] : memref<10240xf32, #tpu.memory_space<vmem_shared>> -> memref<10240xf32, #tpu.memory_space<vmem_shared>>
    tpu.enqueue_indirect_dma source(%arg27 : memref<80xf32, #tpu.memory_space<vmem>>) target(%dma_start3A_215 : memref<10240xf32, #tpu.memory_space<vmem_shared>>) offsets(%dma_start3A_213 : memref<80xi32, #tpu.memory_space<vmem>>) semaphore(%arg33 : memref<!tpu.dma_semaphore, #tpu.memory_space<semaphore_mem>>) {add = true}
    %dma_wait3A_216 = arith.constant 1 : i32
    %dma_wait3A_217 = arith.constant 0 : i32
    %dma_wait3A_218 = arith.constant 0 : i32
    %dma_wait3A_219 = tpu.memref_slice %arg5[%add3A, %dma_wait3A_216, %dma_wait3A_217, %dma_wait3A_218] : memref<32x125x1x80xi32, #tpu.memory_space<hbm>> -> memref<1x1x1x80xi32, #tpu.memory_space<hbm>>
    %dma_wait3A_220 = tpu.memref_squeeze %dma_wait3A_219 : memref<1x1x1x80xi32, #tpu.memory_space<hbm>> -> memref<1x80xi32, #tpu.memory_space<hbm>>
    %dma_wait3A_221 = arith.constant 0 : i32
    %dma_wait3A_222 = arith.constant 0 : i32
    %dma_wait3A_223 = tpu.memref_slice %arg5[%add3A, %dma_wait3A_216, %dma_wait3A_221, %dma_wait3A_222] : memref<32x125x1x80xi32, #tpu.memory_space<hbm>> -> memref<1x1x1x80xi32, #tpu.memory_space<hbm>>
    %dma_wait3A_224 = tpu.memref_squeeze %dma_wait3A_223 : memref<1x1x1x80xi32, #tpu.memory_space<hbm>> -> memref<1x80xi32, #tpu.memory_space<hbm>>
    tpu.wait_dma2 semaphore(%arg20 : memref<!tpu.dma_semaphore, #tpu.memory_space<semaphore_mem>>) src(%dma_wait3A_224 : memref<1x80xi32, #tpu.memory_space<hbm>>) dst(%arg12 : memref<1x80xi32, #tpu.memory_space<vmem>>)
    %dma_wait3A_225 = arith.constant 1 : i32
    %dma_wait3A_226 = arith.constant 0 : i32
    %dma_wait3A_227 = arith.constant 0 : i32
    %dma_wait3A_228 = tpu.memref_slice %arg6[%add3A, %dma_wait3A_225, %dma_wait3A_226, %dma_wait3A_227] : memref<32x125x1x80xi32, #tpu.memory_space<hbm>> -> memref<1x1x1x80xi32, #tpu.memory_space<hbm>>
    %dma_wait3A_229 = tpu.memref_squeeze %dma_wait3A_228 : memref<1x1x1x80xi32, #tpu.memory_space<hbm>> -> memref<1x80xi32, #tpu.memory_space<hbm>>
    %dma_wait3A_230 = arith.constant 0 : i32
    %dma_wait3A_231 = arith.constant 0 : i32
    %dma_wait3A_232 = tpu.memref_slice %arg6[%add3A, %dma_wait3A_225, %dma_wait3A_230, %dma_wait3A_231] : memref<32x125x1x80xi32, #tpu.memory_space<hbm>> -> memref<1x1x1x80xi32, #tpu.memory_space<hbm>>
    %dma_wait3A_233 = tpu.memref_squeeze %dma_wait3A_232 : memref<1x1x1x80xi32, #tpu.memory_space<hbm>> -> memref<1x80xi32, #tpu.memory_space<hbm>>
    tpu.wait_dma2 semaphore(%arg20 : memref<!tpu.dma_semaphore, #tpu.memory_space<semaphore_mem>>) src(%dma_wait3A_233 : memref<1x80xi32, #tpu.memory_space<hbm>>) dst(%arg16 : memref<1x80xi32, #tpu.memory_space<vmem>>)
    %dma_start3A_234 = arith.constant 0 : i32
    %dma_start3A_235 = arith.constant 0 : i32
    %dma_start3A_236 = tpu.memref_slice %arg12[%dma_start3A_234, %dma_start3A_235] : memref<1x80xi32, #tpu.memory_space<vmem>> -> memref<1x80xi32, #tpu.memory_space<vmem>>
    %dma_start3A_237 = tpu.memref_squeeze %dma_start3A_236 : memref<1x80xi32, #tpu.memory_space<vmem>> -> memref<80xi32, #tpu.memory_space<vmem>>
    %dma_start3A_238 = arith.constant 0 : i32
    %dma_start3A_239 = tpu.memref_slice %arg3[%dma_start3A_238] : memref<10000xf32, #tpu.memory_space<hbm>> -> memref<10000xf32, #tpu.memory_space<hbm>>
    tpu.enqueue_indirect_dma source(%dma_start3A_239 : memref<10000xf32, #tpu.memory_space<hbm>>) target(%arg24 : memref<80xf32, #tpu.memory_space<vmem>>) offsets(%dma_start3A_237 : memref<80xi32, #tpu.memory_space<vmem>>) semaphore(%arg32 : memref<!tpu.dma_semaphore, #tpu.memory_space<semaphore_mem>>)
    %dma_start3A_240 = arith.constant 0 : i32
    %dma_start3A_241 = arith.constant 0 : i32
    %dma_start3A_242 = tpu.memref_slice %arg16[%dma_start3A_240, %dma_start3A_241] : memref<1x80xi32, #tpu.memory_space<vmem>> -> memref<1x80xi32, #tpu.memory_space<vmem>>
    %dma_start3A_243 = tpu.memref_squeeze %dma_start3A_242 : memref<1x80xi32, #tpu.memory_space<vmem>> -> memref<80xi32, #tpu.memory_space<vmem>>
    %dma_start3A_244 = arith.constant 0 : i32
    %dma_start3A_245 = tpu.memref_slice %arg4[%dma_start3A_244] : memref<10000xf32, #tpu.memory_space<hbm>> -> memref<10000xf32, #tpu.memory_space<hbm>>
    tpu.enqueue_indirect_dma source(%dma_start3A_245 : memref<10000xf32, #tpu.memory_space<hbm>>) target(%arg26 : memref<80xf32, #tpu.memory_space<vmem>>) offsets(%dma_start3A_243 : memref<80xi32, #tpu.memory_space<vmem>>) semaphore(%arg32 : memref<!tpu.dma_semaphore, #tpu.memory_space<semaphore_mem>>)
    %dma_start3A_246 = arith.constant 0 : i32
    %dma_start3A_247 = arith.constant 0 : i32
    %dma_start3A_248 = tpu.memref_slice %arg16[%dma_start3A_246, %dma_start3A_247] : memref<1x80xi32, #tpu.memory_space<vmem>> -> memref<1x80xi32, #tpu.memory_space<vmem>>
    %dma_start3A_249 = tpu.memref_squeeze %dma_start3A_248 : memref<1x80xi32, #tpu.memory_space<vmem>> -> memref<80xi32, #tpu.memory_space<vmem>>
    %dma_start3A_250 = arith.constant 0 : i32
    %dma_start3A_251 = arith.constant 0 : i32
    %dma_start3A_252 = tpu.memref_slice %arg2[%dma_start3A_250, %dma_start3A_251] : memref<10000x128xf32, #tpu.memory_space<hbm>> -> memref<10000x128xf32, #tpu.memory_space<hbm>>
    tpu.enqueue_indirect_dma source(%dma_start3A_252 : memref<10000x128xf32, #tpu.memory_space<hbm>>) target(%arg30 : memref<80x128xf32, #tpu.memory_space<vmem>>) offsets(%dma_start3A_249 : memref<80xi32, #tpu.memory_space<vmem>>) semaphore(%arg32 : memref<!tpu.dma_semaphore, #tpu.memory_space<semaphore_mem>>)
    %scan3A_253 = arith.constant 0 : i32
    %scan3A_254 = arith.constant 0 : i32
    %scan3A_255 = arith.constant 31 : i32
    %scan3A_256 = arith.addi %scan3A_254, %scan3A_255 : i32
    %scan3A_257 = arith.constant 1 : i32
    scf.for %scan3A_280 = %scan3A_254 to %scan3A_256 step %scan3A_257  : i32 {
      %mul3A_281 = arith.constant 4 : i32
      %mul3A_282 = arith.muli %mul3A_281, %scan3A_280 : i32
      %add3A_283 = arith.constant 1 : i32
      %add3A_284 = arith.addi %mul3A_282, %add3A_283 : i32
      %add3A_285 = arith.constant 2 : i32
      %add3A_286 = arith.addi %add3A_284, %add3A_285 : i32
      %lt3A = arith.constant 125 : i32
      %lt3A_287 = arith.cmpi slt, %add3A_286, %lt3A : i32
      %convert_element_type3A_288 = arith.extui %lt3A_287 : i1 to i32
      %cond3A_289 = arith.constant 0 : i32
      %cond3A_290 = arith.cmpi ne, %convert_element_type3A_288, %cond3A_289 : i32
      scf.if %cond3A_290 {
        %add3A_785 = arith.constant 2 : i32
        %add3A_786 = arith.addi %add3A_284, %add3A_785 : i32
        %dma_start3A_787 = arith.constant 0 : i32
        %dma_start3A_788 = arith.constant 0 : i32
        %dma_start3A_789 = tpu.memref_slice %arg5[%add3A, %add3A_786, %dma_start3A_787, %dma_start3A_788] : memref<32x125x1x80xi32, #tpu.memory_space<hbm>> -> memref<1x1x1x80xi32, #tpu.memory_space<hbm>>
        %dma_start3A_790 = tpu.memref_squeeze %dma_start3A_789 : memref<1x1x1x80xi32, #tpu.memory_space<hbm>> -> memref<1x80xi32, #tpu.memory_space<hbm>>
        %dma_start3A_791 = arith.constant 0 : i32
        %dma_start3A_792 = arith.constant 0 : i32
        %dma_start3A_793 = tpu.memref_slice %arg5[%add3A, %add3A_786, %dma_start3A_791, %dma_start3A_792] : memref<32x125x1x80xi32, #tpu.memory_space<hbm>> -> memref<1x1x1x80xi32, #tpu.memory_space<hbm>>
        %dma_start3A_794 = tpu.memref_squeeze %dma_start3A_793 : memref<1x1x1x80xi32, #tpu.memory_space<hbm>> -> memref<1x80xi32, #tpu.memory_space<hbm>>
        tpu.enqueue_dma source(%dma_start3A_794 : memref<1x80xi32, #tpu.memory_space<hbm>>) target(%arg14 : memref<1x80xi32, #tpu.memory_space<vmem>>) target_semaphore(%arg22 : memref<!tpu.dma_semaphore, #tpu.memory_space<semaphore_mem>>)
        %dma_start3A_795 = arith.constant 0 : i32
        %dma_start3A_796 = arith.constant 0 : i32
        %dma_start3A_797 = tpu.memref_slice %arg6[%add3A, %add3A_786, %dma_start3A_795, %dma_start3A_796] : memref<32x125x1x80xi32, #tpu.memory_space<hbm>> -> memref<1x1x1x80xi32, #tpu.memory_space<hbm>>
        %dma_start3A_798 = tpu.memref_squeeze %dma_start3A_797 : memref<1x1x1x80xi32, #tpu.memory_space<hbm>> -> memref<1x80xi32, #tpu.memory_space<hbm>>
        %dma_start3A_799 = arith.constant 0 : i32
        %dma_start3A_800 = arith.constant 0 : i32
        %dma_start3A_801 = tpu.memref_slice %arg6[%add3A, %add3A_786, %dma_start3A_799, %dma_start3A_800] : memref<32x125x1x80xi32, #tpu.memory_space<hbm>> -> memref<1x1x1x80xi32, #tpu.memory_space<hbm>>
        %dma_start3A_802 = tpu.memref_squeeze %dma_start3A_801 : memref<1x1x1x80xi32, #tpu.memory_space<hbm>> -> memref<1x80xi32, #tpu.memory_space<hbm>>
        tpu.enqueue_dma source(%dma_start3A_802 : memref<1x80xi32, #tpu.memory_space<hbm>>) target(%arg18 : memref<1x80xi32, #tpu.memory_space<vmem>>) target_semaphore(%arg22 : memref<!tpu.dma_semaphore, #tpu.memory_space<semaphore_mem>>)
      } else {
      }
      %dma_wait3A_291 = arith.constant 0 : i32
      %dma_wait3A_292 = arith.constant 0 : i32
      %dma_wait3A_293 = tpu.memref_slice %arg12[%dma_wait3A_291, %dma_wait3A_292] : memref<1x80xi32, #tpu.memory_space<vmem>> -> memref<1x80xi32, #tpu.memory_space<vmem>>
      %dma_wait3A_294 = tpu.memref_squeeze %dma_wait3A_293 : memref<1x80xi32, #tpu.memory_space<vmem>> -> memref<80xi32, #tpu.memory_space<vmem>>
      %dma_wait3A_295 = arith.constant 0 : i32
      %dma_wait3A_296 = tpu.memref_slice %arg3[%dma_wait3A_295] : memref<10000xf32, #tpu.memory_space<hbm>> -> memref<10000xf32, #tpu.memory_space<hbm>>
      tpu.wait_indirect_dma semaphore(%arg32 : memref<!tpu.dma_semaphore, #tpu.memory_space<semaphore_mem>>) src(%dma_wait3A_296 : memref<10000xf32, #tpu.memory_space<hbm>>) dst(%arg24 : memref<80xf32, #tpu.memory_space<vmem>>)
      %dma_wait3A_297 = arith.constant 0 : i32
      %dma_wait3A_298 = arith.constant 0 : i32
      %dma_wait3A_299 = tpu.memref_slice %arg16[%dma_wait3A_297, %dma_wait3A_298] : memref<1x80xi32, #tpu.memory_space<vmem>> -> memref<1x80xi32, #tpu.memory_space<vmem>>
      %dma_wait3A_300 = tpu.memref_squeeze %dma_wait3A_299 : memref<1x80xi32, #tpu.memory_space<vmem>> -> memref<80xi32, #tpu.memory_space<vmem>>
      %dma_wait3A_301 = arith.constant 0 : i32
      %dma_wait3A_302 = tpu.memref_slice %arg4[%dma_wait3A_301] : memref<10000xf32, #tpu.memory_space<hbm>> -> memref<10000xf32, #tpu.memory_space<hbm>>
      tpu.wait_indirect_dma semaphore(%arg32 : memref<!tpu.dma_semaphore, #tpu.memory_space<semaphore_mem>>) src(%dma_wait3A_302 : memref<10000xf32, #tpu.memory_space<hbm>>) dst(%arg26 : memref<80xf32, #tpu.memory_space<vmem>>)
      %dma_wait3A_303 = arith.constant 0 : i32
      %dma_wait3A_304 = arith.constant 0 : i32
      %dma_wait3A_305 = tpu.memref_slice %arg16[%dma_wait3A_303, %dma_wait3A_304] : memref<1x80xi32, #tpu.memory_space<vmem>> -> memref<1x80xi32, #tpu.memory_space<vmem>>
      %dma_wait3A_306 = tpu.memref_squeeze %dma_wait3A_305 : memref<1x80xi32, #tpu.memory_space<vmem>> -> memref<80xi32, #tpu.memory_space<vmem>>
      %dma_wait3A_307 = arith.constant 0 : i32
      %dma_wait3A_308 = arith.constant 0 : i32
      %dma_wait3A_309 = tpu.memref_slice %arg2[%dma_wait3A_307, %dma_wait3A_308] : memref<10000x128xf32, #tpu.memory_space<hbm>> -> memref<10000x128xf32, #tpu.memory_space<hbm>>
      tpu.wait_indirect_dma semaphore(%arg32 : memref<!tpu.dma_semaphore, #tpu.memory_space<semaphore_mem>>) src(%dma_wait3A_309 : memref<10000x128xf32, #tpu.memory_space<hbm>>) dst(%arg30 : memref<80x128xf32, #tpu.memory_space<vmem>>)
      %get3A_310 = arith.constant 0 : index
      %get3A_311 = tpu.vector_load %arg24[%get3A_310] {strides = array<i32>} : memref<80xf32, #tpu.memory_space<vmem>>, vector<16xf32>,
      %get3A_312 = arith.constant 0 : index
      %get3A_313 = tpu.vector_load %arg26[%get3A_312] {strides = array<i32>} : memref<80xf32, #tpu.memory_space<vmem>>, vector<16xf32>,
      %add3A_314 = arith.addf %get3A_311, %get3A_313 : vector<16xf32>
      %ge3A_315 = arith.cmpf oge, %add3A_314, %broadcast_in_dim3A_27 : vector<16xf32>
      %mul3A_316 = arith.mulf %broadcast_in_dim3A_29, %add3A_314 : vector<16xf32>
      %select_n3A_317 = arith.select %ge3A_315, %add3A_314, %mul3A_316 : vector<16xi1>, vector<16xf32>
      %max3A_318 = arith.maximumf %select_n3A_317, %broadcast_in_dim3A_23 : vector<16xf32>
      %min3A_319 = arith.minimumf %max3A_318, %broadcast_in_dim3A_25 : vector<16xf32>
      %exp3A_320 = math.exp %min3A_319 : vector<16xf32>
      %swap3A_321 = arith.constant 0 : index
      %swap3A_322 = tpu.vector_load %arg28[%swap3A_321] {strides = array<i32>} : memref<80xf32, #tpu.memory_space<vmem>>, vector<16xf32>,
      tpu.vector_store %arg28[%swap3A_321], %exp3A_320 {strides = array<i32>} : memref<80xf32, #tpu.memory_space<vmem>>, vector<16xf32>,
      %get3A_323 = arith.constant 16 : index
      %get3A_324 = tpu.vector_load %arg24[%get3A_323] {strides = array<i32>} : memref<80xf32, #tpu.memory_space<vmem>>, vector<16xf32>,
      %get3A_325 = arith.constant 16 : index
      %get3A_326 = tpu.vector_load %arg26[%get3A_325] {strides = array<i32>} : memref<80xf32, #tpu.memory_space<vmem>>, vector<16xf32>,
      %add3A_327 = arith.addf %get3A_324, %get3A_326 : vector<16xf32>
      %ge3A_328 = arith.cmpf oge, %add3A_327, %broadcast_in_dim3A_27 : vector<16xf32>
      %mul3A_329 = arith.mulf %broadcast_in_dim3A_29, %add3A_327 : vector<16xf32>
      %select_n3A_330 = arith.select %ge3A_328, %add3A_327, %mul3A_329 : vector<16xi1>, vector<16xf32>
      %max3A_331 = arith.maximumf %select_n3A_330, %broadcast_in_dim3A_23 : vector<16xf32>
      %min3A_332 = arith.minimumf %max3A_331, %broadcast_in_dim3A_25 : vector<16xf32>
      %exp3A_333 = math.exp %min3A_332 : vector<16xf32>
      %swap3A_334 = arith.constant 16 : index
      %swap3A_335 = tpu.vector_load %arg28[%swap3A_334] {strides = array<i32>} : memref<80xf32, #tpu.memory_space<vmem>>, vector<16xf32>,
      tpu.vector_store %arg28[%swap3A_334], %exp3A_333 {strides = array<i32>} : memref<80xf32, #tpu.memory_space<vmem>>, vector<16xf32>,
      %get3A_336 = arith.constant 32 : index
      %get3A_337 = tpu.vector_load %arg24[%get3A_336] {strides = array<i32>} : memref<80xf32, #tpu.memory_space<vmem>>, vector<16xf32>,
      %get3A_338 = arith.constant 32 : index
      %get3A_339 = tpu.vector_load %arg26[%get3A_338] {strides = array<i32>} : memref<80xf32, #tpu.memory_space<vmem>>, vector<16xf32>,
      %add3A_340 = arith.addf %get3A_337, %get3A_339 : vector<16xf32>
      %ge3A_341 = arith.cmpf oge, %add3A_340, %broadcast_in_dim3A_27 : vector<16xf32>
      %mul3A_342 = arith.mulf %broadcast_in_dim3A_29, %add3A_340 : vector<16xf32>
      %select_n3A_343 = arith.select %ge3A_341, %add3A_340, %mul3A_342 : vector<16xi1>, vector<16xf32>
      %max3A_344 = arith.maximumf %select_n3A_343, %broadcast_in_dim3A_23 : vector<16xf32>
      %min3A_345 = arith.minimumf %max3A_344, %broadcast_in_dim3A_25 : vector<16xf32>
      %exp3A_346 = math.exp %min3A_345 : vector<16xf32>
      %swap3A_347 = arith.constant 32 : index
      %swap3A_348 = tpu.vector_load %arg28[%swap3A_347] {strides = array<i32>} : memref<80xf32, #tpu.memory_space<vmem>>, vector<16xf32>,
      tpu.vector_store %arg28[%swap3A_347], %exp3A_346 {strides = array<i32>} : memref<80xf32, #tpu.memory_space<vmem>>, vector<16xf32>,
      %get3A_349 = arith.constant 48 : index
      %get3A_350 = tpu.vector_load %arg24[%get3A_349] {strides = array<i32>} : memref<80xf32, #tpu.memory_space<vmem>>, vector<16xf32>,
      %get3A_351 = arith.constant 48 : index
      %get3A_352 = tpu.vector_load %arg26[%get3A_351] {strides = array<i32>} : memref<80xf32, #tpu.memory_space<vmem>>, vector<16xf32>,
      %add3A_353 = arith.addf %get3A_350, %get3A_352 : vector<16xf32>
      %ge3A_354 = arith.cmpf oge, %add3A_353, %broadcast_in_dim3A_27 : vector<16xf32>
      %mul3A_355 = arith.mulf %broadcast_in_dim3A_29, %add3A_353 : vector<16xf32>
      %select_n3A_356 = arith.select %ge3A_354, %add3A_353, %mul3A_355 : vector<16xi1>, vector<16xf32>
      %max3A_357 = arith.maximumf %select_n3A_356, %broadcast_in_dim3A_23 : vector<16xf32>
      %min3A_358 = arith.minimumf %max3A_357, %broadcast_in_dim3A_25 : vector<16xf32>
      %exp3A_359 = math.exp %min3A_358 : vector<16xf32>
      %swap3A_360 = arith.constant 48 : index
      %swap3A_361 = tpu.vector_load %arg28[%swap3A_360] {strides = array<i32>} : memref<80xf32, #tpu.memory_space<vmem>>, vector<16xf32>,
      tpu.vector_store %arg28[%swap3A_360], %exp3A_359 {strides = array<i32>} : memref<80xf32, #tpu.memory_space<vmem>>, vector<16xf32>,
      %get3A_362 = arith.constant 64 : index
      %get3A_363 = tpu.vector_load %arg24[%get3A_362] {strides = array<i32>} : memref<80xf32, #tpu.memory_space<vmem>>, vector<16xf32>,
      %get3A_364 = arith.constant 64 : index
      %get3A_365 = tpu.vector_load %arg26[%get3A_364] {strides = array<i32>} : memref<80xf32, #tpu.memory_space<vmem>>, vector<16xf32>,
      %add3A_366 = arith.addf %get3A_363, %get3A_365 : vector<16xf32>
      %ge3A_367 = arith.cmpf oge, %add3A_366, %broadcast_in_dim3A_27 : vector<16xf32>
      %mul3A_368 = arith.mulf %broadcast_in_dim3A_29, %add3A_366 : vector<16xf32>
      %select_n3A_369 = arith.select %ge3A_367, %add3A_366, %mul3A_368 : vector<16xi1>, vector<16xf32>
      %max3A_370 = arith.maximumf %select_n3A_369, %broadcast_in_dim3A_23 : vector<16xf32>
      %min3A_371 = arith.minimumf %max3A_370, %broadcast_in_dim3A_25 : vector<16xf32>
      %exp3A_372 = math.exp %min3A_371 : vector<16xf32>
      %swap3A_373 = arith.constant 64 : index
      %swap3A_374 = tpu.vector_load %arg28[%swap3A_373] {strides = array<i32>} : memref<80xf32, #tpu.memory_space<vmem>>, vector<16xf32>,
      tpu.vector_store %arg28[%swap3A_373], %exp3A_372 {strides = array<i32>} : memref<80xf32, #tpu.memory_space<vmem>>, vector<16xf32>,
      %scan3A_375 = arith.constant 0 : i32
      %scan3A_376 = arith.constant 0 : i32
      %scan3A_377 = arith.constant 20 : i32
      %scan3A_378 = arith.addi %scan3A_376, %scan3A_377 : i32
      %scan3A_379 = arith.constant 1 : i32
      scf.for %scan3A_785 = %scan3A_376 to %scan3A_378 step %scan3A_379  : i32 {
        %mul3A_786 = arith.constant 4 : i32
        %mul3A_787 = arith.muli %mul3A_786, %scan3A_785 : i32
        %add3A_788 = arith.constant 0 : i32
        %add3A_789 = arith.addi %mul3A_787, %add3A_788 : i32
        %broadcast_in_dim3A_790 = vector.broadcast %add3A_789 : i32 to vector<16xi32>
        %gather3A = tpu.vector_load_idx %arg28[%broadcast_in_dim3A_790] : memref<80xf32, #tpu.memory_space<vmem>>[vector<16xi32>], vector<16xf32>,
        %get3A_791 = arith.index_cast %add3A_789 : i32 to index
        %get3A_792 = arith.constant 0 : index
        %get3A_793 = tpu.vector_load %arg30[%get3A_791, %get3A_792] {strides = array<i32>} : memref<80x128xf32, #tpu.memory_space<vmem>>, vector<16xf32>,
        %mul3A_794 = arith.mulf %get3A_793, %gather3A : vector<16xf32>
        %swap3A_795 = arith.index_cast %add3A_789 : i32 to index
        %swap3A_796 = arith.constant 0 : index
        %swap3A_797 = tpu.vector_load %arg30[%swap3A_795, %swap3A_796] {strides = array<i32>} : memref<80x128xf32, #tpu.memory_space<vmem>>, vector<16xf32>,
        tpu.vector_store %arg30[%swap3A_795, %swap3A_796], %mul3A_794 {strides = array<i32>} : memref<80x128xf32, #tpu.memory_space<vmem>>, vector<16xf32>,
        %get3A_798 = arith.index_cast %add3A_789 : i32 to index
        %get3A_799 = arith.constant 16 : index
        %get3A_800 = tpu.vector_load %arg30[%get3A_798, %get3A_799] {strides = array<i32>} : memref<80x128xf32, #tpu.memory_space<vmem>>, vector<16xf32>,
        %mul3A_801 = arith.mulf %get3A_800, %gather3A : vector<16xf32>
        %swap3A_802 = arith.index_cast %add3A_789 : i32 to index
        %swap3A_803 = arith.constant 16 : index
        %swap3A_804 = tpu.vector_load %arg30[%swap3A_802, %swap3A_803] {strides = array<i32>} : memref<80x128xf32, #tpu.memory_space<vmem>>, vector<16xf32>,
        tpu.vector_store %arg30[%swap3A_802, %swap3A_803], %mul3A_801 {strides = array<i32>} : memref<80x128xf32, #tpu.memory_space<vmem>>, vector<16xf32>,
        %get3A_805 = arith.index_cast %add3A_789 : i32 to index
        %get3A_806 = arith.constant 32 : index
        %get3A_807 = tpu.vector_load %arg30[%get3A_805, %get3A_806] {strides = array<i32>} : memref<80x128xf32, #tpu.memory_space<vmem>>, vector<16xf32>,
        %mul3A_808 = arith.mulf %get3A_807, %gather3A : vector<16xf32>
        %swap3A_809 = arith.index_cast %add3A_789 : i32 to index
        %swap3A_810 = arith.constant 32 : index
        %swap3A_811 = tpu.vector_load %arg30[%swap3A_809, %swap3A_810] {strides = array<i32>} : memref<80x128xf32, #tpu.memory_space<vmem>>, vector<16xf32>,
        tpu.vector_store %arg30[%swap3A_809, %swap3A_810], %mul3A_808 {strides = array<i32>} : memref<80x128xf32, #tpu.memory_space<vmem>>, vector<16xf32>,
        %get3A_812 = arith.index_cast %add3A_789 : i32 to index
        %get3A_813 = arith.constant 48 : index
        %get3A_814 = tpu.vector_load %arg30[%get3A_812, %get3A_813] {strides = array<i32>} : memref<80x128xf32, #tpu.memory_space<vmem>>, vector<16xf32>,
        %mul3A_815 = arith.mulf %get3A_814, %gather3A : vector<16xf32>
        %swap3A_816 = arith.index_cast %add3A_789 : i32 to index
        %swap3A_817 = arith.constant 48 : index
        %swap3A_818 = tpu.vector_load %arg30[%swap3A_816, %swap3A_817] {strides = array<i32>} : memref<80x128xf32, #tpu.memory_space<vmem>>, vector<16xf32>,
        tpu.vector_store %arg30[%swap3A_816, %swap3A_817], %mul3A_815 {strides = array<i32>} : memref<80x128xf32, #tpu.memory_space<vmem>>, vector<16xf32>,
        %get3A_819 = arith.index_cast %add3A_789 : i32 to index
        %get3A_820 = arith.constant 64 : index
        %get3A_821 = tpu.vector_load %arg30[%get3A_819, %get3A_820] {strides = array<i32>} : memref<80x128xf32, #tpu.memory_space<vmem>>, vector<16xf32>,
        %mul3A_822 = arith.mulf %get3A_821, %gather3A : vector<16xf32>
        %swap3A_823 = arith.index_cast %add3A_789 : i32 to index
        %swap3A_824 = arith.constant 64 : index
        %swap3A_825 = tpu.vector_load %arg30[%swap3A_823, %swap3A_824] {strides = array<i32>} : memref<80x128xf32, #tpu.memory_space<vmem>>, vector<16xf32>,
        tpu.vector_store %arg30[%swap3A_823, %swap3A_824], %mul3A_822 {strides = array<i32>} : memref<80x128xf32, #tpu.memory_space<vmem>>, vector<16xf32>,
        %get3A_826 = arith.index_cast %add3A_789 : i32 to index
        %get3A_827 = arith.constant 80 : index
        %get3A_828 = tpu.vector_load %arg30[%get3A_826, %get3A_827] {strides = array<i32>} : memref<80x128xf32, #tpu.memory_space<vmem>>, vector<16xf32>,
        %mul3A_829 = arith.mulf %get3A_828, %gather3A : vector<16xf32>
        %swap3A_830 = arith.index_cast %add3A_789 : i32 to index
        %swap3A_831 = arith.constant 80 : index
        %swap3A_832 = tpu.vector_load %arg30[%swap3A_830, %swap3A_831] {strides = array<i32>} : memref<80x128xf32, #tpu.memory_space<vmem>>, vector<16xf32>,
        tpu.vector_store %arg30[%swap3A_830, %swap3A_831], %mul3A_829 {strides = array<i32>} : memref<80x128xf32, #tpu.memory_space<vmem>>, vector<16xf32>,
        %get3A_833 = arith.index_cast %add3A_789 : i32 to index
        %get3A_834 = arith.constant 96 : index
        %get3A_835 = tpu.vector_load %arg30[%get3A_833, %get3A_834] {strides = array<i32>} : memref<80x128xf32, #tpu.memory_space<vmem>>, vector<16xf32>,
        %mul3A_836 = arith.mulf %get3A_835, %gather3A : vector<16xf32>
        %swap3A_837 = arith.index_cast %add3A_789 : i32 to index
        %swap3A_838 = arith.constant 96 : index
        %swap3A_839 = tpu.vector_load %arg30[%swap3A_837, %swap3A_838] {strides = array<i32>} : memref<80x128xf32, #tpu.memory_space<vmem>>, vector<16xf32>,
        tpu.vector_store %arg30[%swap3A_837, %swap3A_838], %mul3A_836 {strides = array<i32>} : memref<80x128xf32, #tpu.memory_space<vmem>>, vector<16xf32>,
        %get3A_840 = arith.index_cast %add3A_789 : i32 to index
        %get3A_841 = arith.constant 112 : index
        %get3A_842 = tpu.vector_load %arg30[%get3A_840, %get3A_841] {strides = array<i32>} : memref<80x128xf32, #tpu.memory_space<vmem>>, vector<16xf32>,
        %mul3A_843 = arith.mulf %get3A_842, %gather3A : vector<16xf32>
        %swap3A_844 = arith.index_cast %add3A_789 : i32 to index
        %swap3A_845 = arith.constant 112 : index
        %swap3A_846 = tpu.vector_load %arg30[%swap3A_844, %swap3A_845] {strides = array<i32>} : memref<80x128xf32, #tpu.memory_space<vmem>>, vector<16xf32>,
        tpu.vector_store %arg30[%swap3A_844, %swap3A_845], %mul3A_843 {strides = array<i32>} : memref<80x128xf32, #tpu.memory_space<vmem>>, vector<16xf32>,
        %mul3A_847 = arith.constant 4 : i32
        %mul3A_848 = arith.muli %mul3A_847, %scan3A_785 : i32
        %add3A_849 = arith.constant 1 : i32
        %add3A_850 = arith.addi %mul3A_848, %add3A_849 : i32
        %broadcast_in_dim3A_851 = vector.broadcast %add3A_850 : i32 to vector<16xi32>
        %gather3A_852 = tpu.vector_load_idx %arg28[%broadcast_in_dim3A_851] : memref<80xf32, #tpu.memory_space<vmem>>[vector<16xi32>], vector<16xf32>,
        %get3A_853 = arith.index_cast %add3A_850 : i32 to index
        %get3A_854 = arith.constant 0 : index
        %get3A_855 = tpu.vector_load %arg30[%get3A_853, %get3A_854] {strides = array<i32>} : memref<80x128xf32, #tpu.memory_space<vmem>>, vector<16xf32>,
        %mul3A_856 = arith.mulf %get3A_855, %gather3A_852 : vector<16xf32>
        %swap3A_857 = arith.index_cast %add3A_850 : i32 to index
        %swap3A_858 = arith.constant 0 : index
        %swap3A_859 = tpu.vector_load %arg30[%swap3A_857, %swap3A_858] {strides = array<i32>} : memref<80x128xf32, #tpu.memory_space<vmem>>, vector<16xf32>,
        tpu.vector_store %arg30[%swap3A_857, %swap3A_858], %mul3A_856 {strides = array<i32>} : memref<80x128xf32, #tpu.memory_space<vmem>>, vector<16xf32>,
        %get3A_860 = arith.index_cast %add3A_850 : i32 to index
        %get3A_861 = arith.constant 16 : index
        %get3A_862 = tpu.vector_load %arg30[%get3A_860, %get3A_861] {strides = array<i32>} : memref<80x128xf32, #tpu.memory_space<vmem>>, vector<16xf32>,
        %mul3A_863 = arith.mulf %get3A_862, %gather3A_852 : vector<16xf32>
        %swap3A_864 = arith.index_cast %add3A_850 : i32 to index
        %swap3A_865 = arith.constant 16 : index
        %swap3A_866 = tpu.vector_load %arg30[%swap3A_864, %swap3A_865] {strides = array<i32>} : memref<80x128xf32, #tpu.memory_space<vmem>>, vector<16xf32>,
        tpu.vector_store %arg30[%swap3A_864, %swap3A_865], %mul3A_863 {strides = array<i32>} : memref<80x128xf32, #tpu.memory_space<vmem>>, vector<16xf32>,
        %get3A_867 = arith.index_cast %add3A_850 : i32 to index
        %get3A_868 = arith.constant 32 : index
        %get3A_869 = tpu.vector_load %arg30[%get3A_867, %get3A_868] {strides = array<i32>} : memref<80x128xf32, #tpu.memory_space<vmem>>, vector<16xf32>,
        %mul3A_870 = arith.mulf %get3A_869, %gather3A_852 : vector<16xf32>
        %swap3A_871 = arith.index_cast %add3A_850 : i32 to index
        %swap3A_872 = arith.constant 32 : index
        %swap3A_873 = tpu.vector_load %arg30[%swap3A_871, %swap3A_872] {strides = array<i32>} : memref<80x128xf32, #tpu.memory_space<vmem>>, vector<16xf32>,
        tpu.vector_store %arg30[%swap3A_871, %swap3A_872], %mul3A_870 {strides = array<i32>} : memref<80x128xf32, #tpu.memory_space<vmem>>, vector<16xf32>,
        %get3A_874 = arith.index_cast %add3A_850 : i32 to index
        %get3A_875 = arith.constant 48 : index
        %get3A_876 = tpu.vector_load %arg30[%get3A_874, %get3A_875] {strides = array<i32>} : memref<80x128xf32, #tpu.memory_space<vmem>>, vector<16xf32>,
        %mul3A_877 = arith.mulf %get3A_876, %gather3A_852 : vector<16xf32>
        %swap3A_878 = arith.index_cast %add3A_850 : i32 to index
        %swap3A_879 = arith.constant 48 : index
        %swap3A_880 = tpu.vector_load %arg30[%swap3A_878, %swap3A_879] {strides = array<i32>} : memref<80x128xf32, #tpu.memory_space<vmem>>, vector<16xf32>,
        tpu.vector_store %arg30[%swap3A_878, %swap3A_879], %mul3A_877 {strides = array<i32>} : memref<80x128xf32, #tpu.memory_space<vmem>>, vector<16xf32>,
        %get3A_881 = arith.index_cast %add3A_850 : i32 to index
        %get3A_882 = arith.constant 64 : index
        %get3A_883 = tpu.vector_load %arg30[%get3A_881, %get3A_882] {strides = array<i32>} : memref<80x128xf32, #tpu.memory_space<vmem>>, vector<16xf32>,
        %mul3A_884 = arith.mulf %get3A_883, %gather3A_852 : vector<16xf32>
        %swap3A_885 = arith.index_cast %add3A_850 : i32 to index
        %swap3A_886 = arith.constant 64 : index
        %swap3A_887 = tpu.vector_load %arg30[%swap3A_885, %swap3A_886] {strides = array<i32>} : memref<80x128xf32, #tpu.memory_space<vmem>>, vector<16xf32>,
        tpu.vector_store %arg30[%swap3A_885, %swap3A_886], %mul3A_884 {strides = array<i32>} : memref<80x128xf32, #tpu.memory_space<vmem>>, vector<16xf32>,
        %get3A_888 = arith.index_cast %add3A_850 : i32 to index
        %get3A_889 = arith.constant 80 : index
        %get3A_890 = tpu.vector_load %arg30[%get3A_888, %get3A_889] {strides = array<i32>} : memref<80x128xf32, #tpu.memory_space<vmem>>, vector<16xf32>,
        %mul3A_891 = arith.mulf %get3A_890, %gather3A_852 : vector<16xf32>
        %swap3A_892 = arith.index_cast %add3A_850 : i32 to index
        %swap3A_893 = arith.constant 80 : index
        %swap3A_894 = tpu.vector_load %arg30[%swap3A_892, %swap3A_893] {strides = array<i32>} : memref<80x128xf32, #tpu.memory_space<vmem>>, vector<16xf32>,
        tpu.vector_store %arg30[%swap3A_892, %swap3A_893], %mul3A_891 {strides = array<i32>} : memref<80x128xf32, #tpu.memory_space<vmem>>, vector<16xf32>,
        %get3A_895 = arith.index_cast %add3A_850 : i32 to index
        %get3A_896 = arith.constant 96 : index
        %get3A_897 = tpu.vector_load %arg30[%get3A_895, %get3A_896] {strides = array<i32>} : memref<80x128xf32, #tpu.memory_space<vmem>>, vector<16xf32>,
        %mul3A_898 = arith.mulf %get3A_897, %gather3A_852 : vector<16xf32>
        %swap3A_899 = arith.index_cast %add3A_850 : i32 to index
        %swap3A_900 = arith.constant 96 : index
        %swap3A_901 = tpu.vector_load %arg30[%swap3A_899, %swap3A_900] {strides = array<i32>} : memref<80x128xf32, #tpu.memory_space<vmem>>, vector<16xf32>,
        tpu.vector_store %arg30[%swap3A_899, %swap3A_900], %mul3A_898 {strides = array<i32>} : memref<80x128xf32, #tpu.memory_space<vmem>>, vector<16xf32>,
        %get3A_902 = arith.index_cast %add3A_850 : i32 to index
        %get3A_903 = arith.constant 112 : index
        %get3A_904 = tpu.vector_load %arg30[%get3A_902, %get3A_903] {strides = array<i32>} : memref<80x128xf32, #tpu.memory_space<vmem>>, vector<16xf32>,
        %mul3A_905 = arith.mulf %get3A_904, %gather3A_852 : vector<16xf32>
        %swap3A_906 = arith.index_cast %add3A_850 : i32 to index
        %swap3A_907 = arith.constant 112 : index
        %swap3A_908 = tpu.vector_load %arg30[%swap3A_906, %swap3A_907] {strides = array<i32>} : memref<80x128xf32, #tpu.memory_space<vmem>>, vector<16xf32>,
        tpu.vector_store %arg30[%swap3A_906, %swap3A_907], %mul3A_905 {strides = array<i32>} : memref<80x128xf32, #tpu.memory_space<vmem>>, vector<16xf32>,
        %mul3A_909 = arith.constant 4 : i32
        %mul3A_910 = arith.muli %mul3A_909, %scan3A_785 : i32
        %add3A_911 = arith.constant 2 : i32
        %add3A_912 = arith.addi %mul3A_910, %add3A_911 : i32
        %broadcast_in_dim3A_913 = vector.broadcast %add3A_912 : i32 to vector<16xi32>
        %gather3A_914 = tpu.vector_load_idx %arg28[%broadcast_in_dim3A_913] : memref<80xf32, #tpu.memory_space<vmem>>[vector<16xi32>], vector<16xf32>,
        %get3A_915 = arith.index_cast %add3A_912 : i32 to index
        %get3A_916 = arith.constant 0 : index
        %get3A_917 = tpu.vector_load %arg30[%get3A_915, %get3A_916] {strides = array<i32>} : memref<80x128xf32, #tpu.memory_space<vmem>>, vector<16xf32>,
        %mul3A_918 = arith.mulf %get3A_917, %gather3A_914 : vector<16xf32>
        %swap3A_919 = arith.index_cast %add3A_912 : i32 to index
        %swap3A_920 = arith.constant 0 : index
        %swap3A_921 = tpu.vector_load %arg30[%swap3A_919, %swap3A_920] {strides = array<i32>} : memref<80x128xf32, #tpu.memory_space<vmem>>, vector<16xf32>,
        tpu.vector_store %arg30[%swap3A_919, %swap3A_920], %mul3A_918 {strides = array<i32>} : memref<80x128xf32, #tpu.memory_space<vmem>>, vector<16xf32>,
        %get3A_922 = arith.index_cast %add3A_912 : i32 to index
        %get3A_923 = arith.constant 16 : index
        %get3A_924 = tpu.vector_load %arg30[%get3A_922, %get3A_923] {strides = array<i32>} : memref<80x128xf32, #tpu.memory_space<vmem>>, vector<16xf32>,
        %mul3A_925 = arith.mulf %get3A_924, %gather3A_914 : vector<16xf32>
        %swap3A_926 = arith.index_cast %add3A_912 : i32 to index
        %swap3A_927 = arith.constant 16 : index
        %swap3A_928 = tpu.vector_load %arg30[%swap3A_926, %swap3A_927] {strides = array<i32>} : memref<80x128xf32, #tpu.memory_space<vmem>>, vector<16xf32>,
        tpu.vector_store %arg30[%swap3A_926, %swap3A_927], %mul3A_925 {strides = array<i32>} : memref<80x128xf32, #tpu.memory_space<vmem>>, vector<16xf32>,
        %get3A_929 = arith.index_cast %add3A_912 : i32 to index
        %get3A_930 = arith.constant 32 : index
        %get3A_931 = tpu.vector_load %arg30[%get3A_929, %get3A_930] {strides = array<i32>} : memref<80x128xf32, #tpu.memory_space<vmem>>, vector<16xf32>,
        %mul3A_932 = arith.mulf %get3A_931, %gather3A_914 : vector<16xf32>
        %swap3A_933 = arith.index_cast %add3A_912 : i32 to index
        %swap3A_934 = arith.constant 32 : index
        %swap3A_935 = tpu.vector_load %arg30[%swap3A_933, %swap3A_934] {strides = array<i32>} : memref<80x128xf32, #tpu.memory_space<vmem>>, vector<16xf32>,
        tpu.vector_store %arg30[%swap3A_933, %swap3A_934], %mul3A_932 {strides = array<i32>} : memref<80x128xf32, #tpu.memory_space<vmem>>, vector<16xf32>,
        %get3A_936 = arith.index_cast %add3A_912 : i32 to index
        %get3A_937 = arith.constant 48 : index
        %get3A_938 = tpu.vector_load %arg30[%get3A_936, %get3A_937] {strides = array<i32>} : memref<80x128xf32, #tpu.memory_space<vmem>>, vector<16xf32>,
        %mul3A_939 = arith.mulf %get3A_938, %gather3A_914 : vector<16xf32>
        %swap3A_940 = arith.index_cast %add3A_912 : i32 to index
        %swap3A_941 = arith.constant 48 : index
        %swap3A_942 = tpu.vector_load %arg30[%swap3A_940, %swap3A_941] {strides = array<i32>} : memref<80x128xf32, #tpu.memory_space<vmem>>, vector<16xf32>,
        tpu.vector_store %arg30[%swap3A_940, %swap3A_941], %mul3A_939 {strides = array<i32>} : memref<80x128xf32, #tpu.memory_space<vmem>>, vector<16xf32>,
        %get3A_943 = arith.index_cast %add3A_912 : i32 to index
        %get3A_944 = arith.constant 64 : index
        %get3A_945 = tpu.vector_load %arg30[%get3A_943, %get3A_944] {strides = array<i32>} : memref<80x128xf32, #tpu.memory_space<vmem>>, vector<16xf32>,
        %mul3A_946 = arith.mulf %get3A_945, %gather3A_914 : vector<16xf32>
        %swap3A_947 = arith.index_cast %add3A_912 : i32 to index
        %swap3A_948 = arith.constant 64 : index
        %swap3A_949 = tpu.vector_load %arg30[%swap3A_947, %swap3A_948] {strides = array<i32>} : memref<80x128xf32, #tpu.memory_space<vmem>>, vector<16xf32>,
        tpu.vector_store %arg30[%swap3A_947, %swap3A_948], %mul3A_946 {strides = array<i32>} : memref<80x128xf32, #tpu.memory_space<vmem>>, vector<16xf32>,
        %get3A_950 = arith.index_cast %add3A_912 : i32 to index
        %get3A_951 = arith.constant 80 : index
        %get3A_952 = tpu.vector_load %arg30[%get3A_950, %get3A_951] {strides = array<i32>} : memref<80x128xf32, #tpu.memory_space<vmem>>, vector<16xf32>,
        %mul3A_953 = arith.mulf %get3A_952, %gather3A_914 : vector<16xf32>
        %swap3A_954 = arith.index_cast %add3A_912 : i32 to index
        %swap3A_955 = arith.constant 80 : index
        %swap3A_956 = tpu.vector_load %arg30[%swap3A_954, %swap3A_955] {strides = array<i32>} : memref<80x128xf32, #tpu.memory_space<vmem>>, vector<16xf32>,
        tpu.vector_store %arg30[%swap3A_954, %swap3A_955], %mul3A_953 {strides = array<i32>} : memref<80x128xf32, #tpu.memory_space<vmem>>, vector<16xf32>,
        %get3A_957 = arith.index_cast %add3A_912 : i32 to index
        %get3A_958 = arith.constant 96 : index
        %get3A_959 = tpu.vector_load %arg30[%get3A_957, %get3A_958] {strides = array<i32>} : memref<80x128xf32, #tpu.memory_space<vmem>>, vector<16xf32>,
        %mul3A_960 = arith.mulf %get3A_959, %gather3A_914 : vector<16xf32>
        %swap3A_961 = arith.index_cast %add3A_912 : i32 to index
        %swap3A_962 = arith.constant 96 : index
        %swap3A_963 = tpu.vector_load %arg30[%swap3A_961, %swap3A_962] {strides = array<i32>} : memref<80x128xf32, #tpu.memory_space<vmem>>, vector<16xf32>,
        tpu.vector_store %arg30[%swap3A_961, %swap3A_962], %mul3A_960 {strides = array<i32>} : memref<80x128xf32, #tpu.memory_space<vmem>>, vector<16xf32>,
        %get3A_964 = arith.index_cast %add3A_912 : i32 to index
        %get3A_965 = arith.constant 112 : index
        %get3A_966 = tpu.vector_load %arg30[%get3A_964, %get3A_965] {strides = array<i32>} : memref<80x128xf32, #tpu.memory_space<vmem>>, vector<16xf32>,
        %mul3A_967 = arith.mulf %get3A_966, %gather3A_914 : vector<16xf32>
        %swap3A_968 = arith.index_cast %add3A_912 : i32 to index
        %swap3A_969 = arith.constant 112 : index
        %swap3A_970 = tpu.vector_load %arg30[%swap3A_968, %swap3A_969] {strides = array<i32>} : memref<80x128xf32, #tpu.memory_space<vmem>>, vector<16xf32>,
        tpu.vector_store %arg30[%swap3A_968, %swap3A_969], %mul3A_967 {strides = array<i32>} : memref<80x128xf32, #tpu.memory_space<vmem>>, vector<16xf32>,
        %mul3A_971 = arith.constant 4 : i32
        %mul3A_972 = arith.muli %mul3A_971, %scan3A_785 : i32
        %add3A_973 = arith.constant 3 : i32
        %add3A_974 = arith.addi %mul3A_972, %add3A_973 : i32
        %broadcast_in_dim3A_975 = vector.broadcast %add3A_974 : i32 to vector<16xi32>
        %gather3A_976 = tpu.vector_load_idx %arg28[%broadcast_in_dim3A_975] : memref<80xf32, #tpu.memory_space<vmem>>[vector<16xi32>], vector<16xf32>,
        %get3A_977 = arith.index_cast %add3A_974 : i32 to index
        %get3A_978 = arith.constant 0 : index
        %get3A_979 = tpu.vector_load %arg30[%get3A_977, %get3A_978] {strides = array<i32>} : memref<80x128xf32, #tpu.memory_space<vmem>>, vector<16xf32>,
        %mul3A_980 = arith.mulf %get3A_979, %gather3A_976 : vector<16xf32>
        %swap3A_981 = arith.index_cast %add3A_974 : i32 to index
        %swap3A_982 = arith.constant 0 : index
        %swap3A_983 = tpu.vector_load %arg30[%swap3A_981, %swap3A_982] {strides = array<i32>} : memref<80x128xf32, #tpu.memory_space<vmem>>, vector<16xf32>,
        tpu.vector_store %arg30[%swap3A_981, %swap3A_982], %mul3A_980 {strides = array<i32>} : memref<80x128xf32, #tpu.memory_space<vmem>>, vector<16xf32>,
        %get3A_984 = arith.index_cast %add3A_974 : i32 to index
        %get3A_985 = arith.constant 16 : index
        %get3A_986 = tpu.vector_load %arg30[%get3A_984, %get3A_985] {strides = array<i32>} : memref<80x128xf32, #tpu.memory_space<vmem>>, vector<16xf32>,
        %mul3A_987 = arith.mulf %get3A_986, %gather3A_976 : vector<16xf32>
        %swap3A_988 = arith.index_cast %add3A_974 : i32 to index
        %swap3A_989 = arith.constant 16 : index
        %swap3A_990 = tpu.vector_load %arg30[%swap3A_988, %swap3A_989] {strides = array<i32>} : memref<80x128xf32, #tpu.memory_space<vmem>>, vector<16xf32>,
        tpu.vector_store %arg30[%swap3A_988, %swap3A_989], %mul3A_987 {strides = array<i32>} : memref<80x128xf32, #tpu.memory_space<vmem>>, vector<16xf32>,
        %get3A_991 = arith.index_cast %add3A_974 : i32 to index
        %get3A_992 = arith.constant 32 : index
        %get3A_993 = tpu.vector_load %arg30[%get3A_991, %get3A_992] {strides = array<i32>} : memref<80x128xf32, #tpu.memory_space<vmem>>, vector<16xf32>,
        %mul3A_994 = arith.mulf %get3A_993, %gather3A_976 : vector<16xf32>
        %swap3A_995 = arith.index_cast %add3A_974 : i32 to index
        %swap3A_996 = arith.constant 32 : index
        %swap3A_997 = tpu.vector_load %arg30[%swap3A_995, %swap3A_996] {strides = array<i32>} : memref<80x128xf32, #tpu.memory_space<vmem>>, vector<16xf32>,
        tpu.vector_store %arg30[%swap3A_995, %swap3A_996], %mul3A_994 {strides = array<i32>} : memref<80x128xf32, #tpu.memory_space<vmem>>, vector<16xf32>,
        %get3A_998 = arith.index_cast %add3A_974 : i32 to index
        %get3A_999 = arith.constant 48 : index
        %get3A_1000 = tpu.vector_load %arg30[%get3A_998, %get3A_999] {strides = array<i32>} : memref<80x128xf32, #tpu.memory_space<vmem>>, vector<16xf32>,
        %mul3A_1001 = arith.mulf %get3A_1000, %gather3A_976 : vector<16xf32>
        %swap3A_1002 = arith.index_cast %add3A_974 : i32 to index
        %swap3A_1003 = arith.constant 48 : index
        %swap3A_1004 = tpu.vector_load %arg30[%swap3A_1002, %swap3A_1003] {strides = array<i32>} : memref<80x128xf32, #tpu.memory_space<vmem>>, vector<16xf32>,
        tpu.vector_store %arg30[%swap3A_1002, %swap3A_1003], %mul3A_1001 {strides = array<i32>} : memref<80x128xf32, #tpu.memory_space<vmem>>, vector<16xf32>,
        %get3A_1005 = arith.index_cast %add3A_974 : i32 to index
        %get3A_1006 = arith.constant 64 : index
        %get3A_1007 = tpu.vector_load %arg30[%get3A_1005, %get3A_1006] {strides = array<i32>} : memref<80x128xf32, #tpu.memory_space<vmem>>, vector<16xf32>,
        %mul3A_1008 = arith.mulf %get3A_1007, %gather3A_976 : vector<16xf32>
        %swap3A_1009 = arith.index_cast %add3A_974 : i32 to index
        %swap3A_1010 = arith.constant 64 : index
        %swap3A_1011 = tpu.vector_load %arg30[%swap3A_1009, %swap3A_1010] {strides = array<i32>} : memref<80x128xf32, #tpu.memory_space<vmem>>, vector<16xf32>,
        tpu.vector_store %arg30[%swap3A_1009, %swap3A_1010], %mul3A_1008 {strides = array<i32>} : memref<80x128xf32, #tpu.memory_space<vmem>>, vector<16xf32>,
        %get3A_1012 = arith.index_cast %add3A_974 : i32 to index
        %get3A_1013 = arith.constant 80 : index
        %get3A_1014 = tpu.vector_load %arg30[%get3A_1012, %get3A_1013] {strides = array<i32>} : memref<80x128xf32, #tpu.memory_space<vmem>>, vector<16xf32>,
        %mul3A_1015 = arith.mulf %get3A_1014, %gather3A_976 : vector<16xf32>
        %swap3A_1016 = arith.index_cast %add3A_974 : i32 to index
        %swap3A_1017 = arith.constant 80 : index
        %swap3A_1018 = tpu.vector_load %arg30[%swap3A_1016, %swap3A_1017] {strides = array<i32>} : memref<80x128xf32, #tpu.memory_space<vmem>>, vector<16xf32>,
        tpu.vector_store %arg30[%swap3A_1016, %swap3A_1017], %mul3A_1015 {strides = array<i32>} : memref<80x128xf32, #tpu.memory_space<vmem>>, vector<16xf32>,
        %get3A_1019 = arith.index_cast %add3A_974 : i32 to index
        %get3A_1020 = arith.constant 96 : index
        %get3A_1021 = tpu.vector_load %arg30[%get3A_1019, %get3A_1020] {strides = array<i32>} : memref<80x128xf32, #tpu.memory_space<vmem>>, vector<16xf32>,
        %mul3A_1022 = arith.mulf %get3A_1021, %gather3A_976 : vector<16xf32>
        %swap3A_1023 = arith.index_cast %add3A_974 : i32 to index
        %swap3A_1024 = arith.constant 96 : index
        %swap3A_1025 = tpu.vector_load %arg30[%swap3A_1023, %swap3A_1024] {strides = array<i32>} : memref<80x128xf32, #tpu.memory_space<vmem>>, vector<16xf32>,
        tpu.vector_store %arg30[%swap3A_1023, %swap3A_1024], %mul3A_1022 {strides = array<i32>} : memref<80x128xf32, #tpu.memory_space<vmem>>, vector<16xf32>,
        %get3A_1026 = arith.index_cast %add3A_974 : i32 to index
        %get3A_1027 = arith.constant 112 : index
        %get3A_1028 = tpu.vector_load %arg30[%get3A_1026, %get3A_1027] {strides = array<i32>} : memref<80x128xf32, #tpu.memory_space<vmem>>, vector<16xf32>,
        %mul3A_1029 = arith.mulf %get3A_1028, %gather3A_976 : vector<16xf32>
        %swap3A_1030 = arith.index_cast %add3A_974 : i32 to index
        %swap3A_1031 = arith.constant 112 : index
        %swap3A_1032 = tpu.vector_load %arg30[%swap3A_1030, %swap3A_1031] {strides = array<i32>} : memref<80x128xf32, #tpu.memory_space<vmem>>, vector<16xf32>,
        tpu.vector_store %arg30[%swap3A_1030, %swap3A_1031], %mul3A_1029 {strides = array<i32>} : memref<80x128xf32, #tpu.memory_space<vmem>>, vector<16xf32>,
      }
      %scan3A_380 = arith.constant 20 : i32
      %dma_start3A_381 = arith.constant 0 : i32
      %dma_start3A_382 = arith.constant 0 : i32
      %dma_start3A_383 = tpu.memref_slice %arg12[%dma_start3A_381, %dma_start3A_382] : memref<1x80xi32, #tpu.memory_space<vmem>> -> memref<1x80xi32, #tpu.memory_space<vmem>>
      %dma_start3A_384 = tpu.memref_squeeze %dma_start3A_383 : memref<1x80xi32, #tpu.memory_space<vmem>> -> memref<80xi32, #tpu.memory_space<vmem>>
      %dma_start3A_385 = arith.constant 0 : i32
      %dma_start3A_386 = arith.constant 0 : i32
      %dma_start3A_387 = tpu.memref_slice %arg35[%dma_start3A_385, %dma_start3A_386] : memref<10240x128xf32, #tpu.memory_space<vmem_shared>> -> memref<10240x128xf32, #tpu.memory_space<vmem_shared>>
      tpu.enqueue_indirect_dma source(%arg30 : memref<80x128xf32, #tpu.memory_space<vmem>>) target(%dma_start3A_387 : memref<10240x128xf32, #tpu.memory_space<vmem_shared>>) offsets(%dma_start3A_384 : memref<80xi32, #tpu.memory_space<vmem>>) semaphore(%arg34 : memref<!tpu.dma_semaphore, #tpu.memory_space<semaphore_mem>>) {add = true}
      %dma_start3A_388 = arith.constant 0 : i32
      %dma_start3A_389 = arith.constant 0 : i32
      %dma_start3A_390 = tpu.memref_slice %arg12[%dma_start3A_388, %dma_start3A_389] : memref<1x80xi32, #tpu.memory_space<vmem>> -> memref<1x80xi32, #tpu.memory_space<vmem>>
      %dma_start3A_391 = tpu.memref_squeeze %dma_start3A_390 : memref<1x80xi32, #tpu.memory_space<vmem>> -> memref<80xi32, #tpu.memory_space<vmem>>
      %dma_start3A_392 = arith.constant 0 : i32
      %dma_start3A_393 = tpu.memref_slice %arg36[%dma_start3A_392] : memref<10240xf32, #tpu.memory_space<vmem_shared>> -> memref<10240xf32, #tpu.memory_space<vmem_shared>>
      tpu.enqueue_indirect_dma source(%arg28 : memref<80xf32, #tpu.memory_space<vmem>>) target(%dma_start3A_393 : memref<10240xf32, #tpu.memory_space<vmem_shared>>) offsets(%dma_start3A_391 : memref<80xi32, #tpu.memory_space<vmem>>) semaphore(%arg34 : memref<!tpu.dma_semaphore, #tpu.memory_space<semaphore_mem>>) {add = true}
      %sub3A = arith.constant 1 : i32
      %sub3A_394 = arith.subi %add3A_284, %sub3A : i32
      %ge3A_395 = arith.constant 0 : i32
      %ge3A_396 = arith.cmpi sge, %sub3A_394, %ge3A_395 : i32
      %convert_element_type3A_397 = arith.extui %ge3A_396 : i1 to i32
      %cond3A_398 = arith.constant 0 : i32
      %cond3A_399 = arith.cmpi ne, %convert_element_type3A_397, %cond3A_398 : i32
      scf.if %cond3A_399 {
        %dma_wait3A_785 = arith.constant 0 : i32
        %dma_wait3A_786 = arith.constant 0 : i32
        %dma_wait3A_787 = tpu.memref_slice %arg11[%dma_wait3A_785, %dma_wait3A_786] : memref<1x80xi32, #tpu.memory_space<vmem>> -> memref<1x80xi32, #tpu.memory_space<vmem>>
        %dma_wait3A_788 = tpu.memref_squeeze %dma_wait3A_787 : memref<1x80xi32, #tpu.memory_space<vmem>> -> memref<80xi32, #tpu.memory_space<vmem>>
        %dma_wait3A_789 = arith.constant 0 : i32
        %dma_wait3A_790 = arith.constant 0 : i32
        %dma_wait3A_791 = tpu.memref_slice %arg35[%dma_wait3A_789, %dma_wait3A_790] : memref<10240x128xf32, #tpu.memory_space<vmem_shared>> -> memref<10240x128xf32, #tpu.memory_space<vmem_shared>>
        tpu.wait_indirect_dma semaphore(%arg33 : memref<!tpu.dma_semaphore, #tpu.memory_space<semaphore_mem>>) src(%arg29 : memref<80x128xf32, #tpu.memory_space<vmem>>) dst(%dma_wait3A_791 : memref<10240x128xf32, #tpu.memory_space<vmem_shared>>)
        %dma_wait3A_792 = arith.constant 0 : i32
        %dma_wait3A_793 = arith.constant 0 : i32
        %dma_wait3A_794 = tpu.memref_slice %arg11[%dma_wait3A_792, %dma_wait3A_793] : memref<1x80xi32, #tpu.memory_space<vmem>> -> memref<1x80xi32, #tpu.memory_space<vmem>>
        %dma_wait3A_795 = tpu.memref_squeeze %dma_wait3A_794 : memref<1x80xi32, #tpu.memory_space<vmem>> -> memref<80xi32, #tpu.memory_space<vmem>>
        %dma_wait3A_796 = arith.constant 0 : i32
        %dma_wait3A_797 = tpu.memref_slice %arg36[%dma_wait3A_796] : memref<10240xf32, #tpu.memory_space<vmem_shared>> -> memref<10240xf32, #tpu.memory_space<vmem_shared>>
        tpu.wait_indirect_dma semaphore(%arg33 : memref<!tpu.dma_semaphore, #tpu.memory_space<semaphore_mem>>) src(%arg27 : memref<80xf32, #tpu.memory_space<vmem>>) dst(%dma_wait3A_797 : memref<10240xf32, #tpu.memory_space<vmem_shared>>)
      } else {
      }
      %add3A_400 = arith.constant 1 : i32
      %add3A_401 = arith.addi %add3A_284, %add3A_400 : i32
      %lt3A_402 = arith.constant 125 : i32
      %lt3A_403 = arith.cmpi slt, %add3A_401, %lt3A_402 : i32
      %convert_element_type3A_404 = arith.extui %lt3A_403 : i1 to i32
      %cond3A_405 = arith.constant 0 : i32
      %cond3A_406 = arith.cmpi ne, %convert_element_type3A_404, %cond3A_405 : i32
      scf.if %cond3A_406 {
        %add3A_785 = arith.constant 1 : i32
        %add3A_786 = arith.addi %add3A_284, %add3A_785 : i32
        %dma_wait3A_787 = arith.constant 0 : i32
        %dma_wait3A_788 = arith.constant 0 : i32
        %dma_wait3A_789 = tpu.memref_slice %arg5[%add3A, %add3A_786, %dma_wait3A_787, %dma_wait3A_788] : memref<32x125x1x80xi32, #tpu.memory_space<hbm>> -> memref<1x1x1x80xi32, #tpu.memory_space<hbm>>
        %dma_wait3A_790 = tpu.memref_squeeze %dma_wait3A_789 : memref<1x1x1x80xi32, #tpu.memory_space<hbm>> -> memref<1x80xi32, #tpu.memory_space<hbm>>
        %dma_wait3A_791 = arith.constant 0 : i32
        %dma_wait3A_792 = arith.constant 0 : i32
        %dma_wait3A_793 = tpu.memref_slice %arg5[%add3A, %add3A_786, %dma_wait3A_791, %dma_wait3A_792] : memref<32x125x1x80xi32, #tpu.memory_space<hbm>> -> memref<1x1x1x80xi32, #tpu.memory_space<hbm>>
        %dma_wait3A_794 = tpu.memref_squeeze %dma_wait3A_793 : memref<1x1x1x80xi32, #tpu.memory_space<hbm>> -> memref<1x80xi32, #tpu.memory_space<hbm>>
        tpu.wait_dma2 semaphore(%arg21 : memref<!tpu.dma_semaphore, #tpu.memory_space<semaphore_mem>>) src(%dma_wait3A_794 : memref<1x80xi32, #tpu.memory_space<hbm>>) dst(%arg13 : memref<1x80xi32, #tpu.memory_space<vmem>>)
        %dma_wait3A_795 = arith.constant 0 : i32
        %dma_wait3A_796 = arith.constant 0 : i32
        %dma_wait3A_797 = tpu.memref_slice %arg6[%add3A, %add3A_786, %dma_wait3A_795, %dma_wait3A_796] : memref<32x125x1x80xi32, #tpu.memory_space<hbm>> -> memref<1x1x1x80xi32, #tpu.memory_space<hbm>>
        %dma_wait3A_798 = tpu.memref_squeeze %dma_wait3A_797 : memref<1x1x1x80xi32, #tpu.memory_space<hbm>> -> memref<1x80xi32, #tpu.memory_space<hbm>>
        %dma_wait3A_799 = arith.constant 0 : i32
        %dma_wait3A_800 = arith.constant 0 : i32
        %dma_wait3A_801 = tpu.memref_slice %arg6[%add3A, %add3A_786, %dma_wait3A_799, %dma_wait3A_800] : memref<32x125x1x80xi32, #tpu.memory_space<hbm>> -> memref<1x1x1x80xi32, #tpu.memory_space<hbm>>
        %dma_wait3A_802 = tpu.memref_squeeze %dma_wait3A_801 : memref<1x1x1x80xi32, #tpu.memory_space<hbm>> -> memref<1x80xi32, #tpu.memory_space<hbm>>
        tpu.wait_dma2 semaphore(%arg21 : memref<!tpu.dma_semaphore, #tpu.memory_space<semaphore_mem>>) src(%dma_wait3A_802 : memref<1x80xi32, #tpu.memory_space<hbm>>) dst(%arg17 : memref<1x80xi32, #tpu.memory_space<vmem>>)
        %dma_start3A_803 = arith.constant 0 : i32
        %dma_start3A_804 = arith.constant 0 : i32
        %dma_start3A_805 = tpu.memref_slice %arg13[%dma_start3A_803, %dma_start3A_804] : memref<1x80xi32, #tpu.memory_space<vmem>> -> memref<1x80xi32, #tpu.memory_space<vmem>>
        %dma_start3A_806 = tpu.memref_squeeze %dma_start3A_805 : memref<1x80xi32, #tpu.memory_space<vmem>> -> memref<80xi32, #tpu.memory_space<vmem>>
        %dma_start3A_807 = arith.constant 0 : i32
        %dma_start3A_808 = tpu.memref_slice %arg3[%dma_start3A_807] : memref<10000xf32, #tpu.memory_space<hbm>> -> memref<10000xf32, #tpu.memory_space<hbm>>
        tpu.enqueue_indirect_dma source(%dma_start3A_808 : memref<10000xf32, #tpu.memory_space<hbm>>) target(%arg23 : memref<80xf32, #tpu.memory_space<vmem>>) offsets(%dma_start3A_806 : memref<80xi32, #tpu.memory_space<vmem>>) semaphore(%arg31 : memref<!tpu.dma_semaphore, #tpu.memory_space<semaphore_mem>>)
        %dma_start3A_809 = arith.constant 0 : i32
        %dma_start3A_810 = arith.constant 0 : i32
        %dma_start3A_811 = tpu.memref_slice %arg17[%dma_start3A_809, %dma_start3A_810] : memref<1x80xi32, #tpu.memory_space<vmem>> -> memref<1x80xi32, #tpu.memory_space<vmem>>
        %dma_start3A_812 = tpu.memref_squeeze %dma_start3A_811 : memref<1x80xi32, #tpu.memory_space<vmem>> -> memref<80xi32, #tpu.memory_space<vmem>>
        %dma_start3A_813 = arith.constant 0 : i32
        %dma_start3A_814 = tpu.memref_slice %arg4[%dma_start3A_813] : memref<10000xf32, #tpu.memory_space<hbm>> -> memref<10000xf32, #tpu.memory_space<hbm>>
        tpu.enqueue_indirect_dma source(%dma_start3A_814 : memref<10000xf32, #tpu.memory_space<hbm>>) target(%arg25 : memref<80xf32, #tpu.memory_space<vmem>>) offsets(%dma_start3A_812 : memref<80xi32, #tpu.memory_space<vmem>>) semaphore(%arg31 : memref<!tpu.dma_semaphore, #tpu.memory_space<semaphore_mem>>)
        %dma_start3A_815 = arith.constant 0 : i32
        %dma_start3A_816 = arith.constant 0 : i32
        %dma_start3A_817 = tpu.memref_slice %arg17[%dma_start3A_815, %dma_start3A_816] : memref<1x80xi32, #tpu.memory_space<vmem>> -> memref<1x80xi32, #tpu.memory_space<vmem>>
        %dma_start3A_818 = tpu.memref_squeeze %dma_start3A_817 : memref<1x80xi32, #tpu.memory_space<vmem>> -> memref<80xi32, #tpu.memory_space<vmem>>
        %dma_start3A_819 = arith.constant 0 : i32
        %dma_start3A_820 = arith.constant 0 : i32
        %dma_start3A_821 = tpu.memref_slice %arg2[%dma_start3A_819, %dma_start3A_820] : memref<10000x128xf32, #tpu.memory_space<hbm>> -> memref<10000x128xf32, #tpu.memory_space<hbm>>
        tpu.enqueue_indirect_dma source(%dma_start3A_821 : memref<10000x128xf32, #tpu.memory_space<hbm>>) target(%arg29 : memref<80x128xf32, #tpu.memory_space<vmem>>) offsets(%dma_start3A_818 : memref<80xi32, #tpu.memory_space<vmem>>) semaphore(%arg31 : memref<!tpu.dma_semaphore, #tpu.memory_space<semaphore_mem>>)
      } else {
      }
      %add3A_407 = arith.constant 1 : i32
      %add3A_408 = arith.addi %add3A_284, %add3A_407 : i32
      %add3A_409 = arith.constant 2 : i32
      %add3A_410 = arith.addi %add3A_408, %add3A_409 : i32
      %lt3A_411 = arith.constant 125 : i32
      %lt3A_412 = arith.cmpi slt, %add3A_410, %lt3A_411 : i32
      %convert_element_type3A_413 = arith.extui %lt3A_412 : i1 to i32
      %cond3A_414 = arith.constant 0 : i32
      %cond3A_415 = arith.cmpi ne, %convert_element_type3A_413, %cond3A_414 : i32
      scf.if %cond3A_415 {
        %add3A_785 = arith.constant 2 : i32
        %add3A_786 = arith.addi %add3A_408, %add3A_785 : i32
        %dma_start3A_787 = arith.constant 0 : i32
        %dma_start3A_788 = arith.constant 0 : i32
        %dma_start3A_789 = tpu.memref_slice %arg5[%add3A, %add3A_786, %dma_start3A_787, %dma_start3A_788] : memref<32x125x1x80xi32, #tpu.memory_space<hbm>> -> memref<1x1x1x80xi32, #tpu.memory_space<hbm>>
        %dma_start3A_790 = tpu.memref_squeeze %dma_start3A_789 : memref<1x1x1x80xi32, #tpu.memory_space<hbm>> -> memref<1x80xi32, #tpu.memory_space<hbm>>
        %dma_start3A_791 = arith.constant 0 : i32
        %dma_start3A_792 = arith.constant 0 : i32
        %dma_start3A_793 = tpu.memref_slice %arg5[%add3A, %add3A_786, %dma_start3A_791, %dma_start3A_792] : memref<32x125x1x80xi32, #tpu.memory_space<hbm>> -> memref<1x1x1x80xi32, #tpu.memory_space<hbm>>
        %dma_start3A_794 = tpu.memref_squeeze %dma_start3A_793 : memref<1x1x1x80xi32, #tpu.memory_space<hbm>> -> memref<1x80xi32, #tpu.memory_space<hbm>>
        tpu.enqueue_dma source(%dma_start3A_794 : memref<1x80xi32, #tpu.memory_space<hbm>>) target(%arg11 : memref<1x80xi32, #tpu.memory_space<vmem>>) target_semaphore(%arg19 : memref<!tpu.dma_semaphore, #tpu.memory_space<semaphore_mem>>)
        %dma_start3A_795 = arith.constant 0 : i32
        %dma_start3A_796 = arith.constant 0 : i32
        %dma_start3A_797 = tpu.memref_slice %arg6[%add3A, %add3A_786, %dma_start3A_795, %dma_start3A_796] : memref<32x125x1x80xi32, #tpu.memory_space<hbm>> -> memref<1x1x1x80xi32, #tpu.memory_space<hbm>>
        %dma_start3A_798 = tpu.memref_squeeze %dma_start3A_797 : memref<1x1x1x80xi32, #tpu.memory_space<hbm>> -> memref<1x80xi32, #tpu.memory_space<hbm>>
        %dma_start3A_799 = arith.constant 0 : i32
        %dma_start3A_800 = arith.constant 0 : i32
        %dma_start3A_801 = tpu.memref_slice %arg6[%add3A, %add3A_786, %dma_start3A_799, %dma_start3A_800] : memref<32x125x1x80xi32, #tpu.memory_space<hbm>> -> memref<1x1x1x80xi32, #tpu.memory_space<hbm>>
        %dma_start3A_802 = tpu.memref_squeeze %dma_start3A_801 : memref<1x1x1x80xi32, #tpu.memory_space<hbm>> -> memref<1x80xi32, #tpu.memory_space<hbm>>
        tpu.enqueue_dma source(%dma_start3A_802 : memref<1x80xi32, #tpu.memory_space<hbm>>) target(%arg15 : memref<1x80xi32, #tpu.memory_space<vmem>>) target_semaphore(%arg19 : memref<!tpu.dma_semaphore, #tpu.memory_space<semaphore_mem>>)
      } else {
      }
      %dma_wait3A_416 = arith.constant 0 : i32
      %dma_wait3A_417 = arith.constant 0 : i32
      %dma_wait3A_418 = tpu.memref_slice %arg13[%dma_wait3A_416, %dma_wait3A_417] : memref<1x80xi32, #tpu.memory_space<vmem>> -> memref<1x80xi32, #tpu.memory_space<vmem>>
      %dma_wait3A_419 = tpu.memref_squeeze %dma_wait3A_418 : memref<1x80xi32, #tpu.memory_space<vmem>> -> memref<80xi32, #tpu.memory_space<vmem>>
      %dma_wait3A_420 = arith.constant 0 : i32
      %dma_wait3A_421 = tpu.memref_slice %arg3[%dma_wait3A_420] : memref<10000xf32, #tpu.memory_space<hbm>> -> memref<10000xf32, #tpu.memory_space<hbm>>
      tpu.wait_indirect_dma semaphore(%arg31 : memref<!tpu.dma_semaphore, #tpu.memory_space<semaphore_mem>>) src(%dma_wait3A_421 : memref<10000xf32, #tpu.memory_space<hbm>>) dst(%arg23 : memref<80xf32, #tpu.memory_space<vmem>>)
      %dma_wait3A_422 = arith.constant 0 : i32
      %dma_wait3A_423 = arith.constant 0 : i32
      %dma_wait3A_424 = tpu.memref_slice %arg17[%dma_wait3A_422, %dma_wait3A_423] : memref<1x80xi32, #tpu.memory_space<vmem>> -> memref<1x80xi32, #tpu.memory_space<vmem>>
      %dma_wait3A_425 = tpu.memref_squeeze %dma_wait3A_424 : memref<1x80xi32, #tpu.memory_space<vmem>> -> memref<80xi32, #tpu.memory_space<vmem>>
      %dma_wait3A_426 = arith.constant 0 : i32
      %dma_wait3A_427 = tpu.memref_slice %arg4[%dma_wait3A_426] : memref<10000xf32, #tpu.memory_space<hbm>> -> memref<10000xf32, #tpu.memory_space<hbm>>
      tpu.wait_indirect_dma semaphore(%arg31 : memref<!tpu.dma_semaphore, #tpu.memory_space<semaphore_mem>>) src(%dma_wait3A_427 : memref<10000xf32, #tpu.memory_space<hbm>>) dst(%arg25 : memref<80xf32, #tpu.memory_space<vmem>>)
      %dma_wait3A_428 = arith.constant 0 : i32
      %dma_wait3A_429 = arith.constant 0 : i32
      %dma_wait3A_430 = tpu.memref_slice %arg17[%dma_wait3A_428, %dma_wait3A_429] : memref<1x80xi32, #tpu.memory_space<vmem>> -> memref<1x80xi32, #tpu.memory_space<vmem>>
      %dma_wait3A_431 = tpu.memref_squeeze %dma_wait3A_430 : memref<1x80xi32, #tpu.memory_space<vmem>> -> memref<80xi32, #tpu.memory_space<vmem>>
      %dma_wait3A_432 = arith.constant 0 : i32
      %dma_wait3A_433 = arith.constant 0 : i32
      %dma_wait3A_434 = tpu.memref_slice %arg2[%dma_wait3A_432, %dma_wait3A_433] : memref<10000x128xf32, #tpu.memory_space<hbm>> -> memref<10000x128xf32, #tpu.memory_space<hbm>>
      tpu.wait_indirect_dma semaphore(%arg31 : memref<!tpu.dma_semaphore, #tpu.memory_space<semaphore_mem>>) src(%dma_wait3A_434 : memref<10000x128xf32, #tpu.memory_space<hbm>>) dst(%arg29 : memref<80x128xf32, #tpu.memory_space<vmem>>)
      %get3A_435 = arith.constant 0 : index
      %get3A_436 = tpu.vector_load %arg23[%get3A_435] {strides = array<i32>} : memref<80xf32, #tpu.memory_space<vmem>>, vector<16xf32>,
      %get3A_437 = arith.constant 0 : index
      %get3A_438 = tpu.vector_load %arg25[%get3A_437] {strides = array<i32>} : memref<80xf32, #tpu.memory_space<vmem>>, vector<16xf32>,
      %add3A_439 = arith.addf %get3A_436, %get3A_438 : vector<16xf32>
      %ge3A_440 = arith.cmpf oge, %add3A_439, %broadcast_in_dim3A_27 : vector<16xf32>
      %mul3A_441 = arith.mulf %broadcast_in_dim3A_29, %add3A_439 : vector<16xf32>
      %select_n3A_442 = arith.select %ge3A_440, %add3A_439, %mul3A_441 : vector<16xi1>, vector<16xf32>
      %max3A_443 = arith.maximumf %select_n3A_442, %broadcast_in_dim3A_23 : vector<16xf32>
      %min3A_444 = arith.minimumf %max3A_443, %broadcast_in_dim3A_25 : vector<16xf32>
      %exp3A_445 = math.exp %min3A_444 : vector<16xf32>
      %swap3A_446 = arith.constant 0 : index
      %swap3A_447 = tpu.vector_load %arg27[%swap3A_446] {strides = array<i32>} : memref<80xf32, #tpu.memory_space<vmem>>, vector<16xf32>,
      tpu.vector_store %arg27[%swap3A_446], %exp3A_445 {strides = array<i32>} : memref<80xf32, #tpu.memory_space<vmem>>, vector<16xf32>,
      %get3A_448 = arith.constant 16 : index
      %get3A_449 = tpu.vector_load %arg23[%get3A_448] {strides = array<i32>} : memref<80xf32, #tpu.memory_space<vmem>>, vector<16xf32>,
      %get3A_450 = arith.constant 16 : index
      %get3A_451 = tpu.vector_load %arg25[%get3A_450] {strides = array<i32>} : memref<80xf32, #tpu.memory_space<vmem>>, vector<16xf32>,
      %add3A_452 = arith.addf %get3A_449, %get3A_451 : vector<16xf32>
      %ge3A_453 = arith.cmpf oge, %add3A_452, %broadcast_in_dim3A_27 : vector<16xf32>
      %mul3A_454 = arith.mulf %broadcast_in_dim3A_29, %add3A_452 : vector<16xf32>
      %select_n3A_455 = arith.select %ge3A_453, %add3A_452, %mul3A_454 : vector<16xi1>, vector<16xf32>
      %max3A_456 = arith.maximumf %select_n3A_455, %broadcast_in_dim3A_23 : vector<16xf32>
      %min3A_457 = arith.minimumf %max3A_456, %broadcast_in_dim3A_25 : vector<16xf32>
      %exp3A_458 = math.exp %min3A_457 : vector<16xf32>
      %swap3A_459 = arith.constant 16 : index
      %swap3A_460 = tpu.vector_load %arg27[%swap3A_459] {strides = array<i32>} : memref<80xf32, #tpu.memory_space<vmem>>, vector<16xf32>,
      tpu.vector_store %arg27[%swap3A_459], %exp3A_458 {strides = array<i32>} : memref<80xf32, #tpu.memory_space<vmem>>, vector<16xf32>,
      %get3A_461 = arith.constant 32 : index
      %get3A_462 = tpu.vector_load %arg23[%get3A_461] {strides = array<i32>} : memref<80xf32, #tpu.memory_space<vmem>>, vector<16xf32>,
      %get3A_463 = arith.constant 32 : index
      %get3A_464 = tpu.vector_load %arg25[%get3A_463] {strides = array<i32>} : memref<80xf32, #tpu.memory_space<vmem>>, vector<16xf32>,
      %add3A_465 = arith.addf %get3A_462, %get3A_464 : vector<16xf32>
      %ge3A_466 = arith.cmpf oge, %add3A_465, %broadcast_in_dim3A_27 : vector<16xf32>
      %mul3A_467 = arith.mulf %broadcast_in_dim3A_29, %add3A_465 : vector<16xf32>
      %select_n3A_468 = arith.select %ge3A_466, %add3A_465, %mul3A_467 : vector<16xi1>, vector<16xf32>
      %max3A_469 = arith.maximumf %select_n3A_468, %broadcast_in_dim3A_23 : vector<16xf32>
      %min3A_470 = arith.minimumf %max3A_469, %broadcast_in_dim3A_25 : vector<16xf32>
      %exp3A_471 = math.exp %min3A_470 : vector<16xf32>
      %swap3A_472 = arith.constant 32 : index
      %swap3A_473 = tpu.vector_load %arg27[%swap3A_472] {strides = array<i32>} : memref<80xf32, #tpu.memory_space<vmem>>, vector<16xf32>,
      tpu.vector_store %arg27[%swap3A_472], %exp3A_471 {strides = array<i32>} : memref<80xf32, #tpu.memory_space<vmem>>, vector<16xf32>,
      %get3A_474 = arith.constant 48 : index
      %get3A_475 = tpu.vector_load %arg23[%get3A_474] {strides = array<i32>} : memref<80xf32, #tpu.memory_space<vmem>>, vector<16xf32>,
      %get3A_476 = arith.constant 48 : index
      %get3A_477 = tpu.vector_load %arg25[%get3A_476] {strides = array<i32>} : memref<80xf32, #tpu.memory_space<vmem>>, vector<16xf32>,
      %add3A_478 = arith.addf %get3A_475, %get3A_477 : vector<16xf32>
      %ge3A_479 = arith.cmpf oge, %add3A_478, %broadcast_in_dim3A_27 : vector<16xf32>
      %mul3A_480 = arith.mulf %broadcast_in_dim3A_29, %add3A_478 : vector<16xf32>
      %select_n3A_481 = arith.select %ge3A_479, %add3A_478, %mul3A_480 : vector<16xi1>, vector<16xf32>
      %max3A_482 = arith.maximumf %select_n3A_481, %broadcast_in_dim3A_23 : vector<16xf32>
      %min3A_483 = arith.minimumf %max3A_482, %broadcast_in_dim3A_25 : vector<16xf32>
      %exp3A_484 = math.exp %min3A_483 : vector<16xf32>
      %swap3A_485 = arith.constant 48 : index
      %swap3A_486 = tpu.vector_load %arg27[%swap3A_485] {strides = array<i32>} : memref<80xf32, #tpu.memory_space<vmem>>, vector<16xf32>,
      tpu.vector_store %arg27[%swap3A_485], %exp3A_484 {strides = array<i32>} : memref<80xf32, #tpu.memory_space<vmem>>, vector<16xf32>,
      %get3A_487 = arith.constant 64 : index
      %get3A_488 = tpu.vector_load %arg23[%get3A_487] {strides = array<i32>} : memref<80xf32, #tpu.memory_space<vmem>>, vector<16xf32>,
      %get3A_489 = arith.constant 64 : index
      %get3A_490 = tpu.vector_load %arg25[%get3A_489] {strides = array<i32>} : memref<80xf32, #tpu.memory_space<vmem>>, vector<16xf32>,
      %add3A_491 = arith.addf %get3A_488, %get3A_490 : vector<16xf32>
      %ge3A_492 = arith.cmpf oge, %add3A_491, %broadcast_in_dim3A_27 : vector<16xf32>
      %mul3A_493 = arith.mulf %broadcast_in_dim3A_29, %add3A_491 : vector<16xf32>
      %select_n3A_494 = arith.select %ge3A_492, %add3A_491, %mul3A_493 : vector<16xi1>, vector<16xf32>
      %max3A_495 = arith.maximumf %select_n3A_494, %broadcast_in_dim3A_23 : vector<16xf32>
      %min3A_496 = arith.minimumf %max3A_495, %broadcast_in_dim3A_25 : vector<16xf32>
      %exp3A_497 = math.exp %min3A_496 : vector<16xf32>
      %swap3A_498 = arith.constant 64 : index
      %swap3A_499 = tpu.vector_load %arg27[%swap3A_498] {strides = array<i32>} : memref<80xf32, #tpu.memory_space<vmem>>, vector<16xf32>,
      tpu.vector_store %arg27[%swap3A_498], %exp3A_497 {strides = array<i32>} : memref<80xf32, #tpu.memory_space<vmem>>, vector<16xf32>,
      %scan3A_500 = arith.constant 0 : i32
      %scan3A_501 = arith.constant 0 : i32
      %scan3A_502 = arith.constant 20 : i32
      %scan3A_503 = arith.addi %scan3A_501, %scan3A_502 : i32
      %scan3A_504 = arith.constant 1 : i32
      scf.for %scan3A_785 = %scan3A_501 to %scan3A_503 step %scan3A_504  : i32 {
        %mul3A_786 = arith.constant 4 : i32
        %mul3A_787 = arith.muli %mul3A_786, %scan3A_785 : i32
        %add3A_788 = arith.constant 0 : i32
        %add3A_789 = arith.addi %mul3A_787, %add3A_788 : i32
        %broadcast_in_dim3A_790 = vector.broadcast %add3A_789 : i32 to vector<16xi32>
        %gather3A = tpu.vector_load_idx %arg27[%broadcast_in_dim3A_790] : memref<80xf32, #tpu.memory_space<vmem>>[vector<16xi32>], vector<16xf32>,
        %get3A_791 = arith.index_cast %add3A_789 : i32 to index
        %get3A_792 = arith.constant 0 : index
        %get3A_793 = tpu.vector_load %arg29[%get3A_791, %get3A_792] {strides = array<i32>} : memref<80x128xf32, #tpu.memory_space<vmem>>, vector<16xf32>,
        %mul3A_794 = arith.mulf %get3A_793, %gather3A : vector<16xf32>
        %swap3A_795 = arith.index_cast %add3A_789 : i32 to index
        %swap3A_796 = arith.constant 0 : index
        %swap3A_797 = tpu.vector_load %arg29[%swap3A_795, %swap3A_796] {strides = array<i32>} : memref<80x128xf32, #tpu.memory_space<vmem>>, vector<16xf32>,
        tpu.vector_store %arg29[%swap3A_795, %swap3A_796], %mul3A_794 {strides = array<i32>} : memref<80x128xf32, #tpu.memory_space<vmem>>, vector<16xf32>,
        %get3A_798 = arith.index_cast %add3A_789 : i32 to index
        %get3A_799 = arith.constant 16 : index
        %get3A_800 = tpu.vector_load %arg29[%get3A_798, %get3A_799] {strides = array<i32>} : memref<80x128xf32, #tpu.memory_space<vmem>>, vector<16xf32>,
        %mul3A_801 = arith.mulf %get3A_800, %gather3A : vector<16xf32>
        %swap3A_802 = arith.index_cast %add3A_789 : i32 to index
        %swap3A_803 = arith.constant 16 : index
        %swap3A_804 = tpu.vector_load %arg29[%swap3A_802, %swap3A_803] {strides = array<i32>} : memref<80x128xf32, #tpu.memory_space<vmem>>, vector<16xf32>,
        tpu.vector_store %arg29[%swap3A_802, %swap3A_803], %mul3A_801 {strides = array<i32>} : memref<80x128xf32, #tpu.memory_space<vmem>>, vector<16xf32>,
        %get3A_805 = arith.index_cast %add3A_789 : i32 to index
        %get3A_806 = arith.constant 32 : index
        %get3A_807 = tpu.vector_load %arg29[%get3A_805, %get3A_806] {strides = array<i32>} : memref<80x128xf32, #tpu.memory_space<vmem>>, vector<16xf32>,
        %mul3A_808 = arith.mulf %get3A_807, %gather3A : vector<16xf32>
        %swap3A_809 = arith.index_cast %add3A_789 : i32 to index
        %swap3A_810 = arith.constant 32 : index
        %swap3A_811 = tpu.vector_load %arg29[%swap3A_809, %swap3A_810] {strides = array<i32>} : memref<80x128xf32, #tpu.memory_space<vmem>>, vector<16xf32>,
        tpu.vector_store %arg29[%swap3A_809, %swap3A_810], %mul3A_808 {strides = array<i32>} : memref<80x128xf32, #tpu.memory_space<vmem>>, vector<16xf32>,
        %get3A_812 = arith.index_cast %add3A_789 : i32 to index
        %get3A_813 = arith.constant 48 : index
        %get3A_814 = tpu.vector_load %arg29[%get3A_812, %get3A_813] {strides = array<i32>} : memref<80x128xf32, #tpu.memory_space<vmem>>, vector<16xf32>,
        %mul3A_815 = arith.mulf %get3A_814, %gather3A : vector<16xf32>
        %swap3A_816 = arith.index_cast %add3A_789 : i32 to index
        %swap3A_817 = arith.constant 48 : index
        %swap3A_818 = tpu.vector_load %arg29[%swap3A_816, %swap3A_817] {strides = array<i32>} : memref<80x128xf32, #tpu.memory_space<vmem>>, vector<16xf32>,
        tpu.vector_store %arg29[%swap3A_816, %swap3A_817], %mul3A_815 {strides = array<i32>} : memref<80x128xf32, #tpu.memory_space<vmem>>, vector<16xf32>,
        %get3A_819 = arith.index_cast %add3A_789 : i32 to index
        %get3A_820 = arith.constant 64 : index
        %get3A_821 = tpu.vector_load %arg29[%get3A_819, %get3A_820] {strides = array<i32>} : memref<80x128xf32, #tpu.memory_space<vmem>>, vector<16xf32>,
        %mul3A_822 = arith.mulf %get3A_821, %gather3A : vector<16xf32>
        %swap3A_823 = arith.index_cast %add3A_789 : i32 to index
        %swap3A_824 = arith.constant 64 : index
        %swap3A_825 = tpu.vector_load %arg29[%swap3A_823, %swap3A_824] {strides = array<i32>} : memref<80x128xf32, #tpu.memory_space<vmem>>, vector<16xf32>,
        tpu.vector_store %arg29[%swap3A_823, %swap3A_824], %mul3A_822 {strides = array<i32>} : memref<80x128xf32, #tpu.memory_space<vmem>>, vector<16xf32>,
        %get3A_826 = arith.index_cast %add3A_789 : i32 to index
        %get3A_827 = arith.constant 80 : index
        %get3A_828 = tpu.vector_load %arg29[%get3A_826, %get3A_827] {strides = array<i32>} : memref<80x128xf32, #tpu.memory_space<vmem>>, vector<16xf32>,
        %mul3A_829 = arith.mulf %get3A_828, %gather3A : vector<16xf32>
        %swap3A_830 = arith.index_cast %add3A_789 : i32 to index
        %swap3A_831 = arith.constant 80 : index
        %swap3A_832 = tpu.vector_load %arg29[%swap3A_830, %swap3A_831] {strides = array<i32>} : memref<80x128xf32, #tpu.memory_space<vmem>>, vector<16xf32>,
        tpu.vector_store %arg29[%swap3A_830, %swap3A_831], %mul3A_829 {strides = array<i32>} : memref<80x128xf32, #tpu.memory_space<vmem>>, vector<16xf32>,
        %get3A_833 = arith.index_cast %add3A_789 : i32 to index
        %get3A_834 = arith.constant 96 : index
        %get3A_835 = tpu.vector_load %arg29[%get3A_833, %get3A_834] {strides = array<i32>} : memref<80x128xf32, #tpu.memory_space<vmem>>, vector<16xf32>,
        %mul3A_836 = arith.mulf %get3A_835, %gather3A : vector<16xf32>
        %swap3A_837 = arith.index_cast %add3A_789 : i32 to index
        %swap3A_838 = arith.constant 96 : index
        %swap3A_839 = tpu.vector_load %arg29[%swap3A_837, %swap3A_838] {strides = array<i32>} : memref<80x128xf32, #tpu.memory_space<vmem>>, vector<16xf32>,
        tpu.vector_store %arg29[%swap3A_837, %swap3A_838], %mul3A_836 {strides = array<i32>} : memref<80x128xf32, #tpu.memory_space<vmem>>, vector<16xf32>,
        %get3A_840 = arith.index_cast %add3A_789 : i32 to index
        %get3A_841 = arith.constant 112 : index
        %get3A_842 = tpu.vector_load %arg29[%get3A_840, %get3A_841] {strides = array<i32>} : memref<80x128xf32, #tpu.memory_space<vmem>>, vector<16xf32>,
        %mul3A_843 = arith.mulf %get3A_842, %gather3A : vector<16xf32>
        %swap3A_844 = arith.index_cast %add3A_789 : i32 to index
        %swap3A_845 = arith.constant 112 : index
        %swap3A_846 = tpu.vector_load %arg29[%swap3A_844, %swap3A_845] {strides = array<i32>} : memref<80x128xf32, #tpu.memory_space<vmem>>, vector<16xf32>,
        tpu.vector_store %arg29[%swap3A_844, %swap3A_845], %mul3A_843 {strides = array<i32>} : memref<80x128xf32, #tpu.memory_space<vmem>>, vector<16xf32>,
        %mul3A_847 = arith.constant 4 : i32
        %mul3A_848 = arith.muli %mul3A_847, %scan3A_785 : i32
        %add3A_849 = arith.constant 1 : i32
        %add3A_850 = arith.addi %mul3A_848, %add3A_849 : i32
        %broadcast_in_dim3A_851 = vector.broadcast %add3A_850 : i32 to vector<16xi32>
        %gather3A_852 = tpu.vector_load_idx %arg27[%broadcast_in_dim3A_851] : memref<80xf32, #tpu.memory_space<vmem>>[vector<16xi32>], vector<16xf32>,
        %get3A_853 = arith.index_cast %add3A_850 : i32 to index
        %get3A_854 = arith.constant 0 : index
        %get3A_855 = tpu.vector_load %arg29[%get3A_853, %get3A_854] {strides = array<i32>} : memref<80x128xf32, #tpu.memory_space<vmem>>, vector<16xf32>,
        %mul3A_856 = arith.mulf %get3A_855, %gather3A_852 : vector<16xf32>
        %swap3A_857 = arith.index_cast %add3A_850 : i32 to index
        %swap3A_858 = arith.constant 0 : index
        %swap3A_859 = tpu.vector_load %arg29[%swap3A_857, %swap3A_858] {strides = array<i32>} : memref<80x128xf32, #tpu.memory_space<vmem>>, vector<16xf32>,
        tpu.vector_store %arg29[%swap3A_857, %swap3A_858], %mul3A_856 {strides = array<i32>} : memref<80x128xf32, #tpu.memory_space<vmem>>, vector<16xf32>,
        %get3A_860 = arith.index_cast %add3A_850 : i32 to index
        %get3A_861 = arith.constant 16 : index
        %get3A_862 = tpu.vector_load %arg29[%get3A_860, %get3A_861] {strides = array<i32>} : memref<80x128xf32, #tpu.memory_space<vmem>>, vector<16xf32>,
        %mul3A_863 = arith.mulf %get3A_862, %gather3A_852 : vector<16xf32>
        %swap3A_864 = arith.index_cast %add3A_850 : i32 to index
        %swap3A_865 = arith.constant 16 : index
        %swap3A_866 = tpu.vector_load %arg29[%swap3A_864, %swap3A_865] {strides = array<i32>} : memref<80x128xf32, #tpu.memory_space<vmem>>, vector<16xf32>,
        tpu.vector_store %arg29[%swap3A_864, %swap3A_865], %mul3A_863 {strides = array<i32>} : memref<80x128xf32, #tpu.memory_space<vmem>>, vector<16xf32>,
        %get3A_867 = arith.index_cast %add3A_850 : i32 to index
        %get3A_868 = arith.constant 32 : index
        %get3A_869 = tpu.vector_load %arg29[%get3A_867, %get3A_868] {strides = array<i32>} : memref<80x128xf32, #tpu.memory_space<vmem>>, vector<16xf32>,
        %mul3A_870 = arith.mulf %get3A_869, %gather3A_852 : vector<16xf32>
        %swap3A_871 = arith.index_cast %add3A_850 : i32 to index
        %swap3A_872 = arith.constant 32 : index
        %swap3A_873 = tpu.vector_load %arg29[%swap3A_871, %swap3A_872] {strides = array<i32>} : memref<80x128xf32, #tpu.memory_space<vmem>>, vector<16xf32>,
        tpu.vector_store %arg29[%swap3A_871, %swap3A_872], %mul3A_870 {strides = array<i32>} : memref<80x128xf32, #tpu.memory_space<vmem>>, vector<16xf32>,
        %get3A_874 = arith.index_cast %add3A_850 : i32 to index
        %get3A_875 = arith.constant 48 : index
        %get3A_876 = tpu.vector_load %arg29[%get3A_874, %get3A_875] {strides = array<i32>} : memref<80x128xf32, #tpu.memory_space<vmem>>, vector<16xf32>,
        %mul3A_877 = arith.mulf %get3A_876, %gather3A_852 : vector<16xf32>
        %swap3A_878 = arith.index_cast %add3A_850 : i32 to index
        %swap3A_879 = arith.constant 48 : index
        %swap3A_880 = tpu.vector_load %arg29[%swap3A_878, %swap3A_879] {strides = array<i32>} : memref<80x128xf32, #tpu.memory_space<vmem>>, vector<16xf32>,
        tpu.vector_store %arg29[%swap3A_878, %swap3A_879], %mul3A_877 {strides = array<i32>} : memref<80x128xf32, #tpu.memory_space<vmem>>, vector<16xf32>,
        %get3A_881 = arith.index_cast %add3A_850 : i32 to index
        %get3A_882 = arith.constant 64 : index
        %get3A_883 = tpu.vector_load %arg29[%get3A_881, %get3A_882] {strides = array<i32>} : memref<80x128xf32, #tpu.memory_space<vmem>>, vector<16xf32>,
        %mul3A_884 = arith.mulf %get3A_883, %gather3A_852 : vector<16xf32>
        %swap3A_885 = arith.index_cast %add3A_850 : i32 to index
        %swap3A_886 = arith.constant 64 : index
        %swap3A_887 = tpu.vector_load %arg29[%swap3A_885, %swap3A_886] {strides = array<i32>} : memref<80x128xf32, #tpu.memory_space<vmem>>, vector<16xf32>,
        tpu.vector_store %arg29[%swap3A_885, %swap3A_886], %mul3A_884 {strides = array<i32>} : memref<80x128xf32, #tpu.memory_space<vmem>>, vector<16xf32>,
        %get3A_888 = arith.index_cast %add3A_850 : i32 to index
        %get3A_889 = arith.constant 80 : index
        %get3A_890 = tpu.vector_load %arg29[%get3A_888, %get3A_889] {strides = array<i32>} : memref<80x128xf32, #tpu.memory_space<vmem>>, vector<16xf32>,
        %mul3A_891 = arith.mulf %get3A_890, %gather3A_852 : vector<16xf32>
        %swap3A_892 = arith.index_cast %add3A_850 : i32 to index
        %swap3A_893 = arith.constant 80 : index
        %swap3A_894 = tpu.vector_load %arg29[%swap3A_892, %swap3A_893] {strides = array<i32>} : memref<80x128xf32, #tpu.memory_space<vmem>>, vector<16xf32>,
        tpu.vector_store %arg29[%swap3A_892, %swap3A_893], %mul3A_891 {strides = array<i32>} : memref<80x128xf32, #tpu.memory_space<vmem>>, vector<16xf32>,
        %get3A_895 = arith.index_cast %add3A_850 : i32 to index
        %get3A_896 = arith.constant 96 : index
        %get3A_897 = tpu.vector_load %arg29[%get3A_895, %get3A_896] {strides = array<i32>} : memref<80x128xf32, #tpu.memory_space<vmem>>, vector<16xf32>,
        %mul3A_898 = arith.mulf %get3A_897, %gather3A_852 : vector<16xf32>
        %swap3A_899 = arith.index_cast %add3A_850 : i32 to index
        %swap3A_900 = arith.constant 96 : index
        %swap3A_901 = tpu.vector_load %arg29[%swap3A_899, %swap3A_900] {strides = array<i32>} : memref<80x128xf32, #tpu.memory_space<vmem>>, vector<16xf32>,
        tpu.vector_store %arg29[%swap3A_899, %swap3A_900], %mul3A_898 {strides = array<i32>} : memref<80x128xf32, #tpu.memory_space<vmem>>, vector<16xf32>,
        %get3A_902 = arith.index_cast %add3A_850 : i32 to index
        %get3A_903 = arith.constant 112 : index
        %get3A_904 = tpu.vector_load %arg29[%get3A_902, %get3A_903] {strides = array<i32>} : memref<80x128xf32, #tpu.memory_space<vmem>>, vector<16xf32>,
        %mul3A_905 = arith.mulf %get3A_904, %gather3A_852 : vector<16xf32>
        %swap3A_906 = arith.index_cast %add3A_850 : i32 to index
        %swap3A_907 = arith.constant 112 : index
        %swap3A_908 = tpu.vector_load %arg29[%swap3A_906, %swap3A_907] {strides = array<i32>} : memref<80x128xf32, #tpu.memory_space<vmem>>, vector<16xf32>,
        tpu.vector_store %arg29[%swap3A_906, %swap3A_907], %mul3A_905 {strides = array<i32>} : memref<80x128xf32, #tpu.memory_space<vmem>>, vector<16xf32>,
        %mul3A_909 = arith.constant 4 : i32
        %mul3A_910 = arith.muli %mul3A_909, %scan3A_785 : i32
        %add3A_911 = arith.constant 2 : i32
        %add3A_912 = arith.addi %mul3A_910, %add3A_911 : i32
        %broadcast_in_dim3A_913 = vector.broadcast %add3A_912 : i32 to vector<16xi32>
        %gather3A_914 = tpu.vector_load_idx %arg27[%broadcast_in_dim3A_913] : memref<80xf32, #tpu.memory_space<vmem>>[vector<16xi32>], vector<16xf32>,
        %get3A_915 = arith.index_cast %add3A_912 : i32 to index
        %get3A_916 = arith.constant 0 : index
        %get3A_917 = tpu.vector_load %arg29[%get3A_915, %get3A_916] {strides = array<i32>} : memref<80x128xf32, #tpu.memory_space<vmem>>, vector<16xf32>,
        %mul3A_918 = arith.mulf %get3A_917, %gather3A_914 : vector<16xf32>
        %swap3A_919 = arith.index_cast %add3A_912 : i32 to index
        %swap3A_920 = arith.constant 0 : index
        %swap3A_921 = tpu.vector_load %arg29[%swap3A_919, %swap3A_920] {strides = array<i32>} : memref<80x128xf32, #tpu.memory_space<vmem>>, vector<16xf32>,
        tpu.vector_store %arg29[%swap3A_919, %swap3A_920], %mul3A_918 {strides = array<i32>} : memref<80x128xf32, #tpu.memory_space<vmem>>, vector<16xf32>,
        %get3A_922 = arith.index_cast %add3A_912 : i32 to index
        %get3A_923 = arith.constant 16 : index
        %get3A_924 = tpu.vector_load %arg29[%get3A_922, %get3A_923] {strides = array<i32>} : memref<80x128xf32, #tpu.memory_space<vmem>>, vector<16xf32>,
        %mul3A_925 = arith.mulf %get3A_924, %gather3A_914 : vector<16xf32>
        %swap3A_926 = arith.index_cast %add3A_912 : i32 to index
        %swap3A_927 = arith.constant 16 : index
        %swap3A_928 = tpu.vector_load %arg29[%swap3A_926, %swap3A_927] {strides = array<i32>} : memref<80x128xf32, #tpu.memory_space<vmem>>, vector<16xf32>,
        tpu.vector_store %arg29[%swap3A_926, %swap3A_927], %mul3A_925 {strides = array<i32>} : memref<80x128xf32, #tpu.memory_space<vmem>>, vector<16xf32>,
        %get3A_929 = arith.index_cast %add3A_912 : i32 to index
        %get3A_930 = arith.constant 32 : index
        %get3A_931 = tpu.vector_load %arg29[%get3A_929, %get3A_930] {strides = array<i32>} : memref<80x128xf32, #tpu.memory_space<vmem>>, vector<16xf32>,
        %mul3A_932 = arith.mulf %get3A_931, %gather3A_914 : vector<16xf32>
        %swap3A_933 = arith.index_cast %add3A_912 : i32 to index
        %swap3A_934 = arith.constant 32 : index
        %swap3A_935 = tpu.vector_load %arg29[%swap3A_933, %swap3A_934] {strides = array<i32>} : memref<80x128xf32, #tpu.memory_space<vmem>>, vector<16xf32>,
        tpu.vector_store %arg29[%swap3A_933, %swap3A_934], %mul3A_932 {strides = array<i32>} : memref<80x128xf32, #tpu.memory_space<vmem>>, vector<16xf32>,
        %get3A_936 = arith.index_cast %add3A_912 : i32 to index
        %get3A_937 = arith.constant 48 : index
        %get3A_938 = tpu.vector_load %arg29[%get3A_936, %get3A_937] {strides = array<i32>} : memref<80x128xf32, #tpu.memory_space<vmem>>, vector<16xf32>,
        %mul3A_939 = arith.mulf %get3A_938, %gather3A_914 : vector<16xf32>
        %swap3A_940 = arith.index_cast %add3A_912 : i32 to index
        %swap3A_941 = arith.constant 48 : index
        %swap3A_942 = tpu.vector_load %arg29[%swap3A_940, %swap3A_941] {strides = array<i32>} : memref<80x128xf32, #tpu.memory_space<vmem>>, vector<16xf32>,
        tpu.vector_store %arg29[%swap3A_940, %swap3A_941], %mul3A_939 {strides = array<i32>} : memref<80x128xf32, #tpu.memory_space<vmem>>, vector<16xf32>,
        %get3A_943 = arith.index_cast %add3A_912 : i32 to index
        %get3A_944 = arith.constant 64 : index
        %get3A_945 = tpu.vector_load %arg29[%get3A_943, %get3A_944] {strides = array<i32>} : memref<80x128xf32, #tpu.memory_space<vmem>>, vector<16xf32>,
        %mul3A_946 = arith.mulf %get3A_945, %gather3A_914 : vector<16xf32>
        %swap3A_947 = arith.index_cast %add3A_912 : i32 to index
        %swap3A_948 = arith.constant 64 : index
        %swap3A_949 = tpu.vector_load %arg29[%swap3A_947, %swap3A_948] {strides = array<i32>} : memref<80x128xf32, #tpu.memory_space<vmem>>, vector<16xf32>,
        tpu.vector_store %arg29[%swap3A_947, %swap3A_948], %mul3A_946 {strides = array<i32>} : memref<80x128xf32, #tpu.memory_space<vmem>>, vector<16xf32>,
        %get3A_950 = arith.index_cast %add3A_912 : i32 to index
        %get3A_951 = arith.constant 80 : index
        %get3A_952 = tpu.vector_load %arg29[%get3A_950, %get3A_951] {strides = array<i32>} : memref<80x128xf32, #tpu.memory_space<vmem>>, vector<16xf32>,
        %mul3A_953 = arith.mulf %get3A_952, %gather3A_914 : vector<16xf32>
        %swap3A_954 = arith.index_cast %add3A_912 : i32 to index
        %swap3A_955 = arith.constant 80 : index
        %swap3A_956 = tpu.vector_load %arg29[%swap3A_954, %swap3A_955] {strides = array<i32>} : memref<80x128xf32, #tpu.memory_space<vmem>>, vector<16xf32>,
        tpu.vector_store %arg29[%swap3A_954, %swap3A_955], %mul3A_953 {strides = array<i32>} : memref<80x128xf32, #tpu.memory_space<vmem>>, vector<16xf32>,
        %get3A_957 = arith.index_cast %add3A_912 : i32 to index
        %get3A_958 = arith.constant 96 : index
        %get3A_959 = tpu.vector_load %arg29[%get3A_957, %get3A_958] {strides = array<i32>} : memref<80x128xf32, #tpu.memory_space<vmem>>, vector<16xf32>,
        %mul3A_960 = arith.mulf %get3A_959, %gather3A_914 : vector<16xf32>
        %swap3A_961 = arith.index_cast %add3A_912 : i32 to index
        %swap3A_962 = arith.constant 96 : index
        %swap3A_963 = tpu.vector_load %arg29[%swap3A_961, %swap3A_962] {strides = array<i32>} : memref<80x128xf32, #tpu.memory_space<vmem>>, vector<16xf32>,
        tpu.vector_store %arg29[%swap3A_961, %swap3A_962], %mul3A_960 {strides = array<i32>} : memref<80x128xf32, #tpu.memory_space<vmem>>, vector<16xf32>,
        %get3A_964 = arith.index_cast %add3A_912 : i32 to index
        %get3A_965 = arith.constant 112 : index
        %get3A_966 = tpu.vector_load %arg29[%get3A_964, %get3A_965] {strides = array<i32>} : memref<80x128xf32, #tpu.memory_space<vmem>>, vector<16xf32>,
        %mul3A_967 = arith.mulf %get3A_966, %gather3A_914 : vector<16xf32>
        %swap3A_968 = arith.index_cast %add3A_912 : i32 to index
        %swap3A_969 = arith.constant 112 : index
        %swap3A_970 = tpu.vector_load %arg29[%swap3A_968, %swap3A_969] {strides = array<i32>} : memref<80x128xf32, #tpu.memory_space<vmem>>, vector<16xf32>,
        tpu.vector_store %arg29[%swap3A_968, %swap3A_969], %mul3A_967 {strides = array<i32>} : memref<80x128xf32, #tpu.memory_space<vmem>>, vector<16xf32>,
        %mul3A_971 = arith.constant 4 : i32
        %mul3A_972 = arith.muli %mul3A_971, %scan3A_785 : i32
        %add3A_973 = arith.constant 3 : i32
        %add3A_974 = arith.addi %mul3A_972, %add3A_973 : i32
        %broadcast_in_dim3A_975 = vector.broadcast %add3A_974 : i32 to vector<16xi32>
        %gather3A_976 = tpu.vector_load_idx %arg27[%broadcast_in_dim3A_975] : memref<80xf32, #tpu.memory_space<vmem>>[vector<16xi32>], vector<16xf32>,
        %get3A_977 = arith.index_cast %add3A_974 : i32 to index
        %get3A_978 = arith.constant 0 : index
        %get3A_979 = tpu.vector_load %arg29[%get3A_977, %get3A_978] {strides = array<i32>} : memref<80x128xf32, #tpu.memory_space<vmem>>, vector<16xf32>,
        %mul3A_980 = arith.mulf %get3A_979, %gather3A_976 : vector<16xf32>
        %swap3A_981 = arith.index_cast %add3A_974 : i32 to index
        %swap3A_982 = arith.constant 0 : index
        %swap3A_983 = tpu.vector_load %arg29[%swap3A_981, %swap3A_982] {strides = array<i32>} : memref<80x128xf32, #tpu.memory_space<vmem>>, vector<16xf32>,
        tpu.vector_store %arg29[%swap3A_981, %swap3A_982], %mul3A_980 {strides = array<i32>} : memref<80x128xf32, #tpu.memory_space<vmem>>, vector<16xf32>,
        %get3A_984 = arith.index_cast %add3A_974 : i32 to index
        %get3A_985 = arith.constant 16 : index
        %get3A_986 = tpu.vector_load %arg29[%get3A_984, %get3A_985] {strides = array<i32>} : memref<80x128xf32, #tpu.memory_space<vmem>>, vector<16xf32>,
        %mul3A_987 = arith.mulf %get3A_986, %gather3A_976 : vector<16xf32>
        %swap3A_988 = arith.index_cast %add3A_974 : i32 to index
        %swap3A_989 = arith.constant 16 : index
        %swap3A_990 = tpu.vector_load %arg29[%swap3A_988, %swap3A_989] {strides = array<i32>} : memref<80x128xf32, #tpu.memory_space<vmem>>, vector<16xf32>,
        tpu.vector_store %arg29[%swap3A_988, %swap3A_989], %mul3A_987 {strides = array<i32>} : memref<80x128xf32, #tpu.memory_space<vmem>>, vector<16xf32>,
        %get3A_991 = arith.index_cast %add3A_974 : i32 to index
        %get3A_992 = arith.constant 32 : index
        %get3A_993 = tpu.vector_load %arg29[%get3A_991, %get3A_992] {strides = array<i32>} : memref<80x128xf32, #tpu.memory_space<vmem>>, vector<16xf32>,
        %mul3A_994 = arith.mulf %get3A_993, %gather3A_976 : vector<16xf32>
        %swap3A_995 = arith.index_cast %add3A_974 : i32 to index
        %swap3A_996 = arith.constant 32 : index
        %swap3A_997 = tpu.vector_load %arg29[%swap3A_995, %swap3A_996] {strides = array<i32>} : memref<80x128xf32, #tpu.memory_space<vmem>>, vector<16xf32>,
        tpu.vector_store %arg29[%swap3A_995, %swap3A_996], %mul3A_994 {strides = array<i32>} : memref<80x128xf32, #tpu.memory_space<vmem>>, vector<16xf32>,
        %get3A_998 = arith.index_cast %add3A_974 : i32 to index
        %get3A_999 = arith.constant 48 : index
        %get3A_1000 = tpu.vector_load %arg29[%get3A_998, %get3A_999] {strides = array<i32>} : memref<80x128xf32, #tpu.memory_space<vmem>>, vector<16xf32>,
        %mul3A_1001 = arith.mulf %get3A_1000, %gather3A_976 : vector<16xf32>
        %swap3A_1002 = arith.index_cast %add3A_974 : i32 to index
        %swap3A_1003 = arith.constant 48 : index
        %swap3A_1004 = tpu.vector_load %arg29[%swap3A_1002, %swap3A_1003] {strides = array<i32>} : memref<80x128xf32, #tpu.memory_space<vmem>>, vector<16xf32>,
        tpu.vector_store %arg29[%swap3A_1002, %swap3A_1003], %mul3A_1001 {strides = array<i32>} : memref<80x128xf32, #tpu.memory_space<vmem>>, vector<16xf32>,
        %get3A_1005 = arith.index_cast %add3A_974 : i32 to index
        %get3A_1006 = arith.constant 64 : index
        %get3A_1007 = tpu.vector_load %arg29[%get3A_1005, %get3A_1006] {strides = array<i32>} : memref<80x128xf32, #tpu.memory_space<vmem>>, vector<16xf32>,
        %mul3A_1008 = arith.mulf %get3A_1007, %gather3A_976 : vector<16xf32>
        %swap3A_1009 = arith.index_cast %add3A_974 : i32 to index
        %swap3A_1010 = arith.constant 64 : index
        %swap3A_1011 = tpu.vector_load %arg29[%swap3A_1009, %swap3A_1010] {strides = array<i32>} : memref<80x128xf32, #tpu.memory_space<vmem>>, vector<16xf32>,
        tpu.vector_store %arg29[%swap3A_1009, %swap3A_1010], %mul3A_1008 {strides = array<i32>} : memref<80x128xf32, #tpu.memory_space<vmem>>, vector<16xf32>,
        %get3A_1012 = arith.index_cast %add3A_974 : i32 to index
        %get3A_1013 = arith.constant 80 : index
        %get3A_1014 = tpu.vector_load %arg29[%get3A_1012, %get3A_1013] {strides = array<i32>} : memref<80x128xf32, #tpu.memory_space<vmem>>, vector<16xf32>,
        %mul3A_1015 = arith.mulf %get3A_1014, %gather3A_976 : vector<16xf32>
        %swap3A_1016 = arith.index_cast %add3A_974 : i32 to index
        %swap3A_1017 = arith.constant 80 : index
        %swap3A_1018 = tpu.vector_load %arg29[%swap3A_1016, %swap3A_1017] {strides = array<i32>} : memref<80x128xf32, #tpu.memory_space<vmem>>, vector<16xf32>,
        tpu.vector_store %arg29[%swap3A_1016, %swap3A_1017], %mul3A_1015 {strides = array<i32>} : memref<80x128xf32, #tpu.memory_space<vmem>>, vector<16xf32>,
        %get3A_1019 = arith.index_cast %add3A_974 : i32 to index
        %get3A_1020 = arith.constant 96 : index
        %get3A_1021 = tpu.vector_load %arg29[%get3A_1019, %get3A_1020] {strides = array<i32>} : memref<80x128xf32, #tpu.memory_space<vmem>>, vector<16xf32>,
        %mul3A_1022 = arith.mulf %get3A_1021, %gather3A_976 : vector<16xf32>
        %swap3A_1023 = arith.index_cast %add3A_974 : i32 to index
        %swap3A_1024 = arith.constant 96 : index
        %swap3A_1025 = tpu.vector_load %arg29[%swap3A_1023, %swap3A_1024] {strides = array<i32>} : memref<80x128xf32, #tpu.memory_space<vmem>>, vector<16xf32>,
        tpu.vector_store %arg29[%swap3A_1023, %swap3A_1024], %mul3A_1022 {strides = array<i32>} : memref<80x128xf32, #tpu.memory_space<vmem>>, vector<16xf32>,
        %get3A_1026 = arith.index_cast %add3A_974 : i32 to index
        %get3A_1027 = arith.constant 112 : index
        %get3A_1028 = tpu.vector_load %arg29[%get3A_1026, %get3A_1027] {strides = array<i32>} : memref<80x128xf32, #tpu.memory_space<vmem>>, vector<16xf32>,
        %mul3A_1029 = arith.mulf %get3A_1028, %gather3A_976 : vector<16xf32>
        %swap3A_1030 = arith.index_cast %add3A_974 : i32 to index
        %swap3A_1031 = arith.constant 112 : index
        %swap3A_1032 = tpu.vector_load %arg29[%swap3A_1030, %swap3A_1031] {strides = array<i32>} : memref<80x128xf32, #tpu.memory_space<vmem>>, vector<16xf32>,
        tpu.vector_store %arg29[%swap3A_1030, %swap3A_1031], %mul3A_1029 {strides = array<i32>} : memref<80x128xf32, #tpu.memory_space<vmem>>, vector<16xf32>,
      }
      %scan3A_505 = arith.constant 20 : i32
      %dma_start3A_506 = arith.constant 0 : i32
      %dma_start3A_507 = arith.constant 0 : i32
      %dma_start3A_508 = tpu.memref_slice %arg13[%dma_start3A_506, %dma_start3A_507] : memref<1x80xi32, #tpu.memory_space<vmem>> -> memref<1x80xi32, #tpu.memory_space<vmem>>
      %dma_start3A_509 = tpu.memref_squeeze %dma_start3A_508 : memref<1x80xi32, #tpu.memory_space<vmem>> -> memref<80xi32, #tpu.memory_space<vmem>>
      %dma_start3A_510 = arith.constant 0 : i32
      %dma_start3A_511 = arith.constant 0 : i32
      %dma_start3A_512 = tpu.memref_slice %arg35[%dma_start3A_510, %dma_start3A_511] : memref<10240x128xf32, #tpu.memory_space<vmem_shared>> -> memref<10240x128xf32, #tpu.memory_space<vmem_shared>>
      tpu.enqueue_indirect_dma source(%arg29 : memref<80x128xf32, #tpu.memory_space<vmem>>) target(%dma_start3A_512 : memref<10240x128xf32, #tpu.memory_space<vmem_shared>>) offsets(%dma_start3A_509 : memref<80xi32, #tpu.memory_space<vmem>>) semaphore(%arg33 : memref<!tpu.dma_semaphore, #tpu.memory_space<semaphore_mem>>) {add = true}
      %dma_start3A_513 = arith.constant 0 : i32
      %dma_start3A_514 = arith.constant 0 : i32
      %dma_start3A_515 = tpu.memref_slice %arg13[%dma_start3A_513, %dma_start3A_514] : memref<1x80xi32, #tpu.memory_space<vmem>> -> memref<1x80xi32, #tpu.memory_space<vmem>>
      %dma_start3A_516 = tpu.memref_squeeze %dma_start3A_515 : memref<1x80xi32, #tpu.memory_space<vmem>> -> memref<80xi32, #tpu.memory_space<vmem>>
      %dma_start3A_517 = arith.constant 0 : i32
      %dma_start3A_518 = tpu.memref_slice %arg36[%dma_start3A_517] : memref<10240xf32, #tpu.memory_space<vmem_shared>> -> memref<10240xf32, #tpu.memory_space<vmem_shared>>
      tpu.enqueue_indirect_dma source(%arg27 : memref<80xf32, #tpu.memory_space<vmem>>) target(%dma_start3A_518 : memref<10240xf32, #tpu.memory_space<vmem_shared>>) offsets(%dma_start3A_516 : memref<80xi32, #tpu.memory_space<vmem>>) semaphore(%arg33 : memref<!tpu.dma_semaphore, #tpu.memory_space<semaphore_mem>>) {add = true}
      %sub3A_519 = arith.constant 1 : i32
      %sub3A_520 = arith.subi %add3A_408, %sub3A_519 : i32
      %ge3A_521 = arith.constant 0 : i32
      %ge3A_522 = arith.cmpi sge, %sub3A_520, %ge3A_521 : i32
      %convert_element_type3A_523 = arith.extui %ge3A_522 : i1 to i32
      %cond3A_524 = arith.constant 0 : i32
      %cond3A_525 = arith.cmpi ne, %convert_element_type3A_523, %cond3A_524 : i32
      scf.if %cond3A_525 {
        %dma_wait3A_785 = arith.constant 0 : i32
        %dma_wait3A_786 = arith.constant 0 : i32
        %dma_wait3A_787 = tpu.memref_slice %arg12[%dma_wait3A_785, %dma_wait3A_786] : memref<1x80xi32, #tpu.memory_space<vmem>> -> memref<1x80xi32, #tpu.memory_space<vmem>>
        %dma_wait3A_788 = tpu.memref_squeeze %dma_wait3A_787 : memref<1x80xi32, #tpu.memory_space<vmem>> -> memref<80xi32, #tpu.memory_space<vmem>>
        %dma_wait3A_789 = arith.constant 0 : i32
        %dma_wait3A_790 = arith.constant 0 : i32
        %dma_wait3A_791 = tpu.memref_slice %arg35[%dma_wait3A_789, %dma_wait3A_790] : memref<10240x128xf32, #tpu.memory_space<vmem_shared>> -> memref<10240x128xf32, #tpu.memory_space<vmem_shared>>
        tpu.wait_indirect_dma semaphore(%arg34 : memref<!tpu.dma_semaphore, #tpu.memory_space<semaphore_mem>>) src(%arg30 : memref<80x128xf32, #tpu.memory_space<vmem>>) dst(%dma_wait3A_791 : memref<10240x128xf32, #tpu.memory_space<vmem_shared>>)
        %dma_wait3A_792 = arith.constant 0 : i32
        %dma_wait3A_793 = arith.constant 0 : i32
        %dma_wait3A_794 = tpu.memref_slice %arg12[%dma_wait3A_792, %dma_wait3A_793] : memref<1x80xi32, #tpu.memory_space<vmem>> -> memref<1x80xi32, #tpu.memory_space<vmem>>
        %dma_wait3A_795 = tpu.memref_squeeze %dma_wait3A_794 : memref<1x80xi32, #tpu.memory_space<vmem>> -> memref<80xi32, #tpu.memory_space<vmem>>
        %dma_wait3A_796 = arith.constant 0 : i32
        %dma_wait3A_797 = tpu.memref_slice %arg36[%dma_wait3A_796] : memref<10240xf32, #tpu.memory_space<vmem_shared>> -> memref<10240xf32, #tpu.memory_space<vmem_shared>>
        tpu.wait_indirect_dma semaphore(%arg34 : memref<!tpu.dma_semaphore, #tpu.memory_space<semaphore_mem>>) src(%arg28 : memref<80xf32, #tpu.memory_space<vmem>>) dst(%dma_wait3A_797 : memref<10240xf32, #tpu.memory_space<vmem_shared>>)
      } else {
      }
      %add3A_526 = arith.constant 1 : i32
      %add3A_527 = arith.addi %add3A_408, %add3A_526 : i32
      %lt3A_528 = arith.constant 125 : i32
      %lt3A_529 = arith.cmpi slt, %add3A_527, %lt3A_528 : i32
      %convert_element_type3A_530 = arith.extui %lt3A_529 : i1 to i32
      %cond3A_531 = arith.constant 0 : i32
      %cond3A_532 = arith.cmpi ne, %convert_element_type3A_530, %cond3A_531 : i32
      scf.if %cond3A_532 {
        %add3A_785 = arith.constant 1 : i32
        %add3A_786 = arith.addi %add3A_408, %add3A_785 : i32
        %dma_wait3A_787 = arith.constant 0 : i32
        %dma_wait3A_788 = arith.constant 0 : i32
        %dma_wait3A_789 = tpu.memref_slice %arg5[%add3A, %add3A_786, %dma_wait3A_787, %dma_wait3A_788] : memref<32x125x1x80xi32, #tpu.memory_space<hbm>> -> memref<1x1x1x80xi32, #tpu.memory_space<hbm>>
        %dma_wait3A_790 = tpu.memref_squeeze %dma_wait3A_789 : memref<1x1x1x80xi32, #tpu.memory_space<hbm>> -> memref<1x80xi32, #tpu.memory_space<hbm>>
        %dma_wait3A_791 = arith.constant 0 : i32
        %dma_wait3A_792 = arith.constant 0 : i32
        %dma_wait3A_793 = tpu.memref_slice %arg5[%add3A, %add3A_786, %dma_wait3A_791, %dma_wait3A_792] : memref<32x125x1x80xi32, #tpu.memory_space<hbm>> -> memref<1x1x1x80xi32, #tpu.memory_space<hbm>>
        %dma_wait3A_794 = tpu.memref_squeeze %dma_wait3A_793 : memref<1x1x1x80xi32, #tpu.memory_space<hbm>> -> memref<1x80xi32, #tpu.memory_space<hbm>>
        tpu.wait_dma2 semaphore(%arg22 : memref<!tpu.dma_semaphore, #tpu.memory_space<semaphore_mem>>) src(%dma_wait3A_794 : memref<1x80xi32, #tpu.memory_space<hbm>>) dst(%arg14 : memref<1x80xi32, #tpu.memory_space<vmem>>)
        %dma_wait3A_795 = arith.constant 0 : i32
        %dma_wait3A_796 = arith.constant 0 : i32
        %dma_wait3A_797 = tpu.memref_slice %arg6[%add3A, %add3A_786, %dma_wait3A_795, %dma_wait3A_796] : memref<32x125x1x80xi32, #tpu.memory_space<hbm>> -> memref<1x1x1x80xi32, #tpu.memory_space<hbm>>
        %dma_wait3A_798 = tpu.memref_squeeze %dma_wait3A_797 : memref<1x1x1x80xi32, #tpu.memory_space<hbm>> -> memref<1x80xi32, #tpu.memory_space<hbm>>
        %dma_wait3A_799 = arith.constant 0 : i32
        %dma_wait3A_800 = arith.constant 0 : i32
        %dma_wait3A_801 = tpu.memref_slice %arg6[%add3A, %add3A_786, %dma_wait3A_799, %dma_wait3A_800] : memref<32x125x1x80xi32, #tpu.memory_space<hbm>> -> memref<1x1x1x80xi32, #tpu.memory_space<hbm>>
        %dma_wait3A_802 = tpu.memref_squeeze %dma_wait3A_801 : memref<1x1x1x80xi32, #tpu.memory_space<hbm>> -> memref<1x80xi32, #tpu.memory_space<hbm>>
        tpu.wait_dma2 semaphore(%arg22 : memref<!tpu.dma_semaphore, #tpu.memory_space<semaphore_mem>>) src(%dma_wait3A_802 : memref<1x80xi32, #tpu.memory_space<hbm>>) dst(%arg18 : memref<1x80xi32, #tpu.memory_space<vmem>>)
        %dma_start3A_803 = arith.constant 0 : i32
        %dma_start3A_804 = arith.constant 0 : i32
        %dma_start3A_805 = tpu.memref_slice %arg14[%dma_start3A_803, %dma_start3A_804] : memref<1x80xi32, #tpu.memory_space<vmem>> -> memref<1x80xi32, #tpu.memory_space<vmem>>
        %dma_start3A_806 = tpu.memref_squeeze %dma_start3A_805 : memref<1x80xi32, #tpu.memory_space<vmem>> -> memref<80xi32, #tpu.memory_space<vmem>>
        %dma_start3A_807 = arith.constant 0 : i32
        %dma_start3A_808 = tpu.memref_slice %arg3[%dma_start3A_807] : memref<10000xf32, #tpu.memory_space<hbm>> -> memref<10000xf32, #tpu.memory_space<hbm>>
        tpu.enqueue_indirect_dma source(%dma_start3A_808 : memref<10000xf32, #tpu.memory_space<hbm>>) target(%arg24 : memref<80xf32, #tpu.memory_space<vmem>>) offsets(%dma_start3A_806 : memref<80xi32, #tpu.memory_space<vmem>>) semaphore(%arg32 : memref<!tpu.dma_semaphore, #tpu.memory_space<semaphore_mem>>)
        %dma_start3A_809 = arith.constant 0 : i32
        %dma_start3A_810 = arith.constant 0 : i32
        %dma_start3A_811 = tpu.memref_slice %arg18[%dma_start3A_809, %dma_start3A_810] : memref<1x80xi32, #tpu.memory_space<vmem>> -> memref<1x80xi32, #tpu.memory_space<vmem>>
        %dma_start3A_812 = tpu.memref_squeeze %dma_start3A_811 : memref<1x80xi32, #tpu.memory_space<vmem>> -> memref<80xi32, #tpu.memory_space<vmem>>
        %dma_start3A_813 = arith.constant 0 : i32
        %dma_start3A_814 = tpu.memref_slice %arg4[%dma_start3A_813] : memref<10000xf32, #tpu.memory_space<hbm>> -> memref<10000xf32, #tpu.memory_space<hbm>>
        tpu.enqueue_indirect_dma source(%dma_start3A_814 : memref<10000xf32, #tpu.memory_space<hbm>>) target(%arg26 : memref<80xf32, #tpu.memory_space<vmem>>) offsets(%dma_start3A_812 : memref<80xi32, #tpu.memory_space<vmem>>) semaphore(%arg32 : memref<!tpu.dma_semaphore, #tpu.memory_space<semaphore_mem>>)
        %dma_start3A_815 = arith.constant 0 : i32
        %dma_start3A_816 = arith.constant 0 : i32
        %dma_start3A_817 = tpu.memref_slice %arg18[%dma_start3A_815, %dma_start3A_816] : memref<1x80xi32, #tpu.memory_space<vmem>> -> memref<1x80xi32, #tpu.memory_space<vmem>>
        %dma_start3A_818 = tpu.memref_squeeze %dma_start3A_817 : memref<1x80xi32, #tpu.memory_space<vmem>> -> memref<80xi32, #tpu.memory_space<vmem>>
        %dma_start3A_819 = arith.constant 0 : i32
        %dma_start3A_820 = arith.constant 0 : i32
        %dma_start3A_821 = tpu.memref_slice %arg2[%dma_start3A_819, %dma_start3A_820] : memref<10000x128xf32, #tpu.memory_space<hbm>> -> memref<10000x128xf32, #tpu.memory_space<hbm>>
        tpu.enqueue_indirect_dma source(%dma_start3A_821 : memref<10000x128xf32, #tpu.memory_space<hbm>>) target(%arg30 : memref<80x128xf32, #tpu.memory_space<vmem>>) offsets(%dma_start3A_818 : memref<80xi32, #tpu.memory_space<vmem>>) semaphore(%arg32 : memref<!tpu.dma_semaphore, #tpu.memory_space<semaphore_mem>>)
      } else {
      }
      %add3A_533 = arith.constant 2 : i32
      %add3A_534 = arith.addi %add3A_284, %add3A_533 : i32
      %add3A_535 = arith.constant 2 : i32
      %add3A_536 = arith.addi %add3A_534, %add3A_535 : i32
      %lt3A_537 = arith.constant 125 : i32
      %lt3A_538 = arith.cmpi slt, %add3A_536, %lt3A_537 : i32
      %convert_element_type3A_539 = arith.extui %lt3A_538 : i1 to i32
      %cond3A_540 = arith.constant 0 : i32
      %cond3A_541 = arith.cmpi ne, %convert_element_type3A_539, %cond3A_540 : i32
      scf.if %cond3A_541 {
        %add3A_785 = arith.constant 2 : i32
        %add3A_786 = arith.addi %add3A_534, %add3A_785 : i32
        %dma_start3A_787 = arith.constant 0 : i32
        %dma_start3A_788 = arith.constant 0 : i32
        %dma_start3A_789 = tpu.memref_slice %arg5[%add3A, %add3A_786, %dma_start3A_787, %dma_start3A_788] : memref<32x125x1x80xi32, #tpu.memory_space<hbm>> -> memref<1x1x1x80xi32, #tpu.memory_space<hbm>>
        %dma_start3A_790 = tpu.memref_squeeze %dma_start3A_789 : memref<1x1x1x80xi32, #tpu.memory_space<hbm>> -> memref<1x80xi32, #tpu.memory_space<hbm>>
        %dma_start3A_791 = arith.constant 0 : i32
        %dma_start3A_792 = arith.constant 0 : i32
        %dma_start3A_793 = tpu.memref_slice %arg5[%add3A, %add3A_786, %dma_start3A_791, %dma_start3A_792] : memref<32x125x1x80xi32, #tpu.memory_space<hbm>> -> memref<1x1x1x80xi32, #tpu.memory_space<hbm>>
        %dma_start3A_794 = tpu.memref_squeeze %dma_start3A_793 : memref<1x1x1x80xi32, #tpu.memory_space<hbm>> -> memref<1x80xi32, #tpu.memory_space<hbm>>
        tpu.enqueue_dma source(%dma_start3A_794 : memref<1x80xi32, #tpu.memory_space<hbm>>) target(%arg12 : memref<1x80xi32, #tpu.memory_space<vmem>>) target_semaphore(%arg20 : memref<!tpu.dma_semaphore, #tpu.memory_space<semaphore_mem>>)
        %dma_start3A_795 = arith.constant 0 : i32
        %dma_start3A_796 = arith.constant 0 : i32
        %dma_start3A_797 = tpu.memref_slice %arg6[%add3A, %add3A_786, %dma_start3A_795, %dma_start3A_796] : memref<32x125x1x80xi32, #tpu.memory_space<hbm>> -> memref<1x1x1x80xi32, #tpu.memory_space<hbm>>
        %dma_start3A_798 = tpu.memref_squeeze %dma_start3A_797 : memref<1x1x1x80xi32, #tpu.memory_space<hbm>> -> memref<1x80xi32, #tpu.memory_space<hbm>>
        %dma_start3A_799 = arith.constant 0 : i32
        %dma_start3A_800 = arith.constant 0 : i32
        %dma_start3A_801 = tpu.memref_slice %arg6[%add3A, %add3A_786, %dma_start3A_799, %dma_start3A_800] : memref<32x125x1x80xi32, #tpu.memory_space<hbm>> -> memref<1x1x1x80xi32, #tpu.memory_space<hbm>>
        %dma_start3A_802 = tpu.memref_squeeze %dma_start3A_801 : memref<1x1x1x80xi32, #tpu.memory_space<hbm>> -> memref<1x80xi32, #tpu.memory_space<hbm>>
        tpu.enqueue_dma source(%dma_start3A_802 : memref<1x80xi32, #tpu.memory_space<hbm>>) target(%arg16 : memref<1x80xi32, #tpu.memory_space<vmem>>) target_semaphore(%arg20 : memref<!tpu.dma_semaphore, #tpu.memory_space<semaphore_mem>>)
      } else {
      }
      %dma_wait3A_542 = arith.constant 0 : i32
      %dma_wait3A_543 = arith.constant 0 : i32
      %dma_wait3A_544 = tpu.memref_slice %arg14[%dma_wait3A_542, %dma_wait3A_543] : memref<1x80xi32, #tpu.memory_space<vmem>> -> memref<1x80xi32, #tpu.memory_space<vmem>>
      %dma_wait3A_545 = tpu.memref_squeeze %dma_wait3A_544 : memref<1x80xi32, #tpu.memory_space<vmem>> -> memref<80xi32, #tpu.memory_space<vmem>>
      %dma_wait3A_546 = arith.constant 0 : i32
      %dma_wait3A_547 = tpu.memref_slice %arg3[%dma_wait3A_546] : memref<10000xf32, #tpu.memory_space<hbm>> -> memref<10000xf32, #tpu.memory_space<hbm>>
      tpu.wait_indirect_dma semaphore(%arg32 : memref<!tpu.dma_semaphore, #tpu.memory_space<semaphore_mem>>) src(%dma_wait3A_547 : memref<10000xf32, #tpu.memory_space<hbm>>) dst(%arg24 : memref<80xf32, #tpu.memory_space<vmem>>)
      %dma_wait3A_548 = arith.constant 0 : i32
      %dma_wait3A_549 = arith.constant 0 : i32
      %dma_wait3A_550 = tpu.memref_slice %arg18[%dma_wait3A_548, %dma_wait3A_549] : memref<1x80xi32, #tpu.memory_space<vmem>> -> memref<1x80xi32, #tpu.memory_space<vmem>>
      %dma_wait3A_551 = tpu.memref_squeeze %dma_wait3A_550 : memref<1x80xi32, #tpu.memory_space<vmem>> -> memref<80xi32, #tpu.memory_space<vmem>>
      %dma_wait3A_552 = arith.constant 0 : i32
      %dma_wait3A_553 = tpu.memref_slice %arg4[%dma_wait3A_552] : memref<10000xf32, #tpu.memory_space<hbm>> -> memref<10000xf32, #tpu.memory_space<hbm>>
      tpu.wait_indirect_dma semaphore(%arg32 : memref<!tpu.dma_semaphore, #tpu.memory_space<semaphore_mem>>) src(%dma_wait3A_553 : memref<10000xf32, #tpu.memory_space<hbm>>) dst(%arg26 : memref<80xf32, #tpu.memory_space<vmem>>)
      %dma_wait3A_554 = arith.constant 0 : i32
      %dma_wait3A_555 = arith.constant 0 : i32
      %dma_wait3A_556 = tpu.memref_slice %arg18[%dma_wait3A_554, %dma_wait3A_555] : memref<1x80xi32, #tpu.memory_space<vmem>> -> memref<1x80xi32, #tpu.memory_space<vmem>>
      %dma_wait3A_557 = tpu.memref_squeeze %dma_wait3A_556 : memref<1x80xi32, #tpu.memory_space<vmem>> -> memref<80xi32, #tpu.memory_space<vmem>>
      %dma_wait3A_558 = arith.constant 0 : i32
      %dma_wait3A_559 = arith.constant 0 : i32
      %dma_wait3A_560 = tpu.memref_slice %arg2[%dma_wait3A_558, %dma_wait3A_559] : memref<10000x128xf32, #tpu.memory_space<hbm>> -> memref<10000x128xf32, #tpu.memory_space<hbm>>
      tpu.wait_indirect_dma semaphore(%arg32 : memref<!tpu.dma_semaphore, #tpu.memory_space<semaphore_mem>>) src(%dma_wait3A_560 : memref<10000x128xf32, #tpu.memory_space<hbm>>) dst(%arg30 : memref<80x128xf32, #tpu.memory_space<vmem>>)
      %get3A_561 = arith.constant 0 : index
      %get3A_562 = tpu.vector_load %arg24[%get3A_561] {strides = array<i32>} : memref<80xf32, #tpu.memory_space<vmem>>, vector<16xf32>,
      %get3A_563 = arith.constant 0 : index
      %get3A_564 = tpu.vector_load %arg26[%get3A_563] {strides = array<i32>} : memref<80xf32, #tpu.memory_space<vmem>>, vector<16xf32>,
      %add3A_565 = arith.addf %get3A_562, %get3A_564 : vector<16xf32>
      %ge3A_566 = arith.cmpf oge, %add3A_565, %broadcast_in_dim3A_27 : vector<16xf32>
      %mul3A_567 = arith.mulf %broadcast_in_dim3A_29, %add3A_565 : vector<16xf32>
      %select_n3A_568 = arith.select %ge3A_566, %add3A_565, %mul3A_567 : vector<16xi1>, vector<16xf32>
      %max3A_569 = arith.maximumf %select_n3A_568, %broadcast_in_dim3A_23 : vector<16xf32>
      %min3A_570 = arith.minimumf %max3A_569, %broadcast_in_dim3A_25 : vector<16xf32>
      %exp3A_571 = math.exp %min3A_570 : vector<16xf32>
      %swap3A_572 = arith.constant 0 : index
      %swap3A_573 = tpu.vector_load %arg28[%swap3A_572] {strides = array<i32>} : memref<80xf32, #tpu.memory_space<vmem>>, vector<16xf32>,
      tpu.vector_store %arg28[%swap3A_572], %exp3A_571 {strides = array<i32>} : memref<80xf32, #tpu.memory_space<vmem>>, vector<16xf32>,
      %get3A_574 = arith.constant 16 : index
      %get3A_575 = tpu.vector_load %arg24[%get3A_574] {strides = array<i32>} : memref<80xf32, #tpu.memory_space<vmem>>, vector<16xf32>,
      %get3A_576 = arith.constant 16 : index
      %get3A_577 = tpu.vector_load %arg26[%get3A_576] {strides = array<i32>} : memref<80xf32, #tpu.memory_space<vmem>>, vector<16xf32>,
      %add3A_578 = arith.addf %get3A_575, %get3A_577 : vector<16xf32>
      %ge3A_579 = arith.cmpf oge, %add3A_578, %broadcast_in_dim3A_27 : vector<16xf32>
      %mul3A_580 = arith.mulf %broadcast_in_dim3A_29, %add3A_578 : vector<16xf32>
      %select_n3A_581 = arith.select %ge3A_579, %add3A_578, %mul3A_580 : vector<16xi1>, vector<16xf32>
      %max3A_582 = arith.maximumf %select_n3A_581, %broadcast_in_dim3A_23 : vector<16xf32>
      %min3A_583 = arith.minimumf %max3A_582, %broadcast_in_dim3A_25 : vector<16xf32>
      %exp3A_584 = math.exp %min3A_583 : vector<16xf32>
      %swap3A_585 = arith.constant 16 : index
      %swap3A_586 = tpu.vector_load %arg28[%swap3A_585] {strides = array<i32>} : memref<80xf32, #tpu.memory_space<vmem>>, vector<16xf32>,
      tpu.vector_store %arg28[%swap3A_585], %exp3A_584 {strides = array<i32>} : memref<80xf32, #tpu.memory_space<vmem>>, vector<16xf32>,
      %get3A_587 = arith.constant 32 : index
      %get3A_588 = tpu.vector_load %arg24[%get3A_587] {strides = array<i32>} : memref<80xf32, #tpu.memory_space<vmem>>, vector<16xf32>,
      %get3A_589 = arith.constant 32 : index
      %get3A_590 = tpu.vector_load %arg26[%get3A_589] {strides = array<i32>} : memref<80xf32, #tpu.memory_space<vmem>>, vector<16xf32>,
      %add3A_591 = arith.addf %get3A_588, %get3A_590 : vector<16xf32>
      %ge3A_592 = arith.cmpf oge, %add3A_591, %broadcast_in_dim3A_27 : vector<16xf32>
      %mul3A_593 = arith.mulf %broadcast_in_dim3A_29, %add3A_591 : vector<16xf32>
      %select_n3A_594 = arith.select %ge3A_592, %add3A_591, %mul3A_593 : vector<16xi1>, vector<16xf32>
      %max3A_595 = arith.maximumf %select_n3A_594, %broadcast_in_dim3A_23 : vector<16xf32>
      %min3A_596 = arith.minimumf %max3A_595, %broadcast_in_dim3A_25 : vector<16xf32>
      %exp3A_597 = math.exp %min3A_596 : vector<16xf32>
      %swap3A_598 = arith.constant 32 : index
      %swap3A_599 = tpu.vector_load %arg28[%swap3A_598] {strides = array<i32>} : memref<80xf32, #tpu.memory_space<vmem>>, vector<16xf32>,
      tpu.vector_store %arg28[%swap3A_598], %exp3A_597 {strides = array<i32>} : memref<80xf32, #tpu.memory_space<vmem>>, vector<16xf32>,
      %get3A_600 = arith.constant 48 : index
      %get3A_601 = tpu.vector_load %arg24[%get3A_600] {strides = array<i32>} : memref<80xf32, #tpu.memory_space<vmem>>, vector<16xf32>,
      %get3A_602 = arith.constant 48 : index
      %get3A_603 = tpu.vector_load %arg26[%get3A_602] {strides = array<i32>} : memref<80xf32, #tpu.memory_space<vmem>>, vector<16xf32>,
      %add3A_604 = arith.addf %get3A_601, %get3A_603 : vector<16xf32>
      %ge3A_605 = arith.cmpf oge, %add3A_604, %broadcast_in_dim3A_27 : vector<16xf32>
      %mul3A_606 = arith.mulf %broadcast_in_dim3A_29, %add3A_604 : vector<16xf32>
      %select_n3A_607 = arith.select %ge3A_605, %add3A_604, %mul3A_606 : vector<16xi1>, vector<16xf32>
      %max3A_608 = arith.maximumf %select_n3A_607, %broadcast_in_dim3A_23 : vector<16xf32>
      %min3A_609 = arith.minimumf %max3A_608, %broadcast_in_dim3A_25 : vector<16xf32>
      %exp3A_610 = math.exp %min3A_609 : vector<16xf32>
      %swap3A_611 = arith.constant 48 : index
      %swap3A_612 = tpu.vector_load %arg28[%swap3A_611] {strides = array<i32>} : memref<80xf32, #tpu.memory_space<vmem>>, vector<16xf32>,
      tpu.vector_store %arg28[%swap3A_611], %exp3A_610 {strides = array<i32>} : memref<80xf32, #tpu.memory_space<vmem>>, vector<16xf32>,
      %get3A_613 = arith.constant 64 : index
      %get3A_614 = tpu.vector_load %arg24[%get3A_613] {strides = array<i32>} : memref<80xf32, #tpu.memory_space<vmem>>, vector<16xf32>,
      %get3A_615 = arith.constant 64 : index
      %get3A_616 = tpu.vector_load %arg26[%get3A_615] {strides = array<i32>} : memref<80xf32, #tpu.memory_space<vmem>>, vector<16xf32>,
      %add3A_617 = arith.addf %get3A_614, %get3A_616 : vector<16xf32>
      %ge3A_618 = arith.cmpf oge, %add3A_617, %broadcast_in_dim3A_27 : vector<16xf32>
      %mul3A_619 = arith.mulf %broadcast_in_dim3A_29, %add3A_617 : vector<16xf32>
      %select_n3A_620 = arith.select %ge3A_618, %add3A_617, %mul3A_619 : vector<16xi1>, vector<16xf32>
      %max3A_621 = arith.maximumf %select_n3A_620, %broadcast_in_dim3A_23 : vector<16xf32>
      %min3A_622 = arith.minimumf %max3A_621, %broadcast_in_dim3A_25 : vector<16xf32>
      %exp3A_623 = math.exp %min3A_622 : vector<16xf32>
      %swap3A_624 = arith.constant 64 : index
      %swap3A_625 = tpu.vector_load %arg28[%swap3A_624] {strides = array<i32>} : memref<80xf32, #tpu.memory_space<vmem>>, vector<16xf32>,
      tpu.vector_store %arg28[%swap3A_624], %exp3A_623 {strides = array<i32>} : memref<80xf32, #tpu.memory_space<vmem>>, vector<16xf32>,
      %scan3A_626 = arith.constant 0 : i32
      %scan3A_627 = arith.constant 0 : i32
      %scan3A_628 = arith.constant 20 : i32
      %scan3A_629 = arith.addi %scan3A_627, %scan3A_628 : i32
      %scan3A_630 = arith.constant 1 : i32
      scf.for %scan3A_785 = %scan3A_627 to %scan3A_629 step %scan3A_630  : i32 {
        %mul3A_786 = arith.constant 4 : i32
        %mul3A_787 = arith.muli %mul3A_786, %scan3A_785 : i32
        %add3A_788 = arith.constant 0 : i32
        %add3A_789 = arith.addi %mul3A_787, %add3A_788 : i32
        %broadcast_in_dim3A_790 = vector.broadcast %add3A_789 : i32 to vector<16xi32>
        %gather3A = tpu.vector_load_idx %arg28[%broadcast_in_dim3A_790] : memref<80xf32, #tpu.memory_space<vmem>>[vector<16xi32>], vector<16xf32>,
        %get3A_791 = arith.index_cast %add3A_789 : i32 to index
        %get3A_792 = arith.constant 0 : index
        %get3A_793 = tpu.vector_load %arg30[%get3A_791, %get3A_792] {strides = array<i32>} : memref<80x128xf32, #tpu.memory_space<vmem>>, vector<16xf32>,
        %mul3A_794 = arith.mulf %get3A_793, %gather3A : vector<16xf32>
        %swap3A_795 = arith.index_cast %add3A_789 : i32 to index
        %swap3A_796 = arith.constant 0 : index
        %swap3A_797 = tpu.vector_load %arg30[%swap3A_795, %swap3A_796] {strides = array<i32>} : memref<80x128xf32, #tpu.memory_space<vmem>>, vector<16xf32>,
        tpu.vector_store %arg30[%swap3A_795, %swap3A_796], %mul3A_794 {strides = array<i32>} : memref<80x128xf32, #tpu.memory_space<vmem>>, vector<16xf32>,
        %get3A_798 = arith.index_cast %add3A_789 : i32 to index
        %get3A_799 = arith.constant 16 : index
        %get3A_800 = tpu.vector_load %arg30[%get3A_798, %get3A_799] {strides = array<i32>} : memref<80x128xf32, #tpu.memory_space<vmem>>, vector<16xf32>,
        %mul3A_801 = arith.mulf %get3A_800, %gather3A : vector<16xf32>
        %swap3A_802 = arith.index_cast %add3A_789 : i32 to index
        %swap3A_803 = arith.constant 16 : index
        %swap3A_804 = tpu.vector_load %arg30[%swap3A_802, %swap3A_803] {strides = array<i32>} : memref<80x128xf32, #tpu.memory_space<vmem>>, vector<16xf32>,
        tpu.vector_store %arg30[%swap3A_802, %swap3A_803], %mul3A_801 {strides = array<i32>} : memref<80x128xf32, #tpu.memory_space<vmem>>, vector<16xf32>,
        %get3A_805 = arith.index_cast %add3A_789 : i32 to index
        %get3A_806 = arith.constant 32 : index
        %get3A_807 = tpu.vector_load %arg30[%get3A_805, %get3A_806] {strides = array<i32>} : memref<80x128xf32, #tpu.memory_space<vmem>>, vector<16xf32>,
        %mul3A_808 = arith.mulf %get3A_807, %gather3A : vector<16xf32>
        %swap3A_809 = arith.index_cast %add3A_789 : i32 to index
        %swap3A_810 = arith.constant 32 : index
        %swap3A_811 = tpu.vector_load %arg30[%swap3A_809, %swap3A_810] {strides = array<i32>} : memref<80x128xf32, #tpu.memory_space<vmem>>, vector<16xf32>,
        tpu.vector_store %arg30[%swap3A_809, %swap3A_810], %mul3A_808 {strides = array<i32>} : memref<80x128xf32, #tpu.memory_space<vmem>>, vector<16xf32>,
        %get3A_812 = arith.index_cast %add3A_789 : i32 to index
        %get3A_813 = arith.constant 48 : index
        %get3A_814 = tpu.vector_load %arg30[%get3A_812, %get3A_813] {strides = array<i32>} : memref<80x128xf32, #tpu.memory_space<vmem>>, vector<16xf32>,
        %mul3A_815 = arith.mulf %get3A_814, %gather3A : vector<16xf32>
        %swap3A_816 = arith.index_cast %add3A_789 : i32 to index
        %swap3A_817 = arith.constant 48 : index
        %swap3A_818 = tpu.vector_load %arg30[%swap3A_816, %swap3A_817] {strides = array<i32>} : memref<80x128xf32, #tpu.memory_space<vmem>>, vector<16xf32>,
        tpu.vector_store %arg30[%swap3A_816, %swap3A_817], %mul3A_815 {strides = array<i32>} : memref<80x128xf32, #tpu.memory_space<vmem>>, vector<16xf32>,
        %get3A_819 = arith.index_cast %add3A_789 : i32 to index
        %get3A_820 = arith.constant 64 : index
        %get3A_821 = tpu.vector_load %arg30[%get3A_819, %get3A_820] {strides = array<i32>} : memref<80x128xf32, #tpu.memory_space<vmem>>, vector<16xf32>,
        %mul3A_822 = arith.mulf %get3A_821, %gather3A : vector<16xf32>
        %swap3A_823 = arith.index_cast %add3A_789 : i32 to index
        %swap3A_824 = arith.constant 64 : index
        %swap3A_825 = tpu.vector_load %arg30[%swap3A_823, %swap3A_824] {strides = array<i32>} : memref<80x128xf32, #tpu.memory_space<vmem>>, vector<16xf32>,
        tpu.vector_store %arg30[%swap3A_823, %swap3A_824], %mul3A_822 {strides = array<i32>} : memref<80x128xf32, #tpu.memory_space<vmem>>, vector<16xf32>,
        %get3A_826 = arith.index_cast %add3A_789 : i32 to index
        %get3A_827 = arith.constant 80 : index
        %get3A_828 = tpu.vector_load %arg30[%get3A_826, %get3A_827] {strides = array<i32>} : memref<80x128xf32, #tpu.memory_space<vmem>>, vector<16xf32>,
        %mul3A_829 = arith.mulf %get3A_828, %gather3A : vector<16xf32>
        %swap3A_830 = arith.index_cast %add3A_789 : i32 to index
        %swap3A_831 = arith.constant 80 : index
        %swap3A_832 = tpu.vector_load %arg30[%swap3A_830, %swap3A_831] {strides = array<i32>} : memref<80x128xf32, #tpu.memory_space<vmem>>, vector<16xf32>,
        tpu.vector_store %arg30[%swap3A_830, %swap3A_831], %mul3A_829 {strides = array<i32>} : memref<80x128xf32, #tpu.memory_space<vmem>>, vector<16xf32>,
        %get3A_833 = arith.index_cast %add3A_789 : i32 to index
        %get3A_834 = arith.constant 96 : index
        %get3A_835 = tpu.vector_load %arg30[%get3A_833, %get3A_834] {strides = array<i32>} : memref<80x128xf32, #tpu.memory_space<vmem>>, vector<16xf32>,
        %mul3A_836 = arith.mulf %get3A_835, %gather3A : vector<16xf32>
        %swap3A_837 = arith.index_cast %add3A_789 : i32 to index
        %swap3A_838 = arith.constant 96 : index
        %swap3A_839 = tpu.vector_load %arg30[%swap3A_837, %swap3A_838] {strides = array<i32>} : memref<80x128xf32, #tpu.memory_space<vmem>>, vector<16xf32>,
        tpu.vector_store %arg30[%swap3A_837, %swap3A_838], %mul3A_836 {strides = array<i32>} : memref<80x128xf32, #tpu.memory_space<vmem>>, vector<16xf32>,
        %get3A_840 = arith.index_cast %add3A_789 : i32 to index
        %get3A_841 = arith.constant 112 : index
        %get3A_842 = tpu.vector_load %arg30[%get3A_840, %get3A_841] {strides = array<i32>} : memref<80x128xf32, #tpu.memory_space<vmem>>, vector<16xf32>,
        %mul3A_843 = arith.mulf %get3A_842, %gather3A : vector<16xf32>
        %swap3A_844 = arith.index_cast %add3A_789 : i32 to index
        %swap3A_845 = arith.constant 112 : index
        %swap3A_846 = tpu.vector_load %arg30[%swap3A_844, %swap3A_845] {strides = array<i32>} : memref<80x128xf32, #tpu.memory_space<vmem>>, vector<16xf32>,
        tpu.vector_store %arg30[%swap3A_844, %swap3A_845], %mul3A_843 {strides = array<i32>} : memref<80x128xf32, #tpu.memory_space<vmem>>, vector<16xf32>,
        %mul3A_847 = arith.constant 4 : i32
        %mul3A_848 = arith.muli %mul3A_847, %scan3A_785 : i32
        %add3A_849 = arith.constant 1 : i32
        %add3A_850 = arith.addi %mul3A_848, %add3A_849 : i32
        %broadcast_in_dim3A_851 = vector.broadcast %add3A_850 : i32 to vector<16xi32>
        %gather3A_852 = tpu.vector_load_idx %arg28[%broadcast_in_dim3A_851] : memref<80xf32, #tpu.memory_space<vmem>>[vector<16xi32>], vector<16xf32>,
        %get3A_853 = arith.index_cast %add3A_850 : i32 to index
        %get3A_854 = arith.constant 0 : index
        %get3A_855 = tpu.vector_load %arg30[%get3A_853, %get3A_854] {strides = array<i32>} : memref<80x128xf32, #tpu.memory_space<vmem>>, vector<16xf32>,
        %mul3A_856 = arith.mulf %get3A_855, %gather3A_852 : vector<16xf32>
        %swap3A_857 = arith.index_cast %add3A_850 : i32 to index
        %swap3A_858 = arith.constant 0 : index
        %swap3A_859 = tpu.vector_load %arg30[%swap3A_857, %swap3A_858] {strides = array<i32>} : memref<80x128xf32, #tpu.memory_space<vmem>>, vector<16xf32>,
        tpu.vector_store %arg30[%swap3A_857, %swap3A_858], %mul3A_856 {strides = array<i32>} : memref<80x128xf32, #tpu.memory_space<vmem>>, vector<16xf32>,
        %get3A_860 = arith.index_cast %add3A_850 : i32 to index
        %get3A_861 = arith.constant 16 : index
        %get3A_862 = tpu.vector_load %arg30[%get3A_860, %get3A_861] {strides = array<i32>} : memref<80x128xf32, #tpu.memory_space<vmem>>, vector<16xf32>,
        %mul3A_863 = arith.mulf %get3A_862, %gather3A_852 : vector<16xf32>
        %swap3A_864 = arith.index_cast %add3A_850 : i32 to index
        %swap3A_865 = arith.constant 16 : index
        %swap3A_866 = tpu.vector_load %arg30[%swap3A_864, %swap3A_865] {strides = array<i32>} : memref<80x128xf32, #tpu.memory_space<vmem>>, vector<16xf32>,
        tpu.vector_store %arg30[%swap3A_864, %swap3A_865], %mul3A_863 {strides = array<i32>} : memref<80x128xf32, #tpu.memory_space<vmem>>, vector<16xf32>,
        %get3A_867 = arith.index_cast %add3A_850 : i32 to index
        %get3A_868 = arith.constant 32 : index
        %get3A_869 = tpu.vector_load %arg30[%get3A_867, %get3A_868] {strides = array<i32>} : memref<80x128xf32, #tpu.memory_space<vmem>>, vector<16xf32>,
        %mul3A_870 = arith.mulf %get3A_869, %gather3A_852 : vector<16xf32>
        %swap3A_871 = arith.index_cast %add3A_850 : i32 to index
        %swap3A_872 = arith.constant 32 : index
        %swap3A_873 = tpu.vector_load %arg30[%swap3A_871, %swap3A_872] {strides = array<i32>} : memref<80x128xf32, #tpu.memory_space<vmem>>, vector<16xf32>,
        tpu.vector_store %arg30[%swap3A_871, %swap3A_872], %mul3A_870 {strides = array<i32>} : memref<80x128xf32, #tpu.memory_space<vmem>>, vector<16xf32>,
        %get3A_874 = arith.index_cast %add3A_850 : i32 to index
        %get3A_875 = arith.constant 48 : index
        %get3A_876 = tpu.vector_load %arg30[%get3A_874, %get3A_875] {strides = array<i32>} : memref<80x128xf32, #tpu.memory_space<vmem>>, vector<16xf32>,
        %mul3A_877 = arith.mulf %get3A_876, %gather3A_852 : vector<16xf32>
        %swap3A_878 = arith.index_cast %add3A_850 : i32 to index
        %swap3A_879 = arith.constant 48 : index
        %swap3A_880 = tpu.vector_load %arg30[%swap3A_878, %swap3A_879] {strides = array<i32>} : memref<80x128xf32, #tpu.memory_space<vmem>>, vector<16xf32>,
        tpu.vector_store %arg30[%swap3A_878, %swap3A_879], %mul3A_877 {strides = array<i32>} : memref<80x128xf32, #tpu.memory_space<vmem>>, vector<16xf32>,
        %get3A_881 = arith.index_cast %add3A_850 : i32 to index
        %get3A_882 = arith.constant 64 : index
        %get3A_883 = tpu.vector_load %arg30[%get3A_881, %get3A_882] {strides = array<i32>} : memref<80x128xf32, #tpu.memory_space<vmem>>, vector<16xf32>,
        %mul3A_884 = arith.mulf %get3A_883, %gather3A_852 : vector<16xf32>
        %swap3A_885 = arith.index_cast %add3A_850 : i32 to index
        %swap3A_886 = arith.constant 64 : index
        %swap3A_887 = tpu.vector_load %arg30[%swap3A_885, %swap3A_886] {strides = array<i32>} : memref<80x128xf32, #tpu.memory_space<vmem>>, vector<16xf32>,
        tpu.vector_store %arg30[%swap3A_885, %swap3A_886], %mul3A_884 {strides = array<i32>} : memref<80x128xf32, #tpu.memory_space<vmem>>, vector<16xf32>,
        %get3A_888 = arith.index_cast %add3A_850 : i32 to index
        %get3A_889 = arith.constant 80 : index
        %get3A_890 = tpu.vector_load %arg30[%get3A_888, %get3A_889] {strides = array<i32>} : memref<80x128xf32, #tpu.memory_space<vmem>>, vector<16xf32>,
        %mul3A_891 = arith.mulf %get3A_890, %gather3A_852 : vector<16xf32>
        %swap3A_892 = arith.index_cast %add3A_850 : i32 to index
        %swap3A_893 = arith.constant 80 : index
        %swap3A_894 = tpu.vector_load %arg30[%swap3A_892, %swap3A_893] {strides = array<i32>} : memref<80x128xf32, #tpu.memory_space<vmem>>, vector<16xf32>,
        tpu.vector_store %arg30[%swap3A_892, %swap3A_893], %mul3A_891 {strides = array<i32>} : memref<80x128xf32, #tpu.memory_space<vmem>>, vector<16xf32>,
        %get3A_895 = arith.index_cast %add3A_850 : i32 to index
        %get3A_896 = arith.constant 96 : index
        %get3A_897 = tpu.vector_load %arg30[%get3A_895, %get3A_896] {strides = array<i32>} : memref<80x128xf32, #tpu.memory_space<vmem>>, vector<16xf32>,
        %mul3A_898 = arith.mulf %get3A_897, %gather3A_852 : vector<16xf32>
        %swap3A_899 = arith.index_cast %add3A_850 : i32 to index
        %swap3A_900 = arith.constant 96 : index
        %swap3A_901 = tpu.vector_load %arg30[%swap3A_899, %swap3A_900] {strides = array<i32>} : memref<80x128xf32, #tpu.memory_space<vmem>>, vector<16xf32>,
        tpu.vector_store %arg30[%swap3A_899, %swap3A_900], %mul3A_898 {strides = array<i32>} : memref<80x128xf32, #tpu.memory_space<vmem>>, vector<16xf32>,
        %get3A_902 = arith.index_cast %add3A_850 : i32 to index
        %get3A_903 = arith.constant 112 : index
        %get3A_904 = tpu.vector_load %arg30[%get3A_902, %get3A_903] {strides = array<i32>} : memref<80x128xf32, #tpu.memory_space<vmem>>, vector<16xf32>,
        %mul3A_905 = arith.mulf %get3A_904, %gather3A_852 : vector<16xf32>
        %swap3A_906 = arith.index_cast %add3A_850 : i32 to index
        %swap3A_907 = arith.constant 112 : index
        %swap3A_908 = tpu.vector_load %arg30[%swap3A_906, %swap3A_907] {strides = array<i32>} : memref<80x128xf32, #tpu.memory_space<vmem>>, vector<16xf32>,
        tpu.vector_store %arg30[%swap3A_906, %swap3A_907], %mul3A_905 {strides = array<i32>} : memref<80x128xf32, #tpu.memory_space<vmem>>, vector<16xf32>,
        %mul3A_909 = arith.constant 4 : i32
        %mul3A_910 = arith.muli %mul3A_909, %scan3A_785 : i32
        %add3A_911 = arith.constant 2 : i32
        %add3A_912 = arith.addi %mul3A_910, %add3A_911 : i32
        %broadcast_in_dim3A_913 = vector.broadcast %add3A_912 : i32 to vector<16xi32>
        %gather3A_914 = tpu.vector_load_idx %arg28[%broadcast_in_dim3A_913] : memref<80xf32, #tpu.memory_space<vmem>>[vector<16xi32>], vector<16xf32>,
        %get3A_915 = arith.index_cast %add3A_912 : i32 to index
        %get3A_916 = arith.constant 0 : index
        %get3A_917 = tpu.vector_load %arg30[%get3A_915, %get3A_916] {strides = array<i32>} : memref<80x128xf32, #tpu.memory_space<vmem>>, vector<16xf32>,
        %mul3A_918 = arith.mulf %get3A_917, %gather3A_914 : vector<16xf32>
        %swap3A_919 = arith.index_cast %add3A_912 : i32 to index
        %swap3A_920 = arith.constant 0 : index
        %swap3A_921 = tpu.vector_load %arg30[%swap3A_919, %swap3A_920] {strides = array<i32>} : memref<80x128xf32, #tpu.memory_space<vmem>>, vector<16xf32>,
        tpu.vector_store %arg30[%swap3A_919, %swap3A_920], %mul3A_918 {strides = array<i32>} : memref<80x128xf32, #tpu.memory_space<vmem>>, vector<16xf32>,
        %get3A_922 = arith.index_cast %add3A_912 : i32 to index
        %get3A_923 = arith.constant 16 : index
        %get3A_924 = tpu.vector_load %arg30[%get3A_922, %get3A_923] {strides = array<i32>} : memref<80x128xf32, #tpu.memory_space<vmem>>, vector<16xf32>,
        %mul3A_925 = arith.mulf %get3A_924, %gather3A_914 : vector<16xf32>
        %swap3A_926 = arith.index_cast %add3A_912 : i32 to index
        %swap3A_927 = arith.constant 16 : index
        %swap3A_928 = tpu.vector_load %arg30[%swap3A_926, %swap3A_927] {strides = array<i32>} : memref<80x128xf32, #tpu.memory_space<vmem>>, vector<16xf32>,
        tpu.vector_store %arg30[%swap3A_926, %swap3A_927], %mul3A_925 {strides = array<i32>} : memref<80x128xf32, #tpu.memory_space<vmem>>, vector<16xf32>,
        %get3A_929 = arith.index_cast %add3A_912 : i32 to index
        %get3A_930 = arith.constant 32 : index
        %get3A_931 = tpu.vector_load %arg30[%get3A_929, %get3A_930] {strides = array<i32>} : memref<80x128xf32, #tpu.memory_space<vmem>>, vector<16xf32>,
        %mul3A_932 = arith.mulf %get3A_931, %gather3A_914 : vector<16xf32>
        %swap3A_933 = arith.index_cast %add3A_912 : i32 to index
        %swap3A_934 = arith.constant 32 : index
        %swap3A_935 = tpu.vector_load %arg30[%swap3A_933, %swap3A_934] {strides = array<i32>} : memref<80x128xf32, #tpu.memory_space<vmem>>, vector<16xf32>,
        tpu.vector_store %arg30[%swap3A_933, %swap3A_934], %mul3A_932 {strides = array<i32>} : memref<80x128xf32, #tpu.memory_space<vmem>>, vector<16xf32>,
        %get3A_936 = arith.index_cast %add3A_912 : i32 to index
        %get3A_937 = arith.constant 48 : index
        %get3A_938 = tpu.vector_load %arg30[%get3A_936, %get3A_937] {strides = array<i32>} : memref<80x128xf32, #tpu.memory_space<vmem>>, vector<16xf32>,
        %mul3A_939 = arith.mulf %get3A_938, %gather3A_914 : vector<16xf32>
        %swap3A_940 = arith.index_cast %add3A_912 : i32 to index
        %swap3A_941 = arith.constant 48 : index
        %swap3A_942 = tpu.vector_load %arg30[%swap3A_940, %swap3A_941] {strides = array<i32>} : memref<80x128xf32, #tpu.memory_space<vmem>>, vector<16xf32>,
        tpu.vector_store %arg30[%swap3A_940, %swap3A_941], %mul3A_939 {strides = array<i32>} : memref<80x128xf32, #tpu.memory_space<vmem>>, vector<16xf32>,
        %get3A_943 = arith.index_cast %add3A_912 : i32 to index
        %get3A_944 = arith.constant 64 : index
        %get3A_945 = tpu.vector_load %arg30[%get3A_943, %get3A_944] {strides = array<i32>} : memref<80x128xf32, #tpu.memory_space<vmem>>, vector<16xf32>,
        %mul3A_946 = arith.mulf %get3A_945, %gather3A_914 : vector<16xf32>
        %swap3A_947 = arith.index_cast %add3A_912 : i32 to index
        %swap3A_948 = arith.constant 64 : index
        %swap3A_949 = tpu.vector_load %arg30[%swap3A_947, %swap3A_948] {strides = array<i32>} : memref<80x128xf32, #tpu.memory_space<vmem>>, vector<16xf32>,
        tpu.vector_store %arg30[%swap3A_947, %swap3A_948], %mul3A_946 {strides = array<i32>} : memref<80x128xf32, #tpu.memory_space<vmem>>, vector<16xf32>,
        %get3A_950 = arith.index_cast %add3A_912 : i32 to index
        %get3A_951 = arith.constant 80 : index
        %get3A_952 = tpu.vector_load %arg30[%get3A_950, %get3A_951] {strides = array<i32>} : memref<80x128xf32, #tpu.memory_space<vmem>>, vector<16xf32>,
        %mul3A_953 = arith.mulf %get3A_952, %gather3A_914 : vector<16xf32>
        %swap3A_954 = arith.index_cast %add3A_912 : i32 to index
        %swap3A_955 = arith.constant 80 : index
        %swap3A_956 = tpu.vector_load %arg30[%swap3A_954, %swap3A_955] {strides = array<i32>} : memref<80x128xf32, #tpu.memory_space<vmem>>, vector<16xf32>,
        tpu.vector_store %arg30[%swap3A_954, %swap3A_955], %mul3A_953 {strides = array<i32>} : memref<80x128xf32, #tpu.memory_space<vmem>>, vector<16xf32>,
        %get3A_957 = arith.index_cast %add3A_912 : i32 to index
        %get3A_958 = arith.constant 96 : index
        %get3A_959 = tpu.vector_load %arg30[%get3A_957, %get3A_958] {strides = array<i32>} : memref<80x128xf32, #tpu.memory_space<vmem>>, vector<16xf32>,
        %mul3A_960 = arith.mulf %get3A_959, %gather3A_914 : vector<16xf32>
        %swap3A_961 = arith.index_cast %add3A_912 : i32 to index
        %swap3A_962 = arith.constant 96 : index
        %swap3A_963 = tpu.vector_load %arg30[%swap3A_961, %swap3A_962] {strides = array<i32>} : memref<80x128xf32, #tpu.memory_space<vmem>>, vector<16xf32>,
        tpu.vector_store %arg30[%swap3A_961, %swap3A_962], %mul3A_960 {strides = array<i32>} : memref<80x128xf32, #tpu.memory_space<vmem>>, vector<16xf32>,
        %get3A_964 = arith.index_cast %add3A_912 : i32 to index
        %get3A_965 = arith.constant 112 : index
        %get3A_966 = tpu.vector_load %arg30[%get3A_964, %get3A_965] {strides = array<i32>} : memref<80x128xf32, #tpu.memory_space<vmem>>, vector<16xf32>,
        %mul3A_967 = arith.mulf %get3A_966, %gather3A_914 : vector<16xf32>
        %swap3A_968 = arith.index_cast %add3A_912 : i32 to index
        %swap3A_969 = arith.constant 112 : index
        %swap3A_970 = tpu.vector_load %arg30[%swap3A_968, %swap3A_969] {strides = array<i32>} : memref<80x128xf32, #tpu.memory_space<vmem>>, vector<16xf32>,
        tpu.vector_store %arg30[%swap3A_968, %swap3A_969], %mul3A_967 {strides = array<i32>} : memref<80x128xf32, #tpu.memory_space<vmem>>, vector<16xf32>,
        %mul3A_971 = arith.constant 4 : i32
        %mul3A_972 = arith.muli %mul3A_971, %scan3A_785 : i32
        %add3A_973 = arith.constant 3 : i32
        %add3A_974 = arith.addi %mul3A_972, %add3A_973 : i32
        %broadcast_in_dim3A_975 = vector.broadcast %add3A_974 : i32 to vector<16xi32>
        %gather3A_976 = tpu.vector_load_idx %arg28[%broadcast_in_dim3A_975] : memref<80xf32, #tpu.memory_space<vmem>>[vector<16xi32>], vector<16xf32>,
        %get3A_977 = arith.index_cast %add3A_974 : i32 to index
        %get3A_978 = arith.constant 0 : index
        %get3A_979 = tpu.vector_load %arg30[%get3A_977, %get3A_978] {strides = array<i32>} : memref<80x128xf32, #tpu.memory_space<vmem>>, vector<16xf32>,
        %mul3A_980 = arith.mulf %get3A_979, %gather3A_976 : vector<16xf32>
        %swap3A_981 = arith.index_cast %add3A_974 : i32 to index
        %swap3A_982 = arith.constant 0 : index
        %swap3A_983 = tpu.vector_load %arg30[%swap3A_981, %swap3A_982] {strides = array<i32>} : memref<80x128xf32, #tpu.memory_space<vmem>>, vector<16xf32>,
        tpu.vector_store %arg30[%swap3A_981, %swap3A_982], %mul3A_980 {strides = array<i32>} : memref<80x128xf32, #tpu.memory_space<vmem>>, vector<16xf32>,
        %get3A_984 = arith.index_cast %add3A_974 : i32 to index
        %get3A_985 = arith.constant 16 : index
        %get3A_986 = tpu.vector_load %arg30[%get3A_984, %get3A_985] {strides = array<i32>} : memref<80x128xf32, #tpu.memory_space<vmem>>, vector<16xf32>,
        %mul3A_987 = arith.mulf %get3A_986, %gather3A_976 : vector<16xf32>
        %swap3A_988 = arith.index_cast %add3A_974 : i32 to index
        %swap3A_989 = arith.constant 16 : index
        %swap3A_990 = tpu.vector_load %arg30[%swap3A_988, %swap3A_989] {strides = array<i32>} : memref<80x128xf32, #tpu.memory_space<vmem>>, vector<16xf32>,
        tpu.vector_store %arg30[%swap3A_988, %swap3A_989], %mul3A_987 {strides = array<i32>} : memref<80x128xf32, #tpu.memory_space<vmem>>, vector<16xf32>,
        %get3A_991 = arith.index_cast %add3A_974 : i32 to index
        %get3A_992 = arith.constant 32 : index
        %get3A_993 = tpu.vector_load %arg30[%get3A_991, %get3A_992] {strides = array<i32>} : memref<80x128xf32, #tpu.memory_space<vmem>>, vector<16xf32>,
        %mul3A_994 = arith.mulf %get3A_993, %gather3A_976 : vector<16xf32>
        %swap3A_995 = arith.index_cast %add3A_974 : i32 to index
        %swap3A_996 = arith.constant 32 : index
        %swap3A_997 = tpu.vector_load %arg30[%swap3A_995, %swap3A_996] {strides = array<i32>} : memref<80x128xf32, #tpu.memory_space<vmem>>, vector<16xf32>,
        tpu.vector_store %arg30[%swap3A_995, %swap3A_996], %mul3A_994 {strides = array<i32>} : memref<80x128xf32, #tpu.memory_space<vmem>>, vector<16xf32>,
        %get3A_998 = arith.index_cast %add3A_974 : i32 to index
        %get3A_999 = arith.constant 48 : index
        %get3A_1000 = tpu.vector_load %arg30[%get3A_998, %get3A_999] {strides = array<i32>} : memref<80x128xf32, #tpu.memory_space<vmem>>, vector<16xf32>,
        %mul3A_1001 = arith.mulf %get3A_1000, %gather3A_976 : vector<16xf32>
        %swap3A_1002 = arith.index_cast %add3A_974 : i32 to index
        %swap3A_1003 = arith.constant 48 : index
        %swap3A_1004 = tpu.vector_load %arg30[%swap3A_1002, %swap3A_1003] {strides = array<i32>} : memref<80x128xf32, #tpu.memory_space<vmem>>, vector<16xf32>,
        tpu.vector_store %arg30[%swap3A_1002, %swap3A_1003], %mul3A_1001 {strides = array<i32>} : memref<80x128xf32, #tpu.memory_space<vmem>>, vector<16xf32>,
        %get3A_1005 = arith.index_cast %add3A_974 : i32 to index
        %get3A_1006 = arith.constant 64 : index
        %get3A_1007 = tpu.vector_load %arg30[%get3A_1005, %get3A_1006] {strides = array<i32>} : memref<80x128xf32, #tpu.memory_space<vmem>>, vector<16xf32>,
        %mul3A_1008 = arith.mulf %get3A_1007, %gather3A_976 : vector<16xf32>
        %swap3A_1009 = arith.index_cast %add3A_974 : i32 to index
        %swap3A_1010 = arith.constant 64 : index
        %swap3A_1011 = tpu.vector_load %arg30[%swap3A_1009, %swap3A_1010] {strides = array<i32>} : memref<80x128xf32, #tpu.memory_space<vmem>>, vector<16xf32>,
        tpu.vector_store %arg30[%swap3A_1009, %swap3A_1010], %mul3A_1008 {strides = array<i32>} : memref<80x128xf32, #tpu.memory_space<vmem>>, vector<16xf32>,
        %get3A_1012 = arith.index_cast %add3A_974 : i32 to index
        %get3A_1013 = arith.constant 80 : index
        %get3A_1014 = tpu.vector_load %arg30[%get3A_1012, %get3A_1013] {strides = array<i32>} : memref<80x128xf32, #tpu.memory_space<vmem>>, vector<16xf32>,
        %mul3A_1015 = arith.mulf %get3A_1014, %gather3A_976 : vector<16xf32>
        %swap3A_1016 = arith.index_cast %add3A_974 : i32 to index
        %swap3A_1017 = arith.constant 80 : index
        %swap3A_1018 = tpu.vector_load %arg30[%swap3A_1016, %swap3A_1017] {strides = array<i32>} : memref<80x128xf32, #tpu.memory_space<vmem>>, vector<16xf32>,
        tpu.vector_store %arg30[%swap3A_1016, %swap3A_1017], %mul3A_1015 {strides = array<i32>} : memref<80x128xf32, #tpu.memory_space<vmem>>, vector<16xf32>,
        %get3A_1019 = arith.index_cast %add3A_974 : i32 to index
        %get3A_1020 = arith.constant 96 : index
        %get3A_1021 = tpu.vector_load %arg30[%get3A_1019, %get3A_1020] {strides = array<i32>} : memref<80x128xf32, #tpu.memory_space<vmem>>, vector<16xf32>,
        %mul3A_1022 = arith.mulf %get3A_1021, %gather3A_976 : vector<16xf32>
        %swap3A_1023 = arith.index_cast %add3A_974 : i32 to index
        %swap3A_1024 = arith.constant 96 : index
        %swap3A_1025 = tpu.vector_load %arg30[%swap3A_1023, %swap3A_1024] {strides = array<i32>} : memref<80x128xf32, #tpu.memory_space<vmem>>, vector<16xf32>,
        tpu.vector_store %arg30[%swap3A_1023, %swap3A_1024], %mul3A_1022 {strides = array<i32>} : memref<80x128xf32, #tpu.memory_space<vmem>>, vector<16xf32>,
        %get3A_1026 = arith.index_cast %add3A_974 : i32 to index
        %get3A_1027 = arith.constant 112 : index
        %get3A_1028 = tpu.vector_load %arg30[%get3A_1026, %get3A_1027] {strides = array<i32>} : memref<80x128xf32, #tpu.memory_space<vmem>>, vector<16xf32>,
        %mul3A_1029 = arith.mulf %get3A_1028, %gather3A_976 : vector<16xf32>
        %swap3A_1030 = arith.index_cast %add3A_974 : i32 to index
        %swap3A_1031 = arith.constant 112 : index
        %swap3A_1032 = tpu.vector_load %arg30[%swap3A_1030, %swap3A_1031] {strides = array<i32>} : memref<80x128xf32, #tpu.memory_space<vmem>>, vector<16xf32>,
        tpu.vector_store %arg30[%swap3A_1030, %swap3A_1031], %mul3A_1029 {strides = array<i32>} : memref<80x128xf32, #tpu.memory_space<vmem>>, vector<16xf32>,
      }
      %scan3A_631 = arith.constant 20 : i32
      %dma_start3A_632 = arith.constant 0 : i32
      %dma_start3A_633 = arith.constant 0 : i32
      %dma_start3A_634 = tpu.memref_slice %arg14[%dma_start3A_632, %dma_start3A_633] : memref<1x80xi32, #tpu.memory_space<vmem>> -> memref<1x80xi32, #tpu.memory_space<vmem>>
      %dma_start3A_635 = tpu.memref_squeeze %dma_start3A_634 : memref<1x80xi32, #tpu.memory_space<vmem>> -> memref<80xi32, #tpu.memory_space<vmem>>
      %dma_start3A_636 = arith.constant 0 : i32
      %dma_start3A_637 = arith.constant 0 : i32
      %dma_start3A_638 = tpu.memref_slice %arg35[%dma_start3A_636, %dma_start3A_637] : memref<10240x128xf32, #tpu.memory_space<vmem_shared>> -> memref<10240x128xf32, #tpu.memory_space<vmem_shared>>
      tpu.enqueue_indirect_dma source(%arg30 : memref<80x128xf32, #tpu.memory_space<vmem>>) target(%dma_start3A_638 : memref<10240x128xf32, #tpu.memory_space<vmem_shared>>) offsets(%dma_start3A_635 : memref<80xi32, #tpu.memory_space<vmem>>) semaphore(%arg34 : memref<!tpu.dma_semaphore, #tpu.memory_space<semaphore_mem>>) {add = true}
      %dma_start3A_639 = arith.constant 0 : i32
      %dma_start3A_640 = arith.constant 0 : i32
      %dma_start3A_641 = tpu.memref_slice %arg14[%dma_start3A_639, %dma_start3A_640] : memref<1x80xi32, #tpu.memory_space<vmem>> -> memref<1x80xi32, #tpu.memory_space<vmem>>
      %dma_start3A_642 = tpu.memref_squeeze %dma_start3A_641 : memref<1x80xi32, #tpu.memory_space<vmem>> -> memref<80xi32, #tpu.memory_space<vmem>>
      %dma_start3A_643 = arith.constant 0 : i32
      %dma_start3A_644 = tpu.memref_slice %arg36[%dma_start3A_643] : memref<10240xf32, #tpu.memory_space<vmem_shared>> -> memref<10240xf32, #tpu.memory_space<vmem_shared>>
      tpu.enqueue_indirect_dma source(%arg28 : memref<80xf32, #tpu.memory_space<vmem>>) target(%dma_start3A_644 : memref<10240xf32, #tpu.memory_space<vmem_shared>>) offsets(%dma_start3A_642 : memref<80xi32, #tpu.memory_space<vmem>>) semaphore(%arg34 : memref<!tpu.dma_semaphore, #tpu.memory_space<semaphore_mem>>) {add = true}
      %sub3A_645 = arith.constant 1 : i32
      %sub3A_646 = arith.subi %add3A_534, %sub3A_645 : i32
      %ge3A_647 = arith.constant 0 : i32
      %ge3A_648 = arith.cmpi sge, %sub3A_646, %ge3A_647 : i32
      %convert_element_type3A_649 = arith.extui %ge3A_648 : i1 to i32
      %cond3A_650 = arith.constant 0 : i32
      %cond3A_651 = arith.cmpi ne, %convert_element_type3A_649, %cond3A_650 : i32
      scf.if %cond3A_651 {
        %dma_wait3A_785 = arith.constant 0 : i32
        %dma_wait3A_786 = arith.constant 0 : i32
        %dma_wait3A_787 = tpu.memref_slice %arg13[%dma_wait3A_785, %dma_wait3A_786] : memref<1x80xi32, #tpu.memory_space<vmem>> -> memref<1x80xi32, #tpu.memory_space<vmem>>
        %dma_wait3A_788 = tpu.memref_squeeze %dma_wait3A_787 : memref<1x80xi32, #tpu.memory_space<vmem>> -> memref<80xi32, #tpu.memory_space<vmem>>
        %dma_wait3A_789 = arith.constant 0 : i32
        %dma_wait3A_790 = arith.constant 0 : i32
        %dma_wait3A_791 = tpu.memref_slice %arg35[%dma_wait3A_789, %dma_wait3A_790] : memref<10240x128xf32, #tpu.memory_space<vmem_shared>> -> memref<10240x128xf32, #tpu.memory_space<vmem_shared>>
        tpu.wait_indirect_dma semaphore(%arg33 : memref<!tpu.dma_semaphore, #tpu.memory_space<semaphore_mem>>) src(%arg29 : memref<80x128xf32, #tpu.memory_space<vmem>>) dst(%dma_wait3A_791 : memref<10240x128xf32, #tpu.memory_space<vmem_shared>>)
        %dma_wait3A_792 = arith.constant 0 : i32
        %dma_wait3A_793 = arith.constant 0 : i32
        %dma_wait3A_794 = tpu.memref_slice %arg13[%dma_wait3A_792, %dma_wait3A_793] : memref<1x80xi32, #tpu.memory_space<vmem>> -> memref<1x80xi32, #tpu.memory_space<vmem>>
        %dma_wait3A_795 = tpu.memref_squeeze %dma_wait3A_794 : memref<1x80xi32, #tpu.memory_space<vmem>> -> memref<80xi32, #tpu.memory_space<vmem>>
        %dma_wait3A_796 = arith.constant 0 : i32
        %dma_wait3A_797 = tpu.memref_slice %arg36[%dma_wait3A_796] : memref<10240xf32, #tpu.memory_space<vmem_shared>> -> memref<10240xf32, #tpu.memory_space<vmem_shared>>
        tpu.wait_indirect_dma semaphore(%arg33 : memref<!tpu.dma_semaphore, #tpu.memory_space<semaphore_mem>>) src(%arg27 : memref<80xf32, #tpu.memory_space<vmem>>) dst(%dma_wait3A_797 : memref<10240xf32, #tpu.memory_space<vmem_shared>>)
      } else {
      }
      %add3A_652 = arith.constant 1 : i32
      %add3A_653 = arith.addi %add3A_534, %add3A_652 : i32
      %lt3A_654 = arith.constant 125 : i32
      %lt3A_655 = arith.cmpi slt, %add3A_653, %lt3A_654 : i32
      %convert_element_type3A_656 = arith.extui %lt3A_655 : i1 to i32
      %cond3A_657 = arith.constant 0 : i32
      %cond3A_658 = arith.cmpi ne, %convert_element_type3A_656, %cond3A_657 : i32
      scf.if %cond3A_658 {
        %add3A_785 = arith.constant 1 : i32
        %add3A_786 = arith.addi %add3A_534, %add3A_785 : i32
        %dma_wait3A_787 = arith.constant 0 : i32
        %dma_wait3A_788 = arith.constant 0 : i32
        %dma_wait3A_789 = tpu.memref_slice %arg5[%add3A, %add3A_786, %dma_wait3A_787, %dma_wait3A_788] : memref<32x125x1x80xi32, #tpu.memory_space<hbm>> -> memref<1x1x1x80xi32, #tpu.memory_space<hbm>>
        %dma_wait3A_790 = tpu.memref_squeeze %dma_wait3A_789 : memref<1x1x1x80xi32, #tpu.memory_space<hbm>> -> memref<1x80xi32, #tpu.memory_space<hbm>>
        %dma_wait3A_791 = arith.constant 0 : i32
        %dma_wait3A_792 = arith.constant 0 : i32
        %dma_wait3A_793 = tpu.memref_slice %arg5[%add3A, %add3A_786, %dma_wait3A_791, %dma_wait3A_792] : memref<32x125x1x80xi32, #tpu.memory_space<hbm>> -> memref<1x1x1x80xi32, #tpu.memory_space<hbm>>
        %dma_wait3A_794 = tpu.memref_squeeze %dma_wait3A_793 : memref<1x1x1x80xi32, #tpu.memory_space<hbm>> -> memref<1x80xi32, #tpu.memory_space<hbm>>
        tpu.wait_dma2 semaphore(%arg19 : memref<!tpu.dma_semaphore, #tpu.memory_space<semaphore_mem>>) src(%dma_wait3A_794 : memref<1x80xi32, #tpu.memory_space<hbm>>) dst(%arg11 : memref<1x80xi32, #tpu.memory_space<vmem>>)
        %dma_wait3A_795 = arith.constant 0 : i32
        %dma_wait3A_796 = arith.constant 0 : i32
        %dma_wait3A_797 = tpu.memref_slice %arg6[%add3A, %add3A_786, %dma_wait3A_795, %dma_wait3A_796] : memref<32x125x1x80xi32, #tpu.memory_space<hbm>> -> memref<1x1x1x80xi32, #tpu.memory_space<hbm>>
        %dma_wait3A_798 = tpu.memref_squeeze %dma_wait3A_797 : memref<1x1x1x80xi32, #tpu.memory_space<hbm>> -> memref<1x80xi32, #tpu.memory_space<hbm>>
        %dma_wait3A_799 = arith.constant 0 : i32
        %dma_wait3A_800 = arith.constant 0 : i32
        %dma_wait3A_801 = tpu.memref_slice %arg6[%add3A, %add3A_786, %dma_wait3A_799, %dma_wait3A_800] : memref<32x125x1x80xi32, #tpu.memory_space<hbm>> -> memref<1x1x1x80xi32, #tpu.memory_space<hbm>>
        %dma_wait3A_802 = tpu.memref_squeeze %dma_wait3A_801 : memref<1x1x1x80xi32, #tpu.memory_space<hbm>> -> memref<1x80xi32, #tpu.memory_space<hbm>>
        tpu.wait_dma2 semaphore(%arg19 : memref<!tpu.dma_semaphore, #tpu.memory_space<semaphore_mem>>) src(%dma_wait3A_802 : memref<1x80xi32, #tpu.memory_space<hbm>>) dst(%arg15 : memref<1x80xi32, #tpu.memory_space<vmem>>)
        %dma_start3A_803 = arith.constant 0 : i32
        %dma_start3A_804 = arith.constant 0 : i32
        %dma_start3A_805 = tpu.memref_slice %arg11[%dma_start3A_803, %dma_start3A_804] : memref<1x80xi32, #tpu.memory_space<vmem>> -> memref<1x80xi32, #tpu.memory_space<vmem>>
        %dma_start3A_806 = tpu.memref_squeeze %dma_start3A_805 : memref<1x80xi32, #tpu.memory_space<vmem>> -> memref<80xi32, #tpu.memory_space<vmem>>
        %dma_start3A_807 = arith.constant 0 : i32
        %dma_start3A_808 = tpu.memref_slice %arg3[%dma_start3A_807] : memref<10000xf32, #tpu.memory_space<hbm>> -> memref<10000xf32, #tpu.memory_space<hbm>>
        tpu.enqueue_indirect_dma source(%dma_start3A_808 : memref<10000xf32, #tpu.memory_space<hbm>>) target(%arg23 : memref<80xf32, #tpu.memory_space<vmem>>) offsets(%dma_start3A_806 : memref<80xi32, #tpu.memory_space<vmem>>) semaphore(%arg31 : memref<!tpu.dma_semaphore, #tpu.memory_space<semaphore_mem>>)
        %dma_start3A_809 = arith.constant 0 : i32
        %dma_start3A_810 = arith.constant 0 : i32
        %dma_start3A_811 = tpu.memref_slice %arg15[%dma_start3A_809, %dma_start3A_810] : memref<1x80xi32, #tpu.memory_space<vmem>> -> memref<1x80xi32, #tpu.memory_space<vmem>>
        %dma_start3A_812 = tpu.memref_squeeze %dma_start3A_811 : memref<1x80xi32, #tpu.memory_space<vmem>> -> memref<80xi32, #tpu.memory_space<vmem>>
        %dma_start3A_813 = arith.constant 0 : i32
        %dma_start3A_814 = tpu.memref_slice %arg4[%dma_start3A_813] : memref<10000xf32, #tpu.memory_space<hbm>> -> memref<10000xf32, #tpu.memory_space<hbm>>
        tpu.enqueue_indirect_dma source(%dma_start3A_814 : memref<10000xf32, #tpu.memory_space<hbm>>) target(%arg25 : memref<80xf32, #tpu.memory_space<vmem>>) offsets(%dma_start3A_812 : memref<80xi32, #tpu.memory_space<vmem>>) semaphore(%arg31 : memref<!tpu.dma_semaphore, #tpu.memory_space<semaphore_mem>>)
        %dma_start3A_815 = arith.constant 0 : i32
        %dma_start3A_816 = arith.constant 0 : i32
        %dma_start3A_817 = tpu.memref_slice %arg15[%dma_start3A_815, %dma_start3A_816] : memref<1x80xi32, #tpu.memory_space<vmem>> -> memref<1x80xi32, #tpu.memory_space<vmem>>
        %dma_start3A_818 = tpu.memref_squeeze %dma_start3A_817 : memref<1x80xi32, #tpu.memory_space<vmem>> -> memref<80xi32, #tpu.memory_space<vmem>>
        %dma_start3A_819 = arith.constant 0 : i32
        %dma_start3A_820 = arith.constant 0 : i32
        %dma_start3A_821 = tpu.memref_slice %arg2[%dma_start3A_819, %dma_start3A_820] : memref<10000x128xf32, #tpu.memory_space<hbm>> -> memref<10000x128xf32, #tpu.memory_space<hbm>>
        tpu.enqueue_indirect_dma source(%dma_start3A_821 : memref<10000x128xf32, #tpu.memory_space<hbm>>) target(%arg29 : memref<80x128xf32, #tpu.memory_space<vmem>>) offsets(%dma_start3A_818 : memref<80xi32, #tpu.memory_space<vmem>>) semaphore(%arg31 : memref<!tpu.dma_semaphore, #tpu.memory_space<semaphore_mem>>)
      } else {
      }
      %add3A_659 = arith.constant 3 : i32
      %add3A_660 = arith.addi %add3A_284, %add3A_659 : i32
      %add3A_661 = arith.constant 2 : i32
      %add3A_662 = arith.addi %add3A_660, %add3A_661 : i32
      %lt3A_663 = arith.constant 125 : i32
      %lt3A_664 = arith.cmpi slt, %add3A_662, %lt3A_663 : i32
      %convert_element_type3A_665 = arith.extui %lt3A_664 : i1 to i32
      %cond3A_666 = arith.constant 0 : i32
      %cond3A_667 = arith.cmpi ne, %convert_element_type3A_665, %cond3A_666 : i32
      scf.if %cond3A_667 {
        %add3A_785 = arith.constant 2 : i32
        %add3A_786 = arith.addi %add3A_660, %add3A_785 : i32
        %dma_start3A_787 = arith.constant 0 : i32
        %dma_start3A_788 = arith.constant 0 : i32
        %dma_start3A_789 = tpu.memref_slice %arg5[%add3A, %add3A_786, %dma_start3A_787, %dma_start3A_788] : memref<32x125x1x80xi32, #tpu.memory_space<hbm>> -> memref<1x1x1x80xi32, #tpu.memory_space<hbm>>
        %dma_start3A_790 = tpu.memref_squeeze %dma_start3A_789 : memref<1x1x1x80xi32, #tpu.memory_space<hbm>> -> memref<1x80xi32, #tpu.memory_space<hbm>>
        %dma_start3A_791 = arith.constant 0 : i32
        %dma_start3A_792 = arith.constant 0 : i32
        %dma_start3A_793 = tpu.memref_slice %arg5[%add3A, %add3A_786, %dma_start3A_791, %dma_start3A_792] : memref<32x125x1x80xi32, #tpu.memory_space<hbm>> -> memref<1x1x1x80xi32, #tpu.memory_space<hbm>>
        %dma_start3A_794 = tpu.memref_squeeze %dma_start3A_793 : memref<1x1x1x80xi32, #tpu.memory_space<hbm>> -> memref<1x80xi32, #tpu.memory_space<hbm>>
        tpu.enqueue_dma source(%dma_start3A_794 : memref<1x80xi32, #tpu.memory_space<hbm>>) target(%arg13 : memref<1x80xi32, #tpu.memory_space<vmem>>) target_semaphore(%arg21 : memref<!tpu.dma_semaphore, #tpu.memory_space<semaphore_mem>>)
        %dma_start3A_795 = arith.constant 0 : i32
        %dma_start3A_796 = arith.constant 0 : i32
        %dma_start3A_797 = tpu.memref_slice %arg6[%add3A, %add3A_786, %dma_start3A_795, %dma_start3A_796] : memref<32x125x1x80xi32, #tpu.memory_space<hbm>> -> memref<1x1x1x80xi32, #tpu.memory_space<hbm>>
        %dma_start3A_798 = tpu.memref_squeeze %dma_start3A_797 : memref<1x1x1x80xi32, #tpu.memory_space<hbm>> -> memref<1x80xi32, #tpu.memory_space<hbm>>
        %dma_start3A_799 = arith.constant 0 : i32
        %dma_start3A_800 = arith.constant 0 : i32
        %dma_start3A_801 = tpu.memref_slice %arg6[%add3A, %add3A_786, %dma_start3A_799, %dma_start3A_800] : memref<32x125x1x80xi32, #tpu.memory_space<hbm>> -> memref<1x1x1x80xi32, #tpu.memory_space<hbm>>
        %dma_start3A_802 = tpu.memref_squeeze %dma_start3A_801 : memref<1x1x1x80xi32, #tpu.memory_space<hbm>> -> memref<1x80xi32, #tpu.memory_space<hbm>>
        tpu.enqueue_dma source(%dma_start3A_802 : memref<1x80xi32, #tpu.memory_space<hbm>>) target(%arg17 : memref<1x80xi32, #tpu.memory_space<vmem>>) target_semaphore(%arg21 : memref<!tpu.dma_semaphore, #tpu.memory_space<semaphore_mem>>)
      } else {
      }
      %dma_wait3A_668 = arith.constant 0 : i32
      %dma_wait3A_669 = arith.constant 0 : i32
      %dma_wait3A_670 = tpu.memref_slice %arg11[%dma_wait3A_668, %dma_wait3A_669] : memref<1x80xi32, #tpu.memory_space<vmem>> -> memref<1x80xi32, #tpu.memory_space<vmem>>
      %dma_wait3A_671 = tpu.memref_squeeze %dma_wait3A_670 : memref<1x80xi32, #tpu.memory_space<vmem>> -> memref<80xi32, #tpu.memory_space<vmem>>
      %dma_wait3A_672 = arith.constant 0 : i32
      %dma_wait3A_673 = tpu.memref_slice %arg3[%dma_wait3A_672] : memref<10000xf32, #tpu.memory_space<hbm>> -> memref<10000xf32, #tpu.memory_space<hbm>>
      tpu.wait_indirect_dma semaphore(%arg31 : memref<!tpu.dma_semaphore, #tpu.memory_space<semaphore_mem>>) src(%dma_wait3A_673 : memref<10000xf32, #tpu.memory_space<hbm>>) dst(%arg23 : memref<80xf32, #tpu.memory_space<vmem>>)
      %dma_wait3A_674 = arith.constant 0 : i32
      %dma_wait3A_675 = arith.constant 0 : i32
      %dma_wait3A_676 = tpu.memref_slice %arg15[%dma_wait3A_674, %dma_wait3A_675] : memref<1x80xi32, #tpu.memory_space<vmem>> -> memref<1x80xi32, #tpu.memory_space<vmem>>
      %dma_wait3A_677 = tpu.memref_squeeze %dma_wait3A_676 : memref<1x80xi32, #tpu.memory_space<vmem>> -> memref<80xi32, #tpu.memory_space<vmem>>
      %dma_wait3A_678 = arith.constant 0 : i32
      %dma_wait3A_679 = tpu.memref_slice %arg4[%dma_wait3A_678] : memref<10000xf32, #tpu.memory_space<hbm>> -> memref<10000xf32, #tpu.memory_space<hbm>>
      tpu.wait_indirect_dma semaphore(%arg31 : memref<!tpu.dma_semaphore, #tpu.memory_space<semaphore_mem>>) src(%dma_wait3A_679 : memref<10000xf32, #tpu.memory_space<hbm>>) dst(%arg25 : memref<80xf32, #tpu.memory_space<vmem>>)
      %dma_wait3A_680 = arith.constant 0 : i32
      %dma_wait3A_681 = arith.constant 0 : i32
      %dma_wait3A_682 = tpu.memref_slice %arg15[%dma_wait3A_680, %dma_wait3A_681] : memref<1x80xi32, #tpu.memory_space<vmem>> -> memref<1x80xi32, #tpu.memory_space<vmem>>
      %dma_wait3A_683 = tpu.memref_squeeze %dma_wait3A_682 : memref<1x80xi32, #tpu.memory_space<vmem>> -> memref<80xi32, #tpu.memory_space<vmem>>
      %dma_wait3A_684 = arith.constant 0 : i32
      %dma_wait3A_685 = arith.constant 0 : i32
      %dma_wait3A_686 = tpu.memref_slice %arg2[%dma_wait3A_684, %dma_wait3A_685] : memref<10000x128xf32, #tpu.memory_space<hbm>> -> memref<10000x128xf32, #tpu.memory_space<hbm>>
      tpu.wait_indirect_dma semaphore(%arg31 : memref<!tpu.dma_semaphore, #tpu.memory_space<semaphore_mem>>) src(%dma_wait3A_686 : memref<10000x128xf32, #tpu.memory_space<hbm>>) dst(%arg29 : memref<80x128xf32, #tpu.memory_space<vmem>>)
      %get3A_687 = arith.constant 0 : index
      %get3A_688 = tpu.vector_load %arg23[%get3A_687] {strides = array<i32>} : memref<80xf32, #tpu.memory_space<vmem>>, vector<16xf32>,
      %get3A_689 = arith.constant 0 : index
      %get3A_690 = tpu.vector_load %arg25[%get3A_689] {strides = array<i32>} : memref<80xf32, #tpu.memory_space<vmem>>, vector<16xf32>,
      %add3A_691 = arith.addf %get3A_688, %get3A_690 : vector<16xf32>
      %ge3A_692 = arith.cmpf oge, %add3A_691, %broadcast_in_dim3A_27 : vector<16xf32>
      %mul3A_693 = arith.mulf %broadcast_in_dim3A_29, %add3A_691 : vector<16xf32>
      %select_n3A_694 = arith.select %ge3A_692, %add3A_691, %mul3A_693 : vector<16xi1>, vector<16xf32>
      %max3A_695 = arith.maximumf %select_n3A_694, %broadcast_in_dim3A_23 : vector<16xf32>
      %min3A_696 = arith.minimumf %max3A_695, %broadcast_in_dim3A_25 : vector<16xf32>
      %exp3A_697 = math.exp %min3A_696 : vector<16xf32>
      %swap3A_698 = arith.constant 0 : index
      %swap3A_699 = tpu.vector_load %arg27[%swap3A_698] {strides = array<i32>} : memref<80xf32, #tpu.memory_space<vmem>>, vector<16xf32>,
      tpu.vector_store %arg27[%swap3A_698], %exp3A_697 {strides = array<i32>} : memref<80xf32, #tpu.memory_space<vmem>>, vector<16xf32>,
      %get3A_700 = arith.constant 16 : index
      %get3A_701 = tpu.vector_load %arg23[%get3A_700] {strides = array<i32>} : memref<80xf32, #tpu.memory_space<vmem>>, vector<16xf32>,
      %get3A_702 = arith.constant 16 : index
      %get3A_703 = tpu.vector_load %arg25[%get3A_702] {strides = array<i32>} : memref<80xf32, #tpu.memory_space<vmem>>, vector<16xf32>,
      %add3A_704 = arith.addf %get3A_701, %get3A_703 : vector<16xf32>
      %ge3A_705 = arith.cmpf oge, %add3A_704, %broadcast_in_dim3A_27 : vector<16xf32>
      %mul3A_706 = arith.mulf %broadcast_in_dim3A_29, %add3A_704 : vector<16xf32>
      %select_n3A_707 = arith.select %ge3A_705, %add3A_704, %mul3A_706 : vector<16xi1>, vector<16xf32>
      %max3A_708 = arith.maximumf %select_n3A_707, %broadcast_in_dim3A_23 : vector<16xf32>
      %min3A_709 = arith.minimumf %max3A_708, %broadcast_in_dim3A_25 : vector<16xf32>
      %exp3A_710 = math.exp %min3A_709 : vector<16xf32>
      %swap3A_711 = arith.constant 16 : index
      %swap3A_712 = tpu.vector_load %arg27[%swap3A_711] {strides = array<i32>} : memref<80xf32, #tpu.memory_space<vmem>>, vector<16xf32>,
      tpu.vector_store %arg27[%swap3A_711], %exp3A_710 {strides = array<i32>} : memref<80xf32, #tpu.memory_space<vmem>>, vector<16xf32>,
      %get3A_713 = arith.constant 32 : index
      %get3A_714 = tpu.vector_load %arg23[%get3A_713] {strides = array<i32>} : memref<80xf32, #tpu.memory_space<vmem>>, vector<16xf32>,
      %get3A_715 = arith.constant 32 : index
      %get3A_716 = tpu.vector_load %arg25[%get3A_715] {strides = array<i32>} : memref<80xf32, #tpu.memory_space<vmem>>, vector<16xf32>,
      %add3A_717 = arith.addf %get3A_714, %get3A_716 : vector<16xf32>
      %ge3A_718 = arith.cmpf oge, %add3A_717, %broadcast_in_dim3A_27 : vector<16xf32>
      %mul3A_719 = arith.mulf %broadcast_in_dim3A_29, %add3A_717 : vector<16xf32>
      %select_n3A_720 = arith.select %ge3A_718, %add3A_717, %mul3A_719 : vector<16xi1>, vector<16xf32>
      %max3A_721 = arith.maximumf %select_n3A_720, %broadcast_in_dim3A_23 : vector<16xf32>
      %min3A_722 = arith.minimumf %max3A_721, %broadcast_in_dim3A_25 : vector<16xf32>
      %exp3A_723 = math.exp %min3A_722 : vector<16xf32>
      %swap3A_724 = arith.constant 32 : index
      %swap3A_725 = tpu.vector_load %arg27[%swap3A_724] {strides = array<i32>} : memref<80xf32, #tpu.memory_space<vmem>>, vector<16xf32>,
      tpu.vector_store %arg27[%swap3A_724], %exp3A_723 {strides = array<i32>} : memref<80xf32, #tpu.memory_space<vmem>>, vector<16xf32>,
      %get3A_726 = arith.constant 48 : index
      %get3A_727 = tpu.vector_load %arg23[%get3A_726] {strides = array<i32>} : memref<80xf32, #tpu.memory_space<vmem>>, vector<16xf32>,
      %get3A_728 = arith.constant 48 : index
      %get3A_729 = tpu.vector_load %arg25[%get3A_728] {strides = array<i32>} : memref<80xf32, #tpu.memory_space<vmem>>, vector<16xf32>,
      %add3A_730 = arith.addf %get3A_727, %get3A_729 : vector<16xf32>
      %ge3A_731 = arith.cmpf oge, %add3A_730, %broadcast_in_dim3A_27 : vector<16xf32>
      %mul3A_732 = arith.mulf %broadcast_in_dim3A_29, %add3A_730 : vector<16xf32>
      %select_n3A_733 = arith.select %ge3A_731, %add3A_730, %mul3A_732 : vector<16xi1>, vector<16xf32>
      %max3A_734 = arith.maximumf %select_n3A_733, %broadcast_in_dim3A_23 : vector<16xf32>
      %min3A_735 = arith.minimumf %max3A_734, %broadcast_in_dim3A_25 : vector<16xf32>
      %exp3A_736 = math.exp %min3A_735 : vector<16xf32>
      %swap3A_737 = arith.constant 48 : index
      %swap3A_738 = tpu.vector_load %arg27[%swap3A_737] {strides = array<i32>} : memref<80xf32, #tpu.memory_space<vmem>>, vector<16xf32>,
      tpu.vector_store %arg27[%swap3A_737], %exp3A_736 {strides = array<i32>} : memref<80xf32, #tpu.memory_space<vmem>>, vector<16xf32>,
      %get3A_739 = arith.constant 64 : index
      %get3A_740 = tpu.vector_load %arg23[%get3A_739] {strides = array<i32>} : memref<80xf32, #tpu.memory_space<vmem>>, vector<16xf32>,
      %get3A_741 = arith.constant 64 : index
      %get3A_742 = tpu.vector_load %arg25[%get3A_741] {strides = array<i32>} : memref<80xf32, #tpu.memory_space<vmem>>, vector<16xf32>,
      %add3A_743 = arith.addf %get3A_740, %get3A_742 : vector<16xf32>
      %ge3A_744 = arith.cmpf oge, %add3A_743, %broadcast_in_dim3A_27 : vector<16xf32>
      %mul3A_745 = arith.mulf %broadcast_in_dim3A_29, %add3A_743 : vector<16xf32>
      %select_n3A_746 = arith.select %ge3A_744, %add3A_743, %mul3A_745 : vector<16xi1>, vector<16xf32>
      %max3A_747 = arith.maximumf %select_n3A_746, %broadcast_in_dim3A_23 : vector<16xf32>
      %min3A_748 = arith.minimumf %max3A_747, %broadcast_in_dim3A_25 : vector<16xf32>
      %exp3A_749 = math.exp %min3A_748 : vector<16xf32>
      %swap3A_750 = arith.constant 64 : index
      %swap3A_751 = tpu.vector_load %arg27[%swap3A_750] {strides = array<i32>} : memref<80xf32, #tpu.memory_space<vmem>>, vector<16xf32>,
      tpu.vector_store %arg27[%swap3A_750], %exp3A_749 {strides = array<i32>} : memref<80xf32, #tpu.memory_space<vmem>>, vector<16xf32>,
      %scan3A_752 = arith.constant 0 : i32
      %scan3A_753 = arith.constant 0 : i32
      %scan3A_754 = arith.constant 20 : i32
      %scan3A_755 = arith.addi %scan3A_753, %scan3A_754 : i32
      %scan3A_756 = arith.constant 1 : i32
      scf.for %scan3A_785 = %scan3A_753 to %scan3A_755 step %scan3A_756  : i32 {
        %mul3A_786 = arith.constant 4 : i32
        %mul3A_787 = arith.muli %mul3A_786, %scan3A_785 : i32
        %add3A_788 = arith.constant 0 : i32
        %add3A_789 = arith.addi %mul3A_787, %add3A_788 : i32
        %broadcast_in_dim3A_790 = vector.broadcast %add3A_789 : i32 to vector<16xi32>
        %gather3A = tpu.vector_load_idx %arg27[%broadcast_in_dim3A_790] : memref<80xf32, #tpu.memory_space<vmem>>[vector<16xi32>], vector<16xf32>,
        %get3A_791 = arith.index_cast %add3A_789 : i32 to index
        %get3A_792 = arith.constant 0 : index
        %get3A_793 = tpu.vector_load %arg29[%get3A_791, %get3A_792] {strides = array<i32>} : memref<80x128xf32, #tpu.memory_space<vmem>>, vector<16xf32>,
        %mul3A_794 = arith.mulf %get3A_793, %gather3A : vector<16xf32>
        %swap3A_795 = arith.index_cast %add3A_789 : i32 to index
        %swap3A_796 = arith.constant 0 : index
        %swap3A_797 = tpu.vector_load %arg29[%swap3A_795, %swap3A_796] {strides = array<i32>} : memref<80x128xf32, #tpu.memory_space<vmem>>, vector<16xf32>,
        tpu.vector_store %arg29[%swap3A_795, %swap3A_796], %mul3A_794 {strides = array<i32>} : memref<80x128xf32, #tpu.memory_space<vmem>>, vector<16xf32>,
        %get3A_798 = arith.index_cast %add3A_789 : i32 to index
        %get3A_799 = arith.constant 16 : index
        %get3A_800 = tpu.vector_load %arg29[%get3A_798, %get3A_799] {strides = array<i32>} : memref<80x128xf32, #tpu.memory_space<vmem>>, vector<16xf32>,
        %mul3A_801 = arith.mulf %get3A_800, %gather3A : vector<16xf32>
        %swap3A_802 = arith.index_cast %add3A_789 : i32 to index
        %swap3A_803 = arith.constant 16 : index
        %swap3A_804 = tpu.vector_load %arg29[%swap3A_802, %swap3A_803] {strides = array<i32>} : memref<80x128xf32, #tpu.memory_space<vmem>>, vector<16xf32>,
        tpu.vector_store %arg29[%swap3A_802, %swap3A_803], %mul3A_801 {strides = array<i32>} : memref<80x128xf32, #tpu.memory_space<vmem>>, vector<16xf32>,
        %get3A_805 = arith.index_cast %add3A_789 : i32 to index
        %get3A_806 = arith.constant 32 : index
        %get3A_807 = tpu.vector_load %arg29[%get3A_805, %get3A_806] {strides = array<i32>} : memref<80x128xf32, #tpu.memory_space<vmem>>, vector<16xf32>,
        %mul3A_808 = arith.mulf %get3A_807, %gather3A : vector<16xf32>
        %swap3A_809 = arith.index_cast %add3A_789 : i32 to index
        %swap3A_810 = arith.constant 32 : index
        %swap3A_811 = tpu.vector_load %arg29[%swap3A_809, %swap3A_810] {strides = array<i32>} : memref<80x128xf32, #tpu.memory_space<vmem>>, vector<16xf32>,
        tpu.vector_store %arg29[%swap3A_809, %swap3A_810], %mul3A_808 {strides = array<i32>} : memref<80x128xf32, #tpu.memory_space<vmem>>, vector<16xf32>,
        %get3A_812 = arith.index_cast %add3A_789 : i32 to index
        %get3A_813 = arith.constant 48 : index
        %get3A_814 = tpu.vector_load %arg29[%get3A_812, %get3A_813] {strides = array<i32>} : memref<80x128xf32, #tpu.memory_space<vmem>>, vector<16xf32>,
        %mul3A_815 = arith.mulf %get3A_814, %gather3A : vector<16xf32>
        %swap3A_816 = arith.index_cast %add3A_789 : i32 to index
        %swap3A_817 = arith.constant 48 : index
        %swap3A_818 = tpu.vector_load %arg29[%swap3A_816, %swap3A_817] {strides = array<i32>} : memref<80x128xf32, #tpu.memory_space<vmem>>, vector<16xf32>,
        tpu.vector_store %arg29[%swap3A_816, %swap3A_817], %mul3A_815 {strides = array<i32>} : memref<80x128xf32, #tpu.memory_space<vmem>>, vector<16xf32>,
        %get3A_819 = arith.index_cast %add3A_789 : i32 to index
        %get3A_820 = arith.constant 64 : index
        %get3A_821 = tpu.vector_load %arg29[%get3A_819, %get3A_820] {strides = array<i32>} : memref<80x128xf32, #tpu.memory_space<vmem>>, vector<16xf32>,
        %mul3A_822 = arith.mulf %get3A_821, %gather3A : vector<16xf32>
        %swap3A_823 = arith.index_cast %add3A_789 : i32 to index
        %swap3A_824 = arith.constant 64 : index
        %swap3A_825 = tpu.vector_load %arg29[%swap3A_823, %swap3A_824] {strides = array<i32>} : memref<80x128xf32, #tpu.memory_space<vmem>>, vector<16xf32>,
        tpu.vector_store %arg29[%swap3A_823, %swap3A_824], %mul3A_822 {strides = array<i32>} : memref<80x128xf32, #tpu.memory_space<vmem>>, vector<16xf32>,
        %get3A_826 = arith.index_cast %add3A_789 : i32 to index
        %get3A_827 = arith.constant 80 : index
        %get3A_828 = tpu.vector_load %arg29[%get3A_826, %get3A_827] {strides = array<i32>} : memref<80x128xf32, #tpu.memory_space<vmem>>, vector<16xf32>,
        %mul3A_829 = arith.mulf %get3A_828, %gather3A : vector<16xf32>
        %swap3A_830 = arith.index_cast %add3A_789 : i32 to index
        %swap3A_831 = arith.constant 80 : index
        %swap3A_832 = tpu.vector_load %arg29[%swap3A_830, %swap3A_831] {strides = array<i32>} : memref<80x128xf32, #tpu.memory_space<vmem>>, vector<16xf32>,
        tpu.vector_store %arg29[%swap3A_830, %swap3A_831], %mul3A_829 {strides = array<i32>} : memref<80x128xf32, #tpu.memory_space<vmem>>, vector<16xf32>,
        %get3A_833 = arith.index_cast %add3A_789 : i32 to index
        %get3A_834 = arith.constant 96 : index
        %get3A_835 = tpu.vector_load %arg29[%get3A_833, %get3A_834] {strides = array<i32>} : memref<80x128xf32, #tpu.memory_space<vmem>>, vector<16xf32>,
        %mul3A_836 = arith.mulf %get3A_835, %gather3A : vector<16xf32>
        %swap3A_837 = arith.index_cast %add3A_789 : i32 to index
        %swap3A_838 = arith.constant 96 : index
        %swap3A_839 = tpu.vector_load %arg29[%swap3A_837, %swap3A_838] {strides = array<i32>} : memref<80x128xf32, #tpu.memory_space<vmem>>, vector<16xf32>,
        tpu.vector_store %arg29[%swap3A_837, %swap3A_838], %mul3A_836 {strides = array<i32>} : memref<80x128xf32, #tpu.memory_space<vmem>>, vector<16xf32>,
        %get3A_840 = arith.index_cast %add3A_789 : i32 to index
        %get3A_841 = arith.constant 112 : index
        %get3A_842 = tpu.vector_load %arg29[%get3A_840, %get3A_841] {strides = array<i32>} : memref<80x128xf32, #tpu.memory_space<vmem>>, vector<16xf32>,
        %mul3A_843 = arith.mulf %get3A_842, %gather3A : vector<16xf32>
        %swap3A_844 = arith.index_cast %add3A_789 : i32 to index
        %swap3A_845 = arith.constant 112 : index
        %swap3A_846 = tpu.vector_load %arg29[%swap3A_844, %swap3A_845] {strides = array<i32>} : memref<80x128xf32, #tpu.memory_space<vmem>>, vector<16xf32>,
        tpu.vector_store %arg29[%swap3A_844, %swap3A_845], %mul3A_843 {strides = array<i32>} : memref<80x128xf32, #tpu.memory_space<vmem>>, vector<16xf32>,
        %mul3A_847 = arith.constant 4 : i32
        %mul3A_848 = arith.muli %mul3A_847, %scan3A_785 : i32
        %add3A_849 = arith.constant 1 : i32
        %add3A_850 = arith.addi %mul3A_848, %add3A_849 : i32
        %broadcast_in_dim3A_851 = vector.broadcast %add3A_850 : i32 to vector<16xi32>
        %gather3A_852 = tpu.vector_load_idx %arg27[%broadcast_in_dim3A_851] : memref<80xf32, #tpu.memory_space<vmem>>[vector<16xi32>], vector<16xf32>,
        %get3A_853 = arith.index_cast %add3A_850 : i32 to index
        %get3A_854 = arith.constant 0 : index
        %get3A_855 = tpu.vector_load %arg29[%get3A_853, %get3A_854] {strides = array<i32>} : memref<80x128xf32, #tpu.memory_space<vmem>>, vector<16xf32>,
        %mul3A_856 = arith.mulf %get3A_855, %gather3A_852 : vector<16xf32>
        %swap3A_857 = arith.index_cast %add3A_850 : i32 to index
        %swap3A_858 = arith.constant 0 : index
        %swap3A_859 = tpu.vector_load %arg29[%swap3A_857, %swap3A_858] {strides = array<i32>} : memref<80x128xf32, #tpu.memory_space<vmem>>, vector<16xf32>,
        tpu.vector_store %arg29[%swap3A_857, %swap3A_858], %mul3A_856 {strides = array<i32>} : memref<80x128xf32, #tpu.memory_space<vmem>>, vector<16xf32>,
        %get3A_860 = arith.index_cast %add3A_850 : i32 to index
        %get3A_861 = arith.constant 16 : index
        %get3A_862 = tpu.vector_load %arg29[%get3A_860, %get3A_861] {strides = array<i32>} : memref<80x128xf32, #tpu.memory_space<vmem>>, vector<16xf32>,
        %mul3A_863 = arith.mulf %get3A_862, %gather3A_852 : vector<16xf32>
        %swap3A_864 = arith.index_cast %add3A_850 : i32 to index
        %swap3A_865 = arith.constant 16 : index
        %swap3A_866 = tpu.vector_load %arg29[%swap3A_864, %swap3A_865] {strides = array<i32>} : memref<80x128xf32, #tpu.memory_space<vmem>>, vector<16xf32>,
        tpu.vector_store %arg29[%swap3A_864, %swap3A_865], %mul3A_863 {strides = array<i32>} : memref<80x128xf32, #tpu.memory_space<vmem>>, vector<16xf32>,
        %get3A_867 = arith.index_cast %add3A_850 : i32 to index
        %get3A_868 = arith.constant 32 : index
        %get3A_869 = tpu.vector_load %arg29[%get3A_867, %get3A_868] {strides = array<i32>} : memref<80x128xf32, #tpu.memory_space<vmem>>, vector<16xf32>,
        %mul3A_870 = arith.mulf %get3A_869, %gather3A_852 : vector<16xf32>
        %swap3A_871 = arith.index_cast %add3A_850 : i32 to index
        %swap3A_872 = arith.constant 32 : index
        %swap3A_873 = tpu.vector_load %arg29[%swap3A_871, %swap3A_872] {strides = array<i32>} : memref<80x128xf32, #tpu.memory_space<vmem>>, vector<16xf32>,
        tpu.vector_store %arg29[%swap3A_871, %swap3A_872], %mul3A_870 {strides = array<i32>} : memref<80x128xf32, #tpu.memory_space<vmem>>, vector<16xf32>,
        %get3A_874 = arith.index_cast %add3A_850 : i32 to index
        %get3A_875 = arith.constant 48 : index
        %get3A_876 = tpu.vector_load %arg29[%get3A_874, %get3A_875] {strides = array<i32>} : memref<80x128xf32, #tpu.memory_space<vmem>>, vector<16xf32>,
        %mul3A_877 = arith.mulf %get3A_876, %gather3A_852 : vector<16xf32>
        %swap3A_878 = arith.index_cast %add3A_850 : i32 to index
        %swap3A_879 = arith.constant 48 : index
        %swap3A_880 = tpu.vector_load %arg29[%swap3A_878, %swap3A_879] {strides = array<i32>} : memref<80x128xf32, #tpu.memory_space<vmem>>, vector<16xf32>,
        tpu.vector_store %arg29[%swap3A_878, %swap3A_879], %mul3A_877 {strides = array<i32>} : memref<80x128xf32, #tpu.memory_space<vmem>>, vector<16xf32>,
        %get3A_881 = arith.index_cast %add3A_850 : i32 to index
        %get3A_882 = arith.constant 64 : index
        %get3A_883 = tpu.vector_load %arg29[%get3A_881, %get3A_882] {strides = array<i32>} : memref<80x128xf32, #tpu.memory_space<vmem>>, vector<16xf32>,
        %mul3A_884 = arith.mulf %get3A_883, %gather3A_852 : vector<16xf32>
        %swap3A_885 = arith.index_cast %add3A_850 : i32 to index
        %swap3A_886 = arith.constant 64 : index
        %swap3A_887 = tpu.vector_load %arg29[%swap3A_885, %swap3A_886] {strides = array<i32>} : memref<80x128xf32, #tpu.memory_space<vmem>>, vector<16xf32>,
        tpu.vector_store %arg29[%swap3A_885, %swap3A_886], %mul3A_884 {strides = array<i32>} : memref<80x128xf32, #tpu.memory_space<vmem>>, vector<16xf32>,
        %get3A_888 = arith.index_cast %add3A_850 : i32 to index
        %get3A_889 = arith.constant 80 : index
        %get3A_890 = tpu.vector_load %arg29[%get3A_888, %get3A_889] {strides = array<i32>} : memref<80x128xf32, #tpu.memory_space<vmem>>, vector<16xf32>,
        %mul3A_891 = arith.mulf %get3A_890, %gather3A_852 : vector<16xf32>
        %swap3A_892 = arith.index_cast %add3A_850 : i32 to index
        %swap3A_893 = arith.constant 80 : index
        %swap3A_894 = tpu.vector_load %arg29[%swap3A_892, %swap3A_893] {strides = array<i32>} : memref<80x128xf32, #tpu.memory_space<vmem>>, vector<16xf32>,
        tpu.vector_store %arg29[%swap3A_892, %swap3A_893], %mul3A_891 {strides = array<i32>} : memref<80x128xf32, #tpu.memory_space<vmem>>, vector<16xf32>,
        %get3A_895 = arith.index_cast %add3A_850 : i32 to index
        %get3A_896 = arith.constant 96 : index
        %get3A_897 = tpu.vector_load %arg29[%get3A_895, %get3A_896] {strides = array<i32>} : memref<80x128xf32, #tpu.memory_space<vmem>>, vector<16xf32>,
        %mul3A_898 = arith.mulf %get3A_897, %gather3A_852 : vector<16xf32>
        %swap3A_899 = arith.index_cast %add3A_850 : i32 to index
        %swap3A_900 = arith.constant 96 : index
        %swap3A_901 = tpu.vector_load %arg29[%swap3A_899, %swap3A_900] {strides = array<i32>} : memref<80x128xf32, #tpu.memory_space<vmem>>, vector<16xf32>,
        tpu.vector_store %arg29[%swap3A_899, %swap3A_900], %mul3A_898 {strides = array<i32>} : memref<80x128xf32, #tpu.memory_space<vmem>>, vector<16xf32>,
        %get3A_902 = arith.index_cast %add3A_850 : i32 to index
        %get3A_903 = arith.constant 112 : index
        %get3A_904 = tpu.vector_load %arg29[%get3A_902, %get3A_903] {strides = array<i32>} : memref<80x128xf32, #tpu.memory_space<vmem>>, vector<16xf32>,
        %mul3A_905 = arith.mulf %get3A_904, %gather3A_852 : vector<16xf32>
        %swap3A_906 = arith.index_cast %add3A_850 : i32 to index
        %swap3A_907 = arith.constant 112 : index
        %swap3A_908 = tpu.vector_load %arg29[%swap3A_906, %swap3A_907] {strides = array<i32>} : memref<80x128xf32, #tpu.memory_space<vmem>>, vector<16xf32>,
        tpu.vector_store %arg29[%swap3A_906, %swap3A_907], %mul3A_905 {strides = array<i32>} : memref<80x128xf32, #tpu.memory_space<vmem>>, vector<16xf32>,
        %mul3A_909 = arith.constant 4 : i32
        %mul3A_910 = arith.muli %mul3A_909, %scan3A_785 : i32
        %add3A_911 = arith.constant 2 : i32
        %add3A_912 = arith.addi %mul3A_910, %add3A_911 : i32
        %broadcast_in_dim3A_913 = vector.broadcast %add3A_912 : i32 to vector<16xi32>
        %gather3A_914 = tpu.vector_load_idx %arg27[%broadcast_in_dim3A_913] : memref<80xf32, #tpu.memory_space<vmem>>[vector<16xi32>], vector<16xf32>,
        %get3A_915 = arith.index_cast %add3A_912 : i32 to index
        %get3A_916 = arith.constant 0 : index
        %get3A_917 = tpu.vector_load %arg29[%get3A_915, %get3A_916] {strides = array<i32>} : memref<80x128xf32, #tpu.memory_space<vmem>>, vector<16xf32>,
        %mul3A_918 = arith.mulf %get3A_917, %gather3A_914 : vector<16xf32>
        %swap3A_919 = arith.index_cast %add3A_912 : i32 to index
        %swap3A_920 = arith.constant 0 : index
        %swap3A_921 = tpu.vector_load %arg29[%swap3A_919, %swap3A_920] {strides = array<i32>} : memref<80x128xf32, #tpu.memory_space<vmem>>, vector<16xf32>,
        tpu.vector_store %arg29[%swap3A_919, %swap3A_920], %mul3A_918 {strides = array<i32>} : memref<80x128xf32, #tpu.memory_space<vmem>>, vector<16xf32>,
        %get3A_922 = arith.index_cast %add3A_912 : i32 to index
        %get3A_923 = arith.constant 16 : index
        %get3A_924 = tpu.vector_load %arg29[%get3A_922, %get3A_923] {strides = array<i32>} : memref<80x128xf32, #tpu.memory_space<vmem>>, vector<16xf32>,
        %mul3A_925 = arith.mulf %get3A_924, %gather3A_914 : vector<16xf32>
        %swap3A_926 = arith.index_cast %add3A_912 : i32 to index
        %swap3A_927 = arith.constant 16 : index
        %swap3A_928 = tpu.vector_load %arg29[%swap3A_926, %swap3A_927] {strides = array<i32>} : memref<80x128xf32, #tpu.memory_space<vmem>>, vector<16xf32>,
        tpu.vector_store %arg29[%swap3A_926, %swap3A_927], %mul3A_925 {strides = array<i32>} : memref<80x128xf32, #tpu.memory_space<vmem>>, vector<16xf32>,
        %get3A_929 = arith.index_cast %add3A_912 : i32 to index
        %get3A_930 = arith.constant 32 : index
        %get3A_931 = tpu.vector_load %arg29[%get3A_929, %get3A_930] {strides = array<i32>} : memref<80x128xf32, #tpu.memory_space<vmem>>, vector<16xf32>,
        %mul3A_932 = arith.mulf %get3A_931, %gather3A_914 : vector<16xf32>
        %swap3A_933 = arith.index_cast %add3A_912 : i32 to index
        %swap3A_934 = arith.constant 32 : index
        %swap3A_935 = tpu.vector_load %arg29[%swap3A_933, %swap3A_934] {strides = array<i32>} : memref<80x128xf32, #tpu.memory_space<vmem>>, vector<16xf32>,
        tpu.vector_store %arg29[%swap3A_933, %swap3A_934], %mul3A_932 {strides = array<i32>} : memref<80x128xf32, #tpu.memory_space<vmem>>, vector<16xf32>,
        %get3A_936 = arith.index_cast %add3A_912 : i32 to index
        %get3A_937 = arith.constant 48 : index
        %get3A_938 = tpu.vector_load %arg29[%get3A_936, %get3A_937] {strides = array<i32>} : memref<80x128xf32, #tpu.memory_space<vmem>>, vector<16xf32>,
        %mul3A_939 = arith.mulf %get3A_938, %gather3A_914 : vector<16xf32>
        %swap3A_940 = arith.index_cast %add3A_912 : i32 to index
        %swap3A_941 = arith.constant 48 : index
        %swap3A_942 = tpu.vector_load %arg29[%swap3A_940, %swap3A_941] {strides = array<i32>} : memref<80x128xf32, #tpu.memory_space<vmem>>, vector<16xf32>,
        tpu.vector_store %arg29[%swap3A_940, %swap3A_941], %mul3A_939 {strides = array<i32>} : memref<80x128xf32, #tpu.memory_space<vmem>>, vector<16xf32>,
        %get3A_943 = arith.index_cast %add3A_912 : i32 to index
        %get3A_944 = arith.constant 64 : index
        %get3A_945 = tpu.vector_load %arg29[%get3A_943, %get3A_944] {strides = array<i32>} : memref<80x128xf32, #tpu.memory_space<vmem>>, vector<16xf32>,
        %mul3A_946 = arith.mulf %get3A_945, %gather3A_914 : vector<16xf32>
        %swap3A_947 = arith.index_cast %add3A_912 : i32 to index
        %swap3A_948 = arith.constant 64 : index
        %swap3A_949 = tpu.vector_load %arg29[%swap3A_947, %swap3A_948] {strides = array<i32>} : memref<80x128xf32, #tpu.memory_space<vmem>>, vector<16xf32>,
        tpu.vector_store %arg29[%swap3A_947, %swap3A_948], %mul3A_946 {strides = array<i32>} : memref<80x128xf32, #tpu.memory_space<vmem>>, vector<16xf32>,
        %get3A_950 = arith.index_cast %add3A_912 : i32 to index
        %get3A_951 = arith.constant 80 : index
        %get3A_952 = tpu.vector_load %arg29[%get3A_950, %get3A_951] {strides = array<i32>} : memref<80x128xf32, #tpu.memory_space<vmem>>, vector<16xf32>,
        %mul3A_953 = arith.mulf %get3A_952, %gather3A_914 : vector<16xf32>
        %swap3A_954 = arith.index_cast %add3A_912 : i32 to index
        %swap3A_955 = arith.constant 80 : index
        %swap3A_956 = tpu.vector_load %arg29[%swap3A_954, %swap3A_955] {strides = array<i32>} : memref<80x128xf32, #tpu.memory_space<vmem>>, vector<16xf32>,
        tpu.vector_store %arg29[%swap3A_954, %swap3A_955], %mul3A_953 {strides = array<i32>} : memref<80x128xf32, #tpu.memory_space<vmem>>, vector<16xf32>,
        %get3A_957 = arith.index_cast %add3A_912 : i32 to index
        %get3A_958 = arith.constant 96 : index
        %get3A_959 = tpu.vector_load %arg29[%get3A_957, %get3A_958] {strides = array<i32>} : memref<80x128xf32, #tpu.memory_space<vmem>>, vector<16xf32>,
        %mul3A_960 = arith.mulf %get3A_959, %gather3A_914 : vector<16xf32>
        %swap3A_961 = arith.index_cast %add3A_912 : i32 to index
        %swap3A_962 = arith.constant 96 : index
        %swap3A_963 = tpu.vector_load %arg29[%swap3A_961, %swap3A_962] {strides = array<i32>} : memref<80x128xf32, #tpu.memory_space<vmem>>, vector<16xf32>,
        tpu.vector_store %arg29[%swap3A_961, %swap3A_962], %mul3A_960 {strides = array<i32>} : memref<80x128xf32, #tpu.memory_space<vmem>>, vector<16xf32>,
        %get3A_964 = arith.index_cast %add3A_912 : i32 to index
        %get3A_965 = arith.constant 112 : index
        %get3A_966 = tpu.vector_load %arg29[%get3A_964, %get3A_965] {strides = array<i32>} : memref<80x128xf32, #tpu.memory_space<vmem>>, vector<16xf32>,
        %mul3A_967 = arith.mulf %get3A_966, %gather3A_914 : vector<16xf32>
        %swap3A_968 = arith.index_cast %add3A_912 : i32 to index
        %swap3A_969 = arith.constant 112 : index
        %swap3A_970 = tpu.vector_load %arg29[%swap3A_968, %swap3A_969] {strides = array<i32>} : memref<80x128xf32, #tpu.memory_space<vmem>>, vector<16xf32>,
        tpu.vector_store %arg29[%swap3A_968, %swap3A_969], %mul3A_967 {strides = array<i32>} : memref<80x128xf32, #tpu.memory_space<vmem>>, vector<16xf32>,
        %mul3A_971 = arith.constant 4 : i32
        %mul3A_972 = arith.muli %mul3A_971, %scan3A_785 : i32
        %add3A_973 = arith.constant 3 : i32
        %add3A_974 = arith.addi %mul3A_972, %add3A_973 : i32
        %broadcast_in_dim3A_975 = vector.broadcast %add3A_974 : i32 to vector<16xi32>
        %gather3A_976 = tpu.vector_load_idx %arg27[%broadcast_in_dim3A_975] : memref<80xf32, #tpu.memory_space<vmem>>[vector<16xi32>], vector<16xf32>,
        %get3A_977 = arith.index_cast %add3A_974 : i32 to index
        %get3A_978 = arith.constant 0 : index
        %get3A_979 = tpu.vector_load %arg29[%get3A_977, %get3A_978] {strides = array<i32>} : memref<80x128xf32, #tpu.memory_space<vmem>>, vector<16xf32>,
        %mul3A_980 = arith.mulf %get3A_979, %gather3A_976 : vector<16xf32>
        %swap3A_981 = arith.index_cast %add3A_974 : i32 to index
        %swap3A_982 = arith.constant 0 : index
        %swap3A_983 = tpu.vector_load %arg29[%swap3A_981, %swap3A_982] {strides = array<i32>} : memref<80x128xf32, #tpu.memory_space<vmem>>, vector<16xf32>,
        tpu.vector_store %arg29[%swap3A_981, %swap3A_982], %mul3A_980 {strides = array<i32>} : memref<80x128xf32, #tpu.memory_space<vmem>>, vector<16xf32>,
        %get3A_984 = arith.index_cast %add3A_974 : i32 to index
        %get3A_985 = arith.constant 16 : index
        %get3A_986 = tpu.vector_load %arg29[%get3A_984, %get3A_985] {strides = array<i32>} : memref<80x128xf32, #tpu.memory_space<vmem>>, vector<16xf32>,
        %mul3A_987 = arith.mulf %get3A_986, %gather3A_976 : vector<16xf32>
        %swap3A_988 = arith.index_cast %add3A_974 : i32 to index
        %swap3A_989 = arith.constant 16 : index
        %swap3A_990 = tpu.vector_load %arg29[%swap3A_988, %swap3A_989] {strides = array<i32>} : memref<80x128xf32, #tpu.memory_space<vmem>>, vector<16xf32>,
        tpu.vector_store %arg29[%swap3A_988, %swap3A_989], %mul3A_987 {strides = array<i32>} : memref<80x128xf32, #tpu.memory_space<vmem>>, vector<16xf32>,
        %get3A_991 = arith.index_cast %add3A_974 : i32 to index
        %get3A_992 = arith.constant 32 : index
        %get3A_993 = tpu.vector_load %arg29[%get3A_991, %get3A_992] {strides = array<i32>} : memref<80x128xf32, #tpu.memory_space<vmem>>, vector<16xf32>,
        %mul3A_994 = arith.mulf %get3A_993, %gather3A_976 : vector<16xf32>
        %swap3A_995 = arith.index_cast %add3A_974 : i32 to index
        %swap3A_996 = arith.constant 32 : index
        %swap3A_997 = tpu.vector_load %arg29[%swap3A_995, %swap3A_996] {strides = array<i32>} : memref<80x128xf32, #tpu.memory_space<vmem>>, vector<16xf32>,
        tpu.vector_store %arg29[%swap3A_995, %swap3A_996], %mul3A_994 {strides = array<i32>} : memref<80x128xf32, #tpu.memory_space<vmem>>, vector<16xf32>,
        %get3A_998 = arith.index_cast %add3A_974 : i32 to index
        %get3A_999 = arith.constant 48 : index
        %get3A_1000 = tpu.vector_load %arg29[%get3A_998, %get3A_999] {strides = array<i32>} : memref<80x128xf32, #tpu.memory_space<vmem>>, vector<16xf32>,
        %mul3A_1001 = arith.mulf %get3A_1000, %gather3A_976 : vector<16xf32>
        %swap3A_1002 = arith.index_cast %add3A_974 : i32 to index
        %swap3A_1003 = arith.constant 48 : index
        %swap3A_1004 = tpu.vector_load %arg29[%swap3A_1002, %swap3A_1003] {strides = array<i32>} : memref<80x128xf32, #tpu.memory_space<vmem>>, vector<16xf32>,
        tpu.vector_store %arg29[%swap3A_1002, %swap3A_1003], %mul3A_1001 {strides = array<i32>} : memref<80x128xf32, #tpu.memory_space<vmem>>, vector<16xf32>,
        %get3A_1005 = arith.index_cast %add3A_974 : i32 to index
        %get3A_1006 = arith.constant 64 : index
        %get3A_1007 = tpu.vector_load %arg29[%get3A_1005, %get3A_1006] {strides = array<i32>} : memref<80x128xf32, #tpu.memory_space<vmem>>, vector<16xf32>,
        %mul3A_1008 = arith.mulf %get3A_1007, %gather3A_976 : vector<16xf32>
        %swap3A_1009 = arith.index_cast %add3A_974 : i32 to index
        %swap3A_1010 = arith.constant 64 : index
        %swap3A_1011 = tpu.vector_load %arg29[%swap3A_1009, %swap3A_1010] {strides = array<i32>} : memref<80x128xf32, #tpu.memory_space<vmem>>, vector<16xf32>,
        tpu.vector_store %arg29[%swap3A_1009, %swap3A_1010], %mul3A_1008 {strides = array<i32>} : memref<80x128xf32, #tpu.memory_space<vmem>>, vector<16xf32>,
        %get3A_1012 = arith.index_cast %add3A_974 : i32 to index
        %get3A_1013 = arith.constant 80 : index
        %get3A_1014 = tpu.vector_load %arg29[%get3A_1012, %get3A_1013] {strides = array<i32>} : memref<80x128xf32, #tpu.memory_space<vmem>>, vector<16xf32>,
        %mul3A_1015 = arith.mulf %get3A_1014, %gather3A_976 : vector<16xf32>
        %swap3A_1016 = arith.index_cast %add3A_974 : i32 to index
        %swap3A_1017 = arith.constant 80 : index
        %swap3A_1018 = tpu.vector_load %arg29[%swap3A_1016, %swap3A_1017] {strides = array<i32>} : memref<80x128xf32, #tpu.memory_space<vmem>>, vector<16xf32>,
        tpu.vector_store %arg29[%swap3A_1016, %swap3A_1017], %mul3A_1015 {strides = array<i32>} : memref<80x128xf32, #tpu.memory_space<vmem>>, vector<16xf32>,
        %get3A_1019 = arith.index_cast %add3A_974 : i32 to index
        %get3A_1020 = arith.constant 96 : index
        %get3A_1021 = tpu.vector_load %arg29[%get3A_1019, %get3A_1020] {strides = array<i32>} : memref<80x128xf32, #tpu.memory_space<vmem>>, vector<16xf32>,
        %mul3A_1022 = arith.mulf %get3A_1021, %gather3A_976 : vector<16xf32>
        %swap3A_1023 = arith.index_cast %add3A_974 : i32 to index
        %swap3A_1024 = arith.constant 96 : index
        %swap3A_1025 = tpu.vector_load %arg29[%swap3A_1023, %swap3A_1024] {strides = array<i32>} : memref<80x128xf32, #tpu.memory_space<vmem>>, vector<16xf32>,
        tpu.vector_store %arg29[%swap3A_1023, %swap3A_1024], %mul3A_1022 {strides = array<i32>} : memref<80x128xf32, #tpu.memory_space<vmem>>, vector<16xf32>,
        %get3A_1026 = arith.index_cast %add3A_974 : i32 to index
        %get3A_1027 = arith.constant 112 : index
        %get3A_1028 = tpu.vector_load %arg29[%get3A_1026, %get3A_1027] {strides = array<i32>} : memref<80x128xf32, #tpu.memory_space<vmem>>, vector<16xf32>,
        %mul3A_1029 = arith.mulf %get3A_1028, %gather3A_976 : vector<16xf32>
        %swap3A_1030 = arith.index_cast %add3A_974 : i32 to index
        %swap3A_1031 = arith.constant 112 : index
        %swap3A_1032 = tpu.vector_load %arg29[%swap3A_1030, %swap3A_1031] {strides = array<i32>} : memref<80x128xf32, #tpu.memory_space<vmem>>, vector<16xf32>,
        tpu.vector_store %arg29[%swap3A_1030, %swap3A_1031], %mul3A_1029 {strides = array<i32>} : memref<80x128xf32, #tpu.memory_space<vmem>>, vector<16xf32>,
      }
      %scan3A_757 = arith.constant 20 : i32
      %dma_start3A_758 = arith.constant 0 : i32
      %dma_start3A_759 = arith.constant 0 : i32
      %dma_start3A_760 = tpu.memref_slice %arg11[%dma_start3A_758, %dma_start3A_759] : memref<1x80xi32, #tpu.memory_space<vmem>> -> memref<1x80xi32, #tpu.memory_space<vmem>>
      %dma_start3A_761 = tpu.memref_squeeze %dma_start3A_760 : memref<1x80xi32, #tpu.memory_space<vmem>> -> memref<80xi32, #tpu.memory_space<vmem>>
      %dma_start3A_762 = arith.constant 0 : i32
      %dma_start3A_763 = arith.constant 0 : i32
      %dma_start3A_764 = tpu.memref_slice %arg35[%dma_start3A_762, %dma_start3A_763] : memref<10240x128xf32, #tpu.memory_space<vmem_shared>> -> memref<10240x128xf32, #tpu.memory_space<vmem_shared>>
      tpu.enqueue_indirect_dma source(%arg29 : memref<80x128xf32, #tpu.memory_space<vmem>>) target(%dma_start3A_764 : memref<10240x128xf32, #tpu.memory_space<vmem_shared>>) offsets(%dma_start3A_761 : memref<80xi32, #tpu.memory_space<vmem>>) semaphore(%arg33 : memref<!tpu.dma_semaphore, #tpu.memory_space<semaphore_mem>>) {add = true}
      %dma_start3A_765 = arith.constant 0 : i32
      %dma_start3A_766 = arith.constant 0 : i32
      %dma_start3A_767 = tpu.memref_slice %arg11[%dma_start3A_765, %dma_start3A_766] : memref<1x80xi32, #tpu.memory_space<vmem>> -> memref<1x80xi32, #tpu.memory_space<vmem>>
      %dma_start3A_768 = tpu.memref_squeeze %dma_start3A_767 : memref<1x80xi32, #tpu.memory_space<vmem>> -> memref<80xi32, #tpu.memory_space<vmem>>
      %dma_start3A_769 = arith.constant 0 : i32
      %dma_start3A_770 = tpu.memref_slice %arg36[%dma_start3A_769] : memref<10240xf32, #tpu.memory_space<vmem_shared>> -> memref<10240xf32, #tpu.memory_space<vmem_shared>>
      tpu.enqueue_indirect_dma source(%arg27 : memref<80xf32, #tpu.memory_space<vmem>>) target(%dma_start3A_770 : memref<10240xf32, #tpu.memory_space<vmem_shared>>) offsets(%dma_start3A_768 : memref<80xi32, #tpu.memory_space<vmem>>) semaphore(%arg33 : memref<!tpu.dma_semaphore, #tpu.memory_space<semaphore_mem>>) {add = true}
      %sub3A_771 = arith.constant 1 : i32
      %sub3A_772 = arith.subi %add3A_660, %sub3A_771 : i32
      %ge3A_773 = arith.constant 0 : i32
      %ge3A_774 = arith.cmpi sge, %sub3A_772, %ge3A_773 : i32
      %convert_element_type3A_775 = arith.extui %ge3A_774 : i1 to i32
      %cond3A_776 = arith.constant 0 : i32
      %cond3A_777 = arith.cmpi ne, %convert_element_type3A_775, %cond3A_776 : i32
      scf.if %cond3A_777 {
        %dma_wait3A_785 = arith.constant 0 : i32
        %dma_wait3A_786 = arith.constant 0 : i32
        %dma_wait3A_787 = tpu.memref_slice %arg14[%dma_wait3A_785, %dma_wait3A_786] : memref<1x80xi32, #tpu.memory_space<vmem>> -> memref<1x80xi32, #tpu.memory_space<vmem>>
        %dma_wait3A_788 = tpu.memref_squeeze %dma_wait3A_787 : memref<1x80xi32, #tpu.memory_space<vmem>> -> memref<80xi32, #tpu.memory_space<vmem>>
        %dma_wait3A_789 = arith.constant 0 : i32
        %dma_wait3A_790 = arith.constant 0 : i32
        %dma_wait3A_791 = tpu.memref_slice %arg35[%dma_wait3A_789, %dma_wait3A_790] : memref<10240x128xf32, #tpu.memory_space<vmem_shared>> -> memref<10240x128xf32, #tpu.memory_space<vmem_shared>>
        tpu.wait_indirect_dma semaphore(%arg34 : memref<!tpu.dma_semaphore, #tpu.memory_space<semaphore_mem>>) src(%arg30 : memref<80x128xf32, #tpu.memory_space<vmem>>) dst(%dma_wait3A_791 : memref<10240x128xf32, #tpu.memory_space<vmem_shared>>)
        %dma_wait3A_792 = arith.constant 0 : i32
        %dma_wait3A_793 = arith.constant 0 : i32
        %dma_wait3A_794 = tpu.memref_slice %arg14[%dma_wait3A_792, %dma_wait3A_793] : memref<1x80xi32, #tpu.memory_space<vmem>> -> memref<1x80xi32, #tpu.memory_space<vmem>>
        %dma_wait3A_795 = tpu.memref_squeeze %dma_wait3A_794 : memref<1x80xi32, #tpu.memory_space<vmem>> -> memref<80xi32, #tpu.memory_space<vmem>>
        %dma_wait3A_796 = arith.constant 0 : i32
        %dma_wait3A_797 = tpu.memref_slice %arg36[%dma_wait3A_796] : memref<10240xf32, #tpu.memory_space<vmem_shared>> -> memref<10240xf32, #tpu.memory_space<vmem_shared>>
        tpu.wait_indirect_dma semaphore(%arg34 : memref<!tpu.dma_semaphore, #tpu.memory_space<semaphore_mem>>) src(%arg28 : memref<80xf32, #tpu.memory_space<vmem>>) dst(%dma_wait3A_797 : memref<10240xf32, #tpu.memory_space<vmem_shared>>)
      } else {
      }
      %add3A_778 = arith.constant 1 : i32
      %add3A_779 = arith.addi %add3A_660, %add3A_778 : i32
      %lt3A_780 = arith.constant 125 : i32
      %lt3A_781 = arith.cmpi slt, %add3A_779, %lt3A_780 : i32
      %convert_element_type3A_782 = arith.extui %lt3A_781 : i1 to i32
      %cond3A_783 = arith.constant 0 : i32
      %cond3A_784 = arith.cmpi ne, %convert_element_type3A_782, %cond3A_783 : i32
      scf.if %cond3A_784 {
        %add3A_785 = arith.constant 1 : i32
        %add3A_786 = arith.addi %add3A_660, %add3A_785 : i32
        %dma_wait3A_787 = arith.constant 0 : i32
        %dma_wait3A_788 = arith.constant 0 : i32
        %dma_wait3A_789 = tpu.memref_slice %arg5[%add3A, %add3A_786, %dma_wait3A_787, %dma_wait3A_788] : memref<32x125x1x80xi32, #tpu.memory_space<hbm>> -> memref<1x1x1x80xi32, #tpu.memory_space<hbm>>
        %dma_wait3A_790 = tpu.memref_squeeze %dma_wait3A_789 : memref<1x1x1x80xi32, #tpu.memory_space<hbm>> -> memref<1x80xi32, #tpu.memory_space<hbm>>
        %dma_wait3A_791 = arith.constant 0 : i32
        %dma_wait3A_792 = arith.constant 0 : i32
        %dma_wait3A_793 = tpu.memref_slice %arg5[%add3A, %add3A_786, %dma_wait3A_791, %dma_wait3A_792] : memref<32x125x1x80xi32, #tpu.memory_space<hbm>> -> memref<1x1x1x80xi32, #tpu.memory_space<hbm>>
        %dma_wait3A_794 = tpu.memref_squeeze %dma_wait3A_793 : memref<1x1x1x80xi32, #tpu.memory_space<hbm>> -> memref<1x80xi32, #tpu.memory_space<hbm>>
        tpu.wait_dma2 semaphore(%arg20 : memref<!tpu.dma_semaphore, #tpu.memory_space<semaphore_mem>>) src(%dma_wait3A_794 : memref<1x80xi32, #tpu.memory_space<hbm>>) dst(%arg12 : memref<1x80xi32, #tpu.memory_space<vmem>>)
        %dma_wait3A_795 = arith.constant 0 : i32
        %dma_wait3A_796 = arith.constant 0 : i32
        %dma_wait3A_797 = tpu.memref_slice %arg6[%add3A, %add3A_786, %dma_wait3A_795, %dma_wait3A_796] : memref<32x125x1x80xi32, #tpu.memory_space<hbm>> -> memref<1x1x1x80xi32, #tpu.memory_space<hbm>>
        %dma_wait3A_798 = tpu.memref_squeeze %dma_wait3A_797 : memref<1x1x1x80xi32, #tpu.memory_space<hbm>> -> memref<1x80xi32, #tpu.memory_space<hbm>>
        %dma_wait3A_799 = arith.constant 0 : i32
        %dma_wait3A_800 = arith.constant 0 : i32
        %dma_wait3A_801 = tpu.memref_slice %arg6[%add3A, %add3A_786, %dma_wait3A_799, %dma_wait3A_800] : memref<32x125x1x80xi32, #tpu.memory_space<hbm>> -> memref<1x1x1x80xi32, #tpu.memory_space<hbm>>
        %dma_wait3A_802 = tpu.memref_squeeze %dma_wait3A_801 : memref<1x1x1x80xi32, #tpu.memory_space<hbm>> -> memref<1x80xi32, #tpu.memory_space<hbm>>
        tpu.wait_dma2 semaphore(%arg20 : memref<!tpu.dma_semaphore, #tpu.memory_space<semaphore_mem>>) src(%dma_wait3A_802 : memref<1x80xi32, #tpu.memory_space<hbm>>) dst(%arg16 : memref<1x80xi32, #tpu.memory_space<vmem>>)
        %dma_start3A_803 = arith.constant 0 : i32
        %dma_start3A_804 = arith.constant 0 : i32
        %dma_start3A_805 = tpu.memref_slice %arg12[%dma_start3A_803, %dma_start3A_804] : memref<1x80xi32, #tpu.memory_space<vmem>> -> memref<1x80xi32, #tpu.memory_space<vmem>>
        %dma_start3A_806 = tpu.memref_squeeze %dma_start3A_805 : memref<1x80xi32, #tpu.memory_space<vmem>> -> memref<80xi32, #tpu.memory_space<vmem>>
        %dma_start3A_807 = arith.constant 0 : i32
        %dma_start3A_808 = tpu.memref_slice %arg3[%dma_start3A_807] : memref<10000xf32, #tpu.memory_space<hbm>> -> memref<10000xf32, #tpu.memory_space<hbm>>
        tpu.enqueue_indirect_dma source(%dma_start3A_808 : memref<10000xf32, #tpu.memory_space<hbm>>) target(%arg24 : memref<80xf32, #tpu.memory_space<vmem>>) offsets(%dma_start3A_806 : memref<80xi32, #tpu.memory_space<vmem>>) semaphore(%arg32 : memref<!tpu.dma_semaphore, #tpu.memory_space<semaphore_mem>>)
        %dma_start3A_809 = arith.constant 0 : i32
        %dma_start3A_810 = arith.constant 0 : i32
        %dma_start3A_811 = tpu.memref_slice %arg16[%dma_start3A_809, %dma_start3A_810] : memref<1x80xi32, #tpu.memory_space<vmem>> -> memref<1x80xi32, #tpu.memory_space<vmem>>
        %dma_start3A_812 = tpu.memref_squeeze %dma_start3A_811 : memref<1x80xi32, #tpu.memory_space<vmem>> -> memref<80xi32, #tpu.memory_space<vmem>>
        %dma_start3A_813 = arith.constant 0 : i32
        %dma_start3A_814 = tpu.memref_slice %arg4[%dma_start3A_813] : memref<10000xf32, #tpu.memory_space<hbm>> -> memref<10000xf32, #tpu.memory_space<hbm>>
        tpu.enqueue_indirect_dma source(%dma_start3A_814 : memref<10000xf32, #tpu.memory_space<hbm>>) target(%arg26 : memref<80xf32, #tpu.memory_space<vmem>>) offsets(%dma_start3A_812 : memref<80xi32, #tpu.memory_space<vmem>>) semaphore(%arg32 : memref<!tpu.dma_semaphore, #tpu.memory_space<semaphore_mem>>)
        %dma_start3A_815 = arith.constant 0 : i32
        %dma_start3A_816 = arith.constant 0 : i32
        %dma_start3A_817 = tpu.memref_slice %arg16[%dma_start3A_815, %dma_start3A_816] : memref<1x80xi32, #tpu.memory_space<vmem>> -> memref<1x80xi32, #tpu.memory_space<vmem>>
        %dma_start3A_818 = tpu.memref_squeeze %dma_start3A_817 : memref<1x80xi32, #tpu.memory_space<vmem>> -> memref<80xi32, #tpu.memory_space<vmem>>
        %dma_start3A_819 = arith.constant 0 : i32
        %dma_start3A_820 = arith.constant 0 : i32
        %dma_start3A_821 = tpu.memref_slice %arg2[%dma_start3A_819, %dma_start3A_820] : memref<10000x128xf32, #tpu.memory_space<hbm>> -> memref<10000x128xf32, #tpu.memory_space<hbm>>
        tpu.enqueue_indirect_dma source(%dma_start3A_821 : memref<10000x128xf32, #tpu.memory_space<hbm>>) target(%arg30 : memref<80x128xf32, #tpu.memory_space<vmem>>) offsets(%dma_start3A_818 : memref<80xi32, #tpu.memory_space<vmem>>) semaphore(%arg32 : memref<!tpu.dma_semaphore, #tpu.memory_space<semaphore_mem>>)
      } else {
      }
    }
    %scan3A_258 = arith.constant 31 : i32
    %dma_wait3A_259 = arith.constant 0 : i32
    %dma_wait3A_260 = arith.constant 0 : i32
    %dma_wait3A_261 = tpu.memref_slice %arg11[%dma_wait3A_259, %dma_wait3A_260] : memref<1x80xi32, #tpu.memory_space<vmem>> -> memref<1x80xi32, #tpu.memory_space<vmem>>
    %dma_wait3A_262 = tpu.memref_squeeze %dma_wait3A_261 : memref<1x80xi32, #tpu.memory_space<vmem>> -> memref<80xi32, #tpu.memory_space<vmem>>
    %dma_wait3A_263 = arith.constant 0 : i32
    %dma_wait3A_264 = arith.constant 0 : i32
    %dma_wait3A_265 = tpu.memref_slice %arg35[%dma_wait3A_263, %dma_wait3A_264] : memref<10240x128xf32, #tpu.memory_space<vmem_shared>> -> memref<10240x128xf32, #tpu.memory_space<vmem_shared>>
    tpu.wait_indirect_dma semaphore(%arg33 : memref<!tpu.dma_semaphore, #tpu.memory_space<semaphore_mem>>) src(%arg29 : memref<80x128xf32, #tpu.memory_space<vmem>>) dst(%dma_wait3A_265 : memref<10240x128xf32, #tpu.memory_space<vmem_shared>>)
    %dma_wait3A_266 = arith.constant 0 : i32
    %dma_wait3A_267 = arith.constant 0 : i32
    %dma_wait3A_268 = tpu.memref_slice %arg11[%dma_wait3A_266, %dma_wait3A_267] : memref<1x80xi32, #tpu.memory_space<vmem>> -> memref<1x80xi32, #tpu.memory_space<vmem>>
    %dma_wait3A_269 = tpu.memref_squeeze %dma_wait3A_268 : memref<1x80xi32, #tpu.memory_space<vmem>> -> memref<80xi32, #tpu.memory_space<vmem>>
    %dma_wait3A_270 = arith.constant 0 : i32
    %dma_wait3A_271 = tpu.memref_slice %arg36[%dma_wait3A_270] : memref<10240xf32, #tpu.memory_space<vmem_shared>> -> memref<10240xf32, #tpu.memory_space<vmem_shared>>
    tpu.wait_indirect_dma semaphore(%arg33 : memref<!tpu.dma_semaphore, #tpu.memory_space<semaphore_mem>>) src(%arg27 : memref<80xf32, #tpu.memory_space<vmem>>) dst(%dma_wait3A_271 : memref<10240xf32, #tpu.memory_space<vmem_shared>>)
    %barrier3A_272 = arith.constant 0 : index
    tpu.barrier barrier_id(%barrier3A_272)
    %eq3A = arith.constant 0 : i32
    %eq3A_273 = arith.cmpi eq, %arg0, %eq3A : i32
    %convert_element_type3A = arith.extui %eq3A_273 : i1 to i32
    %cond3A = arith.constant 0 : i32
    %cond3A_274 = arith.cmpi ne, %convert_element_type3A, %cond3A : i32
    scf.if %cond3A_274 {
      %mul3A_280 = arith.constant 640 : i32
      %mul3A_281 = arith.muli %mul3A_280, %arg1 : i32
      %mul3A_282 = arith.constant 640 : i32
      %mul3A_283 = arith.muli %mul3A_282, %arg1 : i32
      "tpu.region"() ({
        %run_scoped3A = tpu.sem_alloc : memref<!tpu.dma_semaphore, #tpu.memory_space<semaphore_mem>>
        %dma_start3A_288 = arith.constant 0 : i32
        %dma_start3A_289 = tpu.memref_slice %arg7[%mul3A_283, %dma_start3A_288] : memref<10240x128xf32, #tpu.memory_space<hbm>> -> memref<640x128xf32, #tpu.memory_space<hbm>>
        %dma_start3A_290 = arith.constant 0 : i32
        %dma_start3A_291 = tpu.memref_slice %arg35[%mul3A_281, %dma_start3A_290] : memref<10240x128xf32, #tpu.memory_space<vmem_shared>> -> memref<640x128xf32, #tpu.memory_space<vmem_shared>>
        tpu.enqueue_dma source(%dma_start3A_291 : memref<640x128xf32, #tpu.memory_space<vmem_shared>>) target(%dma_start3A_289 : memref<640x128xf32, #tpu.memory_space<hbm>>) target_semaphore(%run_scoped3A : memref<!tpu.dma_semaphore, #tpu.memory_space<semaphore_mem>>)
        %dma_wait3A_292 = arith.constant 0 : i32
        %dma_wait3A_293 = tpu.memref_slice %arg7[%mul3A_283, %dma_wait3A_292] : memref<10240x128xf32, #tpu.memory_space<hbm>> -> memref<640x128xf32, #tpu.memory_space<hbm>>
        %dma_wait3A_294 = arith.constant 0 : i32
        %dma_wait3A_295 = tpu.memref_slice %arg35[%mul3A_281, %dma_wait3A_294] : memref<10240x128xf32, #tpu.memory_space<vmem_shared>> -> memref<640x128xf32, #tpu.memory_space<vmem_shared>>
        tpu.wait_dma2 semaphore(%run_scoped3A : memref<!tpu.dma_semaphore, #tpu.memory_space<semaphore_mem>>) src(%dma_wait3A_295 : memref<640x128xf32, #tpu.memory_space<vmem_shared>>) dst(%dma_wait3A_293 : memref<640x128xf32, #tpu.memory_space<hbm>>)
        tpu.yield
      }) : () -> ()
      %mul3A_284 = arith.constant 640 : i32
      %mul3A_285 = arith.muli %mul3A_284, %arg1 : i32
      %mul3A_286 = arith.constant 640 : i32
      %mul3A_287 = arith.muli %mul3A_286, %arg1 : i32
      "tpu.region"() ({
        %run_scoped3A = tpu.sem_alloc : memref<!tpu.dma_semaphore, #tpu.memory_space<semaphore_mem>>
        %dma_start3A_288 = tpu.memref_slice %arg9[%mul3A_287] : memref<10240xf32, #tpu.memory_space<hbm>> -> memref<640xf32, #tpu.memory_space<hbm>>
        %dma_start3A_289 = tpu.memref_slice %arg36[%mul3A_285] : memref<10240xf32, #tpu.memory_space<vmem_shared>> -> memref<640xf32, #tpu.memory_space<vmem_shared>>
        tpu.enqueue_dma source(%dma_start3A_289 : memref<640xf32, #tpu.memory_space<vmem_shared>>) target(%dma_start3A_288 : memref<640xf32, #tpu.memory_space<hbm>>) target_semaphore(%run_scoped3A : memref<!tpu.dma_semaphore, #tpu.memory_space<semaphore_mem>>)
        %dma_wait3A_290 = tpu.memref_slice %arg9[%mul3A_287] : memref<10240xf32, #tpu.memory_space<hbm>> -> memref<640xf32, #tpu.memory_space<hbm>>
        %dma_wait3A_291 = tpu.memref_slice %arg36[%mul3A_285] : memref<10240xf32, #tpu.memory_space<vmem_shared>> -> memref<640xf32, #tpu.memory_space<vmem_shared>>
        tpu.wait_dma2 semaphore(%run_scoped3A : memref<!tpu.dma_semaphore, #tpu.memory_space<semaphore_mem>>) src(%dma_wait3A_291 : memref<640xf32, #tpu.memory_space<vmem_shared>>) dst(%dma_wait3A_290 : memref<640xf32, #tpu.memory_space<hbm>>)
        tpu.yield
      }) : () -> ()
    } else {
    }
    %eq3A_275 = arith.constant 1 : i32
    %eq3A_276 = arith.cmpi eq, %arg0, %eq3A_275 : i32
    %convert_element_type3A_277 = arith.extui %eq3A_276 : i1 to i32
    %cond3A_278 = arith.constant 0 : i32
    %cond3A_279 = arith.cmpi ne, %convert_element_type3A_277, %cond3A_278 : i32
    scf.if %cond3A_279 {
      %mul3A_280 = arith.constant 640 : i32
      %mul3A_281 = arith.muli %mul3A_280, %arg1 : i32
      %mul3A_282 = arith.constant 640 : i32
      %mul3A_283 = arith.muli %mul3A_282, %arg1 : i32
      "tpu.region"() ({
        %run_scoped3A = tpu.sem_alloc : memref<!tpu.dma_semaphore, #tpu.memory_space<semaphore_mem>>
        %dma_start3A_288 = arith.constant 0 : i32
        %dma_start3A_289 = tpu.memref_slice %arg8[%mul3A_283, %dma_start3A_288] : memref<10240x128xf32, #tpu.memory_space<hbm>> -> memref<640x128xf32, #tpu.memory_space<hbm>>
        %dma_start3A_290 = arith.constant 0 : i32
        %dma_start3A_291 = tpu.memref_slice %arg35[%mul3A_281, %dma_start3A_290] : memref<10240x128xf32, #tpu.memory_space<vmem_shared>> -> memref<640x128xf32, #tpu.memory_space<vmem_shared>>
        tpu.enqueue_dma source(%dma_start3A_291 : memref<640x128xf32, #tpu.memory_space<vmem_shared>>) target(%dma_start3A_289 : memref<640x128xf32, #tpu.memory_space<hbm>>) target_semaphore(%run_scoped3A : memref<!tpu.dma_semaphore, #tpu.memory_space<semaphore_mem>>)
        %dma_wait3A_292 = arith.constant 0 : i32
        %dma_wait3A_293 = tpu.memref_slice %arg8[%mul3A_283, %dma_wait3A_292] : memref<10240x128xf32, #tpu.memory_space<hbm>> -> memref<640x128xf32, #tpu.memory_space<hbm>>
        %dma_wait3A_294 = arith.constant 0 : i32
        %dma_wait3A_295 = tpu.memref_slice %arg35[%mul3A_281, %dma_wait3A_294] : memref<10240x128xf32, #tpu.memory_space<vmem_shared>> -> memref<640x128xf32, #tpu.memory_space<vmem_shared>>
        tpu.wait_dma2 semaphore(%run_scoped3A : memref<!tpu.dma_semaphore, #tpu.memory_space<semaphore_mem>>) src(%dma_wait3A_295 : memref<640x128xf32, #tpu.memory_space<vmem_shared>>) dst(%dma_wait3A_293 : memref<640x128xf32, #tpu.memory_space<hbm>>)
        tpu.yield
      }) : () -> ()
      %mul3A_284 = arith.constant 640 : i32
      %mul3A_285 = arith.muli %mul3A_284, %arg1 : i32
      %mul3A_286 = arith.constant 640 : i32
      %mul3A_287 = arith.muli %mul3A_286, %arg1 : i32
      "tpu.region"() ({
        %run_scoped3A = tpu.sem_alloc : memref<!tpu.dma_semaphore, #tpu.memory_space<semaphore_mem>>
        %dma_start3A_288 = tpu.memref_slice %arg10[%mul3A_287] : memref<10240xf32, #tpu.memory_space<hbm>> -> memref<640xf32, #tpu.memory_space<hbm>>
        %dma_start3A_289 = tpu.memref_slice %arg36[%mul3A_285] : memref<10240xf32, #tpu.memory_space<vmem_shared>> -> memref<640xf32, #tpu.memory_space<vmem_shared>>
        tpu.enqueue_dma source(%dma_start3A_289 : memref<640xf32, #tpu.memory_space<vmem_shared>>) target(%dma_start3A_288 : memref<640xf32, #tpu.memory_space<hbm>>) target_semaphore(%run_scoped3A : memref<!tpu.dma_semaphore, #tpu.memory_space<semaphore_mem>>)
        %dma_wait3A_290 = tpu.memref_slice %arg10[%mul3A_287] : memref<10240xf32, #tpu.memory_space<hbm>> -> memref<640xf32, #tpu.memory_space<hbm>>
        %dma_wait3A_291 = tpu.memref_slice %arg36[%mul3A_285] : memref<10240xf32, #tpu.memory_space<vmem_shared>> -> memref<640xf32, #tpu.memory_space<vmem_shared>>
        tpu.wait_dma2 semaphore(%run_scoped3A : memref<!tpu.dma_semaphore, #tpu.memory_space<semaphore_mem>>) src(%dma_wait3A_291 : memref<640xf32, #tpu.memory_space<vmem_shared>>) dst(%dma_wait3A_290 : memref<640xf32, #tpu.memory_space<hbm>>)
        tpu.yield
      }) : () -> ()
    } else {
    }
    return
  }
}

#map = affine_map<(d0, d1) -> (0, 0)>
#map1 = affine_map<(d0, d1) -> (0)>
module attributes {stable_mosaic.version = 14 : i64} {
  func.func @_sc_div(%arg0: i32, %arg1: i32, %arg2: memref<10240x128xf32, #tpu.memory_space<hbm>>, %arg3: memref<10240x128xf32, #tpu.memory_space<hbm>>, %arg4: memref<10240xf32, #tpu.memory_space<hbm>>, %arg5: memref<10240xf32, #tpu.memory_space<hbm>>, %arg6: memref<10000x128xf32, #tpu.memory_space<hbm>>, %arg7: memref<320xf32, #tpu.memory_space<vmem>>, %arg8: memref<320xf32, #tpu.memory_space<vmem>>, %arg9: memref<320xf32, #tpu.memory_space<vmem>>, %arg10: memref<80x128xf32, #tpu.memory_space<vmem>>, %arg11: memref<80x128xf32, #tpu.memory_space<vmem>>) attributes {dimension_semantics = [#tpu.dimension_semantics<core_parallel>, #tpu.dimension_semantics<subcore_parallel>], iteration_bounds = array<i64: 2, 16>, scalar_prefetch = 0 : i64, scratch_operands = 5 : i64, tpu.core_type = #tpu.core_type<sc_vector_subcore>, window_params = [{transform_indices = #map}, {transform_indices = #map}, {transform_indices = #map1}, {transform_indices = #map1}, {transform_indices = #map}]} {
    %mul3A = arith.constant 16 : i32
    %mul3A_0 = arith.muli %arg0, %mul3A : i32
    %add3A = arith.addi %mul3A_0, %arg1 : i32
    %mul3A_1 = arith.constant 320 : i32
    %mul3A_2 = arith.muli %add3A, %mul3A_1 : i32
    "tpu.region"() ({
      %run_scoped3A = tpu.sem_alloc : memref<!tpu.dma_semaphore, #tpu.memory_space<semaphore_mem>>
      %dma_start3A = tpu.memref_slice %arg4[%mul3A_2] : memref<10240xf32, #tpu.memory_space<hbm>> -> memref<320xf32, #tpu.memory_space<hbm>>
      %dma_start3A_22 = tpu.memref_slice %arg4[%mul3A_2] : memref<10240xf32, #tpu.memory_space<hbm>> -> memref<320xf32, #tpu.memory_space<hbm>>
      tpu.enqueue_dma source(%dma_start3A_22 : memref<320xf32, #tpu.memory_space<hbm>>) target(%arg7 : memref<320xf32, #tpu.memory_space<vmem>>) target_semaphore(%run_scoped3A : memref<!tpu.dma_semaphore, #tpu.memory_space<semaphore_mem>>)
      %dma_wait3A = tpu.memref_slice %arg4[%mul3A_2] : memref<10240xf32, #tpu.memory_space<hbm>> -> memref<320xf32, #tpu.memory_space<hbm>>
      %dma_wait3A_23 = tpu.memref_slice %arg4[%mul3A_2] : memref<10240xf32, #tpu.memory_space<hbm>> -> memref<320xf32, #tpu.memory_space<hbm>>
      tpu.wait_dma2 semaphore(%run_scoped3A : memref<!tpu.dma_semaphore, #tpu.memory_space<semaphore_mem>>) src(%dma_wait3A_23 : memref<320xf32, #tpu.memory_space<hbm>>) dst(%arg7 : memref<320xf32, #tpu.memory_space<vmem>>)
      tpu.yield
    }) : () -> ()
    "tpu.region"() ({
      %run_scoped3A = tpu.sem_alloc : memref<!tpu.dma_semaphore, #tpu.memory_space<semaphore_mem>>
      %dma_start3A = tpu.memref_slice %arg5[%mul3A_2] : memref<10240xf32, #tpu.memory_space<hbm>> -> memref<320xf32, #tpu.memory_space<hbm>>
      %dma_start3A_22 = tpu.memref_slice %arg5[%mul3A_2] : memref<10240xf32, #tpu.memory_space<hbm>> -> memref<320xf32, #tpu.memory_space<hbm>>
      tpu.enqueue_dma source(%dma_start3A_22 : memref<320xf32, #tpu.memory_space<hbm>>) target(%arg8 : memref<320xf32, #tpu.memory_space<vmem>>) target_semaphore(%run_scoped3A : memref<!tpu.dma_semaphore, #tpu.memory_space<semaphore_mem>>)
      %dma_wait3A = tpu.memref_slice %arg5[%mul3A_2] : memref<10240xf32, #tpu.memory_space<hbm>> -> memref<320xf32, #tpu.memory_space<hbm>>
      %dma_wait3A_23 = tpu.memref_slice %arg5[%mul3A_2] : memref<10240xf32, #tpu.memory_space<hbm>> -> memref<320xf32, #tpu.memory_space<hbm>>
      tpu.wait_dma2 semaphore(%run_scoped3A : memref<!tpu.dma_semaphore, #tpu.memory_space<semaphore_mem>>) src(%dma_wait3A_23 : memref<320xf32, #tpu.memory_space<hbm>>) dst(%arg8 : memref<320xf32, #tpu.memory_space<vmem>>)
      tpu.yield
    }) : () -> ()
    %broadcast_in_dim3A = arith.constant 1.000000e-07 : f32
    %broadcast_in_dim3A_3 = vector.broadcast %broadcast_in_dim3A : f32 to vector<16xf32>
    %broadcast_in_dim3A_4 = arith.constant 1.000000e+00 : f32
    %broadcast_in_dim3A_5 = vector.broadcast %broadcast_in_dim3A_4 : f32 to vector<16xf32>
    %scan3A = arith.constant 0 : i32
    %scan3A_6 = arith.constant 0 : i32
    %scan3A_7 = arith.constant 20 : i32
    %scan3A_8 = arith.addi %scan3A_6, %scan3A_7 : i32
    %scan3A_9 = arith.constant 1 : i32
    scf.for %scan3A_22 = %scan3A_6 to %scan3A_8 step %scan3A_9  : i32 {
      %mul3A_23 = arith.constant 16 : i32
      %mul3A_24 = arith.muli %mul3A_23, %scan3A_22 : i32
      %get3A = arith.index_cast %mul3A_24 : i32 to index
      %get3A_25 = tpu.vector_load %arg7[%get3A] {strides = array<i32>} : memref<320xf32, #tpu.memory_space<vmem>>, vector<16xf32>,
      %mul3A_26 = arith.constant 16 : i32
      %mul3A_27 = arith.muli %mul3A_26, %scan3A_22 : i32
      %get3A_28 = arith.index_cast %mul3A_27 : i32 to index
      %get3A_29 = tpu.vector_load %arg8[%get3A_28] {strides = array<i32>} : memref<320xf32, #tpu.memory_space<vmem>>, vector<16xf32>,
      %add3A_30 = arith.addf %get3A_25, %get3A_29 : vector<16xf32>
      %add3A_31 = arith.addf %add3A_30, %broadcast_in_dim3A_3 : vector<16xf32>
      %div3A = arith.divf %broadcast_in_dim3A_5, %add3A_31 : vector<16xf32>
      %mul3A_32 = arith.constant 16 : i32
      %mul3A_33 = arith.muli %mul3A_32, %scan3A_22 : i32
      %swap3A = arith.index_cast %mul3A_33 : i32 to index
      %swap3A_34 = tpu.vector_load %arg9[%swap3A] {strides = array<i32>} : memref<320xf32, #tpu.memory_space<vmem>>, vector<16xf32>,
      tpu.vector_store %arg9[%swap3A], %div3A {strides = array<i32>} : memref<320xf32, #tpu.memory_space<vmem>>, vector<16xf32>,
    }
    %scan3A_10 = arith.constant 20 : i32
    %eq3A = arith.constant 31 : i32
    %eq3A_11 = arith.cmpi eq, %add3A, %eq3A : i32
    %jit3A = arith.constant 1 : i32
    %jit3A_12 = arith.constant 4 : i32
    %select_n3A = arith.select %eq3A_11, %jit3A, %jit3A_12 : i32
    %while3A = arith.constant 0 : i32
    %while3A_13 = arith.constant 0 : i32
    %while3A_14 = arith.subi %select_n3A, %while3A_13 : i32
    %while3A_15 = arith.addi %while3A_13, %while3A_14 : i32
    %while3A_16 = arith.constant 1 : i32
    %while3A_17 = arith.divsi %while3A_14, %while3A_16 : i32
    %while3A_18 = arith.muli %while3A_17, %while3A_16 : i32
    %while3A_19 = arith.addi %while3A_13, %while3A_18 : i32
    %while3A_20 = arith.constant 1 : i32
    scf.for %while3A_22 = %while3A_13 to %while3A_19 step %while3A_20  : i32 {
      %mul3A_23 = arith.constant 80 : i32
      %mul3A_24 = arith.muli %mul3A_23, %while3A_22 : i32
      %add3A_25 = arith.addi %mul3A_2, %mul3A_24 : i32
      "tpu.region"() ({
        %run_scoped3A = tpu.sem_alloc : memref<!tpu.dma_semaphore, #tpu.memory_space<semaphore_mem>>
        %dma_start3A = arith.constant 0 : i32
        %dma_start3A_32 = tpu.memref_slice %arg2[%add3A_25, %dma_start3A] : memref<10240x128xf32, #tpu.memory_space<hbm>> -> memref<80x128xf32, #tpu.memory_space<hbm>>
        %dma_start3A_33 = arith.constant 0 : i32
        %dma_start3A_34 = tpu.memref_slice %arg2[%add3A_25, %dma_start3A_33] : memref<10240x128xf32, #tpu.memory_space<hbm>> -> memref<80x128xf32, #tpu.memory_space<hbm>>
        tpu.enqueue_dma source(%dma_start3A_34 : memref<80x128xf32, #tpu.memory_space<hbm>>) target(%arg10 : memref<80x128xf32, #tpu.memory_space<vmem>>) target_semaphore(%run_scoped3A : memref<!tpu.dma_semaphore, #tpu.memory_space<semaphore_mem>>)
        %dma_wait3A = arith.constant 0 : i32
        %dma_wait3A_35 = tpu.memref_slice %arg2[%add3A_25, %dma_wait3A] : memref<10240x128xf32, #tpu.memory_space<hbm>> -> memref<80x128xf32, #tpu.memory_space<hbm>>
        %dma_wait3A_36 = arith.constant 0 : i32
        %dma_wait3A_37 = tpu.memref_slice %arg2[%add3A_25, %dma_wait3A_36] : memref<10240x128xf32, #tpu.memory_space<hbm>> -> memref<80x128xf32, #tpu.memory_space<hbm>>
        tpu.wait_dma2 semaphore(%run_scoped3A : memref<!tpu.dma_semaphore, #tpu.memory_space<semaphore_mem>>) src(%dma_wait3A_37 : memref<80x128xf32, #tpu.memory_space<hbm>>) dst(%arg10 : memref<80x128xf32, #tpu.memory_space<vmem>>)
        tpu.yield
      }) : () -> ()
      "tpu.region"() ({
        %run_scoped3A = tpu.sem_alloc : memref<!tpu.dma_semaphore, #tpu.memory_space<semaphore_mem>>
        %dma_start3A = arith.constant 0 : i32
        %dma_start3A_32 = tpu.memref_slice %arg3[%add3A_25, %dma_start3A] : memref<10240x128xf32, #tpu.memory_space<hbm>> -> memref<80x128xf32, #tpu.memory_space<hbm>>
        %dma_start3A_33 = arith.constant 0 : i32
        %dma_start3A_34 = tpu.memref_slice %arg3[%add3A_25, %dma_start3A_33] : memref<10240x128xf32, #tpu.memory_space<hbm>> -> memref<80x128xf32, #tpu.memory_space<hbm>>
        tpu.enqueue_dma source(%dma_start3A_34 : memref<80x128xf32, #tpu.memory_space<hbm>>) target(%arg11 : memref<80x128xf32, #tpu.memory_space<vmem>>) target_semaphore(%run_scoped3A : memref<!tpu.dma_semaphore, #tpu.memory_space<semaphore_mem>>)
        %dma_wait3A = arith.constant 0 : i32
        %dma_wait3A_35 = tpu.memref_slice %arg3[%add3A_25, %dma_wait3A] : memref<10240x128xf32, #tpu.memory_space<hbm>> -> memref<80x128xf32, #tpu.memory_space<hbm>>
        %dma_wait3A_36 = arith.constant 0 : i32
        %dma_wait3A_37 = tpu.memref_slice %arg3[%add3A_25, %dma_wait3A_36] : memref<10240x128xf32, #tpu.memory_space<hbm>> -> memref<80x128xf32, #tpu.memory_space<hbm>>
        tpu.wait_dma2 semaphore(%run_scoped3A : memref<!tpu.dma_semaphore, #tpu.memory_space<semaphore_mem>>) src(%dma_wait3A_37 : memref<80x128xf32, #tpu.memory_space<hbm>>) dst(%arg11 : memref<80x128xf32, #tpu.memory_space<vmem>>)
        tpu.yield
      }) : () -> ()
      %scan3A_26 = arith.constant 0 : i32
      %scan3A_27 = arith.constant 0 : i32
      %scan3A_28 = arith.constant 80 : i32
      %scan3A_29 = arith.addi %scan3A_27, %scan3A_28 : i32
      %scan3A_30 = arith.constant 1 : i32
      scf.for %scan3A_32 = %scan3A_27 to %scan3A_29 step %scan3A_30  : i32 {
        %mul3A_33 = arith.constant 80 : i32
        %mul3A_34 = arith.muli %mul3A_33, %while3A_22 : i32
        %add3A_35 = arith.addi %mul3A_34, %scan3A_32 : i32
        %broadcast_in_dim3A_36 = vector.broadcast %add3A_35 : i32 to vector<16xi32>
        %gather3A = tpu.vector_load_idx %arg9[%broadcast_in_dim3A_36] : memref<320xf32, #tpu.memory_space<vmem>>[vector<16xi32>], vector<16xf32>,
        %get3A = arith.index_cast %scan3A_32 : i32 to index
        %get3A_37 = arith.constant 0 : index
        %get3A_38 = tpu.vector_load %arg10[%get3A, %get3A_37] {strides = array<i32>} : memref<80x128xf32, #tpu.memory_space<vmem>>, vector<16xf32>,
        %get3A_39 = arith.index_cast %scan3A_32 : i32 to index
        %get3A_40 = arith.constant 0 : index
        %get3A_41 = tpu.vector_load %arg11[%get3A_39, %get3A_40] {strides = array<i32>} : memref<80x128xf32, #tpu.memory_space<vmem>>, vector<16xf32>,
        %add3A_42 = arith.addf %get3A_38, %get3A_41 : vector<16xf32>
        %mul3A_43 = arith.mulf %add3A_42, %gather3A : vector<16xf32>
        %swap3A = arith.index_cast %scan3A_32 : i32 to index
        %swap3A_44 = arith.constant 0 : index
        %swap3A_45 = tpu.vector_load %arg10[%swap3A, %swap3A_44] {strides = array<i32>} : memref<80x128xf32, #tpu.memory_space<vmem>>, vector<16xf32>,
        tpu.vector_store %arg10[%swap3A, %swap3A_44], %mul3A_43 {strides = array<i32>} : memref<80x128xf32, #tpu.memory_space<vmem>>, vector<16xf32>,
        %get3A_46 = arith.index_cast %scan3A_32 : i32 to index
        %get3A_47 = arith.constant 16 : index
        %get3A_48 = tpu.vector_load %arg10[%get3A_46, %get3A_47] {strides = array<i32>} : memref<80x128xf32, #tpu.memory_space<vmem>>, vector<16xf32>,
        %get3A_49 = arith.index_cast %scan3A_32 : i32 to index
        %get3A_50 = arith.constant 16 : index
        %get3A_51 = tpu.vector_load %arg11[%get3A_49, %get3A_50] {strides = array<i32>} : memref<80x128xf32, #tpu.memory_space<vmem>>, vector<16xf32>,
        %add3A_52 = arith.addf %get3A_48, %get3A_51 : vector<16xf32>
        %mul3A_53 = arith.mulf %add3A_52, %gather3A : vector<16xf32>
        %swap3A_54 = arith.index_cast %scan3A_32 : i32 to index
        %swap3A_55 = arith.constant 16 : index
        %swap3A_56 = tpu.vector_load %arg10[%swap3A_54, %swap3A_55] {strides = array<i32>} : memref<80x128xf32, #tpu.memory_space<vmem>>, vector<16xf32>,
        tpu.vector_store %arg10[%swap3A_54, %swap3A_55], %mul3A_53 {strides = array<i32>} : memref<80x128xf32, #tpu.memory_space<vmem>>, vector<16xf32>,
        %get3A_57 = arith.index_cast %scan3A_32 : i32 to index
        %get3A_58 = arith.constant 32 : index
        %get3A_59 = tpu.vector_load %arg10[%get3A_57, %get3A_58] {strides = array<i32>} : memref<80x128xf32, #tpu.memory_space<vmem>>, vector<16xf32>,
        %get3A_60 = arith.index_cast %scan3A_32 : i32 to index
        %get3A_61 = arith.constant 32 : index
        %get3A_62 = tpu.vector_load %arg11[%get3A_60, %get3A_61] {strides = array<i32>} : memref<80x128xf32, #tpu.memory_space<vmem>>, vector<16xf32>,
        %add3A_63 = arith.addf %get3A_59, %get3A_62 : vector<16xf32>
        %mul3A_64 = arith.mulf %add3A_63, %gather3A : vector<16xf32>
        %swap3A_65 = arith.index_cast %scan3A_32 : i32 to index
        %swap3A_66 = arith.constant 32 : index
        %swap3A_67 = tpu.vector_load %arg10[%swap3A_65, %swap3A_66] {strides = array<i32>} : memref<80x128xf32, #tpu.memory_space<vmem>>, vector<16xf32>,
        tpu.vector_store %arg10[%swap3A_65, %swap3A_66], %mul3A_64 {strides = array<i32>} : memref<80x128xf32, #tpu.memory_space<vmem>>, vector<16xf32>,
        %get3A_68 = arith.index_cast %scan3A_32 : i32 to index
        %get3A_69 = arith.constant 48 : index
        %get3A_70 = tpu.vector_load %arg10[%get3A_68, %get3A_69] {strides = array<i32>} : memref<80x128xf32, #tpu.memory_space<vmem>>, vector<16xf32>,
        %get3A_71 = arith.index_cast %scan3A_32 : i32 to index
        %get3A_72 = arith.constant 48 : index
        %get3A_73 = tpu.vector_load %arg11[%get3A_71, %get3A_72] {strides = array<i32>} : memref<80x128xf32, #tpu.memory_space<vmem>>, vector<16xf32>,
        %add3A_74 = arith.addf %get3A_70, %get3A_73 : vector<16xf32>
        %mul3A_75 = arith.mulf %add3A_74, %gather3A : vector<16xf32>
        %swap3A_76 = arith.index_cast %scan3A_32 : i32 to index
        %swap3A_77 = arith.constant 48 : index
        %swap3A_78 = tpu.vector_load %arg10[%swap3A_76, %swap3A_77] {strides = array<i32>} : memref<80x128xf32, #tpu.memory_space<vmem>>, vector<16xf32>,
        tpu.vector_store %arg10[%swap3A_76, %swap3A_77], %mul3A_75 {strides = array<i32>} : memref<80x128xf32, #tpu.memory_space<vmem>>, vector<16xf32>,
        %get3A_79 = arith.index_cast %scan3A_32 : i32 to index
        %get3A_80 = arith.constant 64 : index
        %get3A_81 = tpu.vector_load %arg10[%get3A_79, %get3A_80] {strides = array<i32>} : memref<80x128xf32, #tpu.memory_space<vmem>>, vector<16xf32>,
        %get3A_82 = arith.index_cast %scan3A_32 : i32 to index
        %get3A_83 = arith.constant 64 : index
        %get3A_84 = tpu.vector_load %arg11[%get3A_82, %get3A_83] {strides = array<i32>} : memref<80x128xf32, #tpu.memory_space<vmem>>, vector<16xf32>,
        %add3A_85 = arith.addf %get3A_81, %get3A_84 : vector<16xf32>
        %mul3A_86 = arith.mulf %add3A_85, %gather3A : vector<16xf32>
        %swap3A_87 = arith.index_cast %scan3A_32 : i32 to index
        %swap3A_88 = arith.constant 64 : index
        %swap3A_89 = tpu.vector_load %arg10[%swap3A_87, %swap3A_88] {strides = array<i32>} : memref<80x128xf32, #tpu.memory_space<vmem>>, vector<16xf32>,
        tpu.vector_store %arg10[%swap3A_87, %swap3A_88], %mul3A_86 {strides = array<i32>} : memref<80x128xf32, #tpu.memory_space<vmem>>, vector<16xf32>,
        %get3A_90 = arith.index_cast %scan3A_32 : i32 to index
        %get3A_91 = arith.constant 80 : index
        %get3A_92 = tpu.vector_load %arg10[%get3A_90, %get3A_91] {strides = array<i32>} : memref<80x128xf32, #tpu.memory_space<vmem>>, vector<16xf32>,
        %get3A_93 = arith.index_cast %scan3A_32 : i32 to index
        %get3A_94 = arith.constant 80 : index
        %get3A_95 = tpu.vector_load %arg11[%get3A_93, %get3A_94] {strides = array<i32>} : memref<80x128xf32, #tpu.memory_space<vmem>>, vector<16xf32>,
        %add3A_96 = arith.addf %get3A_92, %get3A_95 : vector<16xf32>
        %mul3A_97 = arith.mulf %add3A_96, %gather3A : vector<16xf32>
        %swap3A_98 = arith.index_cast %scan3A_32 : i32 to index
        %swap3A_99 = arith.constant 80 : index
        %swap3A_100 = tpu.vector_load %arg10[%swap3A_98, %swap3A_99] {strides = array<i32>} : memref<80x128xf32, #tpu.memory_space<vmem>>, vector<16xf32>,
        tpu.vector_store %arg10[%swap3A_98, %swap3A_99], %mul3A_97 {strides = array<i32>} : memref<80x128xf32, #tpu.memory_space<vmem>>, vector<16xf32>,
        %get3A_101 = arith.index_cast %scan3A_32 : i32 to index
        %get3A_102 = arith.constant 96 : index
        %get3A_103 = tpu.vector_load %arg10[%get3A_101, %get3A_102] {strides = array<i32>} : memref<80x128xf32, #tpu.memory_space<vmem>>, vector<16xf32>,
        %get3A_104 = arith.index_cast %scan3A_32 : i32 to index
        %get3A_105 = arith.constant 96 : index
        %get3A_106 = tpu.vector_load %arg11[%get3A_104, %get3A_105] {strides = array<i32>} : memref<80x128xf32, #tpu.memory_space<vmem>>, vector<16xf32>,
        %add3A_107 = arith.addf %get3A_103, %get3A_106 : vector<16xf32>
        %mul3A_108 = arith.mulf %add3A_107, %gather3A : vector<16xf32>
        %swap3A_109 = arith.index_cast %scan3A_32 : i32 to index
        %swap3A_110 = arith.constant 96 : index
        %swap3A_111 = tpu.vector_load %arg10[%swap3A_109, %swap3A_110] {strides = array<i32>} : memref<80x128xf32, #tpu.memory_space<vmem>>, vector<16xf32>,
        tpu.vector_store %arg10[%swap3A_109, %swap3A_110], %mul3A_108 {strides = array<i32>} : memref<80x128xf32, #tpu.memory_space<vmem>>, vector<16xf32>,
        %get3A_112 = arith.index_cast %scan3A_32 : i32 to index
        %get3A_113 = arith.constant 112 : index
        %get3A_114 = tpu.vector_load %arg10[%get3A_112, %get3A_113] {strides = array<i32>} : memref<80x128xf32, #tpu.memory_space<vmem>>, vector<16xf32>,
        %get3A_115 = arith.index_cast %scan3A_32 : i32 to index
        %get3A_116 = arith.constant 112 : index
        %get3A_117 = tpu.vector_load %arg11[%get3A_115, %get3A_116] {strides = array<i32>} : memref<80x128xf32, #tpu.memory_space<vmem>>, vector<16xf32>,
        %add3A_118 = arith.addf %get3A_114, %get3A_117 : vector<16xf32>
        %mul3A_119 = arith.mulf %add3A_118, %gather3A : vector<16xf32>
        %swap3A_120 = arith.index_cast %scan3A_32 : i32 to index
        %swap3A_121 = arith.constant 112 : index
        %swap3A_122 = tpu.vector_load %arg10[%swap3A_120, %swap3A_121] {strides = array<i32>} : memref<80x128xf32, #tpu.memory_space<vmem>>, vector<16xf32>,
        tpu.vector_store %arg10[%swap3A_120, %swap3A_121], %mul3A_119 {strides = array<i32>} : memref<80x128xf32, #tpu.memory_space<vmem>>, vector<16xf32>,
      }
      %scan3A_31 = arith.constant 80 : i32
      "tpu.region"() ({
        %run_scoped3A = tpu.sem_alloc : memref<!tpu.dma_semaphore, #tpu.memory_space<semaphore_mem>>
        %dma_start3A = arith.constant 0 : i32
        %dma_start3A_32 = tpu.memref_slice %arg6[%add3A_25, %dma_start3A] : memref<10000x128xf32, #tpu.memory_space<hbm>> -> memref<80x128xf32, #tpu.memory_space<hbm>>
        %dma_start3A_33 = arith.constant 0 : i32
        %dma_start3A_34 = tpu.memref_slice %arg6[%add3A_25, %dma_start3A_33] : memref<10000x128xf32, #tpu.memory_space<hbm>> -> memref<80x128xf32, #tpu.memory_space<hbm>>
        tpu.enqueue_dma source(%arg10 : memref<80x128xf32, #tpu.memory_space<vmem>>) target(%dma_start3A_34 : memref<80x128xf32, #tpu.memory_space<hbm>>) target_semaphore(%run_scoped3A : memref<!tpu.dma_semaphore, #tpu.memory_space<semaphore_mem>>)
        %dma_wait3A = arith.constant 0 : i32
        %dma_wait3A_35 = tpu.memref_slice %arg6[%add3A_25, %dma_wait3A] : memref<10000x128xf32, #tpu.memory_space<hbm>> -> memref<80x128xf32, #tpu.memory_space<hbm>>
        %dma_wait3A_36 = arith.constant 0 : i32
        %dma_wait3A_37 = tpu.memref_slice %arg6[%add3A_25, %dma_wait3A_36] : memref<10000x128xf32, #tpu.memory_space<hbm>> -> memref<80x128xf32, #tpu.memory_space<hbm>>
        tpu.wait_dma2 semaphore(%run_scoped3A : memref<!tpu.dma_semaphore, #tpu.memory_space<semaphore_mem>>) src(%arg10 : memref<80x128xf32, #tpu.memory_space<vmem>>) dst(%dma_wait3A_37 : memref<80x128xf32, #tpu.memory_space<hbm>>)
        tpu.yield
      }) : () -> ()
    }
    %while3A_21 = arith.constant 1 : i32
    scf.for %while3A_22 = %while3A_19 to %while3A_15 step %while3A_21  : i32 {
      %mul3A_23 = arith.constant 80 : i32
      %mul3A_24 = arith.muli %mul3A_23, %while3A_22 : i32
      %add3A_25 = arith.addi %mul3A_2, %mul3A_24 : i32
      "tpu.region"() ({
        %run_scoped3A = tpu.sem_alloc : memref<!tpu.dma_semaphore, #tpu.memory_space<semaphore_mem>>
        %dma_start3A = arith.constant 0 : i32
        %dma_start3A_32 = tpu.memref_slice %arg2[%add3A_25, %dma_start3A] : memref<10240x128xf32, #tpu.memory_space<hbm>> -> memref<80x128xf32, #tpu.memory_space<hbm>>
        %dma_start3A_33 = arith.constant 0 : i32
        %dma_start3A_34 = tpu.memref_slice %arg2[%add3A_25, %dma_start3A_33] : memref<10240x128xf32, #tpu.memory_space<hbm>> -> memref<80x128xf32, #tpu.memory_space<hbm>>
        tpu.enqueue_dma source(%dma_start3A_34 : memref<80x128xf32, #tpu.memory_space<hbm>>) target(%arg10 : memref<80x128xf32, #tpu.memory_space<vmem>>) target_semaphore(%run_scoped3A : memref<!tpu.dma_semaphore, #tpu.memory_space<semaphore_mem>>)
        %dma_wait3A = arith.constant 0 : i32
        %dma_wait3A_35 = tpu.memref_slice %arg2[%add3A_25, %dma_wait3A] : memref<10240x128xf32, #tpu.memory_space<hbm>> -> memref<80x128xf32, #tpu.memory_space<hbm>>
        %dma_wait3A_36 = arith.constant 0 : i32
        %dma_wait3A_37 = tpu.memref_slice %arg2[%add3A_25, %dma_wait3A_36] : memref<10240x128xf32, #tpu.memory_space<hbm>> -> memref<80x128xf32, #tpu.memory_space<hbm>>
        tpu.wait_dma2 semaphore(%run_scoped3A : memref<!tpu.dma_semaphore, #tpu.memory_space<semaphore_mem>>) src(%dma_wait3A_37 : memref<80x128xf32, #tpu.memory_space<hbm>>) dst(%arg10 : memref<80x128xf32, #tpu.memory_space<vmem>>)
        tpu.yield
      }) : () -> ()
      "tpu.region"() ({
        %run_scoped3A = tpu.sem_alloc : memref<!tpu.dma_semaphore, #tpu.memory_space<semaphore_mem>>
        %dma_start3A = arith.constant 0 : i32
        %dma_start3A_32 = tpu.memref_slice %arg3[%add3A_25, %dma_start3A] : memref<10240x128xf32, #tpu.memory_space<hbm>> -> memref<80x128xf32, #tpu.memory_space<hbm>>
        %dma_start3A_33 = arith.constant 0 : i32
        %dma_start3A_34 = tpu.memref_slice %arg3[%add3A_25, %dma_start3A_33] : memref<10240x128xf32, #tpu.memory_space<hbm>> -> memref<80x128xf32, #tpu.memory_space<hbm>>
        tpu.enqueue_dma source(%dma_start3A_34 : memref<80x128xf32, #tpu.memory_space<hbm>>) target(%arg11 : memref<80x128xf32, #tpu.memory_space<vmem>>) target_semaphore(%run_scoped3A : memref<!tpu.dma_semaphore, #tpu.memory_space<semaphore_mem>>)
        %dma_wait3A = arith.constant 0 : i32
        %dma_wait3A_35 = tpu.memref_slice %arg3[%add3A_25, %dma_wait3A] : memref<10240x128xf32, #tpu.memory_space<hbm>> -> memref<80x128xf32, #tpu.memory_space<hbm>>
        %dma_wait3A_36 = arith.constant 0 : i32
        %dma_wait3A_37 = tpu.memref_slice %arg3[%add3A_25, %dma_wait3A_36] : memref<10240x128xf32, #tpu.memory_space<hbm>> -> memref<80x128xf32, #tpu.memory_space<hbm>>
        tpu.wait_dma2 semaphore(%run_scoped3A : memref<!tpu.dma_semaphore, #tpu.memory_space<semaphore_mem>>) src(%dma_wait3A_37 : memref<80x128xf32, #tpu.memory_space<hbm>>) dst(%arg11 : memref<80x128xf32, #tpu.memory_space<vmem>>)
        tpu.yield
      }) : () -> ()
      %scan3A_26 = arith.constant 0 : i32
      %scan3A_27 = arith.constant 0 : i32
      %scan3A_28 = arith.constant 80 : i32
      %scan3A_29 = arith.addi %scan3A_27, %scan3A_28 : i32
      %scan3A_30 = arith.constant 1 : i32
      scf.for %scan3A_32 = %scan3A_27 to %scan3A_29 step %scan3A_30  : i32 {
        %mul3A_33 = arith.constant 80 : i32
        %mul3A_34 = arith.muli %mul3A_33, %while3A_22 : i32
        %add3A_35 = arith.addi %mul3A_34, %scan3A_32 : i32
        %broadcast_in_dim3A_36 = vector.broadcast %add3A_35 : i32 to vector<16xi32>
        %gather3A = tpu.vector_load_idx %arg9[%broadcast_in_dim3A_36] : memref<320xf32, #tpu.memory_space<vmem>>[vector<16xi32>], vector<16xf32>,
        %get3A = arith.index_cast %scan3A_32 : i32 to index
        %get3A_37 = arith.constant 0 : index
        %get3A_38 = tpu.vector_load %arg10[%get3A, %get3A_37] {strides = array<i32>} : memref<80x128xf32, #tpu.memory_space<vmem>>, vector<16xf32>,
        %get3A_39 = arith.index_cast %scan3A_32 : i32 to index
        %get3A_40 = arith.constant 0 : index
        %get3A_41 = tpu.vector_load %arg11[%get3A_39, %get3A_40] {strides = array<i32>} : memref<80x128xf32, #tpu.memory_space<vmem>>, vector<16xf32>,
        %add3A_42 = arith.addf %get3A_38, %get3A_41 : vector<16xf32>
        %mul3A_43 = arith.mulf %add3A_42, %gather3A : vector<16xf32>
        %swap3A = arith.index_cast %scan3A_32 : i32 to index
        %swap3A_44 = arith.constant 0 : index
        %swap3A_45 = tpu.vector_load %arg10[%swap3A, %swap3A_44] {strides = array<i32>} : memref<80x128xf32, #tpu.memory_space<vmem>>, vector<16xf32>,
        tpu.vector_store %arg10[%swap3A, %swap3A_44], %mul3A_43 {strides = array<i32>} : memref<80x128xf32, #tpu.memory_space<vmem>>, vector<16xf32>,
        %get3A_46 = arith.index_cast %scan3A_32 : i32 to index
        %get3A_47 = arith.constant 16 : index
        %get3A_48 = tpu.vector_load %arg10[%get3A_46, %get3A_47] {strides = array<i32>} : memref<80x128xf32, #tpu.memory_space<vmem>>, vector<16xf32>,
        %get3A_49 = arith.index_cast %scan3A_32 : i32 to index
        %get3A_50 = arith.constant 16 : index
        %get3A_51 = tpu.vector_load %arg11[%get3A_49, %get3A_50] {strides = array<i32>} : memref<80x128xf32, #tpu.memory_space<vmem>>, vector<16xf32>,
        %add3A_52 = arith.addf %get3A_48, %get3A_51 : vector<16xf32>
        %mul3A_53 = arith.mulf %add3A_52, %gather3A : vector<16xf32>
        %swap3A_54 = arith.index_cast %scan3A_32 : i32 to index
        %swap3A_55 = arith.constant 16 : index
        %swap3A_56 = tpu.vector_load %arg10[%swap3A_54, %swap3A_55] {strides = array<i32>} : memref<80x128xf32, #tpu.memory_space<vmem>>, vector<16xf32>,
        tpu.vector_store %arg10[%swap3A_54, %swap3A_55], %mul3A_53 {strides = array<i32>} : memref<80x128xf32, #tpu.memory_space<vmem>>, vector<16xf32>,
        %get3A_57 = arith.index_cast %scan3A_32 : i32 to index
        %get3A_58 = arith.constant 32 : index
        %get3A_59 = tpu.vector_load %arg10[%get3A_57, %get3A_58] {strides = array<i32>} : memref<80x128xf32, #tpu.memory_space<vmem>>, vector<16xf32>,
        %get3A_60 = arith.index_cast %scan3A_32 : i32 to index
        %get3A_61 = arith.constant 32 : index
        %get3A_62 = tpu.vector_load %arg11[%get3A_60, %get3A_61] {strides = array<i32>} : memref<80x128xf32, #tpu.memory_space<vmem>>, vector<16xf32>,
        %add3A_63 = arith.addf %get3A_59, %get3A_62 : vector<16xf32>
        %mul3A_64 = arith.mulf %add3A_63, %gather3A : vector<16xf32>
        %swap3A_65 = arith.index_cast %scan3A_32 : i32 to index
        %swap3A_66 = arith.constant 32 : index
        %swap3A_67 = tpu.vector_load %arg10[%swap3A_65, %swap3A_66] {strides = array<i32>} : memref<80x128xf32, #tpu.memory_space<vmem>>, vector<16xf32>,
        tpu.vector_store %arg10[%swap3A_65, %swap3A_66], %mul3A_64 {strides = array<i32>} : memref<80x128xf32, #tpu.memory_space<vmem>>, vector<16xf32>,
        %get3A_68 = arith.index_cast %scan3A_32 : i32 to index
        %get3A_69 = arith.constant 48 : index
        %get3A_70 = tpu.vector_load %arg10[%get3A_68, %get3A_69] {strides = array<i32>} : memref<80x128xf32, #tpu.memory_space<vmem>>, vector<16xf32>,
        %get3A_71 = arith.index_cast %scan3A_32 : i32 to index
        %get3A_72 = arith.constant 48 : index
        %get3A_73 = tpu.vector_load %arg11[%get3A_71, %get3A_72] {strides = array<i32>} : memref<80x128xf32, #tpu.memory_space<vmem>>, vector<16xf32>,
        %add3A_74 = arith.addf %get3A_70, %get3A_73 : vector<16xf32>
        %mul3A_75 = arith.mulf %add3A_74, %gather3A : vector<16xf32>
        %swap3A_76 = arith.index_cast %scan3A_32 : i32 to index
        %swap3A_77 = arith.constant 48 : index
        %swap3A_78 = tpu.vector_load %arg10[%swap3A_76, %swap3A_77] {strides = array<i32>} : memref<80x128xf32, #tpu.memory_space<vmem>>, vector<16xf32>,
        tpu.vector_store %arg10[%swap3A_76, %swap3A_77], %mul3A_75 {strides = array<i32>} : memref<80x128xf32, #tpu.memory_space<vmem>>, vector<16xf32>,
        %get3A_79 = arith.index_cast %scan3A_32 : i32 to index
        %get3A_80 = arith.constant 64 : index
        %get3A_81 = tpu.vector_load %arg10[%get3A_79, %get3A_80] {strides = array<i32>} : memref<80x128xf32, #tpu.memory_space<vmem>>, vector<16xf32>,
        %get3A_82 = arith.index_cast %scan3A_32 : i32 to index
        %get3A_83 = arith.constant 64 : index
        %get3A_84 = tpu.vector_load %arg11[%get3A_82, %get3A_83] {strides = array<i32>} : memref<80x128xf32, #tpu.memory_space<vmem>>, vector<16xf32>,
        %add3A_85 = arith.addf %get3A_81, %get3A_84 : vector<16xf32>
        %mul3A_86 = arith.mulf %add3A_85, %gather3A : vector<16xf32>
        %swap3A_87 = arith.index_cast %scan3A_32 : i32 to index
        %swap3A_88 = arith.constant 64 : index
        %swap3A_89 = tpu.vector_load %arg10[%swap3A_87, %swap3A_88] {strides = array<i32>} : memref<80x128xf32, #tpu.memory_space<vmem>>, vector<16xf32>,
        tpu.vector_store %arg10[%swap3A_87, %swap3A_88], %mul3A_86 {strides = array<i32>} : memref<80x128xf32, #tpu.memory_space<vmem>>, vector<16xf32>,
        %get3A_90 = arith.index_cast %scan3A_32 : i32 to index
        %get3A_91 = arith.constant 80 : index
        %get3A_92 = tpu.vector_load %arg10[%get3A_90, %get3A_91] {strides = array<i32>} : memref<80x128xf32, #tpu.memory_space<vmem>>, vector<16xf32>,
        %get3A_93 = arith.index_cast %scan3A_32 : i32 to index
        %get3A_94 = arith.constant 80 : index
        %get3A_95 = tpu.vector_load %arg11[%get3A_93, %get3A_94] {strides = array<i32>} : memref<80x128xf32, #tpu.memory_space<vmem>>, vector<16xf32>,
        %add3A_96 = arith.addf %get3A_92, %get3A_95 : vector<16xf32>
        %mul3A_97 = arith.mulf %add3A_96, %gather3A : vector<16xf32>
        %swap3A_98 = arith.index_cast %scan3A_32 : i32 to index
        %swap3A_99 = arith.constant 80 : index
        %swap3A_100 = tpu.vector_load %arg10[%swap3A_98, %swap3A_99] {strides = array<i32>} : memref<80x128xf32, #tpu.memory_space<vmem>>, vector<16xf32>,
        tpu.vector_store %arg10[%swap3A_98, %swap3A_99], %mul3A_97 {strides = array<i32>} : memref<80x128xf32, #tpu.memory_space<vmem>>, vector<16xf32>,
        %get3A_101 = arith.index_cast %scan3A_32 : i32 to index
        %get3A_102 = arith.constant 96 : index
        %get3A_103 = tpu.vector_load %arg10[%get3A_101, %get3A_102] {strides = array<i32>} : memref<80x128xf32, #tpu.memory_space<vmem>>, vector<16xf32>,
        %get3A_104 = arith.index_cast %scan3A_32 : i32 to index
        %get3A_105 = arith.constant 96 : index
        %get3A_106 = tpu.vector_load %arg11[%get3A_104, %get3A_105] {strides = array<i32>} : memref<80x128xf32, #tpu.memory_space<vmem>>, vector<16xf32>,
        %add3A_107 = arith.addf %get3A_103, %get3A_106 : vector<16xf32>
        %mul3A_108 = arith.mulf %add3A_107, %gather3A : vector<16xf32>
        %swap3A_109 = arith.index_cast %scan3A_32 : i32 to index
        %swap3A_110 = arith.constant 96 : index
        %swap3A_111 = tpu.vector_load %arg10[%swap3A_109, %swap3A_110] {strides = array<i32>} : memref<80x128xf32, #tpu.memory_space<vmem>>, vector<16xf32>,
        tpu.vector_store %arg10[%swap3A_109, %swap3A_110], %mul3A_108 {strides = array<i32>} : memref<80x128xf32, #tpu.memory_space<vmem>>, vector<16xf32>,
        %get3A_112 = arith.index_cast %scan3A_32 : i32 to index
        %get3A_113 = arith.constant 112 : index
        %get3A_114 = tpu.vector_load %arg10[%get3A_112, %get3A_113] {strides = array<i32>} : memref<80x128xf32, #tpu.memory_space<vmem>>, vector<16xf32>,
        %get3A_115 = arith.index_cast %scan3A_32 : i32 to index
        %get3A_116 = arith.constant 112 : index
        %get3A_117 = tpu.vector_load %arg11[%get3A_115, %get3A_116] {strides = array<i32>} : memref<80x128xf32, #tpu.memory_space<vmem>>, vector<16xf32>,
        %add3A_118 = arith.addf %get3A_114, %get3A_117 : vector<16xf32>
        %mul3A_119 = arith.mulf %add3A_118, %gather3A : vector<16xf32>
        %swap3A_120 = arith.index_cast %scan3A_32 : i32 to index
        %swap3A_121 = arith.constant 112 : index
        %swap3A_122 = tpu.vector_load %arg10[%swap3A_120, %swap3A_121] {strides = array<i32>} : memref<80x128xf32, #tpu.memory_space<vmem>>, vector<16xf32>,
        tpu.vector_store %arg10[%swap3A_120, %swap3A_121], %mul3A_119 {strides = array<i32>} : memref<80x128xf32, #tpu.memory_space<vmem>>, vector<16xf32>,
      }
      %scan3A_31 = arith.constant 80 : i32
      "tpu.region"() ({
        %run_scoped3A = tpu.sem_alloc : memref<!tpu.dma_semaphore, #tpu.memory_space<semaphore_mem>>
        %dma_start3A = arith.constant 0 : i32
        %dma_start3A_32 = tpu.memref_slice %arg6[%add3A_25, %dma_start3A] : memref<10000x128xf32, #tpu.memory_space<hbm>> -> memref<80x128xf32, #tpu.memory_space<hbm>>
        %dma_start3A_33 = arith.constant 0 : i32
        %dma_start3A_34 = tpu.memref_slice %arg6[%add3A_25, %dma_start3A_33] : memref<10000x128xf32, #tpu.memory_space<hbm>> -> memref<80x128xf32, #tpu.memory_space<hbm>>
        tpu.enqueue_dma source(%arg10 : memref<80x128xf32, #tpu.memory_space<vmem>>) target(%dma_start3A_34 : memref<80x128xf32, #tpu.memory_space<hbm>>) target_semaphore(%run_scoped3A : memref<!tpu.dma_semaphore, #tpu.memory_space<semaphore_mem>>)
        %dma_wait3A = arith.constant 0 : i32
        %dma_wait3A_35 = tpu.memref_slice %arg6[%add3A_25, %dma_wait3A] : memref<10000x128xf32, #tpu.memory_space<hbm>> -> memref<80x128xf32, #tpu.memory_space<hbm>>
        %dma_wait3A_36 = arith.constant 0 : i32
        %dma_wait3A_37 = tpu.memref_slice %arg6[%add3A_25, %dma_wait3A_36] : memref<10000x128xf32, #tpu.memory_space<hbm>> -> memref<80x128xf32, #tpu.memory_space<hbm>>
        tpu.wait_dma2 semaphore(%run_scoped3A : memref<!tpu.dma_semaphore, #tpu.memory_space<semaphore_mem>>) src(%arg10 : memref<80x128xf32, #tpu.memory_space<vmem>>) dst(%dma_wait3A_37 : memref<80x128xf32, #tpu.memory_space<hbm>>)
        tpu.yield
      }) : () -> ()
    }
    return
  }
}

module attributes {stable_mosaic.version = 14 : i64} {
  func.func @_tc1_body(%arg0: i32, %arg1: memref<1000x128xf32, #tpu.memory_space<vmem>>, %arg2: memref<128x128xf32, #tpu.memory_space<vmem>>, %arg3: memref<128x128xf32, #tpu.memory_space<vmem>>, %arg4: memref<1000x128xf32, #tpu.memory_space<vmem>>, %arg5: memref<1000x128xf32, #tpu.memory_space<vmem>>) attributes {dimension_semantics = [#tpu.dimension_semantics<arbitrary>], iteration_bounds = array<i64: 10>, scalar_prefetch = 0 : i64, scratch_operands = 0 : i64, tpu.core_type = #tpu.core_type<tc>, window_params = [{transform_indices = @transform_0, window_bounds = array<i64: 1000, 128>}, {pipeline_mode = #tpu.pipeline_mode<synchronous>, transform_indices = @transform_1, window_bounds = array<i64: 128, 128>}, {pipeline_mode = #tpu.pipeline_mode<synchronous>, transform_indices = @transform_2, window_bounds = array<i64: 128, 128>}, {transform_indices = @transform_3, window_bounds = array<i64: 1000, 128>}, {transform_indices = @transform_4, window_bounds = array<i64: 1000, 128>}]} {
    %get3A = arith.constant 0 : index
    %get3A_0 = arith.constant 0 : index
    %get3A_1 = vector.load %arg1[%get3A, %get3A_0] : memref<1000x128xf32, #tpu.memory_space<vmem>>, vector<1000x128xf32>
    %get3A_2 = arith.constant 0 : index
    %get3A_3 = arith.constant 0 : index
    %get3A_4 = vector.load %arg2[%get3A_2, %get3A_3] : memref<128x128xf32, #tpu.memory_space<vmem>>, vector<128x128xf32>
    %dot_general3A = arith.constant dense<0.000000e+00> : vector<1000x128xf32>
    %dot_general3A_5 = tpu.matmul %get3A_1, %get3A_4, %dot_general3A {dimension_numbers = #tpu.dot_dimension_numbers<[1], [0], [0], [1], [0, 0, 1, 1], [], []>, transpose_lhs_hint = false} : vector<1000x128xf32>, vector<128x128xf32>, vector<1000x128xf32> -> vector<1000x128xf32>
    %swap3A = arith.constant 0 : index
    %swap3A_6 = arith.constant 0 : index
    %swap3A_7 = vector.load %arg4[%swap3A, %swap3A_6] : memref<1000x128xf32, #tpu.memory_space<vmem>>, vector<1000x128xf32>
    tpu.vector_store %arg4[%swap3A, %swap3A_6], %dot_general3A_5 {strides = array<i32>} : memref<1000x128xf32, #tpu.memory_space<vmem>>, vector<1000x128xf32>,
    %get3A_8 = arith.constant 0 : index
    %get3A_9 = arith.constant 0 : index
    %get3A_10 = vector.load %arg3[%get3A_8, %get3A_9] : memref<128x128xf32, #tpu.memory_space<vmem>>, vector<128x128xf32>
    %dot_general3A_11 = arith.constant dense<0.000000e+00> : vector<1000x128xf32>
    %dot_general3A_12 = tpu.matmul %dot_general3A_5, %get3A_10, %dot_general3A_11 {dimension_numbers = #tpu.dot_dimension_numbers<[1], [0], [0], [1], [0, 0, 1, 1], [], []>, transpose_lhs_hint = false} : vector<1000x128xf32>, vector<128x128xf32>, vector<1000x128xf32> -> vector<1000x128xf32>
    %swap3A_13 = arith.constant 0 : index
    %swap3A_14 = arith.constant 0 : index
    %swap3A_15 = vector.load %arg5[%swap3A_13, %swap3A_14] : memref<1000x128xf32, #tpu.memory_space<vmem>>, vector<1000x128xf32>
    tpu.vector_store %arg5[%swap3A_13, %swap3A_14], %dot_general3A_12 {strides = array<i32>} : memref<1000x128xf32, #tpu.memory_space<vmem>>, vector<1000x128xf32>,
    return
  }
  func.func @transform_0(%arg0: i32) -> (i32, i32) {
    %c0_i32 = arith.constant 0 : i32
    %c0_i32_0 = arith.constant 0 : i32
    return %arg0, %c0_i32 : i32, i32
  }
  func.func @transform_1(%arg0: i32) -> (i32, i32) {
    %c0_i32 = arith.constant 0 : i32
    %c0_i32_0 = arith.constant 0 : i32
    %c0_i32_1 = arith.constant 0 : i32
    return %c0_i32, %c0_i32_0 : i32, i32
  }
  func.func @transform_2(%arg0: i32) -> (i32, i32) {
    %c0_i32 = arith.constant 0 : i32
    %c0_i32_0 = arith.constant 0 : i32
    %c0_i32_1 = arith.constant 0 : i32
    return %c0_i32, %c0_i32_0 : i32, i32
  }
  func.func @transform_3(%arg0: i32) -> (i32, i32) {
    %c0_i32 = arith.constant 0 : i32
    %c0_i32_0 = arith.constant 0 : i32
    return %arg0, %c0_i32 : i32, i32
  }
  func.func @transform_4(%arg0: i32) -> (i32, i32) {
    %c0_i32 = arith.constant 0 : i32
    %c0_i32_0 = arith.constant 0 : i32
    return %arg0, %c0_i32 : i32, i32
  }
}

</mosaic_0001>

<sc_bundles>
// kernel: kernel.6.cloned.1.call-start
scs
__scs_entry_jumppad:
0x0: {  	(pc) =	sbr.rel $0x88, $3  }
0x1: {  	(tag) =	ssettag $0x0;
	lr =	simm.s32 $0x1  }
0x2: {  	[smem:$0x3F9D] =	sst lr;
	_ =	strace $0xD0000000  }
0x3: {  	_ = 	snop  }
0x4: {  	_ = 	snop  }
0x5: {  	_ = 	snop  }
0x6: {  	_ = 	snop  }
0x7: {  	_ = 	snop  }
__scs_overlays_trampoline_lowered:
0x8: {  	[smem:$0x3FAC] =	sst s0  }
0x9: {  	[smem:$0x3FAD] =	sst s1  }
0xa: {  	[smem:$0x3FAE] =	sst s2  }
0xb: {  	[smem:$0x3FAF] =	sst s3  }
0xc: {  	[smem:$0x3FB0] =	sst s4  }
0xd: {  	[smem:$0x3FB1] =	sst s5  }
0xe: {  	[smem:$0x3FB2] =	sst s6  }
0xf: {  	[smem:$0x3FB3] =	sst s7  }
0x10: {  	[smem:$0x3FB4] =	sst s8  }
0x11: {  	[smem:$0x3FB5] =	sst s9;
	s0 =	simm.s32 @!p0 $0x0  }
0x12: {  	s1 =	sld [smem:$0x3F9B];
	s0 =	simm.s32 @p0 $0x1  }
0x13: {  	[smem:$0x3FB6] =	sst s0;
	s0 =	simm.s32 @!p1 $0x0  }
0x14: {  	s2 =	sld [smem:$0x3F9A];
	s0 =	simm.s32 @p1 $0x1  }
0x15: {  	[smem:$0x3FB7] =	sst s0;
	s0 =	simm.s32 @!p2 $0x0  }
0x16: {  	s3 =	sld [smem:$0x3FDB];
	s0 =	simm.s32 @p2 $0x1  }
0x17: {  	s4 =	simm.s32 $0x1BF5;
	[smem:$0x3FB9] =	sst s0  }
0x18: {  	s0 =	sld [smem:$0x3F9C];
	_ =	swait.ge [sflag:s4], $0x0  }
0x19: {  	s7 =	sld [smem:$0x3F9D]  }
0x1a: {  	s8 =	sadd.s32 $0xFFFFE003, lr  }
0x1b: {  	s9 =	sadd.s32 $0xFFFFFEF7, lr;
	s5 =	simm.s32 $0xFFFFFFFF;
	p2 =	slt.u32 s8, $0xFFFFF086  }
0x1c: {  	p1 =	slt.u32 s9, $0xF7A;
	s5 =	simm.s32 @!p2 $0x0  }
0x1d: {  	s5 =	simm.s32 @p1 $0x1;
	p0 =	seq.s32 s7, s2  }
0x1e: {  	s7 =	smul.u32 @!p0 $0xF7A, s2;
	p2 =	seq.s32 @!p0 s5, $0x0  }
0x1f: {  	s9 =	smul.u32 $0xF7A, s1;
	s8 =	simm.s32 @!p0 $0x1BF5;
	p2 =	por !p2, p0  }
0x20: {  	[sflag:s8] =	ssyncset.s32 @!p0 $0xFFFFF086;
	s6 =	sadd.s32 @!p0 s3, s7;
	s7 =	simm.s32 @!p0 $0x108  }
0x21: {  	s3 =	sadd.s32 s3, s9;
	s6 =	sadd.s32 @!p0 $0x88, s6;
	s7 =	simm.s32 @p2 $0x1082  }
0x22: {  	[simem:s7], [sflag:s8] =	dma.local @!p0 [hbm:s6], $0xF7A  }
0x23: {  	s9 =	sor.u32 $0xD0000000, s2;
	s6 =	simm.s32 $0x108;
	_ =	swait.ge @!p0 [sflag:s8], $0x0  }
0x24: {  	s3 =	sadd.s32 $0x88, s3;
	s6 =	simm.s32 @!p1 $0x1082;
	[sflag:s4] =	ssyncset.s32 $0xFFFFF086  }
0x25: {  	[simem:s6], [sflag:s4] =	dma.local [hbm:s3], $0xF7A  }
0x26: {  	[smem:$0x3F9D] =	sst s1;
	(tag) =	ssettag s2;
	_ =	strace s9  }
0x27: {  	s1 =	sld [smem:$0x3FAD]  }
0x28: {  	s2 =	sld [smem:$0x3FAE]  }
0x29: {  	s4 =	sld [smem:$0x3FB0]  }
0x2a: {  	p0 =	seq.s32 s5, $0x0;
	s5 =	sld [smem:$0x3FB1]  }
0x2b: {  	s6 =	sld [smem:$0x3FB2]  }
0x2c: {  	s7 =	sld [smem:$0x3FB3]  }
0x2d: {  	s3 =	simm.s32 $0x108;
	s8 =	sld [smem:$0x3FB4]  }
0x2e: {  	s3 =	simm.s32 @!p0 $0x1082;
	s9 =	sld [smem:$0x3FB5]  }
0x2f: {  	lr =	sadd.s32 s0, s3;
	s0 =	sld [smem:$0x3FAC]  }
0x30: {  	s3 =	sld [smem:$0x3FAF]  }
0x31: {  	[smem:$0x3FB8] =	sst s10  }
0x32: {  	s10 =	sld [smem:$0x3FB6];
	_ =	sdelay $0x3  }
0x33: {  	p0 =	seq.s32 s10, $0x1;
	s10 =	sld [smem:$0x3FB8];
	_ =	sdelay $0x3  }
0x34: {  	[smem:$0x3FB8] =	sst s10  }
0x35: {  	s10 =	sld [smem:$0x3FB7];
	_ =	sdelay $0x3  }
0x36: {  	p1 =	seq.s32 s10, $0x1;
	s10 =	sld [smem:$0x3FB8];
	_ =	sdelay $0x3  }
0x37: {  	[smem:$0x3FB8] =	sst s10  }
0x38: {  	s10 =	sld [smem:$0x3FB9]  }
0x39: {  	_ = 	snop;
	(pc) =	sbr.ind lr, $3  }
0x3a: {  	_ = 	snop  }
0x3b: {  	_ = 	snop  }
0x3c: {  	p2 =	seq.s32 s10, $0x1;
	s10 =	sld [smem:$0x3FB8]  }
0x3d: {  	_ =	shalt  }
0x3e: {  	_ =	shalt  }
0x3f: {  	_ =	shalt  }
0x40: {  	_ =	shalt  }
0x41: {  	_ =	shalt  }
0x42: {  	_ =	shalt  }
0x43: {  	_ =	shalt  }
0x44: {  	_ =	shalt  }
0x45: {  	_ =	shalt  }
0x46: {  	_ =	shalt  }
0x47: {  	_ =	shalt  }
0x48: {  	_ =	shalt  }
0x49: {  	_ =	shalt  }
0x4a: {  	_ =	shalt  }
0x4b: {  	_ =	shalt  }
0x4c: {  	_ =	shalt  }
0x4d: {  	_ =	shalt  }
0x4e: {  	_ =	shalt  }
0x4f: {  	_ =	shalt  }
0x50: {  	_ =	shalt  }
0x51: {  	_ =	shalt  }
0x52: {  	_ =	shalt  }
0x53: {  	_ =	shalt  }
0x54: {  	_ =	shalt  }
0x55: {  	_ =	shalt  }
0x56: {  	_ =	shalt  }
0x57: {  	_ =	shalt  }
0x58: {  	_ =	shalt  }
0x59: {  	_ =	shalt  }
0x5a: {  	_ =	shalt  }
0x5b: {  	_ =	shalt  }
0x5c: {  	_ =	shalt  }
0x5d: {  	_ =	shalt  }
0x5e: {  	_ =	shalt  }
0x5f: {  	_ =	shalt  }
0x60: {  	_ =	shalt  }
0x61: {  	_ =	shalt  }
0x62: {  	_ =	shalt  }
0x63: {  	_ =	shalt  }
0x64: {  	_ =	shalt  }
0x65: {  	_ =	shalt  }
0x66: {  	_ =	shalt  }
0x67: {  	_ =	shalt  }
0x68: {  	_ =	shalt  }
0x69: {  	_ =	shalt  }
0x6a: {  	_ =	shalt  }
0x6b: {  	_ =	shalt  }
0x6c: {  	_ =	shalt  }
0x6d: {  	_ =	shalt  }
0x6e: {  	_ =	shalt  }
0x6f: {  	_ =	shalt  }
0x70: {  	_ =	shalt  }
0x71: {  	_ =	shalt  }
0x72: {  	_ =	shalt  }
0x73: {  	_ =	shalt  }
0x74: {  	_ =	shalt  }
0x75: {  	_ =	shalt  }
0x76: {  	_ =	shalt  }
0x77: {  	_ =	shalt  }
0x78: {  	_ =	shalt  }
0x79: {  	_ =	shalt  }
0x7a: {  	_ =	shalt  }
0x7b: {  	_ =	shalt  }
0x7c: {  	_ =	shalt  }
0x7d: {  	_ =	shalt  }
0x7e: {  	_ =	shalt  }
0x7f: {  	_ =	shalt  }
0x80: {  	_ =	shalt  }
0x81: {  	_ =	shalt  }
0x82: {  	_ =	shalt  }
0x83: {  	_ =	shalt  }
0x84: {  	_ =	shalt  }
0x85: {  	_ =	shalt  }
0x86: {  	_ =	shalt  }
0x87: {  	_ =	shalt  }
.Lfunc_end0:
.L_simem_size_0:
called_computation_lowered:
.L_overlay_start_0:
0x88: {  	s2 =	sld [smem:$0x3FD9]  }
0x89: {  	s3 =	sld [smem:$0x3FFE];
	_ =	sdelay $0x1  }
0x8a: {  	s1 =	srdreg.scid  }
0x8b: {  	s0 =	sand.u32 $0x1, s1  }
0x8c: {  	s17 =	sshll.u32 s0, $0xA;
	s2 =	sadd.s32 s3, s2  }
0x8d: {  	s2 =	sadd.s32 s2, s17  }
0x8e: {  	[smem:$0x3FC4] =	sst s2  }
0x8f: {  	_ = 	snop  }
0x90: {  	s2 =	sld [smem:$0x3FD0];
	(tm) =	ssettm $0x1  }
0x91: {  	s18 =	sld [smem:$0x3FFB];
	_ =	sdelay $0x3  }
0x92: {  	_ =	strace s18  }
0x93: {  	s3 =	sld [smem:$0x3FFC];
	_ =	sdelay $0x3  }
0x94: {  	_ =	strace s3  }
0x95: {  	s3 =	sld [smem:$0x3FFD];
	_ =	sdelay $0x3  }
0x96: {  	_ =	strace s3  }
0x97: {  	_ =	strace $0x8FFFFFFF  }
0x98: {  	s19 =	sld [smem:$0x3FDB];
	_ =	sdelay $0x1  }
0x99: {  	s4 =	simm.s32 $_scs_section_size  }
0x9a: {  	s5 =	simm.s32 $_size__tile_overlayer_lowered;
	s6 =	simm.s32 $_tile_overlayer_lowered  }
0x9b: {  	s22 =	simm.s32 $0x1BFF;
	s21 =	sshll.u32 s6, $0x1;
	s3 =	sadd.s32 s4, s19  }
0x9c: {  	s7 =	simm.s32 $0x0;
	s20 =	sshll.u32 s5, $0x1;
	s5 =	sadd.s32 s21, s3  }
0x9d: {  	[timem:s7], [sflag:s22] =	dma.local [hbm:s5], s20  }
0x9e: {  	_ =	swait.ge [sflag:s22], s20  }
0x9f: {  	s4 =	ssub.s32 $0x0, s20;
	[sflag:s22] =	ssyncset.done $0x0  }
0xa0: {  	[sflag:s22] =	ssyncadd.s32 s4;
	_ =	sdelay $0x1  }
0xa1: {  	s23 =	simm.s32 $0x1B8B  }
0xa2: {  	_ =	swait.ge [sflag:s23], $0x1  }
0xa3: {  	[sflag:s23] =	ssyncset.done $0x0  }
0xa4: {  	s25 =	simm.s32 $0x1B8E;
	s24 =	sld [smem:$0x3FFE];
	[sflag:s23] =	ssyncadd.s32 $0xFFFFFFFF  }
0xa5: {  	s26 =	simm.s32 $execute0_lowered;
	[smem:$0x3FD2] =	sst s25  }
0xa6: {  	s5 =	sshll.u32 s26, $0x1;
	_ =	strace $0x80000046;
	[dreg:$0x1] =	wrdreg $0xFFFFFFFF  }
0xa7: {  	s28 =	simm.s32 $_size_execute0_lowered;
	s3 =	sadd.s32 s3, s5;
	[dreg:$0x0] =	wrdreg $0x0  }
0xa8: {  	s5 =	sshll.u32 s28, $0x1;
	[dreg:$0x2] =	wrdreg s3  }
0xa9: {  	[dreg:$0x3] =	wrdreg s5  }
0xaa: {  	[dreg:$0x4] =	wrdreg $0xC0  }
0xab: {  	_ =	task [dreg:s7], $0x5FFFF  }
0xac: {  	[dreg:$0x1] =	wrdreg $0xFFFFFFFF  }
0xad: {  	[dreg:$0x0] =	wrdreg $0x60  }
0xae: {  	[dreg:$0x2] =	wrdreg s2  }
0xaf: {  	[dreg:$0x3] =	wrdreg s24  }
0xb0: {  	[dreg:$0x4] =	wrdreg $0x57000  }
0xb1: {  	[dreg:$0x5] =	wrdreg $0x197000  }
0xb2: {  	[dreg:$0x6] =	wrdreg $0x9  }
0xb3: {  	_ =	task.clear_ibuf [dreg:s7], $0x7FFFF;
	_ =	strace $0x90000046  }
0xb4: {  	s29 =	simm.s32 $0x9;
	_ =	strace $0x80000048  }
0xb5: {  	_ =	swait.ge [sflag:s29], $0x1  }
0xb6: {  	[sflag:s29] =	ssyncadd.s32 $0xFFFFFFFF  }
0xb7: {  	_ =	strace $0x90000048  }
0xb8: {  	_ =	sfence  }
0xb9: {  	s30 =	sld [smem:$0x0];
	_ =	sdelay $0x2  }
0xba: {  	s31 =	sshll.u32 s1, $0xD;
	s1 =	sshrl.u32 s1, $0x2  }
0xbb: {  	s3 =	sand.u32 $0x4000, s31;
	s1 =	sadd.s32 s1, s30  }
0xbc: {  	s0 =	sor.u32 s3, s0;
	s1 =	sshll.u32 s1, $0x11  }
0xbd: {  	s0 =	sor.u32 s1, s0  }
0xbe: {  	s0 =	sadd.s32 $0x8F2B, s0  }
0xbf: {  	[sflag:s0] =	ssyncadd.remote.s32 $0x1  }
0xc0: {  	_ =	sfence.sel $0xFFFF  }
0xc1: {  	[dreg:$0x0] =	wrdreg $0xFFFFFFFF;
	(pc) =	sbr.abs _section_cstart, $3  }
0xc2: {  	[dreg:$0x1] =	wrdreg $0xFFFFFFFF  }
0xc3: {  	_ =	task.clear_ibuf [dreg:s7], $0x2FFFF;
	_ =	strace $0x9FFFFFFF  }
0xc4: {  	(tm) =	ssettm $0x7FFFFFFF  }
0xc5: {  	_ =	shalt  }
tec
execute0_lowered:
.L_overlay_start_1:
0x0: {  	(tag) =	ssettag $0x1  }
0x1: {  	s2 =	rddreg [dreg:$0x1]  }
0x2: {  	s3 =	rddreg [dreg:$0x2]  }
0x3: {  	s4 =	rddreg [dreg:$0x3];
	s0 =	srdreg.scid;
	s6 =	simm.s32 $0x0  }
0x4: {  	s16 =	stileid.u32;
	s29 =	simm.s32 $0x9;
	s30 =	simm.s32 $0x80  }
0x5: {  	s0 =	sand.u32 $0x1, s0;
	[smem:$0x7FF] =	sst s6;
	s7 =	sadd.s32 $0xFA00, s2  }
0x6: {  	s8 =	sadd.s32 $0x20000, s2;
	s9 =	sadd.s32 $0x48000, s2;
	s19 =	smul.u32 $0x50000, s16  }
0x7: {  	s10 =	sadd.s32 $0x70000, s2;
	s12 =	sadd.s32 $0x70600, s2;
	s23 =	smul.u32 $0x2800, s16  }
0x8: {  	s5 =	sshll.u32 s0, $0x4;
	_ =	strace $0x80000047;
	s11 =	ssub.s32 $0x2, s0  }
0x9: {  	p0 =	seq.s32 s0, $0x1;
	s5 =	sor.u32 s16, s5;
	s13 =	sshrl.u32 s11, $0x1  }
0xa: {  	s22 =	sshrl.u32 s19, $0x2;
	s8 =	smov.u32 @p0 s9;
	s5 =	smul.u32 $0x3E80, s5  }
0xb: {  	s10 =	smov.u32 @p0 s12;
	s11 =	ssub.s32 s11, s13;
	s24 =	sadd.s32 s22, s3  }
0xc: {  	s13 =	smul.u32 $0x280, s16;
	[dreg:$0xf] =	wrdreg s24;
	s14 =	sshrl.u32 s5, $0x3  }
0xd: {  	s18 =	sadd.s32 $0x180, s5;
	s20 =	sadd.s32 $0x200, s5;
	s21 =	sadd.s32 $0x280, s5  }
0xe: {  	s5 =	sadd.s32 $0x300, s5;
	s25 =	sshrl.u32 s13, $0x3;
	s26 =	sor.u32 $0x50, s13  }
0xf: {  	s16 =	sadd.s32 $0x140, s13;
	s28 =	sadd.s32 s13, s4;
	[dreg:$0xb] =	wrdreg s18  }
0x10: {  	s22 =	sadd.s32 $0x230, s13;
	s15 =	sadd.s32 s7, s14;
	[dreg:$0xc] =	wrdreg s20  }
0x11: {  	s31 =	sadd.s32 s2, s14;
	s1 =	sadd.s32 $0x10, s14;
	[dreg:$0xd] =	wrdreg s21  }
0x12: {  	s14 =	sadd.s32 $0x20, s14;
	[dreg:$0xe] =	wrdreg s5;
	s5 =	sadd.s32 s8, s23  }
0x13: {  	s0 =	sadd.s32 s10, s25;
	s10 =	smax.u32 s11, $0x1;
	[dreg:$0x1c] =	wrdreg s28  }
0x14: {  	s18 =	sadd.s32 $0x190, s13;
	s20 =	sadd.s32 s16, s4;
	[dreg:$0x5] =	wrdreg s15  }
0x15: {  	s21 =	sadd.s32 $0x1E0, s13;
	s25 =	sshll.u32 s22, $0x7;
	[dreg:$0x6] =	wrdreg s31  }
0x16: {  	s17 =	sadd.s32 s7, s1;
	s15 =	sadd.s32 s2, s1;
	[dreg:$0x10] =	wrdreg s5  }
0x17: {  	s31 =	sshll.u32 s26, $0x7;
	[dreg:$0x11] =	wrdreg s0;
	s1 =	sadd.s32 $0xA0, s13  }
0x18: {  	[dreg:$0x12] =	wrdreg s10;
	s5 =	sadd.s32 s26, s4;
	s19 =	sshll.u32 s18, $0x7  }
0x19: {  	[dreg:$0x1a] =	wrdreg s20;
	s23 =	sshll.u32 s21, $0x7;
	s9 =	sadd.s32 s18, s4  }
0x1a: {  	s26 =	sadd.s32 s25, s3;
	s25 =	simm.s32 $0x1;
	[dreg:$0x7] =	wrdreg s17  }
0x1b: {  	s18 =	simm.s32 $0x180;
	s20 =	simm.s32 $0x6;
	[dreg:$0x8] =	wrdreg s15  }
0x1c: {  	s17 =	sadd.s32 s7, s14;
	s14 =	sadd.s32 s2, s14;
	[dreg:$0x14] =	wrdreg s5  }
0x1d: {  	s8 =	sadd.s32 s31, s3;
	s11 =	sshll.u32 s1, $0x7;
	[dreg:$0x1d] =	wrdreg s9  }
0x1e: {  	s0 =	sadd.s32 s1, s4;
	[smem:$0x7FC] =	sst s26;
	s31 =	sadd.s32 s22, s4  }
0x1f: {  	s1 =	smov.u32 s2;
	s26 =	simm.s32 $0x50;
	[dreg:$0x9] =	wrdreg s17  }
0x20: {  	s22 =	simm.s32 $0x100;
	s9 =	simm.s32 $0x0;
	[dreg:$0xa] =	wrdreg s14  }
0x21: {  	[dreg:$0x13] =	wrdreg s8;
	s12 =	sadd.s32 s11, s3;
	s14 =	sadd.s32 $0xF0, s13  }
0x22: {  	[dreg:$0x16] =	wrdreg s0;
	s17 =	sshll.u32 s16, $0x7;
	s8 =	sadd.s32 s23, s3  }
0x23: {  	[smem:$0x7FD] =	sst s31;
	s13 =	sadd.s32 $0x1F400, s2;
	s11 =	simm.s32 $0x2F00  }
0x24: {  	s16 =	simm.s32 $0x8;
	[dreg:$0x15] =	wrdreg s12;
	s15 =	sshll.u32 s14, $0x7  }
0x25: {  	s5 =	sadd.s32 s14, s4;
	[dreg:$0x1e] =	wrdreg s8;
	s12 =	sadd.s32 $0x1FA00, s2  }
0x26: {  	s8 =	simm.s32 $0x2;
	s2 =	simm.s32 $0x380;
	s14 =	simm.s32 $0x680  }
.Ltmp0:
0x27: {  	s0 =	sadd.s32 s15, s3;
	[dreg:$0x18] =	wrdreg s5;
	(pc) =	sbr.rel .LBB2_1-.Ltmp0, $4  }
0x28: {  	s5 =	simm.s32 $0x5;
	[dreg:$0x17] =	wrdreg s0;
	s0 =	sadd.s32 s17, s3  }
0x29: {  	s15 =	simm.s32 $0x7;
	[dreg:$0x19] =	wrdreg s0;
	s0 =	sadd.s32 s19, s3  }
0x2a: {  	s17 =	simm.s32 $0x4;
	[dreg:$0x1b] =	wrdreg s0;
	s0 =	sadd.s32 s21, s4  }
0x2b: {  	v0 =	vimm.f32 $0.0e+00;
	s19 =	simm.s32 $0x700;
	s21 =	simm.s32 $0x600;
	[dreg:$0x1f] =	wrdreg s0  }
.LBB2_16:
0x2c: {  	_ =	swait.ge [sflag:s15], $0x2800  }
0x2d: {  	[sflag:s15] =	ssyncset.done $0x0  }
0x2e: {  	[sflag:s15] =	ssyncadd.s32 $0xFFFFD800  }
0x2f: {  	_ =	swait.ge [sflag:s15], $0x50  }
0x30: {  	[sflag:s15] =	ssyncset.done $0x0  }
0x31: {  	[sflag:s15] =	ssyncadd.s32 $0xFFFFFFB0  }
0x32: {  	s0 =	stileid.u32;
	[bflag:$0x0] =	sbarrier.arrive $0xFFFF  }
0x33: {  	s29 =	simm.s32 $0x9;
	s0 =	sshll.u32 s0, $0x6;
	s24 =	rddreg [dreg:$0xf]  }
0x34: {  	s0 =	sor.u32 $0x1C09, s0;
	s10 =	rddreg [dreg:$0x10];
	s9 =	sshrl.u32 s24, $0x3  }
0x35: {  	[hbm:s10], [sflag:s0] =	dma.local [spmem:s9], $0x2800  }
0x36: {  	_ =	swait.ge [sflag:s29], $0x2800  }
0x37: {  	[sflag:s29] =	ssyncset.done $0x0;
	s28 =	rddreg [dreg:$0x1c]  }
0x38: {  	s31 =	rddreg [dreg:$0x11];
	[sflag:s29] =	ssyncadd.s32 $0xFFFFD800;
	s23 =	sshrl.u32 s28, $0x3  }
0x39: {  	[hbm:s31], [sflag:s0] =	dma.local [spmem:s23], $0x50  }
0x3a: {  	_ =	swait.ge [sflag:s29], $0x50  }
0x3b: {  	s23 =	sld [smem:$0x7FB];
	_ =	sdelay $0x2  }
0x3c: {  	s31 =	rddreg [dreg:$0x12];
	s9 =	sadd.s32 $0x1, s23  }
0x3d: {  	p0 =	sne.s32 s9, s31  }
.Ltmp1:
0x3e: {  	_ = 	snop;
	(pc) =	sbr.rel @!p0 .LBB2_17-.Ltmp1, $3  }
0x3f: {  	_ =	sdelay $0x1  }
0x40: {  	[sflag:s29] =	ssyncset.done $0x0  }
0x41: {  	[sflag:s29] =	ssyncadd.s32 $0xFFFFFFB0  }
.LBB2_1:
0x42: {  	[smem:$0x7FB] =	sst s9;
	s9 =	simm.s32 $0x0;
	s10 =	simm.s32 $0x200  }
.LBB2_2:
0x43: {  	p0 =	sne.s32 s10, $0x9E00;
	[tilespmem:s9+$0x770] =	vst v0  }
0x44: {  	[tilespmem:s9+$0x700] =	vst v0  }
0x45: {  	[tilespmem:s9+$0x710] =	vst v0  }
.Ltmp2:
0x46: {  	[tilespmem:s9+$0x720] =	vst v0;
	(pc) =	sbr.rel @p0 .LBB2_2-.Ltmp2, $4  }
0x47: {  	[tilespmem:s9+$0x730] =	vst v0  }
0x48: {  	[tilespmem:s9+$0x740] =	vst v0  }
0x49: {  	[tilespmem:s9+$0x750] =	vst v0  }
0x4a: {  	[tilespmem:s9+$0x760] =	vst v0;
	s9 =	sshra.s32 s10, $0x2;
	s10 =	sadd.s32 $0x200, s10  }
0x4b: {  	[tilespmem:s9+$0x770] =	vst v0  }
0x4c: {  	[tilespmem:s9+$0x700] =	vst v0  }
0x4d: {  	[tilespmem:s9+$0x710] =	vst v0  }
0x4e: {  	[tilespmem:s9+$0x720] =	vst v0  }
0x4f: {  	[tilespmem:s9+$0x730] =	vst v0  }
0x50: {  	[tilespmem:s9+$0x740] =	vst v0  }
0x51: {  	[tilespmem:s9+$0x750] =	vst v0  }
0x52: {  	[tilespmem:s9+$0x760] =	vst v0  }
0x53: {  	[tilespmem:$0x600] =	vst v0  }
0x54: {  	[tilespmem:$0x610] =	vst v0  }
0x55: {  	[tilespmem:$0x620] =	vst v0  }
0x56: {  	[tilespmem:$0x630] =	vst v0  }
0x57: {  	[tilespmem:$0x640] =	vst v0  }
0x58: {  	[spmem:s24] =	stream.linear.scatter [tilespmem:s19], [sflag:$0x9], $0x2800, $0x38;
	[tilespmem:$0x19980] =	vst v63  }
0x59: {  	_ =	swait.ge [sflag:s29], $0x2800  }
0x5a: {  	[sflag:s29] =	ssyncset.done $0x0  }
0x5b: {  	[sflag:s29] =	ssyncadd.s32 $0xFFFFD800  }
0x5c: {  	[spmem:s28] =	stream.linear.scatter [tilespmem:s21], [sflag:$0x9], $0x50, $0x38;
	[tilespmem:$0x19980] =	vst v63  }
0x5d: {  	_ =	swait.ge [sflag:s29], $0x50  }
0x5e: {  	[sflag:s29] =	ssyncset.done $0x0  }
0x5f: {  	s0 =	rddreg [dreg:$0x13];
	[sflag:s29] =	ssyncadd.s32 $0xFFFFFFB0  }
0x60: {  	[spmem:s0] =	stream.linear.scatter [tilespmem:s19], [sflag:$0x9], $0x2800, $0x38;
	[tilespmem:$0x19980] =	vst v63  }
0x61: {  	_ =	swait.ge [sflag:s29], $0x2800  }
0x62: {  	[sflag:s29] =	ssyncset.done $0x0  }
0x63: {  	s24 =	rddreg [dreg:$0x14];
	[sflag:s29] =	ssyncadd.s32 $0xFFFFD800  }
0x64: {  	[spmem:s24] =	stream.linear.scatter [tilespmem:s21], [sflag:$0x9], $0x50, $0x38;
	[tilespmem:$0x19980] =	vst v63  }
0x65: {  	_ =	swait.ge [sflag:s29], $0x50  }
0x66: {  	[sflag:s29] =	ssyncset.done $0x0  }
0x67: {  	s31 =	rddreg [dreg:$0x15];
	[sflag:s29] =	ssyncadd.s32 $0xFFFFFFB0  }
0x68: {  	[spmem:s31] =	stream.linear.scatter [tilespmem:s19], [sflag:$0x9], $0x2800, $0x38;
	[tilespmem:$0x19980] =	vst v63  }
0x69: {  	_ =	swait.ge [sflag:s29], $0x2800  }
0x6a: {  	[sflag:s29] =	ssyncset.done $0x0  }
0x6b: {  	s9 =	rddreg [dreg:$0x16];
	[sflag:s29] =	ssyncadd.s32 $0xFFFFD800  }
0x6c: {  	[spmem:s9] =	stream.linear.scatter [tilespmem:s21], [sflag:$0x9], $0x50, $0x38;
	[tilespmem:$0x19980] =	vst v63  }
0x6d: {  	_ =	swait.ge [sflag:s29], $0x50  }
0x6e: {  	[sflag:s29] =	ssyncset.done $0x0  }
0x6f: {  	s10 =	rddreg [dreg:$0x17];
	[sflag:s29] =	ssyncadd.s32 $0xFFFFFFB0  }
0x70: {  	[spmem:s10] =	stream.linear.scatter [tilespmem:s19], [sflag:$0x9], $0x2800, $0x38;
	[tilespmem:$0x19980] =	vst v63  }
0x71: {  	_ =	swait.ge [sflag:s29], $0x2800  }
0x72: {  	[sflag:s29] =	ssyncset.done $0x0  }
0x73: {  	s23 =	rddreg [dreg:$0x18];
	[sflag:s29] =	ssyncadd.s32 $0xFFFFD800  }
0x74: {  	[spmem:s23] =	stream.linear.scatter [tilespmem:s21], [sflag:$0x9], $0x50, $0x38;
	[tilespmem:$0x19980] =	vst v63  }
0x75: {  	_ =	swait.ge [sflag:s29], $0x50  }
0x76: {  	[sflag:s29] =	ssyncset.done $0x0  }
0x77: {  	s24 =	rddreg [dreg:$0x19];
	[sflag:s29] =	ssyncadd.s32 $0xFFFFFFB0  }
0x78: {  	[spmem:s24] =	stream.linear.scatter [tilespmem:s19], [sflag:$0x9], $0x2800, $0x38;
	[tilespmem:$0x19980] =	vst v63  }
0x79: {  	_ =	swait.ge [sflag:s29], $0x2800  }
0x7a: {  	[sflag:s29] =	ssyncset.done $0x0  }
0x7b: {  	s31 =	rddreg [dreg:$0x1a];
	[sflag:s29] =	ssyncadd.s32 $0xFFFFD800  }
0x7c: {  	[spmem:s31] =	stream.linear.scatter [tilespmem:s21], [sflag:$0x9], $0x50, $0x38;
	[tilespmem:$0x19980] =	vst v63  }
0x7d: {  	_ =	swait.ge [sflag:s29], $0x50  }
0x7e: {  	[sflag:s29] =	ssyncset.done $0x0  }
0x7f: {  	s9 =	rddreg [dreg:$0x1b];
	[sflag:s29] =	ssyncadd.s32 $0xFFFFFFB0  }
0x80: {  	[spmem:s9] =	stream.linear.scatter [tilespmem:s19], [sflag:$0x9], $0x2800, $0x38;
	[tilespmem:$0x19980] =	vst v63  }
0x81: {  	_ =	swait.ge [sflag:s29], $0x2800  }
0x82: {  	[sflag:s29] =	ssyncset.done $0x0  }
0x83: {  	s10 =	rddreg [dreg:$0x1d];
	[sflag:s29] =	ssyncadd.s32 $0xFFFFD800  }
0x84: {  	[spmem:s10] =	stream.linear.scatter [tilespmem:s21], [sflag:$0x9], $0x50, $0x38;
	[tilespmem:$0x19980] =	vst v63  }
0x85: {  	_ =	swait.ge [sflag:s29], $0x50  }
0x86: {  	[sflag:s29] =	ssyncset.done $0x0  }
0x87: {  	s23 =	rddreg [dreg:$0x1e];
	[sflag:s29] =	ssyncadd.s32 $0xFFFFFFB0  }
0x88: {  	[spmem:s23] =	stream.linear.scatter [tilespmem:s19], [sflag:$0x9], $0x2800, $0x38;
	[tilespmem:$0x19980] =	vst v63  }
0x89: {  	_ =	swait.ge [sflag:s29], $0x2800  }
0x8a: {  	[sflag:s29] =	ssyncset.done $0x0  }
0x8b: {  	s24 =	rddreg [dreg:$0x1f];
	[sflag:s29] =	ssyncadd.s32 $0xFFFFD800  }
0x8c: {  	[spmem:s24] =	stream.linear.scatter [tilespmem:s21], [sflag:$0x9], $0x50, $0x38;
	[tilespmem:$0x19980] =	vst v63  }
0x8d: {  	_ =	swait.ge [sflag:s29], $0x50  }
0x8e: {  	s31 =	sld [smem:$0x7FC]  }
0x8f: {  	[sflag:s29] =	ssyncset.done $0x0  }
0x90: {  	[sflag:s29] =	ssyncadd.s32 $0xFFFFFFB0  }
0x91: {  	[spmem:s31] =	stream.linear.scatter [tilespmem:s19], [sflag:$0x9], $0x2800, $0x38;
	[tilespmem:$0x19980] =	vst v63  }
0x92: {  	_ =	swait.ge [sflag:s29], $0x2800  }
0x93: {  	s9 =	sld [smem:$0x7FD]  }
0x94: {  	[sflag:s29] =	ssyncset.done $0x0  }
0x95: {  	[sflag:s29] =	ssyncadd.s32 $0xFFFFD800  }
0x96: {  	[spmem:s9] =	stream.linear.scatter [tilespmem:s21], [sflag:$0x9], $0x50, $0x38;
	[tilespmem:$0x19980] =	vst v63  }
0x97: {  	_ =	swait.ge [sflag:s29], $0x50  }
0x98: {  	[sflag:s29] =	ssyncset.done $0x0  }
0x99: {  	[sflag:s29] =	ssyncadd.s32 $0xFFFFFFB0  }
0x9a: {  	[bflag:$0x0] =	sbarrier.arrive $0xFFFF  }
0x9b: {  	s10 =	rddreg [dreg:$0x5]  }
0x9c: {  	[tilespmem:s6], [sflag:$0x1] =	stream.linear.gather [hbm4b:s10+s6], $0x80, $0x38;
	[tilespmem:$0x19980] =	vst v63  }
0x9d: {  	s23 =	rddreg [dreg:$0x6];
	s10 =	simm.s32 $0x200  }
0x9e: {  	[tilespmem:s10], [sflag:$0x1] =	stream.linear.gather [hbm4b:s23+s6], $0x80, $0x38;
	[tilespmem:$0x19980] =	vst v63  }
0x9f: {  	s24 =	rddreg [dreg:$0x7]  }
0xa0: {  	[tilespmem:s30], [sflag:$0x2] =	stream.linear.gather [hbm4b:s24+s6], $0x80, $0x38;
	[tilespmem:$0x19980] =	vst v63  }
0xa1: {  	s31 =	simm.s32 $0x280;
	s29 =	rddreg [dreg:$0x8]  }
0xa2: {  	[tilespmem:s31], [sflag:$0x2] =	stream.linear.gather [hbm4b:s29+s6], $0x80, $0x38;
	[tilespmem:$0x19980] =	vst v63  }
0xa3: {  	_ =	swait.ge [sflag:s25], $0x80  }
0xa4: {  	[sflag:s25] =	ssyncset.done $0x0  }
0xa5: {  	[sflag:s25] =	ssyncadd.s32 $0xFFFFFF80  }
0xa6: {  	_ =	swait.ge [sflag:s25], $0x80  }
0xa7: {  	[sflag:s25] =	ssyncset.done $0x0  }
0xa8: {  	s23 =	simm.s32 $0x400;
	[sflag:s25] =	ssyncadd.s32 $0xFFFFFF80  }
0xa9: {  	[tilespmem:s23], [sflag:$0x5] =	stream.indirect.gather [hbm4b:s12+s26], $0x1, s6, s26, $0xb8;
	[tilespmem:$0x19980] =	vst v63  }
0xaa: {  	s24 =	simm.s32 $0x500  }
0xab: {  	[tilespmem:s24], [sflag:$0x5] =	stream.indirect.gather [hbm4b:s13+s26], $0x1, s10, s26, $0xb8;
	[tilespmem:$0x19980] =	vst v63  }
0xac: {  	s29 =	rddreg [dreg:$0x0]  }
0xad: {  	[tilespmem:s19], [sflag:$0x5] =	stream.indirect.gather [hbm4b:s29+s26], $0x80, s10, s26, $0xb8;
	[tilespmem:$0x19980] =	vst v63  }
0xae: {  	s31 =	rddreg [dreg:$0x9]  }
0xaf: {  	[tilespmem:s22], [sflag:$0x3] =	stream.linear.gather [hbm4b:s31+s6], $0x80, $0x38;
	[tilespmem:$0x19980] =	vst v63  }
0xb0: {  	s9 =	rddreg [dreg:$0xa];
	s10 =	simm.s32 $0x300  }
0xb1: {  	[tilespmem:s10], [sflag:$0x3] =	stream.linear.gather [hbm4b:s9+s6], $0x80, $0x38;
	[tilespmem:$0x19980] =	vst v63  }
0xb2: {  	_ =	swait.ge [sflag:s5], $0x50  }
0xb3: {  	[sflag:s5] =	ssyncset.done $0x0  }
0xb4: {  	[sflag:s5] =	ssyncadd.s32 $0xFFFFFFB0  }
0xb5: {  	_ =	swait.ge [sflag:s5], $0x50  }
0xb6: {  	[sflag:s5] =	ssyncset.done $0x0  }
0xb7: {  	[sflag:s5] =	ssyncadd.s32 $0xFFFFFFB0  }
0xb8: {  	_ =	swait.ge [sflag:s5], $0x2800  }
0xb9: {  	[sflag:s5] =	ssyncset.done $0x0  }
0xba: {  	[sflag:s5] =	ssyncadd.s32 $0xFFFFD800  }
0xbb: {  	v1 =	vld [tilespmem:$0x400]  }
0xbc: {  	v2 =	vld [tilespmem:$0x500];
	_ =	sdelay $0x2  }
0xbd: {  	v3 =	vld [tilespmem:$0x410]  }
0xbe: {  	v4 =	vld [tilespmem:$0x510]  }
0xbf: {  	v5 =	vld [tilespmem:$0x520];
	v1 =	vadd.f32 v2, v1  }
0xc0: {  	v2 =	vld [tilespmem:$0x420]  }
0xc1: {  	v7 =	vld [tilespmem:$0x430];
	v6 =	vmul.f32 $2.000000030e-01, v1  }
0xc2: {  	v8 =	vld [tilespmem:$0x530];
	vm0 =	vge.f32 v1, $0.0e+00  }
0xc3: {  	v3 =	vadd.f32 v4, v3;
	v4 =	vld [tilespmem:$0x440];
	v1 =	vsel vm0, v1, v6  }
0xc4: {  	v6 =	vld [tilespmem:$0x540];
	v1 =	vmax.f32 v1, $-2.000000000e+00  }
0xc5: {  	v9 =	vmul.f32 $2.000000030e-01, v3;
	v2 =	vadd.f32 v5, v2;
	v1 =	vmin.f32 v1, $2.000000000e+00  }
0xc6: {  	vm12 =	vge.f32 v3, $0.0e+00;
	v1 =	vmul.f32 $1.442695020e+00, v1  }
0xc7: {  	v3 =	vsel vm12, v3, v9;
	v5 =	vmul.f32 $2.000000030e-01, v2  }
0xc8: {  	(erf) = vpow2.f32 v1;
	v1 =	vmax.f32 v3, $-2.000000000e+00;
	v3 =	vadd.f32 v8, v7  }
0xc9: {  	vm13 =	vge.f32 v2, $0.0e+00;
	v4 =	vadd.f32 v6, v4  }
0xca: {  	v2 =	vsel vm13, v2, v5;
	v1 =	vmin.f32 v1, $2.000000000e+00;
	v6 =	vmul.f32 $2.000000030e-01, v3  }
0xcb: {  	v2 =	vmax.f32 v2, $-2.000000000e+00;
	vm14 =	vge.f32 v3, $0.0e+00;
	v5 =	vmul.f32 $2.000000030e-01, v4  }
0xcc: {  	v1 =	vmul.f32 $1.442695020e+00, v1;
	vm15 =	vge.f32 v4, $0.0e+00;
	v3 =	vsel vm14, v3, v6  }
0xcd: {  	v2 =	vmin.f32 v2, $2.000000000e+00;
	v4 =	vsel vm15, v4, v5;
	v3 =	vmax.f32 v3, $-2.000000000e+00  }
0xce: {  	v2 =	vmul.f32 $1.442695020e+00, v2;
	v4 =	vmax.f32 v4, $-2.000000000e+00;
	v3 =	vmin.f32 v3, $2.000000000e+00  }
0xcf: {  	(erf) = vpow2.f32 v1;
	v1 =	vmul.f32 $1.442695020e+00, v3;
	v3 =	vmin.f32 v4, $2.000000000e+00  }
0xd0: {  	(erf) = vpow2.f32 v2;
	v2 =	vmul.f32 $1.442695020e+00, v3  }
0xd1: {  	(erf) = vpow2.f32 v1  }
0xd2: {  	(erf) = vpow2.f32 v2;
	_ =	sdelay $0x2  }
0xd3: {  	s24 =	simm.s32 $0x0  }
0xd4: {  	v2 =	vmov s24;
	v1 =	vpop (erf)  }
0xd5: {  	[tilespmem:$0x600] =	vst v1;
	v1 =	vand.u32 $0xFFFFFFFC, v2  }
0xd6: {  	v3 =	vpop (erf);
	v1 =	vbroadcast v1, $0x0  }
0xd7: {  	v2 =	vpop (erf);
	[tilespmem:$0x610] =	vst v3  }
0xd8: {  	[tilespmem:$0x620] =	vst v2;
	v3 =	vpop (erf)  }
0xd9: {  	[tilespmem:$0x630] =	vst v3;
	v2 =	vpop (erf)  }
0xda: {  	s9 =	simm.s32 $0x800;
	[tilespmem:$0x640] =	vst v2  }
0xdb: {  	v3 =	vld [tilespmem:s9+$0xFFFFFF70]  }
0xdc: {  	v1 =	vld.idx.msk [tilespmem:v1+s21+$0x0], $0xffff  }
0xdd: {  	v4 =	vld [tilespmem:s9+$0xFFFFFF00]  }
0xde: {  	v5 =	vld [tilespmem:s9+$0xFFFFFF20]  }
0xdf: {  	v6 =	vld [tilespmem:s9+$0xFFFFFF30]  }
0xe0: {  	v2 =	vld [tilespmem:s9+$0xFFFFFF50]  }
0xe1: {  	v8 =	vld [tilespmem:s9+$0xFFFFFF10];
	v3 =	vmul.f32 v3, v1  }
0xe2: {  	s29 =	simm.s32 $0x1;
	v7 =	vld [tilespmem:s9+$0xFFFFFF60];
	v4 =	vmul.f32 v4, v1  }
0xe3: {  	v62 =	vld [tilespmem:s9+$0xFFFFFF40];
	v5 =	vmul.f32 v5, v1;
	[tilespmem:s9+$0xFFFFFF70] =	vst v3;
	v3 =	vmov s29  }
0xe4: {  	v6 =	vmul.f32 v6, v1;
	[tilespmem:s9+$0xFFFFFF00] =	vst v4;
	v3 =	vand.u32 $0xFFFFFFFD, v3  }
0xe5: {  	v2 =	vmul.f32 v2, v1;
	[tilespmem:s9+$0xFFFFFF20] =	vst v5;
	v3 =	vbroadcast v3, $0x0  }
0xe6: {  	v4 =	vmul.f32 v8, v1;
	[tilespmem:s9+$0xFFFFFF30] =	vst v6  }
0xe7: {  	v5 =	vmul.f32 v7, v1;
	[tilespmem:s9+$0xFFFFFF50] =	vst v2  }
0xe8: {  	v1 =	vmul.f32 v62, v1;
	[tilespmem:s9+$0xFFFFFF10] =	vst v4  }
0xe9: {  	[tilespmem:s9+$0xFFFFFF60] =	vst v5  }
0xea: {  	[tilespmem:s9+$0xFFFFFF40] =	vst v1;
	v1 =	vld [tilespmem:s9+$0xFFFFFF80]  }
0xeb: {  	v3 =	vld.idx.msk [tilespmem:v3+s21+$0x0], $0xffff  }
0xec: {  	v2 =	vld [tilespmem:s9+$0xFFFFFFA0]  }
0xed: {  	v4 =	vld [tilespmem:s9+$0xFFFFFF90]  }
0xee: {  	v5 =	vld [tilespmem:s9+$0xFFFFFFD0]  }
0xef: {  	v6 =	vld [tilespmem:s9+$0xFFFFFFE0]  }
0xf0: {  	v7 =	vld [tilespmem:s9+$0xFFFFFFF0];
	v1 =	vmul.f32 v1, v3  }
0xf1: {  	s31 =	simm.s32 $0x2;
	v8 =	vld [tilespmem:s9+$0xFFFFFFB0];
	v2 =	vmul.f32 v2, v3  }
0xf2: {  	v63 =	vld [tilespmem:s9+$0xFFFFFFC0];
	v4 =	vmul.f32 v4, v3;
	[tilespmem:s9+$0xFFFFFF80] =	vst v1;
	v1 =	vmov s31  }
0xf3: {  	v5 =	vmul.f32 v5, v3;
	[tilespmem:s9+$0xFFFFFFA0] =	vst v2;
	v1 =	vand.u32 $0xFFFFFFFE, v1  }
0xf4: {  	v2 =	vmul.f32 v6, v3;
	[tilespmem:s9+$0xFFFFFF90] =	vst v4;
	v4 =	vbroadcast v1, $0x0  }
0xf5: {  	v6 =	vmul.f32 v7, v3;
	[tilespmem:s9+$0xFFFFFFD0] =	vst v5;
	v7 =	vld [tilespmem:s9+$0x30]  }
0xf6: {  	v5 =	vmul.f32 v8, v3;
	v1 =	vld [tilespmem:s9+$0x40];
	[tilespmem:s9+$0xFFFFFFE0] =	vst v2  }
0xf7: {  	v3 =	vmul.f32 v63, v3;
	v2 =	vld [tilespmem:s9+$0x70];
	[tilespmem:s9+$0xFFFFFFF0] =	vst v6  }
0xf8: {  	[tilespmem:s9+$0xFFFFFFB0] =	vst v5;
	v5 =	vld [tilespmem:s9+$0x20]  }
0xf9: {  	[tilespmem:s9+$0xFFFFFFC0] =	vst v3;
	v6 =	vld [tilespmem:s9+$0x0]  }
0xfa: {  	s28 =	simm.s32 $0x800;
	v3 =	vld.idx.msk [tilespmem:v4+s21+$0x0], $0xffff  }
0xfb: {  	s23 =	simm.s32 $0x200;
	s10 =	simm.s32 $0x3;
	s24 =	simm.s32 $0x7;
	v4 =	vld [tilespmem:s9+$0x10]  }
.LBB2_4:
0xfc: {  	p0 =	sne.s32 s24, $0x4F  }
0xfd: {  	v8 =	vld [tilespmem:s9+$0x50];
	s28 =	sadd.s32 $0x200, s28;
	s29 =	smov.u32 s24;
	s24 =	sadd.s32 $0x4, s24  }
0xfe: {  	v9 =	vld [tilespmem:s9+$0x60];
	_ =	sdelay $0x1  }
0xff: {  	v6 =	vmul.f32 v6, v3;
	v4 =	vmul.f32 v4, v3  }
0x100: {  	v5 =	vmul.f32 v5, v3;
	v7 =	vmul.f32 v7, v3  }
0x101: {  	v1 =	vmul.f32 v1, v3;
	v2 =	vmul.f32 v2, v3;
	[tilespmem:s9+$0x0] =	vst v6  }
0x102: {  	[tilespmem:s9+$0x20] =	vst v5;
	v5 =	vmul.f32 v8, v3;
	v3 =	vmul.f32 v9, v3  }
0x103: {  	[tilespmem:s9+$0x30] =	vst v7;
	v6 =	vld [tilespmem:s9+$0x80]  }
0x104: {  	[tilespmem:s9+$0x60] =	vst v3;
	v3 =	vmov s10;
	v7 =	vld [tilespmem:s9+$0xD0];
	s10 =	smov.u32 s29  }
0x105: {  	[tilespmem:s9+$0x50] =	vst v5;
	v5 =	vld [tilespmem:s9+$0xE0]  }
0x106: {  	[tilespmem:s9+$0x40] =	vst v1;
	v8 =	vld [tilespmem:s9+$0xB0]  }
0x107: {  	v1 =	vld [tilespmem:s28+$0x40];
	[tilespmem:s9+$0x70] =	vst v2  }
0x108: {  	v2 =	vld [tilespmem:s28+$0x70];
	[tilespmem:s9+$0x10] =	vst v4  }
0x109: {  	v3 =	vld.idx.msk [tilespmem:v3+s21+$0x0], $0xffff  }
0x10a: {  	v4 =	vld [tilespmem:s9+$0x90]  }
0x10b: {  	v9 =	vld [tilespmem:s9+$0xA0]  }
0x10c: {  	v10 =	vld [tilespmem:s9+$0xC0]  }
0x10d: {  	v11 =	vld [tilespmem:s9+$0xF0];
	_ =	sdelay $0x1  }
0x10e: {  	v6 =	vmul.f32 v6, v3;
	v4 =	vmul.f32 v4, v3  }
0x10f: {  	s29 =	sadd.s32 $0xFFFFFFFD, s10;
	v8 =	vmul.f32 v8, v3;
	v9 =	vmul.f32 v9, v3  }
0x110: {  	v12 =	vmov s29;
	v7 =	vmul.f32 v7, v3;
	[tilespmem:s9+$0x80] =	vst v6;
	v6 =	vmul.f32 v10, v3  }
0x111: {  	v10 =	vand.u32 $0xFFFFFFFC, v12;
	[tilespmem:s9+$0x90] =	vst v4;
	v4 =	vmul.f32 v5, v3;
	v3 =	vmul.f32 v11, v3  }
0x112: {  	v5 =	vbroadcast v10, $0x0;
	[tilespmem:s9+$0xA0] =	vst v9  }
0x113: {  	[tilespmem:s9+$0xD0] =	vst v7  }
0x114: {  	v7 =	vld [tilespmem:s28+$0xFFFFFF50];
	[tilespmem:s9+$0xB0] =	vst v8  }
0x115: {  	v8 =	vld [tilespmem:s28+$0xFFFFFF30];
	[tilespmem:s9+$0xC0] =	vst v6  }
0x116: {  	v6 =	vld [tilespmem:s28+$0xFFFFFF60];
	[tilespmem:s9+$0xE0] =	vst v4  }
0x117: {  	v4 =	vld [tilespmem:s28+$0xFFFFFF70];
	[tilespmem:s9+$0xF0] =	vst v3;
	s9 =	smov.u32 s28  }
0x118: {  	v3 =	vld.idx.msk [tilespmem:v5+s21+$0x0], $0xffff  }
0x119: {  	v5 =	vld [tilespmem:s28+$0xFFFFFF00]  }
0x11a: {  	v9 =	vld [tilespmem:s28+$0xFFFFFF20]  }
0x11b: {  	v10 =	vld [tilespmem:s28+$0xFFFFFF10]  }
0x11c: {  	v11 =	vld [tilespmem:s28+$0xFFFFFF40];
	_ =	sdelay $0x1  }
0x11d: {  	v4 =	vmul.f32 v4, v3;
	v5 =	vmul.f32 v5, v3  }
0x11e: {  	s29 =	sadd.s32 $0xFFFFFFFE, s10;
	v6 =	vmul.f32 v6, v3;
	v9 =	vmul.f32 v9, v3  }
0x11f: {  	v8 =	vmul.f32 v8, v3;
	v10 =	vmul.f32 v10, v3;
	[tilespmem:s28+$0xFFFFFF70] =	vst v4;
	v4 =	vmov s29  }
0x120: {  	[tilespmem:s28+$0xFFFFFF00] =	vst v5;
	v5 =	vmul.f32 v11, v3;
	v3 =	vmul.f32 v7, v3;
	v4 =	vand.u32 $0xFFFFFFFD, v4  }
0x121: {  	[tilespmem:s28+$0xFFFFFF20] =	vst v9;
	v4 =	vbroadcast v4, $0x0  }
0x122: {  	[tilespmem:s28+$0xFFFFFF30] =	vst v8  }
0x123: {  	[tilespmem:s28+$0xFFFFFF50] =	vst v3;
	v3 =	vld [tilespmem:s28+$0xFFFFFFF0]  }
0x124: {  	[tilespmem:s28+$0xFFFFFF10] =	vst v10;
	v7 =	vld [tilespmem:s28+$0xFFFFFFD0]  }
0x125: {  	[tilespmem:s28+$0xFFFFFF60] =	vst v6;
	v6 =	vld [tilespmem:s28+$0xFFFFFFB0]  }
0x126: {  	[tilespmem:s28+$0xFFFFFF40] =	vst v5;
	v5 =	vld [tilespmem:s28+$0xFFFFFF90]  }
0x127: {  	v4 =	vld.idx.msk [tilespmem:v4+s21+$0x0], $0xffff  }
0x128: {  	v8 =	vld [tilespmem:s28+$0xFFFFFF80]  }
0x129: {  	v9 =	vld [tilespmem:s28+$0xFFFFFFA0]  }
0x12a: {  	v10 =	vld [tilespmem:s28+$0xFFFFFFC0]  }
0x12b: {  	v11 =	vld [tilespmem:s28+$0xFFFFFFE0];
	_ =	sdelay $0x1  }
0x12c: {  	v5 =	vmul.f32 v5, v4;
	v8 =	vmul.f32 v8, v4  }
0x12d: {  	s29 =	sadd.s32 $0xFFFFFFFF, s10;
	v6 =	vmul.f32 v6, v4;
	v9 =	vmul.f32 v9, v4  }
0x12e: {  	v7 =	vmul.f32 v7, v4;
	[tilespmem:s28+$0xFFFFFF80] =	vst v8;
	v8 =	vmul.f32 v10, v4;
	v10 =	vmov s29  }
0x12f: {  	v3 =	vmul.f32 v3, v4;
	[tilespmem:s28+$0xFFFFFFA0] =	vst v9;
	v9 =	vmul.f32 v11, v4;
	v4 =	vand.u32 $0xFFFFFFFE, v10  }
0x130: {  	[tilespmem:s28+$0xFFFFFF90] =	vst v5;
	v4 =	vbroadcast v4, $0x0  }
0x131: {  	[tilespmem:s28+$0xFFFFFFD0] =	vst v7  }
0x132: {  	[tilespmem:s28+$0xFFFFFFE0] =	vst v9  }
0x133: {  	[tilespmem:s28+$0xFFFFFFB0] =	vst v6  }
.Ltmp3:
0x134: {  	[tilespmem:s28+$0xFFFFFFF0] =	vst v3;
	v5 =	vld [tilespmem:s28+$0x20];
	(pc) =	sbr.rel @p0 .LBB2_4-.Ltmp3, $4  }
0x135: {  	[tilespmem:s28+$0xFFFFFFC0] =	vst v8;
	v6 =	vld [tilespmem:s28+$0x0]  }
0x136: {  	v3 =	vld.idx.msk [tilespmem:v4+s21+$0x0], $0xffff  }
0x137: {  	v4 =	vld [tilespmem:s28+$0x10]  }
0x138: {  	v7 =	vld [tilespmem:s28+$0x30]  }
0x139: {  	_ =	sdelay $0x1  }
0x13a: {  	v8 =	vld [tilespmem:s9+$0x60];
	v6 =	vmul.f32 v6, v3  }
0x13b: {  	v9 =	vld [tilespmem:s9+$0x50];
	v5 =	vmul.f32 v5, v3  }
0x13c: {  	v1 =	vmul.f32 v1, v3;
	[tilespmem:s9+$0x0] =	vst v6  }
0x13d: {  	v2 =	vmul.f32 v2, v3;
	[tilespmem:s9+$0x20] =	vst v5  }
0x13e: {  	v7 =	vmul.f32 v7, v3;
	[tilespmem:s9+$0x40] =	vst v1  }
0x13f: {  	v57 =	vmov s10;
	[tilespmem:s9+$0x70] =	vst v2;
	v54 =	vmul.f32 v8, v3  }
0x140: {  	v55 =	vmul.f32 v9, v3;
	[tilespmem:s9+$0x30] =	vst v7  }
0x141: {  	v3 =	vmul.f32 v4, v3;
	[tilespmem:s9+$0x60] =	vst v54  }
0x142: {  	[tilespmem:s9+$0x50] =	vst v55  }
0x143: {  	v56 =	vld [tilespmem:s9+$0x80];
	[tilespmem:s9+$0x10] =	vst v3  }
0x144: {  	v1 =	vld.idx.msk [tilespmem:v57+s21+$0x0], $0xffff  }
0x145: {  	v2 =	vld [tilespmem:s9+$0x90]  }
0x146: {  	v3 =	vld [tilespmem:s9+$0xA0]  }
0x147: {  	v58 =	vld [tilespmem:s9+$0xD0]  }
0x148: {  	v61 =	vld [tilespmem:s9+$0xE0]  }
0x149: {  	v59 =	vld [tilespmem:s9+$0xB0];
	v7 =	vmul.f32 v56, v1  }
0x14a: {  	v60 =	vld [tilespmem:s9+$0xC0];
	v2 =	vmul.f32 v2, v1  }
0x14b: {  	v62 =	vld [tilespmem:s9+$0xF0];
	v3 =	vmul.f32 v3, v1;
	[tilespmem:s9+$0x80] =	vst v7  }
0x14c: {  	v4 =	vmul.f32 v58, v1;
	[tilespmem:s9+$0x90] =	vst v2  }
0x14d: {  	v63 =	vmul.f32 v61, v1;
	[tilespmem:s9+$0xA0] =	vst v3  }
0x14e: {  	v2 =	vmul.f32 v59, v1;
	[tilespmem:s9+$0xD0] =	vst v4  }
0x14f: {  	v3 =	vmul.f32 v60, v1;
	[tilespmem:s9+$0xE0] =	vst v63  }
0x150: {  	v1 =	vmul.f32 v62, v1;
	[tilespmem:s9+$0xB0] =	vst v2  }
0x151: {  	[tilespmem:s9+$0xC0] =	vst v3  }
0x152: {  	[tilespmem:s9+$0xF0] =	vst v1;
	s9 =	simm.s32 $0x0  }
0x153: {  	[spmem:s3] =	stream.indirect.scatter.add.f32 [tilespmem:s19], [sflag:$0x7], $0x80, s9, s26, $0xb8;
	[tilespmem:$0x19980] =	vst v63  }
0x154: {  	_ = 	snop  }
0x155: {  	[spmem:s4] =	stream.indirect.scatter.add.f32 [tilespmem:s21], [sflag:$0x7], $0x1, s9, s26, $0xb8;
	[tilespmem:$0x19980] =	vst v63  }
0x156: {  	_ =	swait.ge [sflag:s8], $0x80  }
0x157: {  	[sflag:s8] =	ssyncset.done $0x0  }
0x158: {  	[sflag:s8] =	ssyncadd.s32 $0xFFFFFF80  }
0x159: {  	_ =	swait.ge [sflag:s8], $0x80  }
0x15a: {  	[sflag:s8] =	ssyncset.done $0x0  }
0x15b: {  	s0 =	simm.s32 $0x480;
	[sflag:s8] =	ssyncadd.s32 $0xFFFFFF80  }
0x15c: {  	[tilespmem:s0], [sflag:$0x6] =	stream.indirect.gather [hbm4b:s12+s26], $0x1, s30, s26, $0xb8;
	[tilespmem:$0x19980] =	vst v63  }
0x15d: {  	s29 =	simm.s32 $0x280;
	s30 =	simm.s32 $0x580  }
0x15e: {  	[tilespmem:s30], [sflag:$0x6] =	stream.indirect.gather [hbm4b:s13+s26], $0x1, s29, s26, $0xb8;
	[tilespmem:$0x19980] =	vst v63  }
0x15f: {  	s31 =	rddreg [dreg:$0x0]  }
0x160: {  	[tilespmem:s11], [sflag:$0x6] =	stream.indirect.gather [hbm4b:s31+s26], $0x80, s29, s26, $0xb8;
	[tilespmem:$0x19980] =	vst v63  }
.LBB2_6:
0x161: {  	s10 =	sshll.u32 s9, $0x9;
	s0 =	rddreg [dreg:$0xb]  }
0x162: {  	s24 =	sadd.s32 s10, s0  }
0x163: {  	s24 =	sshrl.u32 s24, $0x3  }
0x164: {  	s28 =	sadd.s32 s7, s24  }
0x165: {  	[tilespmem:s18], [sflag:$0x4] =	stream.linear.gather [hbm4b:s28+s6], $0x80, $0x38;
	[tilespmem:$0x19980] =	vst v63  }
0x166: {  	s24 =	sadd.s32 s1, s24  }
0x167: {  	[tilespmem:s2], [sflag:$0x4] =	stream.linear.gather [hbm4b:s24+s6], $0x80, $0x38;
	[tilespmem:$0x19980] =	vst v63  }
0x168: {  	_ =	swait.ge [sflag:s20], $0x50  }
0x169: {  	[sflag:s20] =	ssyncset.done $0x0  }
0x16a: {  	[sflag:s20] =	ssyncadd.s32 $0xFFFFFFB0  }
0x16b: {  	_ =	swait.ge [sflag:s20], $0x50  }
0x16c: {  	[sflag:s20] =	ssyncset.done $0x0  }
0x16d: {  	[sflag:s20] =	ssyncadd.s32 $0xFFFFFFB0  }
0x16e: {  	_ =	swait.ge [sflag:s20], $0x2800  }
0x16f: {  	[sflag:s20] =	ssyncset.done $0x0  }
0x170: {  	[sflag:s20] =	ssyncadd.s32 $0xFFFFD800  }
0x171: {  	v1 =	vld [tilespmem:$0x480]  }
0x172: {  	v2 =	vld [tilespmem:$0x580];
	_ =	sdelay $0x2  }
0x173: {  	v3 =	vld [tilespmem:$0x490]  }
0x174: {  	v4 =	vld [tilespmem:$0x590]  }
0x175: {  	v5 =	vld [tilespmem:$0x5A0];
	v1 =	vadd.f32 v2, v1  }
0x176: {  	v2 =	vld [tilespmem:$0x4A0]  }
0x177: {  	v7 =	vld [tilespmem:$0x4B0];
	v6 =	vmul.f32 $2.000000030e-01, v1  }
0x178: {  	v8 =	vld [tilespmem:$0x5B0];
	vm0 =	vge.f32 v1, $0.0e+00  }
0x179: {  	v3 =	vadd.f32 v4, v3;
	v4 =	vld [tilespmem:$0x4C0];
	v1 =	vsel vm0, v1, v6  }
0x17a: {  	v6 =	vld [tilespmem:$0x5C0];
	v1 =	vmax.f32 v1, $-2.000000000e+00  }
0x17b: {  	v9 =	vmul.f32 $2.000000030e-01, v3;
	v2 =	vadd.f32 v5, v2;
	v1 =	vmin.f32 v1, $2.000000000e+00  }
0x17c: {  	vm12 =	vge.f32 v3, $0.0e+00;
	v1 =	vmul.f32 $1.442695020e+00, v1  }
0x17d: {  	v3 =	vsel vm12, v3, v9;
	v5 =	vmul.f32 $2.000000030e-01, v2  }
0x17e: {  	(erf) = vpow2.f32 v1;
	v1 =	vmax.f32 v3, $-2.000000000e+00;
	v3 =	vadd.f32 v8, v7  }
0x17f: {  	vm13 =	vge.f32 v2, $0.0e+00;
	v4 =	vadd.f32 v6, v4  }
0x180: {  	v2 =	vsel vm13, v2, v5;
	v1 =	vmin.f32 v1, $2.000000000e+00;
	v6 =	vmul.f32 $2.000000030e-01, v3  }
0x181: {  	v2 =	vmax.f32 v2, $-2.000000000e+00;
	vm14 =	vge.f32 v3, $0.0e+00;
	v5 =	vmul.f32 $2.000000030e-01, v4  }
0x182: {  	v1 =	vmul.f32 $1.442695020e+00, v1;
	vm15 =	vge.f32 v4, $0.0e+00;
	v3 =	vsel vm14, v3, v6  }
0x183: {  	v2 =	vmin.f32 v2, $2.000000000e+00;
	v4 =	vsel vm15, v4, v5;
	v3 =	vmax.f32 v3, $-2.000000000e+00  }
0x184: {  	v2 =	vmul.f32 $1.442695020e+00, v2;
	v4 =	vmax.f32 v4, $-2.000000000e+00;
	v3 =	vmin.f32 v3, $2.000000000e+00  }
0x185: {  	(erf) = vpow2.f32 v1;
	v1 =	vmul.f32 $1.442695020e+00, v3;
	v3 =	vmin.f32 v4, $2.000000000e+00  }
0x186: {  	(erf) = vpow2.f32 v2;
	v2 =	vmul.f32 $1.442695020e+00, v3  }
0x187: {  	(erf) = vpow2.f32 v1  }
0x188: {  	(erf) = vpow2.f32 v2;
	_ =	sdelay $0x2  }
0x189: {  	s30 =	simm.s32 $0x0  }
0x18a: {  	v2 =	vmov s30;
	v1 =	vpop (erf)  }
0x18b: {  	[tilespmem:$0x680] =	vst v1;
	v1 =	vand.u32 $0xFFFFFFFC, v2  }
0x18c: {  	v3 =	vpop (erf);
	v1 =	vbroadcast v1, $0x0  }
0x18d: {  	v2 =	vpop (erf);
	[tilespmem:$0x690] =	vst v3  }
0x18e: {  	[tilespmem:$0x6A0] =	vst v2;
	v3 =	vpop (erf)  }
0x18f: {  	[tilespmem:$0x6B0] =	vst v3;
	v2 =	vpop (erf)  }
0x190: {  	s24 =	simm.s32 $0x3000;
	[tilespmem:$0x6C0] =	vst v2  }
0x191: {  	v3 =	vld [tilespmem:s24+$0xFFFFFF70]  }
0x192: {  	v1 =	vld.idx.msk [tilespmem:v1+s14+$0x0], $0xffff  }
0x193: {  	v4 =	vld [tilespmem:s24+$0xFFFFFF00]  }
0x194: {  	v5 =	vld [tilespmem:s24+$0xFFFFFF20]  }
0x195: {  	v6 =	vld [tilespmem:s24+$0xFFFFFF30]  }
0x196: {  	v2 =	vld [tilespmem:s24+$0xFFFFFF50]  }
0x197: {  	v8 =	vld [tilespmem:s24+$0xFFFFFF10];
	v3 =	vmul.f32 v3, v1  }
0x198: {  	s28 =	simm.s32 $0x1;
	v7 =	vld [tilespmem:s24+$0xFFFFFF60];
	v4 =	vmul.f32 v4, v1  }
0x199: {  	v62 =	vld [tilespmem:s24+$0xFFFFFF40];
	v5 =	vmul.f32 v5, v1;
	[tilespmem:s24+$0xFFFFFF70] =	vst v3;
	v3 =	vmov s28  }
0x19a: {  	v6 =	vmul.f32 v6, v1;
	[tilespmem:s24+$0xFFFFFF00] =	vst v4;
	v3 =	vand.u32 $0xFFFFFFFD, v3  }
0x19b: {  	v2 =	vmul.f32 v2, v1;
	[tilespmem:s24+$0xFFFFFF20] =	vst v5;
	v3 =	vbroadcast v3, $0x0  }
0x19c: {  	v4 =	vmul.f32 v8, v1;
	[tilespmem:s24+$0xFFFFFF30] =	vst v6  }
0x19d: {  	v5 =	vmul.f32 v7, v1;
	[tilespmem:s24+$0xFFFFFF50] =	vst v2  }
0x19e: {  	v1 =	vmul.f32 v62, v1;
	[tilespmem:s24+$0xFFFFFF10] =	vst v4  }
0x19f: {  	[tilespmem:s24+$0xFFFFFF60] =	vst v5  }
0x1a0: {  	[tilespmem:s24+$0xFFFFFF40] =	vst v1;
	v1 =	vld [tilespmem:s24+$0xFFFFFF80]  }
0x1a1: {  	v3 =	vld.idx.msk [tilespmem:v3+s14+$0x0], $0xffff  }
0x1a2: {  	v2 =	vld [tilespmem:s24+$0xFFFFFFA0]  }
0x1a3: {  	v4 =	vld [tilespmem:s24+$0xFFFFFF90]  }
0x1a4: {  	v5 =	vld [tilespmem:s24+$0xFFFFFFD0]  }
0x1a5: {  	v6 =	vld [tilespmem:s24+$0xFFFFFFE0]  }
0x1a6: {  	v7 =	vld [tilespmem:s24+$0xFFFFFFF0];
	v1 =	vmul.f32 v1, v3  }
0x1a7: {  	v8 =	vld [tilespmem:s24+$0xFFFFFFB0];
	s28 =	simm.s32 $0x2;
	v2 =	vmul.f32 v2, v3  }
0x1a8: {  	v63 =	vld [tilespmem:s24+$0xFFFFFFC0];
	v4 =	vmul.f32 v4, v3;
	[tilespmem:s24+$0xFFFFFF80] =	vst v1;
	v1 =	vmov s28  }
0x1a9: {  	v5 =	vmul.f32 v5, v3;
	[tilespmem:s24+$0xFFFFFFA0] =	vst v2;
	v1 =	vand.u32 $0xFFFFFFFE, v1  }
0x1aa: {  	v2 =	vmul.f32 v6, v3;
	[tilespmem:s24+$0xFFFFFF90] =	vst v4;
	v4 =	vbroadcast v1, $0x0  }
0x1ab: {  	v6 =	vmul.f32 v7, v3;
	[tilespmem:s24+$0xFFFFFFD0] =	vst v5;
	v7 =	vld [tilespmem:s24+$0x30]  }
0x1ac: {  	v5 =	vmul.f32 v8, v3;
	v1 =	vld [tilespmem:s24+$0x40];
	[tilespmem:s24+$0xFFFFFFE0] =	vst v2  }
0x1ad: {  	v3 =	vmul.f32 v63, v3;
	v2 =	vld [tilespmem:s24+$0x70];
	[tilespmem:s24+$0xFFFFFFF0] =	vst v6  }
0x1ae: {  	[tilespmem:s24+$0xFFFFFFB0] =	vst v5;
	v5 =	vld [tilespmem:s24+$0x20]  }
0x1af: {  	[tilespmem:s24+$0xFFFFFFC0] =	vst v3;
	v6 =	vld [tilespmem:s24+$0x0]  }
0x1b0: {  	v3 =	vld.idx.msk [tilespmem:v4+s14+$0x0], $0xffff  }
0x1b1: {  	s29 =	simm.s32 $0x7;
	s31 =	simm.s32 $0x3000;
	s28 =	simm.s32 $0x3;
	v4 =	vld [tilespmem:s24+$0x10]  }
.LBB2_7:
0x1b2: {  	p0 =	sne.s32 s29, $0x4F  }
0x1b3: {  	v8 =	vld [tilespmem:s24+$0x50];
	s31 =	sadd.s32 $0x200, s31;
	s0 =	smov.u32 s29;
	s29 =	sadd.s32 $0x4, s29  }
0x1b4: {  	v9 =	vld [tilespmem:s24+$0x60];
	_ =	sdelay $0x1  }
0x1b5: {  	v6 =	vmul.f32 v6, v3;
	v4 =	vmul.f32 v4, v3  }
0x1b6: {  	v5 =	vmul.f32 v5, v3;
	v7 =	vmul.f32 v7, v3  }
0x1b7: {  	v1 =	vmul.f32 v1, v3;
	v2 =	vmul.f32 v2, v3;
	[tilespmem:s24+$0x0] =	vst v6  }
0x1b8: {  	[tilespmem:s24+$0x20] =	vst v5;
	v5 =	vmul.f32 v8, v3;
	v3 =	vmul.f32 v9, v3  }
0x1b9: {  	[tilespmem:s24+$0x30] =	vst v7;
	v6 =	vld [tilespmem:s24+$0x80]  }
0x1ba: {  	[tilespmem:s24+$0x60] =	vst v3;
	v3 =	vmov s28;
	v7 =	vld [tilespmem:s24+$0xD0];
	s28 =	smov.u32 s0  }
0x1bb: {  	[tilespmem:s24+$0x50] =	vst v5;
	v5 =	vld [tilespmem:s24+$0xE0]  }
0x1bc: {  	[tilespmem:s24+$0x40] =	vst v1;
	v8 =	vld [tilespmem:s24+$0xB0]  }
0x1bd: {  	v1 =	vld [tilespmem:s31+$0x40];
	[tilespmem:s24+$0x70] =	vst v2  }
0x1be: {  	v2 =	vld [tilespmem:s31+$0x70];
	[tilespmem:s24+$0x10] =	vst v4  }
0x1bf: {  	v3 =	vld.idx.msk [tilespmem:v3+s14+$0x0], $0xffff  }
0x1c0: {  	v4 =	vld [tilespmem:s24+$0x90]  }
0x1c1: {  	v9 =	vld [tilespmem:s24+$0xA0]  }
0x1c2: {  	v10 =	vld [tilespmem:s24+$0xC0]  }
0x1c3: {  	v11 =	vld [tilespmem:s24+$0xF0];
	_ =	sdelay $0x1  }
0x1c4: {  	v6 =	vmul.f32 v6, v3;
	v4 =	vmul.f32 v4, v3  }
0x1c5: {  	s0 =	sadd.s32 $0xFFFFFFFD, s28;
	v8 =	vmul.f32 v8, v3;
	v9 =	vmul.f32 v9, v3  }
0x1c6: {  	v12 =	vmov s0;
	v7 =	vmul.f32 v7, v3;
	[tilespmem:s24+$0x80] =	vst v6;
	v6 =	vmul.f32 v10, v3  }
0x1c7: {  	v10 =	vand.u32 $0xFFFFFFFC, v12;
	[tilespmem:s24+$0x90] =	vst v4;
	v4 =	vmul.f32 v5, v3;
	v3 =	vmul.f32 v11, v3  }
0x1c8: {  	v5 =	vbroadcast v10, $0x0;
	[tilespmem:s24+$0xA0] =	vst v9  }
0x1c9: {  	[tilespmem:s24+$0xD0] =	vst v7  }
0x1ca: {  	v7 =	vld [tilespmem:s31+$0xFFFFFF50];
	[tilespmem:s24+$0xB0] =	vst v8  }
0x1cb: {  	v8 =	vld [tilespmem:s31+$0xFFFFFF30];
	[tilespmem:s24+$0xC0] =	vst v6  }
0x1cc: {  	v6 =	vld [tilespmem:s31+$0xFFFFFF60];
	[tilespmem:s24+$0xE0] =	vst v4  }
0x1cd: {  	v4 =	vld [tilespmem:s31+$0xFFFFFF70];
	[tilespmem:s24+$0xF0] =	vst v3;
	s24 =	smov.u32 s31  }
0x1ce: {  	v3 =	vld.idx.msk [tilespmem:v5+s14+$0x0], $0xffff  }
0x1cf: {  	v5 =	vld [tilespmem:s31+$0xFFFFFF00]  }
0x1d0: {  	v9 =	vld [tilespmem:s31+$0xFFFFFF20]  }
0x1d1: {  	v10 =	vld [tilespmem:s31+$0xFFFFFF10]  }
0x1d2: {  	v11 =	vld [tilespmem:s31+$0xFFFFFF40];
	_ =	sdelay $0x1  }
0x1d3: {  	v4 =	vmul.f32 v4, v3;
	v5 =	vmul.f32 v5, v3  }
0x1d4: {  	s0 =	sadd.s32 $0xFFFFFFFE, s28;
	v6 =	vmul.f32 v6, v3;
	v9 =	vmul.f32 v9, v3  }
0x1d5: {  	v8 =	vmul.f32 v8, v3;
	v10 =	vmul.f32 v10, v3;
	[tilespmem:s31+$0xFFFFFF70] =	vst v4;
	v4 =	vmov s0  }
0x1d6: {  	[tilespmem:s31+$0xFFFFFF00] =	vst v5;
	v5 =	vmul.f32 v11, v3;
	v3 =	vmul.f32 v7, v3;
	v4 =	vand.u32 $0xFFFFFFFD, v4  }
0x1d7: {  	[tilespmem:s31+$0xFFFFFF20] =	vst v9;
	v4 =	vbroadcast v4, $0x0  }
0x1d8: {  	[tilespmem:s31+$0xFFFFFF30] =	vst v8  }
0x1d9: {  	[tilespmem:s31+$0xFFFFFF50] =	vst v3;
	v3 =	vld [tilespmem:s31+$0xFFFFFFF0]  }
0x1da: {  	[tilespmem:s31+$0xFFFFFF10] =	vst v10;
	v7 =	vld [tilespmem:s31+$0xFFFFFFD0]  }
0x1db: {  	[tilespmem:s31+$0xFFFFFF60] =	vst v6;
	v6 =	vld [tilespmem:s31+$0xFFFFFFB0]  }
0x1dc: {  	[tilespmem:s31+$0xFFFFFF40] =	vst v5;
	v5 =	vld [tilespmem:s31+$0xFFFFFF90]  }
0x1dd: {  	v4 =	vld.idx.msk [tilespmem:v4+s14+$0x0], $0xffff  }
0x1de: {  	v8 =	vld [tilespmem:s31+$0xFFFFFF80]  }
0x1df: {  	v9 =	vld [tilespmem:s31+$0xFFFFFFA0]  }
0x1e0: {  	v10 =	vld [tilespmem:s31+$0xFFFFFFC0]  }
0x1e1: {  	v11 =	vld [tilespmem:s31+$0xFFFFFFE0];
	_ =	sdelay $0x1  }
0x1e2: {  	v5 =	vmul.f32 v5, v4;
	v8 =	vmul.f32 v8, v4  }
0x1e3: {  	s0 =	sadd.s32 $0xFFFFFFFF, s28;
	v6 =	vmul.f32 v6, v4;
	v9 =	vmul.f32 v9, v4  }
0x1e4: {  	v7 =	vmul.f32 v7, v4;
	[tilespmem:s31+$0xFFFFFF80] =	vst v8;
	v8 =	vmul.f32 v10, v4;
	v10 =	vmov s0  }
0x1e5: {  	v3 =	vmul.f32 v3, v4;
	[tilespmem:s31+$0xFFFFFFA0] =	vst v9;
	v9 =	vmul.f32 v11, v4;
	v4 =	vand.u32 $0xFFFFFFFE, v10  }
0x1e6: {  	[tilespmem:s31+$0xFFFFFF90] =	vst v5;
	v4 =	vbroadcast v4, $0x0  }
0x1e7: {  	[tilespmem:s31+$0xFFFFFFD0] =	vst v7  }
0x1e8: {  	[tilespmem:s31+$0xFFFFFFE0] =	vst v9  }
0x1e9: {  	[tilespmem:s31+$0xFFFFFFB0] =	vst v6  }
.Ltmp4:
0x1ea: {  	[tilespmem:s31+$0xFFFFFFF0] =	vst v3;
	v5 =	vld [tilespmem:s31+$0x20];
	(pc) =	sbr.rel @p0 .LBB2_7-.Ltmp4, $4  }
0x1eb: {  	[tilespmem:s31+$0xFFFFFFC0] =	vst v8;
	v6 =	vld [tilespmem:s31+$0x0]  }
0x1ec: {  	v3 =	vld.idx.msk [tilespmem:v4+s14+$0x0], $0xffff  }
0x1ed: {  	v4 =	vld [tilespmem:s31+$0x10]  }
0x1ee: {  	v7 =	vld [tilespmem:s31+$0x30]  }
0x1ef: {  	v8 =	vld [tilespmem:s24+$0x60];
	_ =	sdelay $0x1  }
0x1f0: {  	v6 =	vmul.f32 v6, v3  }
0x1f1: {  	v9 =	vld [tilespmem:s24+$0x50];
	v5 =	vmul.f32 v5, v3  }
0x1f2: {  	v1 =	vmul.f32 v1, v3;
	[tilespmem:s24+$0x0] =	vst v6  }
0x1f3: {  	[tilespmem:s24+$0x20] =	vst v5;
	v5 =	vmul.f32 v8, v3  }
0x1f4: {  	v2 =	vmul.f32 v2, v3;
	[tilespmem:s24+$0x40] =	vst v1  }
0x1f5: {  	v7 =	vmul.f32 v7, v3;
	[tilespmem:s24+$0x60] =	vst v5;
	v5 =	vmov s28  }
0x1f6: {  	[tilespmem:s24+$0x70] =	vst v2;
	v6 =	vmul.f32 v9, v3  }
0x1f7: {  	v3 =	vmul.f32 v4, v3;
	[tilespmem:s24+$0x30] =	vst v7  }
0x1f8: {  	[tilespmem:s24+$0x50] =	vst v6  }
0x1f9: {  	v7 =	vld [tilespmem:s24+$0x80];
	[tilespmem:s24+$0x10] =	vst v3  }
0x1fa: {  	v1 =	vld.idx.msk [tilespmem:v5+s14+$0x0], $0xffff  }
0x1fb: {  	v2 =	vld [tilespmem:s24+$0x90]  }
0x1fc: {  	v3 =	vld [tilespmem:s24+$0xA0]  }
0x1fd: {  	v4 =	vld [tilespmem:s24+$0xD0]  }
0x1fe: {  	v5 =	vld [tilespmem:s24+$0xB0]  }
0x1ff: {  	v6 =	vld [tilespmem:s24+$0xC0];
	v7 =	vmul.f32 v7, v1  }
0x200: {  	v8 =	vld [tilespmem:s24+$0xE0];
	v2 =	vmul.f32 v2, v1  }
0x201: {  	v60 =	vld [tilespmem:s24+$0xF0];
	v3 =	vmul.f32 v3, v1;
	[tilespmem:s24+$0x80] =	vst v7  }
0x202: {  	v4 =	vmul.f32 v4, v1;
	[tilespmem:s24+$0x90] =	vst v2  }
0x203: {  	v2 =	vmul.f32 v5, v1;
	[tilespmem:s24+$0xA0] =	vst v3  }
0x204: {  	v3 =	vmul.f32 v6, v1;
	[tilespmem:s24+$0xD0] =	vst v4  }
0x205: {  	v4 =	vmul.f32 v8, v1;
	[tilespmem:s24+$0xB0] =	vst v2  }
0x206: {  	v1 =	vmul.f32 v60, v1;
	[tilespmem:s24+$0xC0] =	vst v3  }
0x207: {  	[tilespmem:s24+$0xE0] =	vst v4  }
0x208: {  	s0 =	simm.s32 $0x80;
	[tilespmem:s24+$0xF0] =	vst v1  }
0x209: {  	[spmem:s3] =	stream.indirect.scatter.add.f32 [tilespmem:s11], [sflag:$0x8], $0x80, s0, s26, $0xb8;
	[tilespmem:$0x19980] =	vst v63  }
0x20a: {  	_ = 	snop  }
0x20b: {  	[spmem:s4] =	stream.indirect.scatter.add.f32 [tilespmem:s14], [sflag:$0x8], $0x1, s0, s26, $0xb8;
	[tilespmem:$0x19980] =	vst v63  }
0x20c: {  	_ =	swait.ge [sflag:s15], $0x2800  }
0x20d: {  	[sflag:s15] =	ssyncset.done $0x0  }
0x20e: {  	[sflag:s15] =	ssyncadd.s32 $0xFFFFD800  }
0x20f: {  	_ =	swait.ge [sflag:s15], $0x50  }
0x210: {  	[sflag:s15] =	ssyncset.done $0x0  }
0x211: {  	s24 =	simm.s32 $0x3;
	[sflag:s15] =	ssyncadd.s32 $0xFFFFFFB0  }
0x212: {  	_ =	swait.ge [sflag:s24], $0x80  }
0x213: {  	[sflag:s24] =	ssyncset.done $0x0  }
0x214: {  	[sflag:s24] =	ssyncadd.s32 $0xFFFFFF80  }
0x215: {  	_ =	swait.ge [sflag:s24], $0x80  }
0x216: {  	[sflag:s24] =	ssyncset.done $0x0  }
0x217: {  	s2 =	simm.s32 $0x400;
	[sflag:s24] =	ssyncadd.s32 $0xFFFFFF80  }
0x218: {  	[tilespmem:s2], [sflag:$0x5] =	stream.indirect.gather [hbm4b:s12+s26], $0x1, s22, s26, $0xb8;
	[tilespmem:$0x19980] =	vst v63  }
0x219: {  	s28 =	simm.s32 $0x300;
	s22 =	simm.s32 $0x500  }
0x21a: {  	[tilespmem:s22], [sflag:$0x5] =	stream.indirect.gather [hbm4b:s13+s26], $0x1, s28, s26, $0xb8;
	[tilespmem:$0x19980] =	vst v63  }
0x21b: {  	s22 =	rddreg [dreg:$0xc]  }
0x21c: {  	s2 =	rddreg [dreg:$0x0];
	s0 =	sadd.s32 s10, s22  }
0x21d: {  	[tilespmem:s19], [sflag:$0x5] =	stream.indirect.gather [hbm4b:s2+s26], $0x80, s28, s26, $0xb8;
	[tilespmem:$0x19980] =	vst v63  }
0x21e: {  	s0 =	sshrl.u32 s0, $0x3  }
0x21f: {  	s28 =	sadd.s32 s7, s0  }
0x220: {  	[tilespmem:s6], [sflag:$0x1] =	stream.linear.gather [hbm4b:s28+s6], $0x80, $0x38;
	[tilespmem:$0x19980] =	vst v63  }
0x221: {  	s0 =	sadd.s32 s1, s0  }
0x222: {  	[tilespmem:s23], [sflag:$0x1] =	stream.linear.gather [hbm4b:s0+s6], $0x80, $0x38;
	[tilespmem:$0x19980] =	vst v63  }
0x223: {  	_ =	swait.ge [sflag:s5], $0x50  }
0x224: {  	[sflag:s5] =	ssyncset.done $0x0  }
0x225: {  	[sflag:s5] =	ssyncadd.s32 $0xFFFFFFB0  }
0x226: {  	_ =	swait.ge [sflag:s5], $0x50  }
0x227: {  	[sflag:s5] =	ssyncset.done $0x0  }
0x228: {  	[sflag:s5] =	ssyncadd.s32 $0xFFFFFFB0  }
0x229: {  	_ =	swait.ge [sflag:s5], $0x2800  }
0x22a: {  	[sflag:s5] =	ssyncset.done $0x0  }
0x22b: {  	[sflag:s5] =	ssyncadd.s32 $0xFFFFD800  }
0x22c: {  	v1 =	vld [tilespmem:$0x400]  }
0x22d: {  	v2 =	vld [tilespmem:$0x500];
	_ =	sdelay $0x2  }
0x22e: {  	v3 =	vld [tilespmem:$0x410]  }
0x22f: {  	v4 =	vld [tilespmem:$0x510]  }
0x230: {  	v5 =	vld [tilespmem:$0x520];
	v1 =	vadd.f32 v2, v1  }
0x231: {  	v2 =	vld [tilespmem:$0x420]  }
0x232: {  	v7 =	vld [tilespmem:$0x430];
	v6 =	vmul.f32 $2.000000030e-01, v1  }
0x233: {  	v8 =	vld [tilespmem:$0x530];
	vm0 =	vge.f32 v1, $0.0e+00  }
0x234: {  	v3 =	vadd.f32 v4, v3;
	v4 =	vld [tilespmem:$0x440];
	v1 =	vsel vm0, v1, v6  }
0x235: {  	v6 =	vld [tilespmem:$0x540];
	v1 =	vmax.f32 v1, $-2.000000000e+00  }
0x236: {  	v61 =	vmul.f32 $2.000000030e-01, v3;
	v2 =	vadd.f32 v5, v2;
	v1 =	vmin.f32 v1, $2.000000000e+00  }
0x237: {  	vm12 =	vge.f32 v3, $0.0e+00;
	v1 =	vmul.f32 $1.442695020e+00, v1  }
0x238: {  	v3 =	vsel vm12, v3, v61;
	v5 =	vmul.f32 $2.000000030e-01, v2  }
0x239: {  	(erf) = vpow2.f32 v1;
	v1 =	vmax.f32 v3, $-2.000000000e+00;
	v3 =	vadd.f32 v8, v7  }
0x23a: {  	vm13 =	vge.f32 v2, $0.0e+00;
	v4 =	vadd.f32 v6, v4  }
0x23b: {  	v2 =	vsel vm13, v2, v5;
	v1 =	vmin.f32 v1, $2.000000000e+00;
	v6 =	vmul.f32 $2.000000030e-01, v3  }
0x23c: {  	v2 =	vmax.f32 v2, $-2.000000000e+00;
	vm14 =	vge.f32 v3, $0.0e+00;
	v5 =	vmul.f32 $2.000000030e-01, v4  }
0x23d: {  	v1 =	vmul.f32 $1.442695020e+00, v1;
	vm15 =	vge.f32 v4, $0.0e+00;
	v3 =	vsel vm14, v3, v6  }
0x23e: {  	v2 =	vmin.f32 v2, $2.000000000e+00;
	v4 =	vsel vm15, v4, v5;
	v3 =	vmax.f32 v3, $-2.000000000e+00  }
0x23f: {  	v2 =	vmul.f32 $1.442695020e+00, v2;
	v4 =	vmax.f32 v4, $-2.000000000e+00;
	v3 =	vmin.f32 v3, $2.000000000e+00  }
0x240: {  	(erf) = vpow2.f32 v1;
	v1 =	vmul.f32 $1.442695020e+00, v3;
	v3 =	vmin.f32 v4, $2.000000000e+00  }
0x241: {  	(erf) = vpow2.f32 v2;
	v2 =	vmul.f32 $1.442695020e+00, v3  }
0x242: {  	(erf) = vpow2.f32 v1  }
0x243: {  	(erf) = vpow2.f32 v2;
	_ =	sdelay $0x2  }
0x244: {  	s2 =	simm.s32 $0x0  }
0x245: {  	v2 =	vmov s2;
	v1 =	vpop (erf)  }
0x246: {  	[tilespmem:$0x600] =	vst v1;
	v1 =	vand.u32 $0xFFFFFFFC, v2  }
0x247: {  	v3 =	vpop (erf);
	v1 =	vbroadcast v1, $0x0  }
0x248: {  	v2 =	vpop (erf);
	[tilespmem:$0x610] =	vst v3  }
0x249: {  	[tilespmem:$0x620] =	vst v2;
	v3 =	vpop (erf)  }
0x24a: {  	[tilespmem:$0x630] =	vst v3;
	v2 =	vpop (erf)  }
0x24b: {  	s28 =	simm.s32 $0x800;
	[tilespmem:$0x640] =	vst v2  }
0x24c: {  	v3 =	vld [tilespmem:s28+$0xFFFFFF70]  }
0x24d: {  	v1 =	vld.idx.msk [tilespmem:v1+s21+$0x0], $0xffff  }
0x24e: {  	v4 =	vld [tilespmem:s28+$0xFFFFFF00]  }
0x24f: {  	v5 =	vld [tilespmem:s28+$0xFFFFFF20]  }
0x250: {  	v6 =	vld [tilespmem:s28+$0xFFFFFF30]  }
0x251: {  	v2 =	vld [tilespmem:s28+$0xFFFFFF50]  }
0x252: {  	v8 =	vld [tilespmem:s28+$0xFFFFFF10];
	v3 =	vmul.f32 v3, v1  }
0x253: {  	s22 =	simm.s32 $0x1;
	v7 =	vld [tilespmem:s28+$0xFFFFFF60];
	v4 =	vmul.f32 v4, v1  }
0x254: {  	v62 =	vld [tilespmem:s28+$0xFFFFFF40];
	v5 =	vmul.f32 v5, v1;
	[tilespmem:s28+$0xFFFFFF70] =	vst v3;
	v3 =	vmov s22  }
0x255: {  	v6 =	vmul.f32 v6, v1;
	[tilespmem:s28+$0xFFFFFF00] =	vst v4;
	v3 =	vand.u32 $0xFFFFFFFD, v3  }
0x256: {  	v2 =	vmul.f32 v2, v1;
	[tilespmem:s28+$0xFFFFFF20] =	vst v5;
	v3 =	vbroadcast v3, $0x0  }
0x257: {  	v4 =	vmul.f32 v8, v1;
	[tilespmem:s28+$0xFFFFFF30] =	vst v6  }
0x258: {  	v5 =	vmul.f32 v7, v1;
	[tilespmem:s28+$0xFFFFFF50] =	vst v2  }
0x259: {  	v1 =	vmul.f32 v62, v1;
	[tilespmem:s28+$0xFFFFFF10] =	vst v4  }
0x25a: {  	[tilespmem:s28+$0xFFFFFF60] =	vst v5  }
0x25b: {  	[tilespmem:s28+$0xFFFFFF40] =	vst v1;
	v1 =	vld [tilespmem:s28+$0xFFFFFF80]  }
0x25c: {  	v3 =	vld.idx.msk [tilespmem:v3+s21+$0x0], $0xffff  }
0x25d: {  	v2 =	vld [tilespmem:s28+$0xFFFFFFA0]  }
0x25e: {  	v4 =	vld [tilespmem:s28+$0xFFFFFF90]  }
0x25f: {  	v5 =	vld [tilespmem:s28+$0xFFFFFFD0]  }
0x260: {  	v6 =	vld [tilespmem:s28+$0xFFFFFFE0]  }
0x261: {  	v7 =	vld [tilespmem:s28+$0xFFFFFFF0];
	v1 =	vmul.f32 v1, v3  }
0x262: {  	s23 =	simm.s32 $0x2;
	v8 =	vld [tilespmem:s28+$0xFFFFFFB0];
	v2 =	vmul.f32 v2, v3  }
0x263: {  	v63 =	vld [tilespmem:s28+$0xFFFFFFC0];
	v4 =	vmul.f32 v4, v3;
	[tilespmem:s28+$0xFFFFFF80] =	vst v1;
	v1 =	vmov s23  }
0x264: {  	v5 =	vmul.f32 v5, v3;
	[tilespmem:s28+$0xFFFFFFA0] =	vst v2;
	v1 =	vand.u32 $0xFFFFFFFE, v1  }
0x265: {  	v2 =	vmul.f32 v6, v3;
	[tilespmem:s28+$0xFFFFFF90] =	vst v4;
	v4 =	vbroadcast v1, $0x0  }
0x266: {  	v6 =	vmul.f32 v7, v3;
	[tilespmem:s28+$0xFFFFFFD0] =	vst v5;
	v7 =	vld [tilespmem:s28+$0x30]  }
0x267: {  	v5 =	vmul.f32 v8, v3;
	v1 =	vld [tilespmem:s28+$0x40];
	[tilespmem:s28+$0xFFFFFFE0] =	vst v2  }
0x268: {  	v3 =	vmul.f32 v63, v3;
	v2 =	vld [tilespmem:s28+$0x70];
	[tilespmem:s28+$0xFFFFFFF0] =	vst v6  }
0x269: {  	[tilespmem:s28+$0xFFFFFFB0] =	vst v5;
	v5 =	vld [tilespmem:s28+$0x20]  }
0x26a: {  	[tilespmem:s28+$0xFFFFFFC0] =	vst v3;
	v6 =	vld [tilespmem:s28+$0x0]  }
0x26b: {  	v3 =	vld.idx.msk [tilespmem:v4+s21+$0x0], $0xffff  }
0x26c: {  	s30 =	simm.s32 $0x80;
	s29 =	simm.s32 $0x7;
	s31 =	simm.s32 $0x800;
	v4 =	vld [tilespmem:s28+$0x10]  }
.LBB2_9:
0x26d: {  	p0 =	sne.s32 s29, $0x4F  }
0x26e: {  	v8 =	vld [tilespmem:s28+$0x50];
	s31 =	sadd.s32 $0x200, s31;
	s0 =	smov.u32 s29;
	s29 =	sadd.s32 $0x4, s29  }
0x26f: {  	v9 =	vld [tilespmem:s28+$0x60];
	_ =	sdelay $0x1  }
0x270: {  	v6 =	vmul.f32 v6, v3;
	v4 =	vmul.f32 v4, v3  }
0x271: {  	v5 =	vmul.f32 v5, v3;
	v7 =	vmul.f32 v7, v3  }
0x272: {  	v1 =	vmul.f32 v1, v3;
	v2 =	vmul.f32 v2, v3;
	[tilespmem:s28+$0x0] =	vst v6  }
0x273: {  	[tilespmem:s28+$0x20] =	vst v5;
	v5 =	vmul.f32 v8, v3;
	v3 =	vmul.f32 v9, v3  }
0x274: {  	[tilespmem:s28+$0x30] =	vst v7;
	v6 =	vld [tilespmem:s28+$0x80]  }
0x275: {  	[tilespmem:s28+$0x60] =	vst v3;
	v3 =	vmov s24;
	v7 =	vld [tilespmem:s28+$0xD0];
	s24 =	smov.u32 s0  }
0x276: {  	[tilespmem:s28+$0x50] =	vst v5;
	v5 =	vld [tilespmem:s28+$0xE0]  }
0x277: {  	[tilespmem:s28+$0x40] =	vst v1;
	v8 =	vld [tilespmem:s28+$0xB0]  }
0x278: {  	v1 =	vld [tilespmem:s31+$0x40];
	[tilespmem:s28+$0x70] =	vst v2  }
0x279: {  	v2 =	vld [tilespmem:s31+$0x70];
	[tilespmem:s28+$0x10] =	vst v4  }
0x27a: {  	v3 =	vld.idx.msk [tilespmem:v3+s21+$0x0], $0xffff  }
0x27b: {  	v4 =	vld [tilespmem:s28+$0x90]  }
0x27c: {  	v9 =	vld [tilespmem:s28+$0xA0]  }
0x27d: {  	v10 =	vld [tilespmem:s28+$0xC0]  }
0x27e: {  	v11 =	vld [tilespmem:s28+$0xF0];
	_ =	sdelay $0x1  }
0x27f: {  	v6 =	vmul.f32 v6, v3;
	v4 =	vmul.f32 v4, v3  }
0x280: {  	s0 =	sadd.s32 $0xFFFFFFFD, s24;
	v8 =	vmul.f32 v8, v3;
	v9 =	vmul.f32 v9, v3  }
0x281: {  	v12 =	vmov s0;
	v7 =	vmul.f32 v7, v3;
	[tilespmem:s28+$0x80] =	vst v6;
	v6 =	vmul.f32 v10, v3  }
0x282: {  	v10 =	vand.u32 $0xFFFFFFFC, v12;
	[tilespmem:s28+$0x90] =	vst v4;
	v4 =	vmul.f32 v5, v3;
	v3 =	vmul.f32 v11, v3  }
0x283: {  	v5 =	vbroadcast v10, $0x0;
	[tilespmem:s28+$0xA0] =	vst v9  }
0x284: {  	[tilespmem:s28+$0xD0] =	vst v7  }
0x285: {  	v7 =	vld [tilespmem:s31+$0xFFFFFF50];
	[tilespmem:s28+$0xB0] =	vst v8  }
0x286: {  	v8 =	vld [tilespmem:s31+$0xFFFFFF30];
	[tilespmem:s28+$0xC0] =	vst v6  }
0x287: {  	v6 =	vld [tilespmem:s31+$0xFFFFFF60];
	[tilespmem:s28+$0xE0] =	vst v4  }
0x288: {  	v4 =	vld [tilespmem:s31+$0xFFFFFF70];
	[tilespmem:s28+$0xF0] =	vst v3;
	s28 =	smov.u32 s31  }
0x289: {  	v3 =	vld.idx.msk [tilespmem:v5+s21+$0x0], $0xffff  }
0x28a: {  	v5 =	vld [tilespmem:s31+$0xFFFFFF00]  }
0x28b: {  	v9 =	vld [tilespmem:s31+$0xFFFFFF20]  }
0x28c: {  	v10 =	vld [tilespmem:s31+$0xFFFFFF10]  }
0x28d: {  	v11 =	vld [tilespmem:s31+$0xFFFFFF40];
	_ =	sdelay $0x1  }
0x28e: {  	v4 =	vmul.f32 v4, v3;
	v5 =	vmul.f32 v5, v3  }
0x28f: {  	s0 =	sadd.s32 $0xFFFFFFFE, s24;
	v6 =	vmul.f32 v6, v3;
	v9 =	vmul.f32 v9, v3  }
0x290: {  	v8 =	vmul.f32 v8, v3;
	v10 =	vmul.f32 v10, v3;
	[tilespmem:s31+$0xFFFFFF70] =	vst v4;
	v4 =	vmov s0  }
0x291: {  	[tilespmem:s31+$0xFFFFFF00] =	vst v5;
	v5 =	vmul.f32 v11, v3;
	v3 =	vmul.f32 v7, v3;
	v4 =	vand.u32 $0xFFFFFFFD, v4  }
0x292: {  	[tilespmem:s31+$0xFFFFFF20] =	vst v9;
	v4 =	vbroadcast v4, $0x0  }
0x293: {  	[tilespmem:s31+$0xFFFFFF30] =	vst v8  }
0x294: {  	[tilespmem:s31+$0xFFFFFF50] =	vst v3;
	v3 =	vld [tilespmem:s31+$0xFFFFFFF0]  }
0x295: {  	[tilespmem:s31+$0xFFFFFF10] =	vst v10;
	v7 =	vld [tilespmem:s31+$0xFFFFFFD0]  }
0x296: {  	[tilespmem:s31+$0xFFFFFF60] =	vst v6;
	v6 =	vld [tilespmem:s31+$0xFFFFFFB0]  }
0x297: {  	[tilespmem:s31+$0xFFFFFF40] =	vst v5;
	v5 =	vld [tilespmem:s31+$0xFFFFFF90]  }
0x298: {  	v4 =	vld.idx.msk [tilespmem:v4+s21+$0x0], $0xffff  }
0x299: {  	v8 =	vld [tilespmem:s31+$0xFFFFFF80]  }
0x29a: {  	v9 =	vld [tilespmem:s31+$0xFFFFFFA0]  }
0x29b: {  	v10 =	vld [tilespmem:s31+$0xFFFFFFC0]  }
0x29c: {  	v11 =	vld [tilespmem:s31+$0xFFFFFFE0];
	_ =	sdelay $0x1  }
0x29d: {  	v5 =	vmul.f32 v5, v4;
	v8 =	vmul.f32 v8, v4  }
0x29e: {  	s0 =	sadd.s32 $0xFFFFFFFF, s24;
	v6 =	vmul.f32 v6, v4;
	v9 =	vmul.f32 v9, v4  }
0x29f: {  	v7 =	vmul.f32 v7, v4;
	[tilespmem:s31+$0xFFFFFF80] =	vst v8;
	v8 =	vmul.f32 v10, v4;
	v10 =	vmov s0  }
0x2a0: {  	v3 =	vmul.f32 v3, v4;
	[tilespmem:s31+$0xFFFFFFA0] =	vst v9;
	v9 =	vmul.f32 v11, v4;
	v4 =	vand.u32 $0xFFFFFFFE, v10  }
0x2a1: {  	[tilespmem:s31+$0xFFFFFF90] =	vst v5;
	v4 =	vbroadcast v4, $0x0  }
0x2a2: {  	[tilespmem:s31+$0xFFFFFFD0] =	vst v7  }
0x2a3: {  	[tilespmem:s31+$0xFFFFFFE0] =	vst v9  }
0x2a4: {  	[tilespmem:s31+$0xFFFFFFB0] =	vst v6  }
.Ltmp5:
0x2a5: {  	[tilespmem:s31+$0xFFFFFFF0] =	vst v3;
	v5 =	vld [tilespmem:s31+$0x20];
	(pc) =	sbr.rel @p0 .LBB2_9-.Ltmp5, $4  }
0x2a6: {  	[tilespmem:s31+$0xFFFFFFC0] =	vst v8;
	v6 =	vld [tilespmem:s31+$0x0]  }
0x2a7: {  	v3 =	vld.idx.msk [tilespmem:v4+s21+$0x0], $0xffff  }
0x2a8: {  	v4 =	vld [tilespmem:s31+$0x10]  }
0x2a9: {  	v7 =	vld [tilespmem:s31+$0x30]  }
0x2aa: {  	v8 =	vld [tilespmem:s28+$0x60];
	_ =	sdelay $0x1  }
0x2ab: {  	v6 =	vmul.f32 v6, v3  }
0x2ac: {  	v9 =	vld [tilespmem:s28+$0x50];
	v5 =	vmul.f32 v5, v3  }
0x2ad: {  	v1 =	vmul.f32 v1, v3;
	[tilespmem:s28+$0x0] =	vst v6  }
0x2ae: {  	[tilespmem:s28+$0x20] =	vst v5;
	v5 =	vmul.f32 v8, v3  }
0x2af: {  	v2 =	vmul.f32 v2, v3;
	[tilespmem:s28+$0x40] =	vst v1  }
0x2b0: {  	v7 =	vmul.f32 v7, v3;
	[tilespmem:s28+$0x60] =	vst v5;
	v5 =	vmov s24  }
0x2b1: {  	[tilespmem:s28+$0x70] =	vst v2;
	v6 =	vmul.f32 v9, v3  }
0x2b2: {  	v3 =	vmul.f32 v4, v3;
	[tilespmem:s28+$0x30] =	vst v7  }
0x2b3: {  	[tilespmem:s28+$0x50] =	vst v6  }
0x2b4: {  	v7 =	vld [tilespmem:s28+$0x80];
	[tilespmem:s28+$0x10] =	vst v3  }
0x2b5: {  	v1 =	vld.idx.msk [tilespmem:v5+s21+$0x0], $0xffff  }
0x2b6: {  	v2 =	vld [tilespmem:s28+$0x90]  }
0x2b7: {  	v3 =	vld [tilespmem:s28+$0xA0]  }
0x2b8: {  	v4 =	vld [tilespmem:s28+$0xD0]  }
0x2b9: {  	v5 =	vld [tilespmem:s28+$0xB0]  }
0x2ba: {  	v6 =	vld [tilespmem:s28+$0xC0];
	v7 =	vmul.f32 v7, v1  }
0x2bb: {  	v8 =	vld [tilespmem:s28+$0xE0];
	v2 =	vmul.f32 v2, v1  }
0x2bc: {  	v60 =	vld [tilespmem:s28+$0xF0];
	v3 =	vmul.f32 v3, v1;
	[tilespmem:s28+$0x80] =	vst v7  }
0x2bd: {  	v4 =	vmul.f32 v4, v1;
	[tilespmem:s28+$0x90] =	vst v2  }
0x2be: {  	v2 =	vmul.f32 v5, v1;
	[tilespmem:s28+$0xA0] =	vst v3  }
0x2bf: {  	v3 =	vmul.f32 v6, v1;
	[tilespmem:s28+$0xD0] =	vst v4  }
0x2c0: {  	v4 =	vmul.f32 v8, v1;
	[tilespmem:s28+$0xB0] =	vst v2  }
0x2c1: {  	v1 =	vmul.f32 v60, v1;
	[tilespmem:s28+$0xC0] =	vst v3  }
0x2c2: {  	[tilespmem:s28+$0xE0] =	vst v4  }
0x2c3: {  	s0 =	simm.s32 $0x100;
	[tilespmem:s28+$0xF0] =	vst v1  }
0x2c4: {  	[spmem:s3] =	stream.indirect.scatter.add.f32 [tilespmem:s19], [sflag:$0x7], $0x80, s0, s26, $0xb8;
	[tilespmem:$0x19980] =	vst v63  }
0x2c5: {  	_ = 	snop  }
0x2c6: {  	[spmem:s4] =	stream.indirect.scatter.add.f32 [tilespmem:s21], [sflag:$0x7], $0x1, s0, s26, $0xb8;
	[tilespmem:$0x19980] =	vst v63  }
0x2c7: {  	_ =	swait.ge [sflag:s16], $0x2800  }
0x2c8: {  	[sflag:s16] =	ssyncset.done $0x0  }
0x2c9: {  	[sflag:s16] =	ssyncadd.s32 $0xFFFFD800  }
0x2ca: {  	_ =	swait.ge [sflag:s16], $0x50  }
0x2cb: {  	[sflag:s16] =	ssyncset.done $0x0  }
0x2cc: {  	[sflag:s16] =	ssyncadd.s32 $0xFFFFFFB0  }
0x2cd: {  	_ =	swait.ge [sflag:s17], $0x80  }
0x2ce: {  	[sflag:s17] =	ssyncset.done $0x0  }
0x2cf: {  	[sflag:s17] =	ssyncadd.s32 $0xFFFFFF80  }
0x2d0: {  	_ =	swait.ge [sflag:s17], $0x80  }
0x2d1: {  	p0 =	seq.s32 s9, $0x1E;
	[sflag:s17] =	ssyncset.done $0x0  }
0x2d2: {  	s24 =	simm.s32 $0x480;
	s0 =	rddreg [dreg:$0xd];
	[sflag:s17] =	ssyncadd.s32 $0xFFFFFF80  }
0x2d3: {  	[tilespmem:s24], [sflag:$0x6] =	stream.indirect.gather [hbm4b:s12+s26], $0x1, s18, s26, $0xb8;
	[tilespmem:$0x19980] =	vst v63  }
0x2d4: {  	s2 =	simm.s32 $0x580;
	s23 =	simm.s32 $0x380;
	s0 =	sadd.s32 @!p0 s10, s0  }
0x2d5: {  	[tilespmem:s2], [sflag:$0x6] =	stream.indirect.gather [hbm4b:s13+s26], $0x1, s23, s26, $0xb8;
	[tilespmem:$0x19980] =	vst v63  }
0x2d6: {  	s24 =	rddreg [dreg:$0x0];
	s0 =	sshrl.u32 @!p0 s0, $0x3  }
0x2d7: {  	[tilespmem:s11], [sflag:$0x6] =	stream.indirect.gather [hbm4b:s24+s26], $0x80, s23, s26, $0xb8;
	[tilespmem:$0x19980] =	vst v63  }
0x2d8: {  	s29 =	simm.s32 @!p0 $0x80;
	s28 =	simm.s32 @!p0 $0x0;
	s24 =	sadd.s32 @!p0 s7, s0  }
0x2d9: {  	[tilespmem:s29], [sflag:$0x2] =	stream.linear.gather @!p0 [hbm4b:s24+s28], $0x80, $0x38;
	[tilespmem:$0x19980] =	vst v63  }
0x2da: {  	s0 =	sadd.s32 @!p0 s1, s0;
	s24 =	simm.s32 @!p0 $0x280  }
0x2db: {  	[tilespmem:s24], [sflag:$0x2] =	stream.linear.gather @!p0 [hbm4b:s0+s28], $0x80, $0x38;
	[tilespmem:$0x19980] =	vst v63  }
0x2dc: {  	_ =	swait.ge [sflag:s20], $0x50  }
0x2dd: {  	[sflag:s20] =	ssyncset.done $0x0  }
0x2de: {  	[sflag:s20] =	ssyncadd.s32 $0xFFFFFFB0  }
0x2df: {  	_ =	swait.ge [sflag:s20], $0x50  }
0x2e0: {  	[sflag:s20] =	ssyncset.done $0x0  }
0x2e1: {  	[sflag:s20] =	ssyncadd.s32 $0xFFFFFFB0  }
0x2e2: {  	_ =	swait.ge [sflag:s20], $0x2800  }
0x2e3: {  	[sflag:s20] =	ssyncset.done $0x0  }
0x2e4: {  	[sflag:s20] =	ssyncadd.s32 $0xFFFFD800  }
0x2e5: {  	v1 =	vld [tilespmem:$0x480]  }
0x2e6: {  	v2 =	vld [tilespmem:$0x580];
	_ =	sdelay $0x2  }
0x2e7: {  	v3 =	vld [tilespmem:$0x490]  }
0x2e8: {  	v4 =	vld [tilespmem:$0x590]  }
0x2e9: {  	v5 =	vld [tilespmem:$0x5A0];
	v1 =	vadd.f32 v2, v1  }
0x2ea: {  	v2 =	vld [tilespmem:$0x4A0]  }
0x2eb: {  	v7 =	vld [tilespmem:$0x4B0];
	v6 =	vmul.f32 $2.000000030e-01, v1  }
0x2ec: {  	v8 =	vld [tilespmem:$0x5B0];
	vm0 =	vge.f32 v1, $0.0e+00  }
0x2ed: {  	v3 =	vadd.f32 v4, v3;
	v4 =	vld [tilespmem:$0x4C0];
	v1 =	vsel vm0, v1, v6  }
0x2ee: {  	v6 =	vld [tilespmem:$0x5C0];
	v1 =	vmax.f32 v1, $-2.000000000e+00  }
0x2ef: {  	v61 =	vmul.f32 $2.000000030e-01, v3;
	v2 =	vadd.f32 v5, v2;
	v1 =	vmin.f32 v1, $2.000000000e+00  }
0x2f0: {  	vm12 =	vge.f32 v3, $0.0e+00;
	v1 =	vmul.f32 $1.442695020e+00, v1  }
0x2f1: {  	v3 =	vsel vm12, v3, v61;
	v5 =	vmul.f32 $2.000000030e-01, v2  }
0x2f2: {  	(erf) = vpow2.f32 v1;
	v1 =	vmax.f32 v3, $-2.000000000e+00;
	v3 =	vadd.f32 v8, v7  }
0x2f3: {  	vm13 =	vge.f32 v2, $0.0e+00;
	v4 =	vadd.f32 v6, v4  }
0x2f4: {  	v2 =	vsel vm13, v2, v5;
	v1 =	vmin.f32 v1, $2.000000000e+00;
	v6 =	vmul.f32 $2.000000030e-01, v3  }
0x2f5: {  	v2 =	vmax.f32 v2, $-2.000000000e+00;
	vm14 =	vge.f32 v3, $0.0e+00;
	v5 =	vmul.f32 $2.000000030e-01, v4  }
0x2f6: {  	v1 =	vmul.f32 $1.442695020e+00, v1;
	vm15 =	vge.f32 v4, $0.0e+00;
	v3 =	vsel vm14, v3, v6  }
0x2f7: {  	v2 =	vmin.f32 v2, $2.000000000e+00;
	v4 =	vsel vm15, v4, v5;
	v3 =	vmax.f32 v3, $-2.000000000e+00  }
0x2f8: {  	v2 =	vmul.f32 $1.442695020e+00, v2;
	v4 =	vmax.f32 v4, $-2.000000000e+00;
	v3 =	vmin.f32 v3, $2.000000000e+00  }
0x2f9: {  	(erf) = vpow2.f32 v1;
	v1 =	vmul.f32 $1.442695020e+00, v3;
	v3 =	vmin.f32 v4, $2.000000000e+00  }
0x2fa: {  	(erf) = vpow2.f32 v2;
	v2 =	vmul.f32 $1.442695020e+00, v3  }
0x2fb: {  	(erf) = vpow2.f32 v1  }
0x2fc: {  	(erf) = vpow2.f32 v2;
	_ =	sdelay $0x2  }
0x2fd: {  	s24 =	simm.s32 $0x0  }
0x2fe: {  	v2 =	vmov s24;
	v1 =	vpop (erf)  }
0x2ff: {  	[tilespmem:$0x680] =	vst v1;
	v1 =	vand.u32 $0xFFFFFFFC, v2  }
0x300: {  	v3 =	vpop (erf);
	v1 =	vbroadcast v1, $0x0  }
0x301: {  	v2 =	vpop (erf);
	[tilespmem:$0x690] =	vst v3  }
0x302: {  	[tilespmem:$0x6A0] =	vst v2;
	v3 =	vpop (erf)  }
0x303: {  	[tilespmem:$0x6B0] =	vst v3;
	v2 =	vpop (erf)  }
0x304: {  	s24 =	simm.s32 $0x3000;
	[tilespmem:$0x6C0] =	vst v2  }
0x305: {  	v3 =	vld [tilespmem:s24+$0xFFFFFF70]  }
0x306: {  	v1 =	vld.idx.msk [tilespmem:v1+s14+$0x0], $0xffff  }
0x307: {  	v4 =	vld [tilespmem:s24+$0xFFFFFF00]  }
0x308: {  	v5 =	vld [tilespmem:s24+$0xFFFFFF20]  }
0x309: {  	v6 =	vld [tilespmem:s24+$0xFFFFFF30]  }
0x30a: {  	v2 =	vld [tilespmem:s24+$0xFFFFFF50]  }
0x30b: {  	v8 =	vld [tilespmem:s24+$0xFFFFFF10];
	v3 =	vmul.f32 v3, v1  }
0x30c: {  	s23 =	simm.s32 $0x1;
	v7 =	vld [tilespmem:s24+$0xFFFFFF60];
	v4 =	vmul.f32 v4, v1  }
0x30d: {  	v62 =	vld [tilespmem:s24+$0xFFFFFF40];
	v5 =	vmul.f32 v5, v1;
	[tilespmem:s24+$0xFFFFFF70] =	vst v3;
	v3 =	vmov s23  }
0x30e: {  	v6 =	vmul.f32 v6, v1;
	[tilespmem:s24+$0xFFFFFF00] =	vst v4;
	v3 =	vand.u32 $0xFFFFFFFD, v3  }
0x30f: {  	v2 =	vmul.f32 v2, v1;
	[tilespmem:s24+$0xFFFFFF20] =	vst v5;
	v3 =	vbroadcast v3, $0x0  }
0x310: {  	v4 =	vmul.f32 v8, v1;
	[tilespmem:s24+$0xFFFFFF30] =	vst v6  }
0x311: {  	v5 =	vmul.f32 v7, v1;
	[tilespmem:s24+$0xFFFFFF50] =	vst v2  }
0x312: {  	v1 =	vmul.f32 v62, v1;
	[tilespmem:s24+$0xFFFFFF10] =	vst v4  }
0x313: {  	[tilespmem:s24+$0xFFFFFF60] =	vst v5  }
0x314: {  	[tilespmem:s24+$0xFFFFFF40] =	vst v1;
	v1 =	vld [tilespmem:s24+$0xFFFFFF80]  }
0x315: {  	v3 =	vld.idx.msk [tilespmem:v3+s14+$0x0], $0xffff  }
0x316: {  	v2 =	vld [tilespmem:s24+$0xFFFFFFA0]  }
0x317: {  	v4 =	vld [tilespmem:s24+$0xFFFFFF90]  }
0x318: {  	v5 =	vld [tilespmem:s24+$0xFFFFFFD0]  }
0x319: {  	v6 =	vld [tilespmem:s24+$0xFFFFFFE0]  }
0x31a: {  	v7 =	vld [tilespmem:s24+$0xFFFFFFF0];
	v1 =	vmul.f32 v1, v3  }
0x31b: {  	v8 =	vld [tilespmem:s24+$0xFFFFFFB0];
	s23 =	simm.s32 $0x2;
	v2 =	vmul.f32 v2, v3  }
0x31c: {  	v63 =	vld [tilespmem:s24+$0xFFFFFFC0];
	v4 =	vmul.f32 v4, v3;
	[tilespmem:s24+$0xFFFFFF80] =	vst v1;
	v1 =	vmov s23  }
0x31d: {  	v5 =	vmul.f32 v5, v3;
	[tilespmem:s24+$0xFFFFFFA0] =	vst v2;
	v1 =	vand.u32 $0xFFFFFFFE, v1  }
0x31e: {  	v2 =	vmul.f32 v6, v3;
	[tilespmem:s24+$0xFFFFFF90] =	vst v4;
	v4 =	vbroadcast v1, $0x0  }
0x31f: {  	v6 =	vmul.f32 v7, v3;
	[tilespmem:s24+$0xFFFFFFD0] =	vst v5;
	v7 =	vld [tilespmem:s24+$0x30]  }
0x320: {  	v5 =	vmul.f32 v8, v3;
	v1 =	vld [tilespmem:s24+$0x40];
	[tilespmem:s24+$0xFFFFFFE0] =	vst v2  }
0x321: {  	v3 =	vmul.f32 v63, v3;
	v2 =	vld [tilespmem:s24+$0x70];
	[tilespmem:s24+$0xFFFFFFF0] =	vst v6  }
0x322: {  	[tilespmem:s24+$0xFFFFFFB0] =	vst v5;
	v5 =	vld [tilespmem:s24+$0x20]  }
0x323: {  	[tilespmem:s24+$0xFFFFFFC0] =	vst v3;
	v6 =	vld [tilespmem:s24+$0x0]  }
0x324: {  	s22 =	simm.s32 $0x100;
	s31 =	simm.s32 $0x3000;
	v3 =	vld.idx.msk [tilespmem:v4+s14+$0x0], $0xffff  }
0x325: {  	s2 =	simm.s32 $0x380;
	s29 =	simm.s32 $0x7;
	s28 =	simm.s32 $0x3;
	v4 =	vld [tilespmem:s24+$0x10]  }
.LBB2_11:
0x326: {  	p1 =	sne.s32 s29, $0x4F  }
0x327: {  	v8 =	vld [tilespmem:s24+$0x50];
	s31 =	sadd.s32 $0x200, s31;
	s0 =	smov.u32 s29;
	s29 =	sadd.s32 $0x4, s29  }
0x328: {  	v9 =	vld [tilespmem:s24+$0x60];
	_ =	sdelay $0x1  }
0x329: {  	v6 =	vmul.f32 v6, v3;
	v4 =	vmul.f32 v4, v3  }
0x32a: {  	v5 =	vmul.f32 v5, v3;
	v7 =	vmul.f32 v7, v3  }
0x32b: {  	v1 =	vmul.f32 v1, v3;
	v2 =	vmul.f32 v2, v3;
	[tilespmem:s24+$0x0] =	vst v6  }
0x32c: {  	[tilespmem:s24+$0x20] =	vst v5;
	v5 =	vmul.f32 v8, v3;
	v3 =	vmul.f32 v9, v3  }
0x32d: {  	[tilespmem:s24+$0x30] =	vst v7;
	v6 =	vld [tilespmem:s24+$0x80]  }
0x32e: {  	[tilespmem:s24+$0x60] =	vst v3;
	v3 =	vmov s28;
	v7 =	vld [tilespmem:s24+$0xD0];
	s28 =	smov.u32 s0  }
0x32f: {  	[tilespmem:s24+$0x50] =	vst v5;
	v5 =	vld [tilespmem:s24+$0xE0]  }
0x330: {  	[tilespmem:s24+$0x40] =	vst v1;
	v8 =	vld [tilespmem:s24+$0xB0]  }
0x331: {  	v1 =	vld [tilespmem:s31+$0x40];
	[tilespmem:s24+$0x70] =	vst v2  }
0x332: {  	v2 =	vld [tilespmem:s31+$0x70];
	[tilespmem:s24+$0x10] =	vst v4  }
0x333: {  	v3 =	vld.idx.msk [tilespmem:v3+s14+$0x0], $0xffff  }
0x334: {  	v4 =	vld [tilespmem:s24+$0x90]  }
0x335: {  	v9 =	vld [tilespmem:s24+$0xA0]  }
0x336: {  	v10 =	vld [tilespmem:s24+$0xC0]  }
0x337: {  	v11 =	vld [tilespmem:s24+$0xF0];
	_ =	sdelay $0x1  }
0x338: {  	v6 =	vmul.f32 v6, v3;
	v4 =	vmul.f32 v4, v3  }
0x339: {  	s0 =	sadd.s32 $0xFFFFFFFD, s28;
	v8 =	vmul.f32 v8, v3;
	v9 =	vmul.f32 v9, v3  }
0x33a: {  	v12 =	vmov s0;
	v7 =	vmul.f32 v7, v3;
	[tilespmem:s24+$0x80] =	vst v6;
	v6 =	vmul.f32 v10, v3  }
0x33b: {  	v10 =	vand.u32 $0xFFFFFFFC, v12;
	[tilespmem:s24+$0x90] =	vst v4;
	v4 =	vmul.f32 v5, v3;
	v3 =	vmul.f32 v11, v3  }
0x33c: {  	v5 =	vbroadcast v10, $0x0;
	[tilespmem:s24+$0xA0] =	vst v9  }
0x33d: {  	[tilespmem:s24+$0xD0] =	vst v7  }
0x33e: {  	v7 =	vld [tilespmem:s31+$0xFFFFFF50];
	[tilespmem:s24+$0xB0] =	vst v8  }
0x33f: {  	v8 =	vld [tilespmem:s31+$0xFFFFFF30];
	[tilespmem:s24+$0xC0] =	vst v6  }
0x340: {  	v6 =	vld [tilespmem:s31+$0xFFFFFF60];
	[tilespmem:s24+$0xE0] =	vst v4  }
0x341: {  	v4 =	vld [tilespmem:s31+$0xFFFFFF70];
	[tilespmem:s24+$0xF0] =	vst v3;
	s24 =	smov.u32 s31  }
0x342: {  	v3 =	vld.idx.msk [tilespmem:v5+s14+$0x0], $0xffff  }
0x343: {  	v5 =	vld [tilespmem:s31+$0xFFFFFF00]  }
0x344: {  	v9 =	vld [tilespmem:s31+$0xFFFFFF20]  }
0x345: {  	v10 =	vld [tilespmem:s31+$0xFFFFFF10]  }
0x346: {  	v11 =	vld [tilespmem:s31+$0xFFFFFF40];
	_ =	sdelay $0x1  }
0x347: {  	v4 =	vmul.f32 v4, v3;
	v5 =	vmul.f32 v5, v3  }
0x348: {  	s0 =	sadd.s32 $0xFFFFFFFE, s28;
	v6 =	vmul.f32 v6, v3;
	v9 =	vmul.f32 v9, v3  }
0x349: {  	v8 =	vmul.f32 v8, v3;
	v10 =	vmul.f32 v10, v3;
	[tilespmem:s31+$0xFFFFFF70] =	vst v4;
	v4 =	vmov s0  }
0x34a: {  	[tilespmem:s31+$0xFFFFFF00] =	vst v5;
	v5 =	vmul.f32 v11, v3;
	v3 =	vmul.f32 v7, v3;
	v4 =	vand.u32 $0xFFFFFFFD, v4  }
0x34b: {  	[tilespmem:s31+$0xFFFFFF20] =	vst v9;
	v4 =	vbroadcast v4, $0x0  }
0x34c: {  	[tilespmem:s31+$0xFFFFFF30] =	vst v8  }
0x34d: {  	[tilespmem:s31+$0xFFFFFF50] =	vst v3;
	v3 =	vld [tilespmem:s31+$0xFFFFFFF0]  }
0x34e: {  	[tilespmem:s31+$0xFFFFFF10] =	vst v10;
	v7 =	vld [tilespmem:s31+$0xFFFFFFD0]  }
0x34f: {  	[tilespmem:s31+$0xFFFFFF60] =	vst v6;
	v6 =	vld [tilespmem:s31+$0xFFFFFFB0]  }
0x350: {  	[tilespmem:s31+$0xFFFFFF40] =	vst v5;
	v5 =	vld [tilespmem:s31+$0xFFFFFF90]  }
0x351: {  	v4 =	vld.idx.msk [tilespmem:v4+s14+$0x0], $0xffff  }
0x352: {  	v8 =	vld [tilespmem:s31+$0xFFFFFF80]  }
0x353: {  	v9 =	vld [tilespmem:s31+$0xFFFFFFA0]  }
0x354: {  	v10 =	vld [tilespmem:s31+$0xFFFFFFC0]  }
0x355: {  	v11 =	vld [tilespmem:s31+$0xFFFFFFE0];
	_ =	sdelay $0x1  }
0x356: {  	v5 =	vmul.f32 v5, v4;
	v8 =	vmul.f32 v8, v4  }
0x357: {  	s0 =	sadd.s32 $0xFFFFFFFF, s28;
	v6 =	vmul.f32 v6, v4;
	v9 =	vmul.f32 v9, v4  }
0x358: {  	v7 =	vmul.f32 v7, v4;
	[tilespmem:s31+$0xFFFFFF80] =	vst v8;
	v8 =	vmul.f32 v10, v4;
	v10 =	vmov s0  }
0x359: {  	v3 =	vmul.f32 v3, v4;
	[tilespmem:s31+$0xFFFFFFA0] =	vst v9;
	v9 =	vmul.f32 v11, v4;
	v4 =	vand.u32 $0xFFFFFFFE, v10  }
0x35a: {  	[tilespmem:s31+$0xFFFFFF90] =	vst v5;
	v4 =	vbroadcast v4, $0x0  }
0x35b: {  	[tilespmem:s31+$0xFFFFFFD0] =	vst v7  }
0x35c: {  	[tilespmem:s31+$0xFFFFFFE0] =	vst v9  }
0x35d: {  	[tilespmem:s31+$0xFFFFFFB0] =	vst v6  }
.Ltmp6:
0x35e: {  	[tilespmem:s31+$0xFFFFFFF0] =	vst v3;
	v5 =	vld [tilespmem:s31+$0x20];
	(pc) =	sbr.rel @p1 .LBB2_11-.Ltmp6, $4  }
0x35f: {  	[tilespmem:s31+$0xFFFFFFC0] =	vst v8;
	v6 =	vld [tilespmem:s31+$0x0]  }
0x360: {  	v3 =	vld.idx.msk [tilespmem:v4+s14+$0x0], $0xffff  }
0x361: {  	v4 =	vld [tilespmem:s31+$0x10]  }
0x362: {  	v7 =	vld [tilespmem:s31+$0x30]  }
0x363: {  	v8 =	vld [tilespmem:s24+$0x60];
	_ =	sdelay $0x1  }
0x364: {  	v6 =	vmul.f32 v6, v3  }
0x365: {  	v9 =	vld [tilespmem:s24+$0x50];
	v5 =	vmul.f32 v5, v3  }
0x366: {  	v1 =	vmul.f32 v1, v3;
	[tilespmem:s24+$0x0] =	vst v6  }
0x367: {  	[tilespmem:s24+$0x20] =	vst v5;
	v5 =	vmul.f32 v8, v3  }
0x368: {  	v2 =	vmul.f32 v2, v3;
	[tilespmem:s24+$0x40] =	vst v1  }
0x369: {  	v7 =	vmul.f32 v7, v3;
	[tilespmem:s24+$0x60] =	vst v5;
	v5 =	vmov s28  }
0x36a: {  	[tilespmem:s24+$0x70] =	vst v2;
	v6 =	vmul.f32 v9, v3  }
0x36b: {  	v3 =	vmul.f32 v4, v3;
	[tilespmem:s24+$0x30] =	vst v7  }
0x36c: {  	[tilespmem:s24+$0x50] =	vst v6  }
0x36d: {  	v7 =	vld [tilespmem:s24+$0x80];
	[tilespmem:s24+$0x10] =	vst v3  }
0x36e: {  	v1 =	vld.idx.msk [tilespmem:v5+s14+$0x0], $0xffff  }
0x36f: {  	v2 =	vld [tilespmem:s24+$0x90]  }
0x370: {  	v3 =	vld [tilespmem:s24+$0xA0]  }
0x371: {  	v4 =	vld [tilespmem:s24+$0xD0]  }
0x372: {  	v5 =	vld [tilespmem:s24+$0xB0]  }
0x373: {  	v6 =	vld [tilespmem:s24+$0xC0];
	v7 =	vmul.f32 v7, v1  }
0x374: {  	v8 =	vld [tilespmem:s24+$0xE0];
	v2 =	vmul.f32 v2, v1  }
0x375: {  	v60 =	vld [tilespmem:s24+$0xF0];
	v3 =	vmul.f32 v3, v1;
	[tilespmem:s24+$0x80] =	vst v7  }
0x376: {  	v4 =	vmul.f32 v4, v1;
	[tilespmem:s24+$0x90] =	vst v2  }
0x377: {  	v2 =	vmul.f32 v5, v1;
	[tilespmem:s24+$0xA0] =	vst v3  }
0x378: {  	v3 =	vmul.f32 v6, v1;
	[tilespmem:s24+$0xD0] =	vst v4  }
0x379: {  	v4 =	vmul.f32 v8, v1;
	[tilespmem:s24+$0xB0] =	vst v2  }
0x37a: {  	v1 =	vmul.f32 v60, v1;
	[tilespmem:s24+$0xC0] =	vst v3  }
0x37b: {  	[tilespmem:s24+$0xE0] =	vst v4  }
0x37c: {  	[tilespmem:s24+$0xF0] =	vst v1  }
0x37d: {  	[spmem:s3] =	stream.indirect.scatter.add.f32 [tilespmem:s11], [sflag:$0x8], $0x80, s18, s26, $0xb8;
	[tilespmem:$0x19980] =	vst v63  }
0x37e: {  	_ = 	snop  }
0x37f: {  	[spmem:s4] =	stream.indirect.scatter.add.f32 [tilespmem:s14], [sflag:$0x8], $0x1, s18, s26, $0xb8;
	[tilespmem:$0x19980] =	vst v63  }
0x380: {  	_ =	swait.ge [sflag:s15], $0x2800  }
0x381: {  	[sflag:s15] =	ssyncset.done $0x0  }
0x382: {  	[sflag:s15] =	ssyncadd.s32 $0xFFFFD800  }
0x383: {  	_ =	swait.ge [sflag:s15], $0x50  }
0x384: {  	[sflag:s15] =	ssyncset.done $0x0  }
0x385: {  	[sflag:s15] =	ssyncadd.s32 $0xFFFFFFB0  }
0x386: {  	_ =	swait.ge [sflag:s25], $0x80  }
0x387: {  	[sflag:s25] =	ssyncset.done $0x0  }
0x388: {  	[sflag:s25] =	ssyncadd.s32 $0xFFFFFF80  }
0x389: {  	_ =	swait.ge [sflag:s25], $0x80  }
0x38a: {  	[sflag:s25] =	ssyncset.done $0x0  }
0x38b: {  	s0 =	simm.s32 $0x400;
	[sflag:s25] =	ssyncadd.s32 $0xFFFFFF80  }
0x38c: {  	[tilespmem:s0], [sflag:$0x5] =	stream.indirect.gather [hbm4b:s12+s26], $0x1, s6, s26, $0xb8;
	[tilespmem:$0x19980] =	vst v63  }
0x38d: {  	s0 =	rddreg [dreg:$0xe]  }
0x38e: {  	s23 =	simm.s32 $0x500;
	s24 =	simm.s32 $0x200;
	s0 =	sadd.s32 @!p0 s10, s0  }
0x38f: {  	[tilespmem:s23], [sflag:$0x5] =	stream.indirect.gather [hbm4b:s13+s26], $0x1, s24, s26, $0xb8;
	[tilespmem:$0x19980] =	vst v63  }
0x390: {  	s31 =	rddreg [dreg:$0x0];
	s0 =	sshrl.u32 @!p0 s0, $0x3  }
0x391: {  	[tilespmem:s19], [sflag:$0x5] =	stream.indirect.gather [hbm4b:s31+s26], $0x80, s24, s26, $0xb8;
	[tilespmem:$0x19980] =	vst v63  }
0x392: {  	s28 =	simm.s32 @!p0 $0x100;
	s10 =	sadd.s32 @!p0 s7, s0;
	s24 =	simm.s32 @!p0 $0x0  }
0x393: {  	[tilespmem:s28], [sflag:$0x3] =	stream.linear.gather @!p0 [hbm4b:s10+s24], $0x80, $0x38;
	[tilespmem:$0x19980] =	vst v63  }
0x394: {  	s0 =	sadd.s32 @!p0 s1, s0;
	s10 =	simm.s32 @!p0 $0x300  }
0x395: {  	[tilespmem:s10], [sflag:$0x3] =	stream.linear.gather @!p0 [hbm4b:s0+s24], $0x80, $0x38;
	[tilespmem:$0x19980] =	vst v63  }
0x396: {  	_ =	swait.ge [sflag:s5], $0x50  }
0x397: {  	[sflag:s5] =	ssyncset.done $0x0  }
0x398: {  	[sflag:s5] =	ssyncadd.s32 $0xFFFFFFB0  }
0x399: {  	_ =	swait.ge [sflag:s5], $0x50  }
0x39a: {  	[sflag:s5] =	ssyncset.done $0x0  }
0x39b: {  	[sflag:s5] =	ssyncadd.s32 $0xFFFFFFB0  }
0x39c: {  	_ =	swait.ge [sflag:s5], $0x2800  }
0x39d: {  	[sflag:s5] =	ssyncset.done $0x0  }
0x39e: {  	[sflag:s5] =	ssyncadd.s32 $0xFFFFD800  }
0x39f: {  	v1 =	vld [tilespmem:$0x400]  }
0x3a0: {  	v2 =	vld [tilespmem:$0x500];
	_ =	sdelay $0x2  }
0x3a1: {  	v3 =	vld [tilespmem:$0x410]  }
0x3a2: {  	v4 =	vld [tilespmem:$0x510]  }
0x3a3: {  	v5 =	vld [tilespmem:$0x520];
	v1 =	vadd.f32 v2, v1  }
0x3a4: {  	v2 =	vld [tilespmem:$0x420]  }
0x3a5: {  	v7 =	vld [tilespmem:$0x430];
	v6 =	vmul.f32 $2.000000030e-01, v1  }
0x3a6: {  	v8 =	vld [tilespmem:$0x530];
	vm0 =	vge.f32 v1, $0.0e+00  }
0x3a7: {  	v3 =	vadd.f32 v4, v3;
	v4 =	vld [tilespmem:$0x440];
	v1 =	vsel vm0, v1, v6  }
0x3a8: {  	v6 =	vld [tilespmem:$0x540];
	v1 =	vmax.f32 v1, $-2.000000000e+00  }
0x3a9: {  	v61 =	vmul.f32 $2.000000030e-01, v3;
	v2 =	vadd.f32 v5, v2;
	v1 =	vmin.f32 v1, $2.000000000e+00  }
0x3aa: {  	vm12 =	vge.f32 v3, $0.0e+00;
	v1 =	vmul.f32 $1.442695020e+00, v1  }
0x3ab: {  	v3 =	vsel vm12, v3, v61;
	v5 =	vmul.f32 $2.000000030e-01, v2  }
0x3ac: {  	(erf) = vpow2.f32 v1;
	v1 =	vmax.f32 v3, $-2.000000000e+00;
	v3 =	vadd.f32 v8, v7  }
0x3ad: {  	vm13 =	vge.f32 v2, $0.0e+00;
	v4 =	vadd.f32 v6, v4  }
0x3ae: {  	v2 =	vsel vm13, v2, v5;
	v1 =	vmin.f32 v1, $2.000000000e+00;
	v6 =	vmul.f32 $2.000000030e-01, v3  }
0x3af: {  	v2 =	vmax.f32 v2, $-2.000000000e+00;
	vm14 =	vge.f32 v3, $0.0e+00;
	v5 =	vmul.f32 $2.000000030e-01, v4  }
0x3b0: {  	v1 =	vmul.f32 $1.442695020e+00, v1;
	vm15 =	vge.f32 v4, $0.0e+00;
	v3 =	vsel vm14, v3, v6  }
0x3b1: {  	v2 =	vmin.f32 v2, $2.000000000e+00;
	v4 =	vsel vm15, v4, v5;
	v3 =	vmax.f32 v3, $-2.000000000e+00  }
0x3b2: {  	v2 =	vmul.f32 $1.442695020e+00, v2;
	v4 =	vmax.f32 v4, $-2.000000000e+00;
	v3 =	vmin.f32 v3, $2.000000000e+00  }
0x3b3: {  	(erf) = vpow2.f32 v1;
	v1 =	vmul.f32 $1.442695020e+00, v3;
	v3 =	vmin.f32 v4, $2.000000000e+00  }
0x3b4: {  	(erf) = vpow2.f32 v2;
	v2 =	vmul.f32 $1.442695020e+00, v3  }
0x3b5: {  	(erf) = vpow2.f32 v1  }
0x3b6: {  	(erf) = vpow2.f32 v2;
	_ =	sdelay $0x2  }
0x3b7: {  	s10 =	simm.s32 $0x0  }
0x3b8: {  	v2 =	vmov s10;
	v1 =	vpop (erf)  }
0x3b9: {  	[tilespmem:$0x600] =	vst v1;
	v1 =	vand.u32 $0xFFFFFFFC, v2  }
0x3ba: {  	v3 =	vpop (erf);
	v1 =	vbroadcast v1, $0x0  }
0x3bb: {  	v2 =	vpop (erf);
	[tilespmem:$0x610] =	vst v3  }
0x3bc: {  	[tilespmem:$0x620] =	vst v2;
	v3 =	vpop (erf)  }
0x3bd: {  	[tilespmem:$0x630] =	vst v3;
	v2 =	vpop (erf)  }
0x3be: {  	s10 =	simm.s32 $0x800;
	[tilespmem:$0x640] =	vst v2  }
0x3bf: {  	v3 =	vld [tilespmem:s10+$0xFFFFFF70]  }
0x3c0: {  	v1 =	vld.idx.msk [tilespmem:v1+s21+$0x0], $0xffff  }
0x3c1: {  	v4 =	vld [tilespmem:s10+$0xFFFFFF00]  }
0x3c2: {  	v5 =	vld [tilespmem:s10+$0xFFFFFF20]  }
0x3c3: {  	v6 =	vld [tilespmem:s10+$0xFFFFFF30]  }
0x3c4: {  	v2 =	vld [tilespmem:s10+$0xFFFFFF50]  }
0x3c5: {  	v8 =	vld [tilespmem:s10+$0xFFFFFF10];
	v3 =	vmul.f32 v3, v1  }
0x3c6: {  	s24 =	simm.s32 $0x1;
	v7 =	vld [tilespmem:s10+$0xFFFFFF60];
	v4 =	vmul.f32 v4, v1  }
0x3c7: {  	v62 =	vld [tilespmem:s10+$0xFFFFFF40];
	v5 =	vmul.f32 v5, v1;
	[tilespmem:s10+$0xFFFFFF70] =	vst v3;
	v3 =	vmov s24  }
0x3c8: {  	v6 =	vmul.f32 v6, v1;
	[tilespmem:s10+$0xFFFFFF00] =	vst v4;
	v3 =	vand.u32 $0xFFFFFFFD, v3  }
0x3c9: {  	v2 =	vmul.f32 v2, v1;
	[tilespmem:s10+$0xFFFFFF20] =	vst v5;
	v3 =	vbroadcast v3, $0x0  }
0x3ca: {  	v4 =	vmul.f32 v8, v1;
	[tilespmem:s10+$0xFFFFFF30] =	vst v6  }
0x3cb: {  	v5 =	vmul.f32 v7, v1;
	[tilespmem:s10+$0xFFFFFF50] =	vst v2  }
0x3cc: {  	v1 =	vmul.f32 v62, v1;
	[tilespmem:s10+$0xFFFFFF10] =	vst v4  }
0x3cd: {  	[tilespmem:s10+$0xFFFFFF60] =	vst v5  }
0x3ce: {  	[tilespmem:s10+$0xFFFFFF40] =	vst v1;
	v1 =	vld [tilespmem:s10+$0xFFFFFF80]  }
0x3cf: {  	v3 =	vld.idx.msk [tilespmem:v3+s21+$0x0], $0xffff  }
0x3d0: {  	v2 =	vld [tilespmem:s10+$0xFFFFFFA0]  }
0x3d1: {  	v4 =	vld [tilespmem:s10+$0xFFFFFF90]  }
0x3d2: {  	v5 =	vld [tilespmem:s10+$0xFFFFFFD0]  }
0x3d3: {  	v6 =	vld [tilespmem:s10+$0xFFFFFFE0]  }
0x3d4: {  	v7 =	vld [tilespmem:s10+$0xFFFFFFF0];
	v1 =	vmul.f32 v1, v3  }
0x3d5: {  	s31 =	simm.s32 $0x2;
	v8 =	vld [tilespmem:s10+$0xFFFFFFB0];
	v2 =	vmul.f32 v2, v3  }
0x3d6: {  	v63 =	vld [tilespmem:s10+$0xFFFFFFC0];
	v4 =	vmul.f32 v4, v3;
	[tilespmem:s10+$0xFFFFFF80] =	vst v1;
	v1 =	vmov s31  }
0x3d7: {  	v5 =	vmul.f32 v5, v3;
	[tilespmem:s10+$0xFFFFFFA0] =	vst v2;
	v1 =	vand.u32 $0xFFFFFFFE, v1  }
0x3d8: {  	v2 =	vmul.f32 v6, v3;
	[tilespmem:s10+$0xFFFFFF90] =	vst v4;
	v4 =	vbroadcast v1, $0x0  }
0x3d9: {  	v6 =	vmul.f32 v7, v3;
	[tilespmem:s10+$0xFFFFFFD0] =	vst v5;
	v7 =	vld [tilespmem:s10+$0x30]  }
0x3da: {  	v5 =	vmul.f32 v8, v3;
	v1 =	vld [tilespmem:s10+$0x40];
	[tilespmem:s10+$0xFFFFFFE0] =	vst v2  }
0x3db: {  	v3 =	vmul.f32 v63, v3;
	v2 =	vld [tilespmem:s10+$0x70];
	[tilespmem:s10+$0xFFFFFFF0] =	vst v6  }
0x3dc: {  	[tilespmem:s10+$0xFFFFFFB0] =	vst v5;
	v5 =	vld [tilespmem:s10+$0x20]  }
0x3dd: {  	[tilespmem:s10+$0xFFFFFFC0] =	vst v3;
	v6 =	vld [tilespmem:s10+$0x0]  }
0x3de: {  	s29 =	simm.s32 $0x800;
	v3 =	vld.idx.msk [tilespmem:v4+s21+$0x0], $0xffff  }
0x3df: {  	s23 =	simm.s32 $0x200;
	s28 =	simm.s32 $0x7;
	s24 =	simm.s32 $0x3;
	v4 =	vld [tilespmem:s10+$0x10]  }
.LBB2_13:
0x3e0: {  	p1 =	sne.s32 s28, $0x4F  }
0x3e1: {  	v8 =	vld [tilespmem:s10+$0x50];
	s29 =	sadd.s32 $0x200, s29;
	s0 =	smov.u32 s28;
	s28 =	sadd.s32 $0x4, s28  }
0x3e2: {  	v9 =	vld [tilespmem:s10+$0x60];
	_ =	sdelay $0x1  }
0x3e3: {  	v6 =	vmul.f32 v6, v3;
	v4 =	vmul.f32 v4, v3  }
0x3e4: {  	v5 =	vmul.f32 v5, v3;
	v7 =	vmul.f32 v7, v3  }
0x3e5: {  	v1 =	vmul.f32 v1, v3;
	v2 =	vmul.f32 v2, v3;
	[tilespmem:s10+$0x0] =	vst v6  }
0x3e6: {  	[tilespmem:s10+$0x20] =	vst v5;
	v5 =	vmul.f32 v8, v3;
	v3 =	vmul.f32 v9, v3  }
0x3e7: {  	[tilespmem:s10+$0x30] =	vst v7;
	v6 =	vld [tilespmem:s10+$0x80]  }
0x3e8: {  	[tilespmem:s10+$0x60] =	vst v3;
	v3 =	vmov s24;
	v7 =	vld [tilespmem:s10+$0xD0];
	s24 =	smov.u32 s0  }
0x3e9: {  	[tilespmem:s10+$0x50] =	vst v5;
	v5 =	vld [tilespmem:s10+$0xE0]  }
0x3ea: {  	[tilespmem:s10+$0x40] =	vst v1;
	v8 =	vld [tilespmem:s10+$0xB0]  }
0x3eb: {  	v1 =	vld [tilespmem:s29+$0x40];
	[tilespmem:s10+$0x70] =	vst v2  }
0x3ec: {  	v2 =	vld [tilespmem:s29+$0x70];
	[tilespmem:s10+$0x10] =	vst v4  }
0x3ed: {  	v3 =	vld.idx.msk [tilespmem:v3+s21+$0x0], $0xffff  }
0x3ee: {  	v4 =	vld [tilespmem:s10+$0x90]  }
0x3ef: {  	v9 =	vld [tilespmem:s10+$0xA0]  }
0x3f0: {  	v10 =	vld [tilespmem:s10+$0xC0]  }
0x3f1: {  	v11 =	vld [tilespmem:s10+$0xF0];
	_ =	sdelay $0x1  }
0x3f2: {  	v6 =	vmul.f32 v6, v3;
	v4 =	vmul.f32 v4, v3  }
0x3f3: {  	s0 =	sadd.s32 $0xFFFFFFFD, s24;
	v8 =	vmul.f32 v8, v3;
	v9 =	vmul.f32 v9, v3  }
0x3f4: {  	v12 =	vmov s0;
	v7 =	vmul.f32 v7, v3;
	[tilespmem:s10+$0x80] =	vst v6;
	v6 =	vmul.f32 v10, v3  }
0x3f5: {  	v10 =	vand.u32 $0xFFFFFFFC, v12;
	[tilespmem:s10+$0x90] =	vst v4;
	v4 =	vmul.f32 v5, v3;
	v3 =	vmul.f32 v11, v3  }
0x3f6: {  	v5 =	vbroadcast v10, $0x0;
	[tilespmem:s10+$0xA0] =	vst v9  }
0x3f7: {  	[tilespmem:s10+$0xD0] =	vst v7  }
0x3f8: {  	v7 =	vld [tilespmem:s29+$0xFFFFFF50];
	[tilespmem:s10+$0xB0] =	vst v8  }
0x3f9: {  	v8 =	vld [tilespmem:s29+$0xFFFFFF30];
	[tilespmem:s10+$0xC0] =	vst v6  }
0x3fa: {  	v6 =	vld [tilespmem:s29+$0xFFFFFF60];
	[tilespmem:s10+$0xE0] =	vst v4  }
0x3fb: {  	v4 =	vld [tilespmem:s29+$0xFFFFFF70];
	[tilespmem:s10+$0xF0] =	vst v3;
	s10 =	smov.u32 s29  }
0x3fc: {  	v3 =	vld.idx.msk [tilespmem:v5+s21+$0x0], $0xffff  }
0x3fd: {  	v5 =	vld [tilespmem:s29+$0xFFFFFF00]  }
0x3fe: {  	v9 =	vld [tilespmem:s29+$0xFFFFFF20]  }
0x3ff: {  	v10 =	vld [tilespmem:s29+$0xFFFFFF10]  }
0x400: {  	v11 =	vld [tilespmem:s29+$0xFFFFFF40];
	_ =	sdelay $0x1  }
0x401: {  	v4 =	vmul.f32 v4, v3;
	v5 =	vmul.f32 v5, v3  }
0x402: {  	s0 =	sadd.s32 $0xFFFFFFFE, s24;
	v6 =	vmul.f32 v6, v3;
	v9 =	vmul.f32 v9, v3  }
0x403: {  	v8 =	vmul.f32 v8, v3;
	v10 =	vmul.f32 v10, v3;
	[tilespmem:s29+$0xFFFFFF70] =	vst v4;
	v4 =	vmov s0  }
0x404: {  	[tilespmem:s29+$0xFFFFFF00] =	vst v5;
	v5 =	vmul.f32 v11, v3;
	v3 =	vmul.f32 v7, v3;
	v4 =	vand.u32 $0xFFFFFFFD, v4  }
0x405: {  	[tilespmem:s29+$0xFFFFFF20] =	vst v9;
	v4 =	vbroadcast v4, $0x0  }
0x406: {  	[tilespmem:s29+$0xFFFFFF30] =	vst v8  }
0x407: {  	[tilespmem:s29+$0xFFFFFF50] =	vst v3;
	v3 =	vld [tilespmem:s29+$0xFFFFFFF0]  }
0x408: {  	[tilespmem:s29+$0xFFFFFF10] =	vst v10;
	v7 =	vld [tilespmem:s29+$0xFFFFFFD0]  }
0x409: {  	[tilespmem:s29+$0xFFFFFF60] =	vst v6;
	v6 =	vld [tilespmem:s29+$0xFFFFFFB0]  }
0x40a: {  	[tilespmem:s29+$0xFFFFFF40] =	vst v5;
	v5 =	vld [tilespmem:s29+$0xFFFFFF90]  }
0x40b: {  	v4 =	vld.idx.msk [tilespmem:v4+s21+$0x0], $0xffff  }
0x40c: {  	v8 =	vld [tilespmem:s29+$0xFFFFFF80]  }
0x40d: {  	v9 =	vld [tilespmem:s29+$0xFFFFFFA0]  }
0x40e: {  	v10 =	vld [tilespmem:s29+$0xFFFFFFC0]  }
0x40f: {  	v11 =	vld [tilespmem:s29+$0xFFFFFFE0];
	_ =	sdelay $0x1  }
0x410: {  	v5 =	vmul.f32 v5, v4;
	v8 =	vmul.f32 v8, v4  }
0x411: {  	s0 =	sadd.s32 $0xFFFFFFFF, s24;
	v6 =	vmul.f32 v6, v4;
	v9 =	vmul.f32 v9, v4  }
0x412: {  	v7 =	vmul.f32 v7, v4;
	[tilespmem:s29+$0xFFFFFF80] =	vst v8;
	v8 =	vmul.f32 v10, v4;
	v10 =	vmov s0  }
0x413: {  	v3 =	vmul.f32 v3, v4;
	[tilespmem:s29+$0xFFFFFFA0] =	vst v9;
	v9 =	vmul.f32 v11, v4;
	v4 =	vand.u32 $0xFFFFFFFE, v10  }
0x414: {  	[tilespmem:s29+$0xFFFFFF90] =	vst v5;
	v4 =	vbroadcast v4, $0x0  }
0x415: {  	[tilespmem:s29+$0xFFFFFFD0] =	vst v7  }
0x416: {  	[tilespmem:s29+$0xFFFFFFE0] =	vst v9  }
0x417: {  	[tilespmem:s29+$0xFFFFFFB0] =	vst v6  }
.Ltmp7:
0x418: {  	[tilespmem:s29+$0xFFFFFFF0] =	vst v3;
	v5 =	vld [tilespmem:s29+$0x20];
	(pc) =	sbr.rel @p1 .LBB2_13-.Ltmp7, $4  }
0x419: {  	[tilespmem:s29+$0xFFFFFFC0] =	vst v8;
	v6 =	vld [tilespmem:s29+$0x0]  }
0x41a: {  	v3 =	vld.idx.msk [tilespmem:v4+s21+$0x0], $0xffff  }
0x41b: {  	v4 =	vld [tilespmem:s29+$0x10]  }
0x41c: {  	v7 =	vld [tilespmem:s29+$0x30]  }
0x41d: {  	_ =	sdelay $0x1  }
0x41e: {  	v8 =	vld [tilespmem:s10+$0x60];
	v6 =	vmul.f32 v6, v3  }
0x41f: {  	v9 =	vld [tilespmem:s10+$0x50];
	v5 =	vmul.f32 v5, v3  }
0x420: {  	v1 =	vmul.f32 v1, v3;
	[tilespmem:s10+$0x0] =	vst v6  }
0x421: {  	v2 =	vmul.f32 v2, v3;
	[tilespmem:s10+$0x20] =	vst v5  }
0x422: {  	v7 =	vmul.f32 v7, v3;
	[tilespmem:s10+$0x40] =	vst v1  }
0x423: {  	v57 =	vmov s24;
	[tilespmem:s10+$0x70] =	vst v2;
	v54 =	vmul.f32 v8, v3  }
0x424: {  	v55 =	vmul.f32 v9, v3;
	[tilespmem:s10+$0x30] =	vst v7  }
0x425: {  	v3 =	vmul.f32 v4, v3;
	[tilespmem:s10+$0x60] =	vst v54  }
0x426: {  	[tilespmem:s10+$0x50] =	vst v55  }
0x427: {  	v56 =	vld [tilespmem:s10+$0x80];
	[tilespmem:s10+$0x10] =	vst v3  }
0x428: {  	v1 =	vld.idx.msk [tilespmem:v57+s21+$0x0], $0xffff  }
0x429: {  	v2 =	vld [tilespmem:s10+$0x90]  }
0x42a: {  	v3 =	vld [tilespmem:s10+$0xA0]  }
0x42b: {  	v58 =	vld [tilespmem:s10+$0xD0]  }
0x42c: {  	v61 =	vld [tilespmem:s10+$0xE0]  }
0x42d: {  	v59 =	vld [tilespmem:s10+$0xB0];
	v7 =	vmul.f32 v56, v1  }
0x42e: {  	v60 =	vld [tilespmem:s10+$0xC0];
	v2 =	vmul.f32 v2, v1  }
0x42f: {  	v62 =	vld [tilespmem:s10+$0xF0];
	v3 =	vmul.f32 v3, v1;
	[tilespmem:s10+$0x80] =	vst v7  }
0x430: {  	v4 =	vmul.f32 v58, v1;
	[tilespmem:s10+$0x90] =	vst v2  }
0x431: {  	v63 =	vmul.f32 v61, v1;
	[tilespmem:s10+$0xA0] =	vst v3  }
0x432: {  	v2 =	vmul.f32 v59, v1;
	[tilespmem:s10+$0xD0] =	vst v4  }
0x433: {  	v3 =	vmul.f32 v60, v1;
	[tilespmem:s10+$0xE0] =	vst v63  }
0x434: {  	v1 =	vmul.f32 v62, v1;
	[tilespmem:s10+$0xB0] =	vst v2  }
0x435: {  	[tilespmem:s10+$0xC0] =	vst v3  }
0x436: {  	[tilespmem:s10+$0xF0] =	vst v1  }
0x437: {  	[spmem:s3] =	stream.indirect.scatter.add.f32 [tilespmem:s19], [sflag:$0x7], $0x80, s6, s26, $0xb8;
	[tilespmem:$0x19980] =	vst v63  }
0x438: {  	_ = 	snop  }
0x439: {  	[spmem:s4] =	stream.indirect.scatter.add.f32 [tilespmem:s21], [sflag:$0x7], $0x1, s6, s26, $0xb8;
	[tilespmem:$0x19980] =	vst v63  }
0x43a: {  	_ =	swait.ge [sflag:s16], $0x2800  }
.Ltmp8:
0x43b: {  	[sflag:s16] =	ssyncset.done $0x0;
	(pc) =	sbr.rel @p0 .LBB2_16-.Ltmp8, $4  }
0x43c: {  	[sflag:s16] =	ssyncadd.s32 $0xFFFFD800  }
0x43d: {  	_ =	swait.ge [sflag:s16], $0x50  }
0x43e: {  	[sflag:s16] =	ssyncset.done $0x0  }
0x43f: {  	[sflag:s16] =	ssyncadd.s32 $0xFFFFFFB0  }
0x440: {  	_ =	swait.ge [sflag:s8], $0x80  }
0x441: {  	[sflag:s8] =	ssyncset.done $0x0  }
0x442: {  	[sflag:s8] =	ssyncadd.s32 $0xFFFFFF80  }
0x443: {  	_ =	swait.ge [sflag:s8], $0x80  }
0x444: {  	[sflag:s8] =	ssyncset.done $0x0  }
0x445: {  	s0 =	simm.s32 $0x480;
	[sflag:s8] =	ssyncadd.s32 $0xFFFFFF80  }
0x446: {  	[tilespmem:s0], [sflag:$0x6] =	stream.indirect.gather [hbm4b:s12+s26], $0x1, s30, s26, $0xb8;
	[tilespmem:$0x19980] =	vst v63  }
.Ltmp9:
0x447: {  	_ = 	snop;
	(pc) =	sbr.rel .LBB2_6-.Ltmp9, $4  }
0x448: {  	s10 =	simm.s32 $0x580;
	s30 =	simm.s32 $0x280  }
0x449: {  	[tilespmem:s10], [sflag:$0x6] =	stream.indirect.gather [hbm4b:s13+s26], $0x1, s30, s26, $0xb8;
	[tilespmem:$0x19980] =	vst v63  }
0x44a: {  	s9 =	sadd.s32 $0x1, s9;
	s31 =	rddreg [dreg:$0x0]  }
0x44b: {  	[tilespmem:s11], [sflag:$0x6] =	stream.indirect.gather [hbm4b:s31+s26], $0x80, s30, s26, $0xb8;
	[tilespmem:$0x19980] =	vst v63  }
.LBB2_17:
0x44c: {  	_ =	sfence.sel $0x180000  }
0x44d: {  	[bflag:$0x0] =	sbarrier.arrive $0xFFFF  }
0x44e: {  	_ =	strace $0x90000047  }
0x44f: {  	s0 =	stileid.u32;
	[bflag:$0x2] =	sbarrier.arrive $0xFFFF  }
0x450: {  	p0 =	sne.s32 s0, $0x0;
	s0 =	rddreg [dreg:$0x4]  }
0x451: {  	s0 =	sadd.s32 @!p0 $0x100000, s0  }
0x452: {  	[sflag:s0] =	ssyncadd.tile.s32 @!p0 $0x1;
	_ =	shalt  }
.Lfunc_end2:
_tile_overlayer_lowered:
.L_overlay_start_2:
0x453: {  	(tag) =	ssettag $0x2  }
0x454: {  	s0 =	rddreg [dreg:$0x0];
	s2 =	stileid.u32  }
0x455: {  	s1 =	rddreg [dreg:$0x1];
	p0 =	sne.s32 s2, $0x0  }
0x456: {  	s3 =	rddreg [dreg:$0x2];
	[bflag:$0x3] =	sbarrier.arrive $0xFFFF;
	s2 =	simm.s32 @!p0 $0x1C09  }
0x457: {  	[timem:s3], [sflag:s2] =	dma.local @!p0 [hbm:s0], s1  }
0x458: {  	s0 =	simm.s32 @!p0 $0x9  }
0x459: {  	_ =	swait.ge @!p0 [sflag:s0], s1  }
0x45a: {  	s1 =	ssub.s32 @!p0 $0x0, s1;
	[sflag:s0] =	ssyncset.done @!p0 $0x0  }
0x45b: {  	[sflag:s0] =	ssyncadd.s32 @!p0 s1  }
0x45c: {  	[bflag:$0x3] =	sbarrier.arrive $0xFFFF  }
0x45d: {  	_ =	shalt  }

// kernel: kernel.9.cloned.1.call-start
scs
__scs_entry_jumppad:
0x0: {  	(pc) =	sbr.rel $0x88, $3  }
0x1: {  	(tag) =	ssettag $0x0;
	lr =	simm.s32 $0x1  }
0x2: {  	[smem:$0x3F9D] =	sst lr;
	_ =	strace $0xD0000000  }
0x3: {  	_ = 	snop  }
0x4: {  	_ = 	snop  }
0x5: {  	_ = 	snop  }
0x6: {  	_ = 	snop  }
0x7: {  	_ = 	snop  }
__scs_overlays_trampoline_lowered:
0x8: {  	[smem:$0x3FAC] =	sst s0  }
0x9: {  	[smem:$0x3FAD] =	sst s1  }
0xa: {  	[smem:$0x3FAE] =	sst s2  }
0xb: {  	[smem:$0x3FAF] =	sst s3  }
0xc: {  	[smem:$0x3FB0] =	sst s4  }
0xd: {  	[smem:$0x3FB1] =	sst s5  }
0xe: {  	[smem:$0x3FB2] =	sst s6  }
0xf: {  	[smem:$0x3FB3] =	sst s7  }
0x10: {  	[smem:$0x3FB4] =	sst s8  }
0x11: {  	[smem:$0x3FB5] =	sst s9;
	s0 =	simm.s32 @!p0 $0x0  }
0x12: {  	s1 =	sld [smem:$0x3F9B];
	s0 =	simm.s32 @p0 $0x1  }
0x13: {  	[smem:$0x3FB6] =	sst s0;
	s0 =	simm.s32 @!p1 $0x0  }
0x14: {  	s2 =	sld [smem:$0x3F9A];
	s0 =	simm.s32 @p1 $0x1  }
0x15: {  	[smem:$0x3FB7] =	sst s0;
	s0 =	simm.s32 @!p2 $0x0  }
0x16: {  	s3 =	sld [smem:$0x3FDB];
	s0 =	simm.s32 @p2 $0x1  }
0x17: {  	s4 =	simm.s32 $0x1BF5;
	[smem:$0x3FB9] =	sst s0  }
0x18: {  	s0 =	sld [smem:$0x3F9C];
	_ =	swait.ge [sflag:s4], $0x0  }
0x19: {  	s7 =	sld [smem:$0x3F9D]  }
0x1a: {  	s8 =	sadd.s32 $0xFFFFE003, lr  }
0x1b: {  	s9 =	sadd.s32 $0xFFFFFEF7, lr;
	s5 =	simm.s32 $0xFFFFFFFF;
	p2 =	slt.u32 s8, $0xFFFFF086  }
0x1c: {  	p1 =	slt.u32 s9, $0xF7A;
	s5 =	simm.s32 @!p2 $0x0  }
0x1d: {  	s5 =	simm.s32 @p1 $0x1;
	p0 =	seq.s32 s7, s2  }
0x1e: {  	s7 =	smul.u32 @!p0 $0xF7A, s2;
	p2 =	seq.s32 @!p0 s5, $0x0  }
0x1f: {  	s9 =	smul.u32 $0xF7A, s1;
	s8 =	simm.s32 @!p0 $0x1BF5;
	p2 =	por !p2, p0  }
0x20: {  	[sflag:s8] =	ssyncset.s32 @!p0 $0xFFFFF086;
	s6 =	sadd.s32 @!p0 s3, s7;
	s7 =	simm.s32 @!p0 $0x108  }
0x21: {  	s3 =	sadd.s32 s3, s9;
	s6 =	sadd.s32 @!p0 $0x88, s6;
	s7 =	simm.s32 @p2 $0x1082  }
0x22: {  	[simem:s7], [sflag:s8] =	dma.local @!p0 [hbm:s6], $0xF7A  }
0x23: {  	s9 =	sor.u32 $0xD0000000, s2;
	s6 =	simm.s32 $0x108;
	_ =	swait.ge @!p0 [sflag:s8], $0x0  }
0x24: {  	s3 =	sadd.s32 $0x88, s3;
	s6 =	simm.s32 @!p1 $0x1082;
	[sflag:s4] =	ssyncset.s32 $0xFFFFF086  }
0x25: {  	[simem:s6], [sflag:s4] =	dma.local [hbm:s3], $0xF7A  }
0x26: {  	[smem:$0x3F9D] =	sst s1;
	(tag) =	ssettag s2;
	_ =	strace s9  }
0x27: {  	s1 =	sld [smem:$0x3FAD]  }
0x28: {  	s2 =	sld [smem:$0x3FAE]  }
0x29: {  	s4 =	sld [smem:$0x3FB0]  }
0x2a: {  	p0 =	seq.s32 s5, $0x0;
	s5 =	sld [smem:$0x3FB1]  }
0x2b: {  	s6 =	sld [smem:$0x3FB2]  }
0x2c: {  	s7 =	sld [smem:$0x3FB3]  }
0x2d: {  	s3 =	simm.s32 $0x108;
	s8 =	sld [smem:$0x3FB4]  }
0x2e: {  	s3 =	simm.s32 @!p0 $0x1082;
	s9 =	sld [smem:$0x3FB5]  }
0x2f: {  	lr =	sadd.s32 s0, s3;
	s0 =	sld [smem:$0x3FAC]  }
0x30: {  	s3 =	sld [smem:$0x3FAF]  }
0x31: {  	[smem:$0x3FB8] =	sst s10  }
0x32: {  	s10 =	sld [smem:$0x3FB6];
	_ =	sdelay $0x3  }
0x33: {  	p0 =	seq.s32 s10, $0x1;
	s10 =	sld [smem:$0x3FB8];
	_ =	sdelay $0x3  }
0x34: {  	[smem:$0x3FB8] =	sst s10  }
0x35: {  	s10 =	sld [smem:$0x3FB7];
	_ =	sdelay $0x3  }
0x36: {  	p1 =	seq.s32 s10, $0x1;
	s10 =	sld [smem:$0x3FB8];
	_ =	sdelay $0x3  }
0x37: {  	[smem:$0x3FB8] =	sst s10  }
0x38: {  	s10 =	sld [smem:$0x3FB9]  }
0x39: {  	_ = 	snop;
	(pc) =	sbr.ind lr, $3  }
0x3a: {  	_ = 	snop  }
0x3b: {  	_ = 	snop  }
0x3c: {  	p2 =	seq.s32 s10, $0x1;
	s10 =	sld [smem:$0x3FB8]  }
0x3d: {  	_ =	shalt  }
0x3e: {  	_ =	shalt  }
0x3f: {  	_ =	shalt  }
0x40: {  	_ =	shalt  }
0x41: {  	_ =	shalt  }
0x42: {  	_ =	shalt  }
0x43: {  	_ =	shalt  }
0x44: {  	_ =	shalt  }
0x45: {  	_ =	shalt  }
0x46: {  	_ =	shalt  }
0x47: {  	_ =	shalt  }
0x48: {  	_ =	shalt  }
0x49: {  	_ =	shalt  }
0x4a: {  	_ =	shalt  }
0x4b: {  	_ =	shalt  }
0x4c: {  	_ =	shalt  }
0x4d: {  	_ =	shalt  }
0x4e: {  	_ =	shalt  }
0x4f: {  	_ =	shalt  }
0x50: {  	_ =	shalt  }
0x51: {  	_ =	shalt  }
0x52: {  	_ =	shalt  }
0x53: {  	_ =	shalt  }
0x54: {  	_ =	shalt  }
0x55: {  	_ =	shalt  }
0x56: {  	_ =	shalt  }
0x57: {  	_ =	shalt  }
0x58: {  	_ =	shalt  }
0x59: {  	_ =	shalt  }
0x5a: {  	_ =	shalt  }
0x5b: {  	_ =	shalt  }
0x5c: {  	_ =	shalt  }
0x5d: {  	_ =	shalt  }
0x5e: {  	_ =	shalt  }
0x5f: {  	_ =	shalt  }
0x60: {  	_ =	shalt  }
0x61: {  	_ =	shalt  }
0x62: {  	_ =	shalt  }
0x63: {  	_ =	shalt  }
0x64: {  	_ =	shalt  }
0x65: {  	_ =	shalt  }
0x66: {  	_ =	shalt  }
0x67: {  	_ =	shalt  }
0x68: {  	_ =	shalt  }
0x69: {  	_ =	shalt  }
0x6a: {  	_ =	shalt  }
0x6b: {  	_ =	shalt  }
0x6c: {  	_ =	shalt  }
0x6d: {  	_ =	shalt  }
0x6e: {  	_ =	shalt  }
0x6f: {  	_ =	shalt  }
0x70: {  	_ =	shalt  }
0x71: {  	_ =	shalt  }
0x72: {  	_ =	shalt  }
0x73: {  	_ =	shalt  }
0x74: {  	_ =	shalt  }
0x75: {  	_ =	shalt  }
0x76: {  	_ =	shalt  }
0x77: {  	_ =	shalt  }
0x78: {  	_ =	shalt  }
0x79: {  	_ =	shalt  }
0x7a: {  	_ =	shalt  }
0x7b: {  	_ =	shalt  }
0x7c: {  	_ =	shalt  }
0x7d: {  	_ =	shalt  }
0x7e: {  	_ =	shalt  }
0x7f: {  	_ =	shalt  }
0x80: {  	_ =	shalt  }
0x81: {  	_ =	shalt  }
0x82: {  	_ =	shalt  }
0x83: {  	_ =	shalt  }
0x84: {  	_ =	shalt  }
0x85: {  	_ =	shalt  }
0x86: {  	_ =	shalt  }
0x87: {  	_ =	shalt  }
.Lfunc_end0:
.L_simem_size_0:
called_computation.1_lowered:
.L_overlay_start_0:
0x88: {  	s2 =	sld [smem:$0x3FD9]  }
0x89: {  	s3 =	sld [smem:$0x3FFE];
	_ =	sdelay $0x1  }
0x8a: {  	s1 =	srdreg.scid  }
0x8b: {  	s0 =	sand.u32 $0x1, s1  }
0x8c: {  	s17 =	sshll.u32 s0, $0xA;
	s2 =	sadd.s32 s3, s2  }
0x8d: {  	s2 =	sadd.s32 s2, s17  }
0x8e: {  	[smem:$0x3FC4] =	sst s2  }
0x8f: {  	_ = 	snop  }
0x90: {  	s2 =	sld [smem:$0x3FD0];
	(tm) =	ssettm $0x1  }
0x91: {  	s18 =	sld [smem:$0x3FFB];
	_ =	sdelay $0x3  }
0x92: {  	_ =	strace s18  }
0x93: {  	s3 =	sld [smem:$0x3FFC];
	_ =	sdelay $0x3  }
0x94: {  	_ =	strace s3  }
0x95: {  	s3 =	sld [smem:$0x3FFD];
	_ =	sdelay $0x3  }
0x96: {  	_ =	strace s3  }
0x97: {  	_ =	strace $0x8FFFFFFF  }
0x98: {  	s19 =	sld [smem:$0x3FDB];
	_ =	sdelay $0x1  }
0x99: {  	s4 =	simm.s32 $_scs_section_size  }
0x9a: {  	s5 =	simm.s32 $_size__tile_overlayer_lowered;
	s6 =	simm.s32 $_tile_overlayer_lowered  }
0x9b: {  	s22 =	simm.s32 $0x1BFF;
	s21 =	sshll.u32 s6, $0x1;
	s3 =	sadd.s32 s4, s19  }
0x9c: {  	s7 =	simm.s32 $0x0;
	s20 =	sshll.u32 s5, $0x1;
	s5 =	sadd.s32 s21, s3  }
0x9d: {  	[timem:s7], [sflag:s22] =	dma.local [hbm:s5], s20  }
0x9e: {  	_ =	swait.ge [sflag:s22], s20  }
0x9f: {  	s4 =	ssub.s32 $0x0, s20;
	[sflag:s22] =	ssyncset.done $0x0  }
0xa0: {  	[sflag:s22] =	ssyncadd.s32 s4;
	_ =	sdelay $0x1  }
0xa1: {  	s23 =	simm.s32 $0x1B8B  }
0xa2: {  	_ =	swait.ge [sflag:s23], $0x1  }
0xa3: {  	[sflag:s23] =	ssyncset.done $0x0  }
0xa4: {  	s25 =	simm.s32 $0x1B8E;
	s24 =	sld [smem:$0x3FFE];
	[sflag:s23] =	ssyncadd.s32 $0xFFFFFFFF  }
0xa5: {  	s26 =	simm.s32 $execute0_lowered;
	[smem:$0x3FD2] =	sst s25  }
0xa6: {  	s5 =	sshll.u32 s26, $0x1;
	_ =	strace $0x80000049;
	[dreg:$0x1] =	wrdreg $0xFFFFFFFF  }
0xa7: {  	s28 =	simm.s32 $_size_execute0_lowered;
	s3 =	sadd.s32 s3, s5;
	[dreg:$0x0] =	wrdreg $0x0  }
0xa8: {  	s5 =	sshll.u32 s28, $0x1;
	[dreg:$0x2] =	wrdreg s3  }
0xa9: {  	[dreg:$0x3] =	wrdreg s5  }
0xaa: {  	[dreg:$0x4] =	wrdreg $0xC0  }
0xab: {  	_ =	task [dreg:s7], $0x5FFFF  }
0xac: {  	[dreg:$0x1] =	wrdreg $0xFFFFFFFF  }
0xad: {  	[dreg:$0x0] =	wrdreg $0x60  }
0xae: {  	[dreg:$0x2] =	wrdreg s24  }
0xaf: {  	[dreg:$0x3] =	wrdreg s2  }
0xb0: {  	[dreg:$0x4] =	wrdreg $0x9  }
0xb1: {  	_ =	task.clear_ibuf [dreg:s7], $0x5FFFF;
	_ =	strace $0x90000049  }
0xb2: {  	s29 =	simm.s32 $0x9;
	_ =	strace $0x8000004B  }
0xb3: {  	_ =	swait.ge [sflag:s29], $0x1  }
0xb4: {  	[sflag:s29] =	ssyncadd.s32 $0xFFFFFFFF  }
0xb5: {  	_ =	strace $0x9000004B  }
0xb6: {  	_ =	sfence  }
0xb7: {  	s30 =	sld [smem:$0x0];
	_ =	sdelay $0x2  }
0xb8: {  	s31 =	sshll.u32 s1, $0xD;
	s1 =	sshrl.u32 s1, $0x2  }
0xb9: {  	s3 =	sand.u32 $0x4000, s31;
	s1 =	sadd.s32 s1, s30  }
0xba: {  	s0 =	sor.u32 s3, s0;
	s1 =	sshll.u32 s1, $0x11  }
0xbb: {  	s0 =	sor.u32 s1, s0  }
0xbc: {  	s0 =	sadd.s32 $0x8F2B, s0  }
0xbd: {  	[sflag:s0] =	ssyncadd.remote.s32 $0x1  }
0xbe: {  	_ =	sfence.sel $0xFFFF  }
0xbf: {  	[dreg:$0x0] =	wrdreg $0xFFFFFFFF;
	(pc) =	sbr.abs _section_cstart, $3  }
0xc0: {  	[dreg:$0x1] =	wrdreg $0xFFFFFFFF  }
0xc1: {  	_ =	task.clear_ibuf [dreg:s7], $0x2FFFF;
	_ =	strace $0x9FFFFFFF  }
0xc2: {  	(tm) =	ssettm $0x7FFFFFFF  }
0xc3: {  	_ =	shalt  }
tec
execute0_lowered:
.L_overlay_start_1:
0x0: {  	(tag) =	ssettag $0x1  }
0x1: {  	s0 =	srdreg.scid;
	s6 =	rddreg [dreg:$0x0]  }
0x2: {  	s2 =	rddreg [dreg:$0x1];
	s3 =	simm.s32 $0x0;
	s5 =	sand.u32 $0x1, s0  }
0x3: {  	s11 =	simm.s32 $0x180;
	s0 =	stileid.u32;
	s1 =	sshll.u32 s5, $0x4  }
0x4: {  	s12 =	simm.s32 $0x480;
	s13 =	simm.s32 $0x2C80;
	s15 =	sor.u32 s0, s1  }
0x5: {  	s14 =	simm.s32 $0x300;
	[smem:$0x7FF] =	sst s3;
	s4 =	smul.u32 $0x140, s15  }
0x6: {  	s8 =	ssub.s32 $0x2, s5;
	s5 =	sadd.s32 $0x20000, s6;
	s1 =	rddreg [dreg:$0x2]  }
0x7: {  	_ =	strace $0x8000004A;
	s31 =	sshrl.u32 s8, $0x1;
	s7 =	sshrl.u32 s4, $0x3  }
0x8: {  	s10 =	ssub.s32 s8, s31;
	p0 =	seq.s32 s15, $0x1F;
	s9 =	sadd.s32 s7, s6  }
0x9: {  	s15 =	simm.s32 $0x0;
	s6 =	sadd.s32 $0x48000, s6;
	s7 =	sadd.s32 $0x70000, s9  }
0xa: {  	s8 =	sadd.s32 $0x70600, s9;
	s9 =	smax.u32 s10, $0x1;
	s10 =	simm.s32 $0x1  }
.LBB2_1:
0xb: {  	[tilespmem:s3], [sflag:$0x1] =	stream.linear.gather [hbm4b:s7+s3], $0x140, $0x38;
	[tilespmem:$0x5480] =	vst v63  }
0xc: {  	_ =	swait.ge [sflag:s10], $0x140  }
0xd: {  	[sflag:s10] =	ssyncset.done $0x0  }
0xe: {  	[sflag:s10] =	ssyncadd.s32 $0xFFFFFEC0  }
0xf: {  	[tilespmem:s11], [sflag:$0x1] =	stream.linear.gather [hbm4b:s8+s3], $0x140, $0x38;
	[tilespmem:$0x5480] =	vst v63  }
0x10: {  	_ =	swait.ge [sflag:s10], $0x140  }
0x11: {  	[sflag:s10] =	ssyncset.done $0x0  }
0x12: {  	s16 =	simm.s32 $0x0;
	[sflag:s10] =	ssyncadd.s32 $0xFFFFFEC0  }
0x13: {  	v0 =	vld [tilespmem:s16+$0x0]  }
0x14: {  	v1 =	vld [tilespmem:s16+$0x180]  }
0x15: {  	s17 =	simm.s32 $0x10  }
0x16: {  	v2 =	vld [tilespmem:s17+$0x0]  }
0x17: {  	v3 =	vld [tilespmem:s17+$0x180];
	_ =	sdelay $0x1  }
0x18: {  	v0 =	vadd.f32 v1, v0;
	_ =	sdelay $0x1  }
0x19: {  	v0 =	vadd.f32 $1.000000010e-07, v0  }
0x1a: {  	v1 =	vadd.f32 v3, v2  }
0x1b: {  	(erf) = vrcp.f32 v0  }
0x1c: {  	s18 =	simm.s32 $0x20;
	v2 =	vadd.f32 $1.000000010e-07, v1  }
0x1d: {  	v1 =	vld [tilespmem:s18+$0x180]  }
0x1e: {  	v0 =	vld [tilespmem:s18+$0x0];
	(erf) = vrcp.f32 v2;
	_ =	sdelay $0x2  }
0x1f: {  	s19 =	simm.s32 $0xC0  }
.LBB2_2:
0x20: {  	s20 =	sshra.s32 s19, $0x2;
	p1 =	sne.s32 s19, $0x4C0  }
.Ltmp0:
0x21: {  	s19 =	sadd.s32 $0x40, s19;
	v2 =	vadd.f32 v1, v0;
	v0 =	vld [tilespmem:s20+$0x0];
	(pc) =	sbr.rel @p1 .LBB2_2-.Ltmp0, $4  }
0x22: {  	v1 =	vld [tilespmem:s20+$0x180];
	v3 =	vpop (erf)  }
0x23: {  	v2 =	vadd.f32 $1.000000010e-07, v2;
	[tilespmem:s16+$0x300] =	vst v3;
	s16 =	smov.u32 s17;
	s17 =	smov.u32 s18  }
0x24: {  	s18 =	smov.u32 s20  }
0x25: {  	(erf) = vrcp.f32 v2  }
0x26: {  	_ = 	snop  }
0x27: {  	v0 =	vadd.f32 v1, v0;
	_ =	sdelay $0x1  }
0x28: {  	v0 =	vadd.f32 $1.000000010e-07, v0;
	_ =	sdelay $0x1  }
0x29: {  	(erf) = vrcp.f32 v0;
	_ =	sdelay $0x6  }
0x2a: {  	v61 =	vpop (erf)  }
0x2b: {  	[tilespmem:s16+$0x300] =	vst v61;
	v62 =	vpop (erf)  }
0x2c: {  	[tilespmem:s17+$0x300] =	vst v62;
	v63 =	vpop (erf)  }
0x2d: {  	s16 =	simm.s32 $0x0;
	s17 =	simm.s32 $0x0;
	[tilespmem:s18+$0x300] =	vst v63;
	s18 =	simm.s32 $0x0  }
.LBB2_4:
0x2e: {  	s19 =	smul.u32 $0x50, s18;
	_ =	sdelay $0x1  }
0x2f: {  	s19 =	sadd.s32 s4, s19  }
0x30: {  	s19 =	sshll.u32 s19, $0x4  }
0x31: {  	s20 =	sadd.s32 s5, s19  }
0x32: {  	[tilespmem:s12], [sflag:$0x1] =	stream.linear.gather [hbm4b:s20+s16], $0x2800, $0x38;
	[tilespmem:$0x5480] =	vst v63  }
0x33: {  	_ =	swait.ge [sflag:s10], $0x2800  }
0x34: {  	[sflag:s10] =	ssyncset.done $0x0  }
0x35: {  	s31 =	sadd.s32 s6, s19;
	[sflag:s10] =	ssyncadd.s32 $0xFFFFD800  }
0x36: {  	[tilespmem:s13], [sflag:$0x1] =	stream.linear.gather [hbm4b:s31+s16], $0x2800, $0x38;
	[tilespmem:$0x5480] =	vst v63  }
0x37: {  	_ =	swait.ge [sflag:s10], $0x2800  }
0x38: {  	[sflag:s10] =	ssyncset.done $0x0  }
0x39: {  	s20 =	simm.s32 $0x0;
	[sflag:s10] =	ssyncadd.s32 $0xFFFFD800  }
0x3a: {  	v1 =	vld [tilespmem:s20+$0x2CD0]  }
0x3b: {  	v0 =	vld [tilespmem:s20+$0x2CF0]  }
0x3c: {  	v11 =	vld [tilespmem:s20+$0x2CE0]  }
0x3d: {  	v2 =	vld [tilespmem:s20+$0x2CC0]  }
0x3e: {  	v10 =	vld [tilespmem:s20+$0x2CA0]  }
0x3f: {  	v13 =	vld [tilespmem:s20+$0x4A0]  }
0x40: {  	v4 =	vld [tilespmem:s20+$0x2C90]  }
0x41: {  	v14 =	vld [tilespmem:s20+$0x4E0]  }
0x42: {  	v3 =	vmov s17;
	v6 =	vld [tilespmem:s20+$0x4B0]  }
0x43: {  	v5 =	vld [tilespmem:s20+$0x2C80]  }
0x44: {  	v7 =	vld [tilespmem:s20+$0x4F0]  }
0x45: {  	v9 =	vld [tilespmem:s20+$0x490]  }
0x46: {  	v12 =	vld [tilespmem:s20+$0x2CB0]  }
0x47: {  	v3 =	vld.idx.msk [tilespmem:v3+s14+$0x0], $0xffff  }
0x48: {  	v8 =	vld [tilespmem:s20+$0x480]  }
0x49: {  	s21 =	simm.s32 $0x200;
	s22 =	sadd.s32 $0x1, s17;
	v10 =	vadd.f32 v10, v13;
	v13 =	vadd.f32 v11, v14;
	v11 =	vld [tilespmem:s20+$0x4D0]  }
.LBB2_5:
0x4a: {  	v14 =	vmov s22;
	s23 =	sshra.s32 s21, $0x2;
	p1 =	sne.s32 s21, $0x9E00;
	s21 =	sadd.s32 $0x200, s21;
	v15 =	vld [tilespmem:s20+$0x4C0]  }
0x4b: {  	v7 =	vadd.f32 v0, v7;
	v16 =	vld [tilespmem:s23+$0x2CD0]  }
0x4c: {  	v4 =	vadd.f32 v4, v9;
	v6 =	vadd.f32 v12, v6;
	v0 =	vld [tilespmem:s23+$0x2CF0]  }
0x4d: {  	v9 =	vmul.f32 v13, v3;
	v17 =	vld [tilespmem:s23+$0x2CE0];
	v5 =	vadd.f32 v5, v8;
	v8 =	vmul.f32 v10, v3  }
0x4e: {  	v7 =	vmul.f32 v7, v3;
	v6 =	vmul.f32 v6, v3;
	v10 =	vld [tilespmem:s23+$0x2CC0];
	v18 =	vadd.f32 v1, v11  }
0x4f: {  	v11 =	vld [tilespmem:s23+$0x2CA0];
	v12 =	vmul.f32 v5, v3;
	v5 =	vmul.f32 v4, v3;
	[tilespmem:s20+$0x4A0] =	vst v8;
	v2 =	vadd.f32 v2, v15  }
0x50: {  	v8 =	vld [tilespmem:s23+$0x4A0];
	v13 =	vmul.f32 v18, v3;
	[tilespmem:s20+$0x4E0] =	vst v9;
	v1 =	vmov v16  }
0x51: {  	v4 =	vld [tilespmem:s23+$0x2C90];
	[tilespmem:s20+$0x4B0] =	vst v6  }
0x52: {  	v15 =	vld [tilespmem:s23+$0x4E0];
	[tilespmem:s20+$0x490] =	vst v5  }
0x53: {  	v3 =	vmul.f32 v2, v3;
	v6 =	vld [tilespmem:s23+$0x4B0];
	[tilespmem:s20+$0x4D0] =	vst v13;
	v2 =	vmov v10  }
0x54: {  	v5 =	vld [tilespmem:s23+$0x2C80];
	[tilespmem:s20+$0x4F0] =	vst v7  }
0x55: {  	v7 =	vld [tilespmem:s23+$0x4F0];
	[tilespmem:s20+$0x4C0] =	vst v3  }
.Ltmp1:
0x56: {  	v10 =	vadd.f32 v11, v8;
	v9 =	vld [tilespmem:s23+$0x490];
	[tilespmem:s20+$0x480] =	vst v12;
	s20 =	smov.u32 s23;
	(pc) =	sbr.rel @p1 .LBB2_5-.Ltmp1, $4  }
0x57: {  	v12 =	vld [tilespmem:s20+$0x2CB0]  }
0x58: {  	v13 =	vadd.f32 v17, v15;
	v3 =	vld.idx.msk [tilespmem:v14+s14+$0x0], $0xffff  }
0x59: {  	v8 =	vld [tilespmem:s20+$0x480]  }
0x5a: {  	s22 =	sadd.s32 $0x1, s22;
	v11 =	vld [tilespmem:s20+$0x4D0]  }
0x5b: {  	_ =	sdelay $0x1  }
0x5c: {  	v14 =	vld [tilespmem:s20+$0x4C0];
	v4 =	vadd.f32 v4, v9;
	v10 =	vmul.f32 v10, v3  }
0x5d: {  	v0 =	vadd.f32 v0, v7;
	v62 =	vmul.f32 v13, v3  }
0x5e: {  	v6 =	vadd.f32 v12, v6;
	v4 =	vmul.f32 v4, v3;
	[tilespmem:s20+$0x4A0] =	vst v10  }
0x5f: {  	v0 =	vmul.f32 v0, v3;
	v5 =	vadd.f32 v5, v8;
	[tilespmem:s20+$0x4E0] =	vst v62  }
0x60: {  	v6 =	vmul.f32 v6, v3;
	v1 =	vadd.f32 v1, v11;
	[tilespmem:s20+$0x490] =	vst v4  }
0x61: {  	[tilespmem:s20+$0x4F0] =	vst v0;
	v2 =	vadd.f32 v2, v14;
	v63 =	vmul.f32 v5, v3  }
0x62: {  	[tilespmem:s20+$0x4B0] =	vst v6;
	v1 =	vmul.f32 v1, v3  }
0x63: {  	p1 =	slt.u32 @!p0 s18, $0x3;
	v2 =	vmul.f32 v2, v3;
	[tilespmem:s20+$0x480] =	vst v63  }
0x64: {  	p1 =	por p0, !p1;
	[tilespmem:s20+$0x4D0] =	vst v1  }
.Ltmp2:
0x65: {  	s19 =	sadd.s32 s2, s19;
	[tilespmem:s20+$0x4C0] =	vst v2;
	(pc) =	sbr.rel @!p1 .LBB2_4-.Ltmp2, $4  }
0x66: {  	[hbm4b:s19+s3] =	stream.linear.scatter [tilespmem:s12], [sflag:$0x1], $0x2800, $0x38;
	[tilespmem:$0x5480] =	vst v63  }
0x67: {  	_ =	swait.ge [sflag:s10], $0x2800  }
0x68: {  	[sflag:s10] =	ssyncset.done $0x0  }
0x69: {  	s18 =	sadd.s32 $0x1, s18;
	s17 =	sadd.s32 $0x50, s17;
	[sflag:s10] =	ssyncadd.s32 $0xFFFFD800  }
0x6a: {  	s15 =	sadd.s32 $0x1, s15  }
0x6b: {  	p1 =	sne.s32 s15, s9  }
.Ltmp3:
0x6c: {  	_ = 	snop;
	(pc) =	sbr.rel @p1 .LBB2_1-.Ltmp3, $1  }
0x6d: {  	_ =	sdelay $0x3  }
0x6e: {  	_ =	sfence.sel $0x180000  }
0x6f: {  	[bflag:$0x0] =	sbarrier.arrive $0xFFFF  }
0x70: {  	p0 =	sne.s32 s0, $0x0;
	_ =	strace $0x9000004A  }
0x71: {  	s0 =	sadd.s32 @!p0 $0x100000, s1;
	[bflag:$0x2] =	sbarrier.arrive $0xFFFF  }
0x72: {  	[sflag:s0] =	ssyncadd.tile.s32 @!p0 $0x1;
	_ =	shalt  }
.Lfunc_end2:
_tile_overlayer_lowered:
.L_overlay_start_2:
0x73: {  	(tag) =	ssettag $0x2  }
0x74: {  	s0 =	rddreg [dreg:$0x0];
	s2 =	stileid.u32  }
0x75: {  	s1 =	rddreg [dreg:$0x1];
	p0 =	sne.s32 s2, $0x0  }
0x76: {  	s3 =	rddreg [dreg:$0x2];
	[bflag:$0x3] =	sbarrier.arrive $0xFFFF;
	s2 =	simm.s32 @!p0 $0x1C01  }
0x77: {  	[timem:s3], [sflag:s2] =	dma.local @!p0 [hbm:s0], s1  }
0x78: {  	s0 =	simm.s32 @!p0 $0x1  }
0x79: {  	_ =	swait.ge @!p0 [sflag:s0], s1  }
0x7a: {  	s1 =	ssub.s32 @!p0 $0x0, s1;
	[sflag:s0] =	ssyncset.done @!p0 $0x0  }
0x7b: {  	[sflag:s0] =	ssyncadd.s32 @!p0 s1  }
0x7c: {  	[bflag:$0x3] =	sbarrier.arrive $0xFFFF  }
0x7d: {  	_ =	shalt  }

</sc_bundles>
